<compile_context>
chip_gen: v7x
topology: tpu7x:2x2x1
jax: 0.10.2.dev20260603
libtpu: 0.0.44.dev20260713+nightly
codegen_flags: <defaults>
</compile_context>

<pallas_src>
import functools

import jax
import jax.numpy as jnp
import numpy as np
from jax import lax
from jax.experimental import pallas as pl
from jax.experimental.pallas import tpu as pltpu
from jax.experimental.pallas import tpu_sc as plsc

N_NODES = 10000
N_EDGES = 320000
HEADS = 8
HEAD_DIM = 16
HD = HEADS * HEAD_DIM
ZPAD = 16
ROWW = HD + ZPAD
NC, NS, L = 2, 16, 16
NW = NC * NS
EPW = N_EDGES // NW
BLK = 40
NB = EPW // BLK
CHUNK = 50
NCHUNK = NB // CHUNK
N_PAD = 10112
ROWS_PER_TILE = N_PAD // NS

_GDN = lax.GatherDimensionNumbers(
    offset_dims=(), collapsed_slice_dims=(0,), start_index_map=(0,))


def _bcast_lane(x, lane):
    idx = jnp.full((L, 1), lane, jnp.int32)
    return lax.gather(x, idx, _GDN, (1,),
                      mode=lax.GatherScatterMode.PROMISE_IN_BOUNDS)


def _proj_body(h_ref, w_ref, b_ref, q_ref, k_ref, v_ref):
    r = jnp.dot(h_ref[...], w_ref[...],
                preferred_element_type=jnp.float32) + b_ref[...]
    q_ref[...] = r[:, :HD]
    k_ref[...] = r[:, HD:2 * HD]
    v_ref[...] = r[:, 2 * HD:3 * HD]


def _project(h, w, b):
    blk = 1000
    grid = (N_NODES // blk,)
    out = jax.ShapeDtypeStruct((N_NODES, HD), jnp.float32)
    return pl.pallas_call(
        _proj_body,
        grid=grid,
        in_specs=[
            pl.BlockSpec((blk, HD), lambda i: (i, 0)),
            pl.BlockSpec((HD, 3 * HD), lambda i: (0, 0)),
            pl.BlockSpec((1, 3 * HD), lambda i: (0, 0)),
        ],
        out_specs=[
            pl.BlockSpec((blk, HD), lambda i: (i, 0)),
            pl.BlockSpec((blk, HD), lambda i: (i, 0)),
            pl.BlockSpec((blk, HD), lambda i: (i, 0)),
        ],
        out_shape=[out, out, out],
    )(h, w, b)


def _edge_body(q_hbm, k_hbm, v_hbm, src_hbm, dst_hbm, outw_hbm, outz_hbm,
               src_v, dst_v, kbuf0, qbuf0, vbuf0, kbuf1, qbuf1, vbuf1,
               zbuf, acc_wv, acc_z, sem0, sem1):
    cid = lax.axis_index("c")
    sid = lax.axis_index("s")
    wid = sid * NC + cid
    iota16 = lax.iota(jnp.int32, L)
    zvec = jnp.zeros((L,), jnp.float32)
    kbuf = (kbuf0, kbuf1)
    qbuf = (qbuf0, qbuf1)
    vbuf = (vbuf0, vbuf1)
    sem = (sem0, sem1)

    def zero_row(r, _):
        for c in range(HD // L):
            kbuf0[r, pl.ds(c * L, L)] = zvec
        zbuf[r, :] = zvec
        return _

    lax.fori_loop(0, BLK, zero_row, None)
    rbase = sid * ROWS_PER_TILE
    off = 0
    nfull = ROWS_PER_TILE // BLK
    for sz in (BLK,) * nfull + (ROWS_PER_TILE - nfull * BLK,):
        if sz == 0:
            continue
        pltpu.sync_copy(kbuf0.at[pl.ds(0, sz)],
                        acc_wv.at[pl.ds(rbase + off, sz)])
        pltpu.sync_copy(zbuf.at[pl.ds(0, sz)],
                        acc_z.at[pl.ds(rbase + off, sz)])
        off += sz
    plsc.subcore_barrier()

    def prefetch(p, b):
        pltpu.async_copy(k_hbm.at[src_v.at[b]], kbuf[p], sem[p])
        pltpu.async_copy(q_hbm.at[dst_v.at[b]], qbuf[p], sem[p])
        pltpu.async_copy(v_hbm.at[src_v.at[b]], vbuf[p], sem[p])

    def wait_gathers(p, b):
        pltpu.make_async_copy(k_hbm.at[src_v.at[b]], kbuf[p], sem[p]).wait()
        pltpu.make_async_copy(q_hbm.at[dst_v.at[b]], qbuf[p], sem[p]).wait()
        pltpu.make_async_copy(v_hbm.at[src_v.at[b]], vbuf[p], sem[p]).wait()

    def chunk_body(c, _):
        row0 = wid * NB + c * CHUNK
        pltpu.sync_copy(src_hbm.at[pl.ds(row0, CHUNK)], src_v)
        pltpu.sync_copy(dst_hbm.at[pl.ds(row0, CHUNK)], dst_v)
        prefetch(0, 0)

        def pair_body(j, _):
            for p in (0, 1):
                b = 2 * j + p
                nxt = b + 1

                @pl.when(nxt < CHUNK)
                def _pf():
                    prefetch(1 - p, nxt)

                wait_gathers(p, b)
                kb, qb, vb = kbuf[p], qbuf[p], vbuf[p]

                @plsc.parallel_loop(0, BLK, unroll=20)
                def edge_body(e):
                    zc = zvec
                    for h in range(HEADS):
                        kv = kb[e, pl.ds(h * L, L)]
                        qv = qb[e, pl.ds(h * L, L)]
                        sv = _bcast_lane(plsc.cumsum(kv * qv), 15)
                        sv = jnp.exp(jnp.clip(sv, -5.0, 5.0))
                        vv = vb[e, pl.ds(h * L, L)]
                        vb[e, pl.ds(h * L, L)] = vv * sv
                        zc = jnp.where(iota16 == h, sv, zc)
                    zbuf[e, :] = zc

                pltpu.sync_copy(vb, acc_wv.at[dst_v.at[b]], add=True)
                pltpu.sync_copy(zbuf, acc_z.at[dst_v.at[b]], add=True)
            return _

        lax.fori_loop(0, CHUNK // 2, pair_body, None)
        return _

    lax.fori_loop(0, NCHUNK, chunk_body, None)
    plsc.subcore_barrier()
    pltpu.sync_copy(acc_wv.at[pl.ds(rbase, ROWS_PER_TILE)],
                    outw_hbm.at[cid, pl.ds(rbase, ROWS_PER_TILE)])
    pltpu.sync_copy(acc_z.at[pl.ds(rbase, ROWS_PER_TILE)],
                    outz_hbm.at[cid, pl.ds(rbase, ROWS_PER_TILE)])


_edge_kernel = functools.partial(
    pl.kernel,
    out_type=[jax.ShapeDtypeStruct((NC, N_PAD, HD), jnp.float32),
              jax.ShapeDtypeStruct((NC, N_PAD, L), jnp.float32)],
    mesh=plsc.VectorSubcoreMesh(core_axis_name="c", subcore_axis_name="s",
                                num_cores=NC, num_subcores=NS),
    scratch_types=[
        pltpu.VMEM((CHUNK, BLK), jnp.int32),
        pltpu.VMEM((CHUNK, BLK), jnp.int32),
        pltpu.VMEM((BLK, HD), jnp.float32),
        pltpu.VMEM((BLK, HD), jnp.float32),
        pltpu.VMEM((BLK, HD), jnp.float32),
        pltpu.VMEM((BLK, HD), jnp.float32),
        pltpu.VMEM((BLK, HD), jnp.float32),
        pltpu.VMEM((BLK, HD), jnp.float32),
        pltpu.VMEM((BLK, L), jnp.float32),
        pltpu.VMEM_SHARED((N_PAD, HD), jnp.float32),
        pltpu.VMEM_SHARED((N_PAD, L), jnp.float32),
        pltpu.SemaphoreType.DMA,
        pltpu.SemaphoreType.DMA,
    ],
    compiler_params=pltpu.CompilerParams(
        needs_layout_passes=False, use_tc_tiling_on_sc=False),
)(_edge_body)


def _combine_body(p0_ref, p1_ref, z0_ref, z1_ref, bc_ref, o_ref):
    wv = p0_ref[...] + p1_ref[...]
    z = z0_ref[...] + z1_ref[...]
    zw = jnp.dot(z, bc_ref[...], preferred_element_type=jnp.float32)
    o_ref[...] = wv / (zw + 1e-6)


def _combine(p0, p1, z0, z1, bc):
    blk = 1264
    return pl.pallas_call(
        _combine_body,
        grid=(N_PAD // blk,),
        in_specs=[
            pl.BlockSpec((blk, HD), lambda i: (i, 0)),
            pl.BlockSpec((blk, HD), lambda i: (i, 0)),
            pl.BlockSpec((blk, L), lambda i: (i, 0)),
            pl.BlockSpec((blk, L), lambda i: (i, 0)),
            pl.BlockSpec((L, HD), lambda i: (0, 0)),
        ],
        out_specs=pl.BlockSpec((blk, HD), lambda i: (i, 0)),
        out_shape=jax.ShapeDtypeStruct((N_PAD, HD), jnp.float32),
    )(p0, p1, z0, z1, bc)


def kernel(h, edge_index, Wq, bq, Wk, bk, Wv, bv):
    scale = 1.0 / np.sqrt(HEAD_DIM)
    w = jnp.concatenate([Wq * scale, Wk, Wv], axis=1)
    b = jnp.concatenate([bq * scale, bk, bv]).reshape(1, 3 * HD)
    q, k, v = _project(h, w, b)
    src2 = edge_index[0].reshape(N_EDGES // BLK, BLK)
    dst2 = edge_index[1].reshape(N_EDGES // BLK, BLK)
    parts_wv, parts_z = _edge_kernel(q, k, v, src2, dst2)
    bc = jnp.asarray(
        np.kron(np.eye(HEADS, dtype=np.float32),
                np.ones((1, HEAD_DIM), dtype=np.float32)))
    bc = jnp.concatenate([bc, jnp.zeros((HEADS, HD), jnp.float32)], axis=0)
    out = _combine(parts_wv[0], parts_wv[1], parts_z[0], parts_z[1], bc)
    return out[:N_NODES].reshape(N_NODES, HEADS, HEAD_DIM)

# --- scband reference (transcript-rebuilt; emitter-appended) ---
"""Pipeline reference for scband-multi-head-attention-layer-42820823941538 (READ-ONLY COPY).

The authoritative reference and input builder live on the scoring server;
editing this copy changes nothing except your own understanding.
"""

import jax, jax.numpy as jnp
import numpy as np

N = 10000
E = 320000
IN_DIM = 128
H = 8
D = 16


def setup_inputs(seed: int = 0) -> dict:
    key = jax.random.key(seed)
    ks = jax.random.split(key, 8)
    h = jax.random.normal(ks[0], (N, IN_DIM), dtype=jnp.float32)
    edge_index = jax.random.randint(ks[1], (2, E), 0, N, dtype=jnp.int32)
    s = 1.0 / np.sqrt(IN_DIM)
    Wq = jax.random.normal(ks[2], (IN_DIM, H * D), dtype=jnp.float32) * s
    bq = jnp.zeros((H * D,), dtype=jnp.float32)
    Wk = jax.random.normal(ks[3], (IN_DIM, H * D), dtype=jnp.float32) * s
    bk = jnp.zeros((H * D,), dtype=jnp.float32)
    Wv = jax.random.normal(ks[4], (IN_DIM, H * D), dtype=jnp.float32) * s
    bv = jnp.zeros((H * D,), dtype=jnp.float32)
    return {"h": h, "edge_index": edge_index, "Wq": Wq, "bq": bq,
            "Wk": Wk, "bk": bk, "Wv": Wv, "bv": bv}


def reference(h, edge_index, Wq, bq, Wk, bk, Wv, bv):
    # Linear projections Q, K, V then reshape to (N, n_heads, out_dim)
    Q_h = (h @ Wq + bq).reshape(-1, H, D)
    K_h = (h @ Wk + bk).reshape(-1, H, D)
    V_h = (h @ Wv + bv).reshape(-1, H, D)
    src = edge_index[0]
    dst = edge_index[1]
    # src_dot_dst('K_h','Q_h','score'): elementwise product, K from src, Q from dst
    score = K_h[src] * Q_h[dst]
    # scaling('score', sqrt(out_dim))
    score = score / np.sqrt(D)
    # biased_exp('score','score_soft') with no bias: exp(clamp(sum over last dim, -5, 5))
    score_soft = jnp.exp(jnp.clip(jnp.sum(score, axis=-1, keepdims=True), -5.0, 5.0))  # [E,H,1]
    # send_and_recv: wV = sum over in-edges of V_h[src]*score_soft; z = sum of score_soft
    wV = jax.ops.segment_sum(V_h[src] * score_soft, dst, num_segments=N)  # [N,H,D]
    z = jax.ops.segment_sum(score_soft, dst, num_segments=N)              # [N,H,1]
    h_out = wV / (z + 1e-6)
    return h_out

if __name__ == "__main__":
    import jax
    _d = setup_inputs()
    print(jax.jit(kernel)(*tuple(_d.values())))

</pallas_src>

<mosaic_0001>
#map = affine_map<(d0, d1) -> (0, 0)>
#map1 = affine_map<(d0, d1) -> (0, 0, 0)>
module attributes {stable_mosaic.version = 14 : i64} {
  func.func @_edge_body(%arg0: i32, %arg1: i32, %arg2: memref<10000x128xf32, #tpu.memory_space<hbm>>, %arg3: memref<10000x128xf32, #tpu.memory_space<hbm>>, %arg4: memref<10000x128xf32, #tpu.memory_space<hbm>>, %arg5: memref<8000x40xi32, #tpu.memory_space<hbm>>, %arg6: memref<8000x40xi32, #tpu.memory_space<hbm>>, %arg7: memref<2x10112x128xf32, #tpu.memory_space<hbm>>, %arg8: memref<2x10112x16xf32, #tpu.memory_space<hbm>>, %arg9: memref<50x40xi32, #tpu.memory_space<vmem>>, %arg10: memref<50x40xi32, #tpu.memory_space<vmem>>, %arg11: memref<40x128xf32, #tpu.memory_space<vmem>>, %arg12: memref<40x128xf32, #tpu.memory_space<vmem>>, %arg13: memref<40x128xf32, #tpu.memory_space<vmem>>, %arg14: memref<40x128xf32, #tpu.memory_space<vmem>>, %arg15: memref<40x128xf32, #tpu.memory_space<vmem>>, %arg16: memref<40x128xf32, #tpu.memory_space<vmem>>, %arg17: memref<40x16xf32, #tpu.memory_space<vmem>>, %arg18: memref<10112x128xf32, #tpu.memory_space<vmem_shared>>, %arg19: memref<10112x16xf32, #tpu.memory_space<vmem_shared>>, %arg20: memref<!tpu.dma_semaphore, #tpu.memory_space<semaphore_mem>>, %arg21: memref<!tpu.dma_semaphore, #tpu.memory_space<semaphore_mem>>) attributes {dimension_semantics = [#tpu.dimension_semantics<core_parallel>, #tpu.dimension_semantics<subcore_parallel>], iteration_bounds = array<i64: 2, 16>, scalar_prefetch = 0 : i64, scratch_operands = 13 : i64, tpu.core_type = #tpu.core_type<sc_vector_subcore>, window_params = [{transform_indices = #map}, {transform_indices = #map}, {transform_indices = #map}, {transform_indices = #map}, {transform_indices = #map}, {transform_indices = #map1}, {transform_indices = #map1}]} {
    %mul3A = arith.constant 2 : i32
    %mul3A_0 = arith.muli %arg1, %mul3A : i32
    %add3A = arith.addi %mul3A_0, %arg0 : i32
    %iota3A = tpu.iota {dimensions = array<i32: 0>} : vector<16xi32>
    %broadcast_in_dim3A = arith.constant 0.000000e+00 : f32
    %broadcast_in_dim3A_1 = vector.broadcast %broadcast_in_dim3A : f32 to vector<16xf32>
    %scan3A = arith.constant 0 : i32
    %scan3A_2 = arith.constant 40 : i32
    %scan3A_3 = arith.addi %scan3A, %scan3A_2 : i32
    %scan3A_4 = arith.constant 1 : i32
    scf.for %scan3A_78 = %scan3A to %scan3A_3 step %scan3A_4  : i32 {
      %swap3A = arith.index_cast %scan3A_78 : i32 to index
      %swap3A_79 = arith.constant 0 : index
      %swap3A_80 = tpu.vector_load %arg11[%swap3A, %swap3A_79] {strides = array<i32>} : memref<40x128xf32, #tpu.memory_space<vmem>>, vector<16xf32>,
      tpu.vector_store %arg11[%swap3A, %swap3A_79], %broadcast_in_dim3A_1 {strides = array<i32>} : memref<40x128xf32, #tpu.memory_space<vmem>>, vector<16xf32>,
      %swap3A_81 = arith.index_cast %scan3A_78 : i32 to index
      %swap3A_82 = arith.constant 16 : index
      %swap3A_83 = tpu.vector_load %arg11[%swap3A_81, %swap3A_82] {strides = array<i32>} : memref<40x128xf32, #tpu.memory_space<vmem>>, vector<16xf32>,
      tpu.vector_store %arg11[%swap3A_81, %swap3A_82], %broadcast_in_dim3A_1 {strides = array<i32>} : memref<40x128xf32, #tpu.memory_space<vmem>>, vector<16xf32>,
      %swap3A_84 = arith.index_cast %scan3A_78 : i32 to index
      %swap3A_85 = arith.constant 32 : index
      %swap3A_86 = tpu.vector_load %arg11[%swap3A_84, %swap3A_85] {strides = array<i32>} : memref<40x128xf32, #tpu.memory_space<vmem>>, vector<16xf32>,
      tpu.vector_store %arg11[%swap3A_84, %swap3A_85], %broadcast_in_dim3A_1 {strides = array<i32>} : memref<40x128xf32, #tpu.memory_space<vmem>>, vector<16xf32>,
      %swap3A_87 = arith.index_cast %scan3A_78 : i32 to index
      %swap3A_88 = arith.constant 48 : index
      %swap3A_89 = tpu.vector_load %arg11[%swap3A_87, %swap3A_88] {strides = array<i32>} : memref<40x128xf32, #tpu.memory_space<vmem>>, vector<16xf32>,
      tpu.vector_store %arg11[%swap3A_87, %swap3A_88], %broadcast_in_dim3A_1 {strides = array<i32>} : memref<40x128xf32, #tpu.memory_space<vmem>>, vector<16xf32>,
      %swap3A_90 = arith.index_cast %scan3A_78 : i32 to index
      %swap3A_91 = arith.constant 64 : index
      %swap3A_92 = tpu.vector_load %arg11[%swap3A_90, %swap3A_91] {strides = array<i32>} : memref<40x128xf32, #tpu.memory_space<vmem>>, vector<16xf32>,
      tpu.vector_store %arg11[%swap3A_90, %swap3A_91], %broadcast_in_dim3A_1 {strides = array<i32>} : memref<40x128xf32, #tpu.memory_space<vmem>>, vector<16xf32>,
      %swap3A_93 = arith.index_cast %scan3A_78 : i32 to index
      %swap3A_94 = arith.constant 80 : index
      %swap3A_95 = tpu.vector_load %arg11[%swap3A_93, %swap3A_94] {strides = array<i32>} : memref<40x128xf32, #tpu.memory_space<vmem>>, vector<16xf32>,
      tpu.vector_store %arg11[%swap3A_93, %swap3A_94], %broadcast_in_dim3A_1 {strides = array<i32>} : memref<40x128xf32, #tpu.memory_space<vmem>>, vector<16xf32>,
      %swap3A_96 = arith.index_cast %scan3A_78 : i32 to index
      %swap3A_97 = arith.constant 96 : index
      %swap3A_98 = tpu.vector_load %arg11[%swap3A_96, %swap3A_97] {strides = array<i32>} : memref<40x128xf32, #tpu.memory_space<vmem>>, vector<16xf32>,
      tpu.vector_store %arg11[%swap3A_96, %swap3A_97], %broadcast_in_dim3A_1 {strides = array<i32>} : memref<40x128xf32, #tpu.memory_space<vmem>>, vector<16xf32>,
      %swap3A_99 = arith.index_cast %scan3A_78 : i32 to index
      %swap3A_100 = arith.constant 112 : index
      %swap3A_101 = tpu.vector_load %arg11[%swap3A_99, %swap3A_100] {strides = array<i32>} : memref<40x128xf32, #tpu.memory_space<vmem>>, vector<16xf32>,
      tpu.vector_store %arg11[%swap3A_99, %swap3A_100], %broadcast_in_dim3A_1 {strides = array<i32>} : memref<40x128xf32, #tpu.memory_space<vmem>>, vector<16xf32>,
      %swap3A_102 = arith.index_cast %scan3A_78 : i32 to index
      %swap3A_103 = arith.constant 0 : index
      %swap3A_104 = tpu.vector_load %arg17[%swap3A_102, %swap3A_103] {strides = array<i32>} : memref<40x16xf32, #tpu.memory_space<vmem>>, vector<16xf32>,
      tpu.vector_store %arg17[%swap3A_102, %swap3A_103], %broadcast_in_dim3A_1 {strides = array<i32>} : memref<40x16xf32, #tpu.memory_space<vmem>>, vector<16xf32>,
    }
    %scan3A_5 = arith.constant 40 : i32
    %mul3A_6 = arith.constant 632 : i32
    %mul3A_7 = arith.muli %arg1, %mul3A_6 : i32
    %add3A_8 = arith.constant 0 : i32
    %add3A_9 = arith.addi %mul3A_7, %add3A_8 : i32
    "tpu.region"() ({
      %run_scoped3A = tpu.sem_alloc : memref<!tpu.dma_semaphore, #tpu.memory_space<semaphore_mem>>
      %dma_start3A = arith.constant 0 : i32
      %dma_start3A_78 = arith.constant 0 : i32
      %dma_start3A_79 = tpu.memref_slice %arg11[%dma_start3A, %dma_start3A_78] : memref<40x128xf32, #tpu.memory_space<vmem>> -> memref<40x128xf32, #tpu.memory_space<vmem>>
      %dma_start3A_80 = arith.constant 0 : i32
      %dma_start3A_81 = tpu.memref_slice %arg18[%add3A_9, %dma_start3A_80] : memref<10112x128xf32, #tpu.memory_space<vmem_shared>> -> memref<40x128xf32, #tpu.memory_space<vmem_shared>>
      %dma_start3A_82 = arith.constant 0 : i32
      %dma_start3A_83 = tpu.memref_slice %arg18[%add3A_9, %dma_start3A_82] : memref<10112x128xf32, #tpu.memory_space<vmem_shared>> -> memref<40x128xf32, #tpu.memory_space<vmem_shared>>
      %dma_start3A_84 = arith.constant 0 : i32
      %dma_start3A_85 = arith.constant 0 : i32
      %dma_start3A_86 = tpu.memref_slice %arg11[%dma_start3A_84, %dma_start3A_85] : memref<40x128xf32, #tpu.memory_space<vmem>> -> memref<40x128xf32, #tpu.memory_space<vmem>>
      tpu.enqueue_dma source(%dma_start3A_86 : memref<40x128xf32, #tpu.memory_space<vmem>>) target(%dma_start3A_83 : memref<40x128xf32, #tpu.memory_space<vmem_shared>>) target_semaphore(%run_scoped3A : memref<!tpu.dma_semaphore, #tpu.memory_space<semaphore_mem>>)
      %dma_wait3A = arith.constant 0 : i32
      %dma_wait3A_87 = arith.constant 0 : i32
      %dma_wait3A_88 = tpu.memref_slice %arg11[%dma_wait3A, %dma_wait3A_87] : memref<40x128xf32, #tpu.memory_space<vmem>> -> memref<40x128xf32, #tpu.memory_space<vmem>>
      %dma_wait3A_89 = arith.constant 0 : i32
      %dma_wait3A_90 = tpu.memref_slice %arg18[%add3A_9, %dma_wait3A_89] : memref<10112x128xf32, #tpu.memory_space<vmem_shared>> -> memref<40x128xf32, #tpu.memory_space<vmem_shared>>
      %dma_wait3A_91 = arith.constant 0 : i32
      %dma_wait3A_92 = tpu.memref_slice %arg18[%add3A_9, %dma_wait3A_91] : memref<10112x128xf32, #tpu.memory_space<vmem_shared>> -> memref<40x128xf32, #tpu.memory_space<vmem_shared>>
      %dma_wait3A_93 = arith.constant 0 : i32
      %dma_wait3A_94 = arith.constant 0 : i32
      %dma_wait3A_95 = tpu.memref_slice %arg11[%dma_wait3A_93, %dma_wait3A_94] : memref<40x128xf32, #tpu.memory_space<vmem>> -> memref<40x128xf32, #tpu.memory_space<vmem>>
      tpu.wait_dma2 semaphore(%run_scoped3A : memref<!tpu.dma_semaphore, #tpu.memory_space<semaphore_mem>>) src(%dma_wait3A_95 : memref<40x128xf32, #tpu.memory_space<vmem>>) dst(%dma_wait3A_92 : memref<40x128xf32, #tpu.memory_space<vmem_shared>>)
      tpu.yield
    }) : () -> ()
    %add3A_10 = arith.constant 0 : i32
    %add3A_11 = arith.addi %mul3A_7, %add3A_10 : i32
    "tpu.region"() ({
      %run_scoped3A = tpu.sem_alloc : memref<!tpu.dma_semaphore, #tpu.memory_space<semaphore_mem>>
      %dma_start3A = arith.constant 0 : i32
      %dma_start3A_78 = arith.constant 0 : i32
      %dma_start3A_79 = tpu.memref_slice %arg17[%dma_start3A, %dma_start3A_78] : memref<40x16xf32, #tpu.memory_space<vmem>> -> memref<40x16xf32, #tpu.memory_space<vmem>>
      %dma_start3A_80 = arith.constant 0 : i32
      %dma_start3A_81 = tpu.memref_slice %arg19[%add3A_11, %dma_start3A_80] : memref<10112x16xf32, #tpu.memory_space<vmem_shared>> -> memref<40x16xf32, #tpu.memory_space<vmem_shared>>
      %dma_start3A_82 = arith.constant 0 : i32
      %dma_start3A_83 = tpu.memref_slice %arg19[%add3A_11, %dma_start3A_82] : memref<10112x16xf32, #tpu.memory_space<vmem_shared>> -> memref<40x16xf32, #tpu.memory_space<vmem_shared>>
      %dma_start3A_84 = arith.constant 0 : i32
      %dma_start3A_85 = arith.constant 0 : i32
      %dma_start3A_86 = tpu.memref_slice %arg17[%dma_start3A_84, %dma_start3A_85] : memref<40x16xf32, #tpu.memory_space<vmem>> -> memref<40x16xf32, #tpu.memory_space<vmem>>
      tpu.enqueue_dma source(%dma_start3A_86 : memref<40x16xf32, #tpu.memory_space<vmem>>) target(%dma_start3A_83 : memref<40x16xf32, #tpu.memory_space<vmem_shared>>) target_semaphore(%run_scoped3A : memref<!tpu.dma_semaphore, #tpu.memory_space<semaphore_mem>>)
      %dma_wait3A = arith.constant 0 : i32
      %dma_wait3A_87 = arith.constant 0 : i32
      %dma_wait3A_88 = tpu.memref_slice %arg17[%dma_wait3A, %dma_wait3A_87] : memref<40x16xf32, #tpu.memory_space<vmem>> -> memref<40x16xf32, #tpu.memory_space<vmem>>
      %dma_wait3A_89 = arith.constant 0 : i32
      %dma_wait3A_90 = tpu.memref_slice %arg19[%add3A_11, %dma_wait3A_89] : memref<10112x16xf32, #tpu.memory_space<vmem_shared>> -> memref<40x16xf32, #tpu.memory_space<vmem_shared>>
      %dma_wait3A_91 = arith.constant 0 : i32
      %dma_wait3A_92 = tpu.memref_slice %arg19[%add3A_11, %dma_wait3A_91] : memref<10112x16xf32, #tpu.memory_space<vmem_shared>> -> memref<40x16xf32, #tpu.memory_space<vmem_shared>>
      %dma_wait3A_93 = arith.constant 0 : i32
      %dma_wait3A_94 = arith.constant 0 : i32
      %dma_wait3A_95 = tpu.memref_slice %arg17[%dma_wait3A_93, %dma_wait3A_94] : memref<40x16xf32, #tpu.memory_space<vmem>> -> memref<40x16xf32, #tpu.memory_space<vmem>>
      tpu.wait_dma2 semaphore(%run_scoped3A : memref<!tpu.dma_semaphore, #tpu.memory_space<semaphore_mem>>) src(%dma_wait3A_95 : memref<40x16xf32, #tpu.memory_space<vmem>>) dst(%dma_wait3A_92 : memref<40x16xf32, #tpu.memory_space<vmem_shared>>)
      tpu.yield
    }) : () -> ()
    %add3A_12 = arith.constant 40 : i32
    %add3A_13 = arith.addi %mul3A_7, %add3A_12 : i32
    "tpu.region"() ({
      %run_scoped3A = tpu.sem_alloc : memref<!tpu.dma_semaphore, #tpu.memory_space<semaphore_mem>>
      %dma_start3A = arith.constant 0 : i32
      %dma_start3A_78 = arith.constant 0 : i32
      %dma_start3A_79 = tpu.memref_slice %arg11[%dma_start3A, %dma_start3A_78] : memref<40x128xf32, #tpu.memory_space<vmem>> -> memref<40x128xf32, #tpu.memory_space<vmem>>
      %dma_start3A_80 = arith.constant 0 : i32
      %dma_start3A_81 = tpu.memref_slice %arg18[%add3A_13, %dma_start3A_80] : memref<10112x128xf32, #tpu.memory_space<vmem_shared>> -> memref<40x128xf32, #tpu.memory_space<vmem_shared>>
      %dma_start3A_82 = arith.constant 0 : i32
      %dma_start3A_83 = tpu.memref_slice %arg18[%add3A_13, %dma_start3A_82] : memref<10112x128xf32, #tpu.memory_space<vmem_shared>> -> memref<40x128xf32, #tpu.memory_space<vmem_shared>>
      %dma_start3A_84 = arith.constant 0 : i32
      %dma_start3A_85 = arith.constant 0 : i32
      %dma_start3A_86 = tpu.memref_slice %arg11[%dma_start3A_84, %dma_start3A_85] : memref<40x128xf32, #tpu.memory_space<vmem>> -> memref<40x128xf32, #tpu.memory_space<vmem>>
      tpu.enqueue_dma source(%dma_start3A_86 : memref<40x128xf32, #tpu.memory_space<vmem>>) target(%dma_start3A_83 : memref<40x128xf32, #tpu.memory_space<vmem_shared>>) target_semaphore(%run_scoped3A : memref<!tpu.dma_semaphore, #tpu.memory_space<semaphore_mem>>)
      %dma_wait3A = arith.constant 0 : i32
      %dma_wait3A_87 = arith.constant 0 : i32
      %dma_wait3A_88 = tpu.memref_slice %arg11[%dma_wait3A, %dma_wait3A_87] : memref<40x128xf32, #tpu.memory_space<vmem>> -> memref<40x128xf32, #tpu.memory_space<vmem>>
      %dma_wait3A_89 = arith.constant 0 : i32
      %dma_wait3A_90 = tpu.memref_slice %arg18[%add3A_13, %dma_wait3A_89] : memref<10112x128xf32, #tpu.memory_space<vmem_shared>> -> memref<40x128xf32, #tpu.memory_space<vmem_shared>>
      %dma_wait3A_91 = arith.constant 0 : i32
      %dma_wait3A_92 = tpu.memref_slice %arg18[%add3A_13, %dma_wait3A_91] : memref<10112x128xf32, #tpu.memory_space<vmem_shared>> -> memref<40x128xf32, #tpu.memory_space<vmem_shared>>
      %dma_wait3A_93 = arith.constant 0 : i32
      %dma_wait3A_94 = arith.constant 0 : i32
      %dma_wait3A_95 = tpu.memref_slice %arg11[%dma_wait3A_93, %dma_wait3A_94] : memref<40x128xf32, #tpu.memory_space<vmem>> -> memref<40x128xf32, #tpu.memory_space<vmem>>
      tpu.wait_dma2 semaphore(%run_scoped3A : memref<!tpu.dma_semaphore, #tpu.memory_space<semaphore_mem>>) src(%dma_wait3A_95 : memref<40x128xf32, #tpu.memory_space<vmem>>) dst(%dma_wait3A_92 : memref<40x128xf32, #tpu.memory_space<vmem_shared>>)
      tpu.yield
    }) : () -> ()
    %add3A_14 = arith.constant 40 : i32
    %add3A_15 = arith.addi %mul3A_7, %add3A_14 : i32
    "tpu.region"() ({
      %run_scoped3A = tpu.sem_alloc : memref<!tpu.dma_semaphore, #tpu.memory_space<semaphore_mem>>
      %dma_start3A = arith.constant 0 : i32
      %dma_start3A_78 = arith.constant 0 : i32
      %dma_start3A_79 = tpu.memref_slice %arg17[%dma_start3A, %dma_start3A_78] : memref<40x16xf32, #tpu.memory_space<vmem>> -> memref<40x16xf32, #tpu.memory_space<vmem>>
      %dma_start3A_80 = arith.constant 0 : i32
      %dma_start3A_81 = tpu.memref_slice %arg19[%add3A_15, %dma_start3A_80] : memref<10112x16xf32, #tpu.memory_space<vmem_shared>> -> memref<40x16xf32, #tpu.memory_space<vmem_shared>>
      %dma_start3A_82 = arith.constant 0 : i32
      %dma_start3A_83 = tpu.memref_slice %arg19[%add3A_15, %dma_start3A_82] : memref<10112x16xf32, #tpu.memory_space<vmem_shared>> -> memref<40x16xf32, #tpu.memory_space<vmem_shared>>
      %dma_start3A_84 = arith.constant 0 : i32
      %dma_start3A_85 = arith.constant 0 : i32
      %dma_start3A_86 = tpu.memref_slice %arg17[%dma_start3A_84, %dma_start3A_85] : memref<40x16xf32, #tpu.memory_space<vmem>> -> memref<40x16xf32, #tpu.memory_space<vmem>>
      tpu.enqueue_dma source(%dma_start3A_86 : memref<40x16xf32, #tpu.memory_space<vmem>>) target(%dma_start3A_83 : memref<40x16xf32, #tpu.memory_space<vmem_shared>>) target_semaphore(%run_scoped3A : memref<!tpu.dma_semaphore, #tpu.memory_space<semaphore_mem>>)
      %dma_wait3A = arith.constant 0 : i32
      %dma_wait3A_87 = arith.constant 0 : i32
      %dma_wait3A_88 = tpu.memref_slice %arg17[%dma_wait3A, %dma_wait3A_87] : memref<40x16xf32, #tpu.memory_space<vmem>> -> memref<40x16xf32, #tpu.memory_space<vmem>>
      %dma_wait3A_89 = arith.constant 0 : i32
      %dma_wait3A_90 = tpu.memref_slice %arg19[%add3A_15, %dma_wait3A_89] : memref<10112x16xf32, #tpu.memory_space<vmem_shared>> -> memref<40x16xf32, #tpu.memory_space<vmem_shared>>
      %dma_wait3A_91 = arith.constant 0 : i32
      %dma_wait3A_92 = tpu.memref_slice %arg19[%add3A_15, %dma_wait3A_91] : memref<10112x16xf32, #tpu.memory_space<vmem_shared>> -> memref<40x16xf32, #tpu.memory_space<vmem_shared>>
      %dma_wait3A_93 = arith.constant 0 : i32
      %dma_wait3A_94 = arith.constant 0 : i32
      %dma_wait3A_95 = tpu.memref_slice %arg17[%dma_wait3A_93, %dma_wait3A_94] : memref<40x16xf32, #tpu.memory_space<vmem>> -> memref<40x16xf32, #tpu.memory_space<vmem>>
      tpu.wait_dma2 semaphore(%run_scoped3A : memref<!tpu.dma_semaphore, #tpu.memory_space<semaphore_mem>>) src(%dma_wait3A_95 : memref<40x16xf32, #tpu.memory_space<vmem>>) dst(%dma_wait3A_92 : memref<40x16xf32, #tpu.memory_space<vmem_shared>>)
      tpu.yield
    }) : () -> ()
    %add3A_16 = arith.constant 80 : i32
    %add3A_17 = arith.addi %mul3A_7, %add3A_16 : i32
    "tpu.region"() ({
      %run_scoped3A = tpu.sem_alloc : memref<!tpu.dma_semaphore, #tpu.memory_space<semaphore_mem>>
      %dma_start3A = arith.constant 0 : i32
      %dma_start3A_78 = arith.constant 0 : i32
      %dma_start3A_79 = tpu.memref_slice %arg11[%dma_start3A, %dma_start3A_78] : memref<40x128xf32, #tpu.memory_space<vmem>> -> memref<40x128xf32, #tpu.memory_space<vmem>>
      %dma_start3A_80 = arith.constant 0 : i32
      %dma_start3A_81 = tpu.memref_slice %arg18[%add3A_17, %dma_start3A_80] : memref<10112x128xf32, #tpu.memory_space<vmem_shared>> -> memref<40x128xf32, #tpu.memory_space<vmem_shared>>
      %dma_start3A_82 = arith.constant 0 : i32
      %dma_start3A_83 = tpu.memref_slice %arg18[%add3A_17, %dma_start3A_82] : memref<10112x128xf32, #tpu.memory_space<vmem_shared>> -> memref<40x128xf32, #tpu.memory_space<vmem_shared>>
      %dma_start3A_84 = arith.constant 0 : i32
      %dma_start3A_85 = arith.constant 0 : i32
      %dma_start3A_86 = tpu.memref_slice %arg11[%dma_start3A_84, %dma_start3A_85] : memref<40x128xf32, #tpu.memory_space<vmem>> -> memref<40x128xf32, #tpu.memory_space<vmem>>
      tpu.enqueue_dma source(%dma_start3A_86 : memref<40x128xf32, #tpu.memory_space<vmem>>) target(%dma_start3A_83 : memref<40x128xf32, #tpu.memory_space<vmem_shared>>) target_semaphore(%run_scoped3A : memref<!tpu.dma_semaphore, #tpu.memory_space<semaphore_mem>>)
      %dma_wait3A = arith.constant 0 : i32
      %dma_wait3A_87 = arith.constant 0 : i32
      %dma_wait3A_88 = tpu.memref_slice %arg11[%dma_wait3A, %dma_wait3A_87] : memref<40x128xf32, #tpu.memory_space<vmem>> -> memref<40x128xf32, #tpu.memory_space<vmem>>
      %dma_wait3A_89 = arith.constant 0 : i32
      %dma_wait3A_90 = tpu.memref_slice %arg18[%add3A_17, %dma_wait3A_89] : memref<10112x128xf32, #tpu.memory_space<vmem_shared>> -> memref<40x128xf32, #tpu.memory_space<vmem_shared>>
      %dma_wait3A_91 = arith.constant 0 : i32
      %dma_wait3A_92 = tpu.memref_slice %arg18[%add3A_17, %dma_wait3A_91] : memref<10112x128xf32, #tpu.memory_space<vmem_shared>> -> memref<40x128xf32, #tpu.memory_space<vmem_shared>>
      %dma_wait3A_93 = arith.constant 0 : i32
      %dma_wait3A_94 = arith.constant 0 : i32
      %dma_wait3A_95 = tpu.memref_slice %arg11[%dma_wait3A_93, %dma_wait3A_94] : memref<40x128xf32, #tpu.memory_space<vmem>> -> memref<40x128xf32, #tpu.memory_space<vmem>>
      tpu.wait_dma2 semaphore(%run_scoped3A : memref<!tpu.dma_semaphore, #tpu.memory_space<semaphore_mem>>) src(%dma_wait3A_95 : memref<40x128xf32, #tpu.memory_space<vmem>>) dst(%dma_wait3A_92 : memref<40x128xf32, #tpu.memory_space<vmem_shared>>)
      tpu.yield
    }) : () -> ()
    %add3A_18 = arith.constant 80 : i32
    %add3A_19 = arith.addi %mul3A_7, %add3A_18 : i32
    "tpu.region"() ({
      %run_scoped3A = tpu.sem_alloc : memref<!tpu.dma_semaphore, #tpu.memory_space<semaphore_mem>>
      %dma_start3A = arith.constant 0 : i32
      %dma_start3A_78 = arith.constant 0 : i32
      %dma_start3A_79 = tpu.memref_slice %arg17[%dma_start3A, %dma_start3A_78] : memref<40x16xf32, #tpu.memory_space<vmem>> -> memref<40x16xf32, #tpu.memory_space<vmem>>
      %dma_start3A_80 = arith.constant 0 : i32
      %dma_start3A_81 = tpu.memref_slice %arg19[%add3A_19, %dma_start3A_80] : memref<10112x16xf32, #tpu.memory_space<vmem_shared>> -> memref<40x16xf32, #tpu.memory_space<vmem_shared>>
      %dma_start3A_82 = arith.constant 0 : i32
      %dma_start3A_83 = tpu.memref_slice %arg19[%add3A_19, %dma_start3A_82] : memref<10112x16xf32, #tpu.memory_space<vmem_shared>> -> memref<40x16xf32, #tpu.memory_space<vmem_shared>>
      %dma_start3A_84 = arith.constant 0 : i32
      %dma_start3A_85 = arith.constant 0 : i32
      %dma_start3A_86 = tpu.memref_slice %arg17[%dma_start3A_84, %dma_start3A_85] : memref<40x16xf32, #tpu.memory_space<vmem>> -> memref<40x16xf32, #tpu.memory_space<vmem>>
      tpu.enqueue_dma source(%dma_start3A_86 : memref<40x16xf32, #tpu.memory_space<vmem>>) target(%dma_start3A_83 : memref<40x16xf32, #tpu.memory_space<vmem_shared>>) target_semaphore(%run_scoped3A : memref<!tpu.dma_semaphore, #tpu.memory_space<semaphore_mem>>)
      %dma_wait3A = arith.constant 0 : i32
      %dma_wait3A_87 = arith.constant 0 : i32
      %dma_wait3A_88 = tpu.memref_slice %arg17[%dma_wait3A, %dma_wait3A_87] : memref<40x16xf32, #tpu.memory_space<vmem>> -> memref<40x16xf32, #tpu.memory_space<vmem>>
      %dma_wait3A_89 = arith.constant 0 : i32
      %dma_wait3A_90 = tpu.memref_slice %arg19[%add3A_19, %dma_wait3A_89] : memref<10112x16xf32, #tpu.memory_space<vmem_shared>> -> memref<40x16xf32, #tpu.memory_space<vmem_shared>>
      %dma_wait3A_91 = arith.constant 0 : i32
      %dma_wait3A_92 = tpu.memref_slice %arg19[%add3A_19, %dma_wait3A_91] : memref<10112x16xf32, #tpu.memory_space<vmem_shared>> -> memref<40x16xf32, #tpu.memory_space<vmem_shared>>
      %dma_wait3A_93 = arith.constant 0 : i32
      %dma_wait3A_94 = arith.constant 0 : i32
      %dma_wait3A_95 = tpu.memref_slice %arg17[%dma_wait3A_93, %dma_wait3A_94] : memref<40x16xf32, #tpu.memory_space<vmem>> -> memref<40x16xf32, #tpu.memory_space<vmem>>
      tpu.wait_dma2 semaphore(%run_scoped3A : memref<!tpu.dma_semaphore, #tpu.memory_space<semaphore_mem>>) src(%dma_wait3A_95 : memref<40x16xf32, #tpu.memory_space<vmem>>) dst(%dma_wait3A_92 : memref<40x16xf32, #tpu.memory_space<vmem_shared>>)
      tpu.yield
    }) : () -> ()
    %add3A_20 = arith.constant 120 : i32
    %add3A_21 = arith.addi %mul3A_7, %add3A_20 : i32
    "tpu.region"() ({
      %run_scoped3A = tpu.sem_alloc : memref<!tpu.dma_semaphore, #tpu.memory_space<semaphore_mem>>
      %dma_start3A = arith.constant 0 : i32
      %dma_start3A_78 = arith.constant 0 : i32
      %dma_start3A_79 = tpu.memref_slice %arg11[%dma_start3A, %dma_start3A_78] : memref<40x128xf32, #tpu.memory_space<vmem>> -> memref<40x128xf32, #tpu.memory_space<vmem>>
      %dma_start3A_80 = arith.constant 0 : i32
      %dma_start3A_81 = tpu.memref_slice %arg18[%add3A_21, %dma_start3A_80] : memref<10112x128xf32, #tpu.memory_space<vmem_shared>> -> memref<40x128xf32, #tpu.memory_space<vmem_shared>>
      %dma_start3A_82 = arith.constant 0 : i32
      %dma_start3A_83 = tpu.memref_slice %arg18[%add3A_21, %dma_start3A_82] : memref<10112x128xf32, #tpu.memory_space<vmem_shared>> -> memref<40x128xf32, #tpu.memory_space<vmem_shared>>
      %dma_start3A_84 = arith.constant 0 : i32
      %dma_start3A_85 = arith.constant 0 : i32
      %dma_start3A_86 = tpu.memref_slice %arg11[%dma_start3A_84, %dma_start3A_85] : memref<40x128xf32, #tpu.memory_space<vmem>> -> memref<40x128xf32, #tpu.memory_space<vmem>>
      tpu.enqueue_dma source(%dma_start3A_86 : memref<40x128xf32, #tpu.memory_space<vmem>>) target(%dma_start3A_83 : memref<40x128xf32, #tpu.memory_space<vmem_shared>>) target_semaphore(%run_scoped3A : memref<!tpu.dma_semaphore, #tpu.memory_space<semaphore_mem>>)
      %dma_wait3A = arith.constant 0 : i32
      %dma_wait3A_87 = arith.constant 0 : i32
      %dma_wait3A_88 = tpu.memref_slice %arg11[%dma_wait3A, %dma_wait3A_87] : memref<40x128xf32, #tpu.memory_space<vmem>> -> memref<40x128xf32, #tpu.memory_space<vmem>>
      %dma_wait3A_89 = arith.constant 0 : i32
      %dma_wait3A_90 = tpu.memref_slice %arg18[%add3A_21, %dma_wait3A_89] : memref<10112x128xf32, #tpu.memory_space<vmem_shared>> -> memref<40x128xf32, #tpu.memory_space<vmem_shared>>
      %dma_wait3A_91 = arith.constant 0 : i32
      %dma_wait3A_92 = tpu.memref_slice %arg18[%add3A_21, %dma_wait3A_91] : memref<10112x128xf32, #tpu.memory_space<vmem_shared>> -> memref<40x128xf32, #tpu.memory_space<vmem_shared>>
      %dma_wait3A_93 = arith.constant 0 : i32
      %dma_wait3A_94 = arith.constant 0 : i32
      %dma_wait3A_95 = tpu.memref_slice %arg11[%dma_wait3A_93, %dma_wait3A_94] : memref<40x128xf32, #tpu.memory_space<vmem>> -> memref<40x128xf32, #tpu.memory_space<vmem>>
      tpu.wait_dma2 semaphore(%run_scoped3A : memref<!tpu.dma_semaphore, #tpu.memory_space<semaphore_mem>>) src(%dma_wait3A_95 : memref<40x128xf32, #tpu.memory_space<vmem>>) dst(%dma_wait3A_92 : memref<40x128xf32, #tpu.memory_space<vmem_shared>>)
      tpu.yield
    }) : () -> ()
    %add3A_22 = arith.constant 120 : i32
    %add3A_23 = arith.addi %mul3A_7, %add3A_22 : i32
    "tpu.region"() ({
      %run_scoped3A = tpu.sem_alloc : memref<!tpu.dma_semaphore, #tpu.memory_space<semaphore_mem>>
      %dma_start3A = arith.constant 0 : i32
      %dma_start3A_78 = arith.constant 0 : i32
      %dma_start3A_79 = tpu.memref_slice %arg17[%dma_start3A, %dma_start3A_78] : memref<40x16xf32, #tpu.memory_space<vmem>> -> memref<40x16xf32, #tpu.memory_space<vmem>>
      %dma_start3A_80 = arith.constant 0 : i32
      %dma_start3A_81 = tpu.memref_slice %arg19[%add3A_23, %dma_start3A_80] : memref<10112x16xf32, #tpu.memory_space<vmem_shared>> -> memref<40x16xf32, #tpu.memory_space<vmem_shared>>
      %dma_start3A_82 = arith.constant 0 : i32
      %dma_start3A_83 = tpu.memref_slice %arg19[%add3A_23, %dma_start3A_82] : memref<10112x16xf32, #tpu.memory_space<vmem_shared>> -> memref<40x16xf32, #tpu.memory_space<vmem_shared>>
      %dma_start3A_84 = arith.constant 0 : i32
      %dma_start3A_85 = arith.constant 0 : i32
      %dma_start3A_86 = tpu.memref_slice %arg17[%dma_start3A_84, %dma_start3A_85] : memref<40x16xf32, #tpu.memory_space<vmem>> -> memref<40x16xf32, #tpu.memory_space<vmem>>
      tpu.enqueue_dma source(%dma_start3A_86 : memref<40x16xf32, #tpu.memory_space<vmem>>) target(%dma_start3A_83 : memref<40x16xf32, #tpu.memory_space<vmem_shared>>) target_semaphore(%run_scoped3A : memref<!tpu.dma_semaphore, #tpu.memory_space<semaphore_mem>>)
      %dma_wait3A = arith.constant 0 : i32
      %dma_wait3A_87 = arith.constant 0 : i32
      %dma_wait3A_88 = tpu.memref_slice %arg17[%dma_wait3A, %dma_wait3A_87] : memref<40x16xf32, #tpu.memory_space<vmem>> -> memref<40x16xf32, #tpu.memory_space<vmem>>
      %dma_wait3A_89 = arith.constant 0 : i32
      %dma_wait3A_90 = tpu.memref_slice %arg19[%add3A_23, %dma_wait3A_89] : memref<10112x16xf32, #tpu.memory_space<vmem_shared>> -> memref<40x16xf32, #tpu.memory_space<vmem_shared>>
      %dma_wait3A_91 = arith.constant 0 : i32
      %dma_wait3A_92 = tpu.memref_slice %arg19[%add3A_23, %dma_wait3A_91] : memref<10112x16xf32, #tpu.memory_space<vmem_shared>> -> memref<40x16xf32, #tpu.memory_space<vmem_shared>>
      %dma_wait3A_93 = arith.constant 0 : i32
      %dma_wait3A_94 = arith.constant 0 : i32
      %dma_wait3A_95 = tpu.memref_slice %arg17[%dma_wait3A_93, %dma_wait3A_94] : memref<40x16xf32, #tpu.memory_space<vmem>> -> memref<40x16xf32, #tpu.memory_space<vmem>>
      tpu.wait_dma2 semaphore(%run_scoped3A : memref<!tpu.dma_semaphore, #tpu.memory_space<semaphore_mem>>) src(%dma_wait3A_95 : memref<40x16xf32, #tpu.memory_space<vmem>>) dst(%dma_wait3A_92 : memref<40x16xf32, #tpu.memory_space<vmem_shared>>)
      tpu.yield
    }) : () -> ()
    %add3A_24 = arith.constant 160 : i32
    %add3A_25 = arith.addi %mul3A_7, %add3A_24 : i32
    "tpu.region"() ({
      %run_scoped3A = tpu.sem_alloc : memref<!tpu.dma_semaphore, #tpu.memory_space<semaphore_mem>>
      %dma_start3A = arith.constant 0 : i32
      %dma_start3A_78 = arith.constant 0 : i32
      %dma_start3A_79 = tpu.memref_slice %arg11[%dma_start3A, %dma_start3A_78] : memref<40x128xf32, #tpu.memory_space<vmem>> -> memref<40x128xf32, #tpu.memory_space<vmem>>
      %dma_start3A_80 = arith.constant 0 : i32
      %dma_start3A_81 = tpu.memref_slice %arg18[%add3A_25, %dma_start3A_80] : memref<10112x128xf32, #tpu.memory_space<vmem_shared>> -> memref<40x128xf32, #tpu.memory_space<vmem_shared>>
      %dma_start3A_82 = arith.constant 0 : i32
      %dma_start3A_83 = tpu.memref_slice %arg18[%add3A_25, %dma_start3A_82] : memref<10112x128xf32, #tpu.memory_space<vmem_shared>> -> memref<40x128xf32, #tpu.memory_space<vmem_shared>>
      %dma_start3A_84 = arith.constant 0 : i32
      %dma_start3A_85 = arith.constant 0 : i32
      %dma_start3A_86 = tpu.memref_slice %arg11[%dma_start3A_84, %dma_start3A_85] : memref<40x128xf32, #tpu.memory_space<vmem>> -> memref<40x128xf32, #tpu.memory_space<vmem>>
      tpu.enqueue_dma source(%dma_start3A_86 : memref<40x128xf32, #tpu.memory_space<vmem>>) target(%dma_start3A_83 : memref<40x128xf32, #tpu.memory_space<vmem_shared>>) target_semaphore(%run_scoped3A : memref<!tpu.dma_semaphore, #tpu.memory_space<semaphore_mem>>)
      %dma_wait3A = arith.constant 0 : i32
      %dma_wait3A_87 = arith.constant 0 : i32
      %dma_wait3A_88 = tpu.memref_slice %arg11[%dma_wait3A, %dma_wait3A_87] : memref<40x128xf32, #tpu.memory_space<vmem>> -> memref<40x128xf32, #tpu.memory_space<vmem>>
      %dma_wait3A_89 = arith.constant 0 : i32
      %dma_wait3A_90 = tpu.memref_slice %arg18[%add3A_25, %dma_wait3A_89] : memref<10112x128xf32, #tpu.memory_space<vmem_shared>> -> memref<40x128xf32, #tpu.memory_space<vmem_shared>>
      %dma_wait3A_91 = arith.constant 0 : i32
      %dma_wait3A_92 = tpu.memref_slice %arg18[%add3A_25, %dma_wait3A_91] : memref<10112x128xf32, #tpu.memory_space<vmem_shared>> -> memref<40x128xf32, #tpu.memory_space<vmem_shared>>
      %dma_wait3A_93 = arith.constant 0 : i32
      %dma_wait3A_94 = arith.constant 0 : i32
      %dma_wait3A_95 = tpu.memref_slice %arg11[%dma_wait3A_93, %dma_wait3A_94] : memref<40x128xf32, #tpu.memory_space<vmem>> -> memref<40x128xf32, #tpu.memory_space<vmem>>
      tpu.wait_dma2 semaphore(%run_scoped3A : memref<!tpu.dma_semaphore, #tpu.memory_space<semaphore_mem>>) src(%dma_wait3A_95 : memref<40x128xf32, #tpu.memory_space<vmem>>) dst(%dma_wait3A_92 : memref<40x128xf32, #tpu.memory_space<vmem_shared>>)
      tpu.yield
    }) : () -> ()
    %add3A_26 = arith.constant 160 : i32
    %add3A_27 = arith.addi %mul3A_7, %add3A_26 : i32
    "tpu.region"() ({
      %run_scoped3A = tpu.sem_alloc : memref<!tpu.dma_semaphore, #tpu.memory_space<semaphore_mem>>
      %dma_start3A = arith.constant 0 : i32
      %dma_start3A_78 = arith.constant 0 : i32
      %dma_start3A_79 = tpu.memref_slice %arg17[%dma_start3A, %dma_start3A_78] : memref<40x16xf32, #tpu.memory_space<vmem>> -> memref<40x16xf32, #tpu.memory_space<vmem>>
      %dma_start3A_80 = arith.constant 0 : i32
      %dma_start3A_81 = tpu.memref_slice %arg19[%add3A_27, %dma_start3A_80] : memref<10112x16xf32, #tpu.memory_space<vmem_shared>> -> memref<40x16xf32, #tpu.memory_space<vmem_shared>>
      %dma_start3A_82 = arith.constant 0 : i32
      %dma_start3A_83 = tpu.memref_slice %arg19[%add3A_27, %dma_start3A_82] : memref<10112x16xf32, #tpu.memory_space<vmem_shared>> -> memref<40x16xf32, #tpu.memory_space<vmem_shared>>
      %dma_start3A_84 = arith.constant 0 : i32
      %dma_start3A_85 = arith.constant 0 : i32
      %dma_start3A_86 = tpu.memref_slice %arg17[%dma_start3A_84, %dma_start3A_85] : memref<40x16xf32, #tpu.memory_space<vmem>> -> memref<40x16xf32, #tpu.memory_space<vmem>>
      tpu.enqueue_dma source(%dma_start3A_86 : memref<40x16xf32, #tpu.memory_space<vmem>>) target(%dma_start3A_83 : memref<40x16xf32, #tpu.memory_space<vmem_shared>>) target_semaphore(%run_scoped3A : memref<!tpu.dma_semaphore, #tpu.memory_space<semaphore_mem>>)
      %dma_wait3A = arith.constant 0 : i32
      %dma_wait3A_87 = arith.constant 0 : i32
      %dma_wait3A_88 = tpu.memref_slice %arg17[%dma_wait3A, %dma_wait3A_87] : memref<40x16xf32, #tpu.memory_space<vmem>> -> memref<40x16xf32, #tpu.memory_space<vmem>>
      %dma_wait3A_89 = arith.constant 0 : i32
      %dma_wait3A_90 = tpu.memref_slice %arg19[%add3A_27, %dma_wait3A_89] : memref<10112x16xf32, #tpu.memory_space<vmem_shared>> -> memref<40x16xf32, #tpu.memory_space<vmem_shared>>
      %dma_wait3A_91 = arith.constant 0 : i32
      %dma_wait3A_92 = tpu.memref_slice %arg19[%add3A_27, %dma_wait3A_91] : memref<10112x16xf32, #tpu.memory_space<vmem_shared>> -> memref<40x16xf32, #tpu.memory_space<vmem_shared>>
      %dma_wait3A_93 = arith.constant 0 : i32
      %dma_wait3A_94 = arith.constant 0 : i32
      %dma_wait3A_95 = tpu.memref_slice %arg17[%dma_wait3A_93, %dma_wait3A_94] : memref<40x16xf32, #tpu.memory_space<vmem>> -> memref<40x16xf32, #tpu.memory_space<vmem>>
      tpu.wait_dma2 semaphore(%run_scoped3A : memref<!tpu.dma_semaphore, #tpu.memory_space<semaphore_mem>>) src(%dma_wait3A_95 : memref<40x16xf32, #tpu.memory_space<vmem>>) dst(%dma_wait3A_92 : memref<40x16xf32, #tpu.memory_space<vmem_shared>>)
      tpu.yield
    }) : () -> ()
    %add3A_28 = arith.constant 200 : i32
    %add3A_29 = arith.addi %mul3A_7, %add3A_28 : i32
    "tpu.region"() ({
      %run_scoped3A = tpu.sem_alloc : memref<!tpu.dma_semaphore, #tpu.memory_space<semaphore_mem>>
      %dma_start3A = arith.constant 0 : i32
      %dma_start3A_78 = arith.constant 0 : i32
      %dma_start3A_79 = tpu.memref_slice %arg11[%dma_start3A, %dma_start3A_78] : memref<40x128xf32, #tpu.memory_space<vmem>> -> memref<40x128xf32, #tpu.memory_space<vmem>>
      %dma_start3A_80 = arith.constant 0 : i32
      %dma_start3A_81 = tpu.memref_slice %arg18[%add3A_29, %dma_start3A_80] : memref<10112x128xf32, #tpu.memory_space<vmem_shared>> -> memref<40x128xf32, #tpu.memory_space<vmem_shared>>
      %dma_start3A_82 = arith.constant 0 : i32
      %dma_start3A_83 = tpu.memref_slice %arg18[%add3A_29, %dma_start3A_82] : memref<10112x128xf32, #tpu.memory_space<vmem_shared>> -> memref<40x128xf32, #tpu.memory_space<vmem_shared>>
      %dma_start3A_84 = arith.constant 0 : i32
      %dma_start3A_85 = arith.constant 0 : i32
      %dma_start3A_86 = tpu.memref_slice %arg11[%dma_start3A_84, %dma_start3A_85] : memref<40x128xf32, #tpu.memory_space<vmem>> -> memref<40x128xf32, #tpu.memory_space<vmem>>
      tpu.enqueue_dma source(%dma_start3A_86 : memref<40x128xf32, #tpu.memory_space<vmem>>) target(%dma_start3A_83 : memref<40x128xf32, #tpu.memory_space<vmem_shared>>) target_semaphore(%run_scoped3A : memref<!tpu.dma_semaphore, #tpu.memory_space<semaphore_mem>>)
      %dma_wait3A = arith.constant 0 : i32
      %dma_wait3A_87 = arith.constant 0 : i32
      %dma_wait3A_88 = tpu.memref_slice %arg11[%dma_wait3A, %dma_wait3A_87] : memref<40x128xf32, #tpu.memory_space<vmem>> -> memref<40x128xf32, #tpu.memory_space<vmem>>
      %dma_wait3A_89 = arith.constant 0 : i32
      %dma_wait3A_90 = tpu.memref_slice %arg18[%add3A_29, %dma_wait3A_89] : memref<10112x128xf32, #tpu.memory_space<vmem_shared>> -> memref<40x128xf32, #tpu.memory_space<vmem_shared>>
      %dma_wait3A_91 = arith.constant 0 : i32
      %dma_wait3A_92 = tpu.memref_slice %arg18[%add3A_29, %dma_wait3A_91] : memref<10112x128xf32, #tpu.memory_space<vmem_shared>> -> memref<40x128xf32, #tpu.memory_space<vmem_shared>>
      %dma_wait3A_93 = arith.constant 0 : i32
      %dma_wait3A_94 = arith.constant 0 : i32
      %dma_wait3A_95 = tpu.memref_slice %arg11[%dma_wait3A_93, %dma_wait3A_94] : memref<40x128xf32, #tpu.memory_space<vmem>> -> memref<40x128xf32, #tpu.memory_space<vmem>>
      tpu.wait_dma2 semaphore(%run_scoped3A : memref<!tpu.dma_semaphore, #tpu.memory_space<semaphore_mem>>) src(%dma_wait3A_95 : memref<40x128xf32, #tpu.memory_space<vmem>>) dst(%dma_wait3A_92 : memref<40x128xf32, #tpu.memory_space<vmem_shared>>)
      tpu.yield
    }) : () -> ()
    %add3A_30 = arith.constant 200 : i32
    %add3A_31 = arith.addi %mul3A_7, %add3A_30 : i32
    "tpu.region"() ({
      %run_scoped3A = tpu.sem_alloc : memref<!tpu.dma_semaphore, #tpu.memory_space<semaphore_mem>>
      %dma_start3A = arith.constant 0 : i32
      %dma_start3A_78 = arith.constant 0 : i32
      %dma_start3A_79 = tpu.memref_slice %arg17[%dma_start3A, %dma_start3A_78] : memref<40x16xf32, #tpu.memory_space<vmem>> -> memref<40x16xf32, #tpu.memory_space<vmem>>
      %dma_start3A_80 = arith.constant 0 : i32
      %dma_start3A_81 = tpu.memref_slice %arg19[%add3A_31, %dma_start3A_80] : memref<10112x16xf32, #tpu.memory_space<vmem_shared>> -> memref<40x16xf32, #tpu.memory_space<vmem_shared>>
      %dma_start3A_82 = arith.constant 0 : i32
      %dma_start3A_83 = tpu.memref_slice %arg19[%add3A_31, %dma_start3A_82] : memref<10112x16xf32, #tpu.memory_space<vmem_shared>> -> memref<40x16xf32, #tpu.memory_space<vmem_shared>>
      %dma_start3A_84 = arith.constant 0 : i32
      %dma_start3A_85 = arith.constant 0 : i32
      %dma_start3A_86 = tpu.memref_slice %arg17[%dma_start3A_84, %dma_start3A_85] : memref<40x16xf32, #tpu.memory_space<vmem>> -> memref<40x16xf32, #tpu.memory_space<vmem>>
      tpu.enqueue_dma source(%dma_start3A_86 : memref<40x16xf32, #tpu.memory_space<vmem>>) target(%dma_start3A_83 : memref<40x16xf32, #tpu.memory_space<vmem_shared>>) target_semaphore(%run_scoped3A : memref<!tpu.dma_semaphore, #tpu.memory_space<semaphore_mem>>)
      %dma_wait3A = arith.constant 0 : i32
      %dma_wait3A_87 = arith.constant 0 : i32
      %dma_wait3A_88 = tpu.memref_slice %arg17[%dma_wait3A, %dma_wait3A_87] : memref<40x16xf32, #tpu.memory_space<vmem>> -> memref<40x16xf32, #tpu.memory_space<vmem>>
      %dma_wait3A_89 = arith.constant 0 : i32
      %dma_wait3A_90 = tpu.memref_slice %arg19[%add3A_31, %dma_wait3A_89] : memref<10112x16xf32, #tpu.memory_space<vmem_shared>> -> memref<40x16xf32, #tpu.memory_space<vmem_shared>>
      %dma_wait3A_91 = arith.constant 0 : i32
      %dma_wait3A_92 = tpu.memref_slice %arg19[%add3A_31, %dma_wait3A_91] : memref<10112x16xf32, #tpu.memory_space<vmem_shared>> -> memref<40x16xf32, #tpu.memory_space<vmem_shared>>
      %dma_wait3A_93 = arith.constant 0 : i32
      %dma_wait3A_94 = arith.constant 0 : i32
      %dma_wait3A_95 = tpu.memref_slice %arg17[%dma_wait3A_93, %dma_wait3A_94] : memref<40x16xf32, #tpu.memory_space<vmem>> -> memref<40x16xf32, #tpu.memory_space<vmem>>
      tpu.wait_dma2 semaphore(%run_scoped3A : memref<!tpu.dma_semaphore, #tpu.memory_space<semaphore_mem>>) src(%dma_wait3A_95 : memref<40x16xf32, #tpu.memory_space<vmem>>) dst(%dma_wait3A_92 : memref<40x16xf32, #tpu.memory_space<vmem_shared>>)
      tpu.yield
    }) : () -> ()
    %add3A_32 = arith.constant 240 : i32
    %add3A_33 = arith.addi %mul3A_7, %add3A_32 : i32
    "tpu.region"() ({
      %run_scoped3A = tpu.sem_alloc : memref<!tpu.dma_semaphore, #tpu.memory_space<semaphore_mem>>
      %dma_start3A = arith.constant 0 : i32
      %dma_start3A_78 = arith.constant 0 : i32
      %dma_start3A_79 = tpu.memref_slice %arg11[%dma_start3A, %dma_start3A_78] : memref<40x128xf32, #tpu.memory_space<vmem>> -> memref<40x128xf32, #tpu.memory_space<vmem>>
      %dma_start3A_80 = arith.constant 0 : i32
      %dma_start3A_81 = tpu.memref_slice %arg18[%add3A_33, %dma_start3A_80] : memref<10112x128xf32, #tpu.memory_space<vmem_shared>> -> memref<40x128xf32, #tpu.memory_space<vmem_shared>>
      %dma_start3A_82 = arith.constant 0 : i32
      %dma_start3A_83 = tpu.memref_slice %arg18[%add3A_33, %dma_start3A_82] : memref<10112x128xf32, #tpu.memory_space<vmem_shared>> -> memref<40x128xf32, #tpu.memory_space<vmem_shared>>
      %dma_start3A_84 = arith.constant 0 : i32
      %dma_start3A_85 = arith.constant 0 : i32
      %dma_start3A_86 = tpu.memref_slice %arg11[%dma_start3A_84, %dma_start3A_85] : memref<40x128xf32, #tpu.memory_space<vmem>> -> memref<40x128xf32, #tpu.memory_space<vmem>>
      tpu.enqueue_dma source(%dma_start3A_86 : memref<40x128xf32, #tpu.memory_space<vmem>>) target(%dma_start3A_83 : memref<40x128xf32, #tpu.memory_space<vmem_shared>>) target_semaphore(%run_scoped3A : memref<!tpu.dma_semaphore, #tpu.memory_space<semaphore_mem>>)
      %dma_wait3A = arith.constant 0 : i32
      %dma_wait3A_87 = arith.constant 0 : i32
      %dma_wait3A_88 = tpu.memref_slice %arg11[%dma_wait3A, %dma_wait3A_87] : memref<40x128xf32, #tpu.memory_space<vmem>> -> memref<40x128xf32, #tpu.memory_space<vmem>>
      %dma_wait3A_89 = arith.constant 0 : i32
      %dma_wait3A_90 = tpu.memref_slice %arg18[%add3A_33, %dma_wait3A_89] : memref<10112x128xf32, #tpu.memory_space<vmem_shared>> -> memref<40x128xf32, #tpu.memory_space<vmem_shared>>
      %dma_wait3A_91 = arith.constant 0 : i32
      %dma_wait3A_92 = tpu.memref_slice %arg18[%add3A_33, %dma_wait3A_91] : memref<10112x128xf32, #tpu.memory_space<vmem_shared>> -> memref<40x128xf32, #tpu.memory_space<vmem_shared>>
      %dma_wait3A_93 = arith.constant 0 : i32
      %dma_wait3A_94 = arith.constant 0 : i32
      %dma_wait3A_95 = tpu.memref_slice %arg11[%dma_wait3A_93, %dma_wait3A_94] : memref<40x128xf32, #tpu.memory_space<vmem>> -> memref<40x128xf32, #tpu.memory_space<vmem>>
      tpu.wait_dma2 semaphore(%run_scoped3A : memref<!tpu.dma_semaphore, #tpu.memory_space<semaphore_mem>>) src(%dma_wait3A_95 : memref<40x128xf32, #tpu.memory_space<vmem>>) dst(%dma_wait3A_92 : memref<40x128xf32, #tpu.memory_space<vmem_shared>>)
      tpu.yield
    }) : () -> ()
    %add3A_34 = arith.constant 240 : i32
    %add3A_35 = arith.addi %mul3A_7, %add3A_34 : i32
    "tpu.region"() ({
      %run_scoped3A = tpu.sem_alloc : memref<!tpu.dma_semaphore, #tpu.memory_space<semaphore_mem>>
      %dma_start3A = arith.constant 0 : i32
      %dma_start3A_78 = arith.constant 0 : i32
      %dma_start3A_79 = tpu.memref_slice %arg17[%dma_start3A, %dma_start3A_78] : memref<40x16xf32, #tpu.memory_space<vmem>> -> memref<40x16xf32, #tpu.memory_space<vmem>>
      %dma_start3A_80 = arith.constant 0 : i32
      %dma_start3A_81 = tpu.memref_slice %arg19[%add3A_35, %dma_start3A_80] : memref<10112x16xf32, #tpu.memory_space<vmem_shared>> -> memref<40x16xf32, #tpu.memory_space<vmem_shared>>
      %dma_start3A_82 = arith.constant 0 : i32
      %dma_start3A_83 = tpu.memref_slice %arg19[%add3A_35, %dma_start3A_82] : memref<10112x16xf32, #tpu.memory_space<vmem_shared>> -> memref<40x16xf32, #tpu.memory_space<vmem_shared>>
      %dma_start3A_84 = arith.constant 0 : i32
      %dma_start3A_85 = arith.constant 0 : i32
      %dma_start3A_86 = tpu.memref_slice %arg17[%dma_start3A_84, %dma_start3A_85] : memref<40x16xf32, #tpu.memory_space<vmem>> -> memref<40x16xf32, #tpu.memory_space<vmem>>
      tpu.enqueue_dma source(%dma_start3A_86 : memref<40x16xf32, #tpu.memory_space<vmem>>) target(%dma_start3A_83 : memref<40x16xf32, #tpu.memory_space<vmem_shared>>) target_semaphore(%run_scoped3A : memref<!tpu.dma_semaphore, #tpu.memory_space<semaphore_mem>>)
      %dma_wait3A = arith.constant 0 : i32
      %dma_wait3A_87 = arith.constant 0 : i32
      %dma_wait3A_88 = tpu.memref_slice %arg17[%dma_wait3A, %dma_wait3A_87] : memref<40x16xf32, #tpu.memory_space<vmem>> -> memref<40x16xf32, #tpu.memory_space<vmem>>
      %dma_wait3A_89 = arith.constant 0 : i32
      %dma_wait3A_90 = tpu.memref_slice %arg19[%add3A_35, %dma_wait3A_89] : memref<10112x16xf32, #tpu.memory_space<vmem_shared>> -> memref<40x16xf32, #tpu.memory_space<vmem_shared>>
      %dma_wait3A_91 = arith.constant 0 : i32
      %dma_wait3A_92 = tpu.memref_slice %arg19[%add3A_35, %dma_wait3A_91] : memref<10112x16xf32, #tpu.memory_space<vmem_shared>> -> memref<40x16xf32, #tpu.memory_space<vmem_shared>>
      %dma_wait3A_93 = arith.constant 0 : i32
      %dma_wait3A_94 = arith.constant 0 : i32
      %dma_wait3A_95 = tpu.memref_slice %arg17[%dma_wait3A_93, %dma_wait3A_94] : memref<40x16xf32, #tpu.memory_space<vmem>> -> memref<40x16xf32, #tpu.memory_space<vmem>>
      tpu.wait_dma2 semaphore(%run_scoped3A : memref<!tpu.dma_semaphore, #tpu.memory_space<semaphore_mem>>) src(%dma_wait3A_95 : memref<40x16xf32, #tpu.memory_space<vmem>>) dst(%dma_wait3A_92 : memref<40x16xf32, #tpu.memory_space<vmem_shared>>)
      tpu.yield
    }) : () -> ()
    %add3A_36 = arith.constant 280 : i32
    %add3A_37 = arith.addi %mul3A_7, %add3A_36 : i32
    "tpu.region"() ({
      %run_scoped3A = tpu.sem_alloc : memref<!tpu.dma_semaphore, #tpu.memory_space<semaphore_mem>>
      %dma_start3A = arith.constant 0 : i32
      %dma_start3A_78 = arith.constant 0 : i32
      %dma_start3A_79 = tpu.memref_slice %arg11[%dma_start3A, %dma_start3A_78] : memref<40x128xf32, #tpu.memory_space<vmem>> -> memref<40x128xf32, #tpu.memory_space<vmem>>
      %dma_start3A_80 = arith.constant 0 : i32
      %dma_start3A_81 = tpu.memref_slice %arg18[%add3A_37, %dma_start3A_80] : memref<10112x128xf32, #tpu.memory_space<vmem_shared>> -> memref<40x128xf32, #tpu.memory_space<vmem_shared>>
      %dma_start3A_82 = arith.constant 0 : i32
      %dma_start3A_83 = tpu.memref_slice %arg18[%add3A_37, %dma_start3A_82] : memref<10112x128xf32, #tpu.memory_space<vmem_shared>> -> memref<40x128xf32, #tpu.memory_space<vmem_shared>>
      %dma_start3A_84 = arith.constant 0 : i32
      %dma_start3A_85 = arith.constant 0 : i32
      %dma_start3A_86 = tpu.memref_slice %arg11[%dma_start3A_84, %dma_start3A_85] : memref<40x128xf32, #tpu.memory_space<vmem>> -> memref<40x128xf32, #tpu.memory_space<vmem>>
      tpu.enqueue_dma source(%dma_start3A_86 : memref<40x128xf32, #tpu.memory_space<vmem>>) target(%dma_start3A_83 : memref<40x128xf32, #tpu.memory_space<vmem_shared>>) target_semaphore(%run_scoped3A : memref<!tpu.dma_semaphore, #tpu.memory_space<semaphore_mem>>)
      %dma_wait3A = arith.constant 0 : i32
      %dma_wait3A_87 = arith.constant 0 : i32
      %dma_wait3A_88 = tpu.memref_slice %arg11[%dma_wait3A, %dma_wait3A_87] : memref<40x128xf32, #tpu.memory_space<vmem>> -> memref<40x128xf32, #tpu.memory_space<vmem>>
      %dma_wait3A_89 = arith.constant 0 : i32
      %dma_wait3A_90 = tpu.memref_slice %arg18[%add3A_37, %dma_wait3A_89] : memref<10112x128xf32, #tpu.memory_space<vmem_shared>> -> memref<40x128xf32, #tpu.memory_space<vmem_shared>>
      %dma_wait3A_91 = arith.constant 0 : i32
      %dma_wait3A_92 = tpu.memref_slice %arg18[%add3A_37, %dma_wait3A_91] : memref<10112x128xf32, #tpu.memory_space<vmem_shared>> -> memref<40x128xf32, #tpu.memory_space<vmem_shared>>
      %dma_wait3A_93 = arith.constant 0 : i32
      %dma_wait3A_94 = arith.constant 0 : i32
      %dma_wait3A_95 = tpu.memref_slice %arg11[%dma_wait3A_93, %dma_wait3A_94] : memref<40x128xf32, #tpu.memory_space<vmem>> -> memref<40x128xf32, #tpu.memory_space<vmem>>
      tpu.wait_dma2 semaphore(%run_scoped3A : memref<!tpu.dma_semaphore, #tpu.memory_space<semaphore_mem>>) src(%dma_wait3A_95 : memref<40x128xf32, #tpu.memory_space<vmem>>) dst(%dma_wait3A_92 : memref<40x128xf32, #tpu.memory_space<vmem_shared>>)
      tpu.yield
    }) : () -> ()
    %add3A_38 = arith.constant 280 : i32
    %add3A_39 = arith.addi %mul3A_7, %add3A_38 : i32
    "tpu.region"() ({
      %run_scoped3A = tpu.sem_alloc : memref<!tpu.dma_semaphore, #tpu.memory_space<semaphore_mem>>
      %dma_start3A = arith.constant 0 : i32
      %dma_start3A_78 = arith.constant 0 : i32
      %dma_start3A_79 = tpu.memref_slice %arg17[%dma_start3A, %dma_start3A_78] : memref<40x16xf32, #tpu.memory_space<vmem>> -> memref<40x16xf32, #tpu.memory_space<vmem>>
      %dma_start3A_80 = arith.constant 0 : i32
      %dma_start3A_81 = tpu.memref_slice %arg19[%add3A_39, %dma_start3A_80] : memref<10112x16xf32, #tpu.memory_space<vmem_shared>> -> memref<40x16xf32, #tpu.memory_space<vmem_shared>>
      %dma_start3A_82 = arith.constant 0 : i32
      %dma_start3A_83 = tpu.memref_slice %arg19[%add3A_39, %dma_start3A_82] : memref<10112x16xf32, #tpu.memory_space<vmem_shared>> -> memref<40x16xf32, #tpu.memory_space<vmem_shared>>
      %dma_start3A_84 = arith.constant 0 : i32
      %dma_start3A_85 = arith.constant 0 : i32
      %dma_start3A_86 = tpu.memref_slice %arg17[%dma_start3A_84, %dma_start3A_85] : memref<40x16xf32, #tpu.memory_space<vmem>> -> memref<40x16xf32, #tpu.memory_space<vmem>>
      tpu.enqueue_dma source(%dma_start3A_86 : memref<40x16xf32, #tpu.memory_space<vmem>>) target(%dma_start3A_83 : memref<40x16xf32, #tpu.memory_space<vmem_shared>>) target_semaphore(%run_scoped3A : memref<!tpu.dma_semaphore, #tpu.memory_space<semaphore_mem>>)
      %dma_wait3A = arith.constant 0 : i32
      %dma_wait3A_87 = arith.constant 0 : i32
      %dma_wait3A_88 = tpu.memref_slice %arg17[%dma_wait3A, %dma_wait3A_87] : memref<40x16xf32, #tpu.memory_space<vmem>> -> memref<40x16xf32, #tpu.memory_space<vmem>>
      %dma_wait3A_89 = arith.constant 0 : i32
      %dma_wait3A_90 = tpu.memref_slice %arg19[%add3A_39, %dma_wait3A_89] : memref<10112x16xf32, #tpu.memory_space<vmem_shared>> -> memref<40x16xf32, #tpu.memory_space<vmem_shared>>
      %dma_wait3A_91 = arith.constant 0 : i32
      %dma_wait3A_92 = tpu.memref_slice %arg19[%add3A_39, %dma_wait3A_91] : memref<10112x16xf32, #tpu.memory_space<vmem_shared>> -> memref<40x16xf32, #tpu.memory_space<vmem_shared>>
      %dma_wait3A_93 = arith.constant 0 : i32
      %dma_wait3A_94 = arith.constant 0 : i32
      %dma_wait3A_95 = tpu.memref_slice %arg17[%dma_wait3A_93, %dma_wait3A_94] : memref<40x16xf32, #tpu.memory_space<vmem>> -> memref<40x16xf32, #tpu.memory_space<vmem>>
      tpu.wait_dma2 semaphore(%run_scoped3A : memref<!tpu.dma_semaphore, #tpu.memory_space<semaphore_mem>>) src(%dma_wait3A_95 : memref<40x16xf32, #tpu.memory_space<vmem>>) dst(%dma_wait3A_92 : memref<40x16xf32, #tpu.memory_space<vmem_shared>>)
      tpu.yield
    }) : () -> ()
    %add3A_40 = arith.constant 320 : i32
    %add3A_41 = arith.addi %mul3A_7, %add3A_40 : i32
    "tpu.region"() ({
      %run_scoped3A = tpu.sem_alloc : memref<!tpu.dma_semaphore, #tpu.memory_space<semaphore_mem>>
      %dma_start3A = arith.constant 0 : i32
      %dma_start3A_78 = arith.constant 0 : i32
      %dma_start3A_79 = tpu.memref_slice %arg11[%dma_start3A, %dma_start3A_78] : memref<40x128xf32, #tpu.memory_space<vmem>> -> memref<40x128xf32, #tpu.memory_space<vmem>>
      %dma_start3A_80 = arith.constant 0 : i32
      %dma_start3A_81 = tpu.memref_slice %arg18[%add3A_41, %dma_start3A_80] : memref<10112x128xf32, #tpu.memory_space<vmem_shared>> -> memref<40x128xf32, #tpu.memory_space<vmem_shared>>
      %dma_start3A_82 = arith.constant 0 : i32
      %dma_start3A_83 = tpu.memref_slice %arg18[%add3A_41, %dma_start3A_82] : memref<10112x128xf32, #tpu.memory_space<vmem_shared>> -> memref<40x128xf32, #tpu.memory_space<vmem_shared>>
      %dma_start3A_84 = arith.constant 0 : i32
      %dma_start3A_85 = arith.constant 0 : i32
      %dma_start3A_86 = tpu.memref_slice %arg11[%dma_start3A_84, %dma_start3A_85] : memref<40x128xf32, #tpu.memory_space<vmem>> -> memref<40x128xf32, #tpu.memory_space<vmem>>
      tpu.enqueue_dma source(%dma_start3A_86 : memref<40x128xf32, #tpu.memory_space<vmem>>) target(%dma_start3A_83 : memref<40x128xf32, #tpu.memory_space<vmem_shared>>) target_semaphore(%run_scoped3A : memref<!tpu.dma_semaphore, #tpu.memory_space<semaphore_mem>>)
      %dma_wait3A = arith.constant 0 : i32
      %dma_wait3A_87 = arith.constant 0 : i32
      %dma_wait3A_88 = tpu.memref_slice %arg11[%dma_wait3A, %dma_wait3A_87] : memref<40x128xf32, #tpu.memory_space<vmem>> -> memref<40x128xf32, #tpu.memory_space<vmem>>
      %dma_wait3A_89 = arith.constant 0 : i32
      %dma_wait3A_90 = tpu.memref_slice %arg18[%add3A_41, %dma_wait3A_89] : memref<10112x128xf32, #tpu.memory_space<vmem_shared>> -> memref<40x128xf32, #tpu.memory_space<vmem_shared>>
      %dma_wait3A_91 = arith.constant 0 : i32
      %dma_wait3A_92 = tpu.memref_slice %arg18[%add3A_41, %dma_wait3A_91] : memref<10112x128xf32, #tpu.memory_space<vmem_shared>> -> memref<40x128xf32, #tpu.memory_space<vmem_shared>>
      %dma_wait3A_93 = arith.constant 0 : i32
      %dma_wait3A_94 = arith.constant 0 : i32
      %dma_wait3A_95 = tpu.memref_slice %arg11[%dma_wait3A_93, %dma_wait3A_94] : memref<40x128xf32, #tpu.memory_space<vmem>> -> memref<40x128xf32, #tpu.memory_space<vmem>>
      tpu.wait_dma2 semaphore(%run_scoped3A : memref<!tpu.dma_semaphore, #tpu.memory_space<semaphore_mem>>) src(%dma_wait3A_95 : memref<40x128xf32, #tpu.memory_space<vmem>>) dst(%dma_wait3A_92 : memref<40x128xf32, #tpu.memory_space<vmem_shared>>)
      tpu.yield
    }) : () -> ()
    %add3A_42 = arith.constant 320 : i32
    %add3A_43 = arith.addi %mul3A_7, %add3A_42 : i32
    "tpu.region"() ({
      %run_scoped3A = tpu.sem_alloc : memref<!tpu.dma_semaphore, #tpu.memory_space<semaphore_mem>>
      %dma_start3A = arith.constant 0 : i32
      %dma_start3A_78 = arith.constant 0 : i32
      %dma_start3A_79 = tpu.memref_slice %arg17[%dma_start3A, %dma_start3A_78] : memref<40x16xf32, #tpu.memory_space<vmem>> -> memref<40x16xf32, #tpu.memory_space<vmem>>
      %dma_start3A_80 = arith.constant 0 : i32
      %dma_start3A_81 = tpu.memref_slice %arg19[%add3A_43, %dma_start3A_80] : memref<10112x16xf32, #tpu.memory_space<vmem_shared>> -> memref<40x16xf32, #tpu.memory_space<vmem_shared>>
      %dma_start3A_82 = arith.constant 0 : i32
      %dma_start3A_83 = tpu.memref_slice %arg19[%add3A_43, %dma_start3A_82] : memref<10112x16xf32, #tpu.memory_space<vmem_shared>> -> memref<40x16xf32, #tpu.memory_space<vmem_shared>>
      %dma_start3A_84 = arith.constant 0 : i32
      %dma_start3A_85 = arith.constant 0 : i32
      %dma_start3A_86 = tpu.memref_slice %arg17[%dma_start3A_84, %dma_start3A_85] : memref<40x16xf32, #tpu.memory_space<vmem>> -> memref<40x16xf32, #tpu.memory_space<vmem>>
      tpu.enqueue_dma source(%dma_start3A_86 : memref<40x16xf32, #tpu.memory_space<vmem>>) target(%dma_start3A_83 : memref<40x16xf32, #tpu.memory_space<vmem_shared>>) target_semaphore(%run_scoped3A : memref<!tpu.dma_semaphore, #tpu.memory_space<semaphore_mem>>)
      %dma_wait3A = arith.constant 0 : i32
      %dma_wait3A_87 = arith.constant 0 : i32
      %dma_wait3A_88 = tpu.memref_slice %arg17[%dma_wait3A, %dma_wait3A_87] : memref<40x16xf32, #tpu.memory_space<vmem>> -> memref<40x16xf32, #tpu.memory_space<vmem>>
      %dma_wait3A_89 = arith.constant 0 : i32
      %dma_wait3A_90 = tpu.memref_slice %arg19[%add3A_43, %dma_wait3A_89] : memref<10112x16xf32, #tpu.memory_space<vmem_shared>> -> memref<40x16xf32, #tpu.memory_space<vmem_shared>>
      %dma_wait3A_91 = arith.constant 0 : i32
      %dma_wait3A_92 = tpu.memref_slice %arg19[%add3A_43, %dma_wait3A_91] : memref<10112x16xf32, #tpu.memory_space<vmem_shared>> -> memref<40x16xf32, #tpu.memory_space<vmem_shared>>
      %dma_wait3A_93 = arith.constant 0 : i32
      %dma_wait3A_94 = arith.constant 0 : i32
      %dma_wait3A_95 = tpu.memref_slice %arg17[%dma_wait3A_93, %dma_wait3A_94] : memref<40x16xf32, #tpu.memory_space<vmem>> -> memref<40x16xf32, #tpu.memory_space<vmem>>
      tpu.wait_dma2 semaphore(%run_scoped3A : memref<!tpu.dma_semaphore, #tpu.memory_space<semaphore_mem>>) src(%dma_wait3A_95 : memref<40x16xf32, #tpu.memory_space<vmem>>) dst(%dma_wait3A_92 : memref<40x16xf32, #tpu.memory_space<vmem_shared>>)
      tpu.yield
    }) : () -> ()
    %add3A_44 = arith.constant 360 : i32
    %add3A_45 = arith.addi %mul3A_7, %add3A_44 : i32
    "tpu.region"() ({
      %run_scoped3A = tpu.sem_alloc : memref<!tpu.dma_semaphore, #tpu.memory_space<semaphore_mem>>
      %dma_start3A = arith.constant 0 : i32
      %dma_start3A_78 = arith.constant 0 : i32
      %dma_start3A_79 = tpu.memref_slice %arg11[%dma_start3A, %dma_start3A_78] : memref<40x128xf32, #tpu.memory_space<vmem>> -> memref<40x128xf32, #tpu.memory_space<vmem>>
      %dma_start3A_80 = arith.constant 0 : i32
      %dma_start3A_81 = tpu.memref_slice %arg18[%add3A_45, %dma_start3A_80] : memref<10112x128xf32, #tpu.memory_space<vmem_shared>> -> memref<40x128xf32, #tpu.memory_space<vmem_shared>>
      %dma_start3A_82 = arith.constant 0 : i32
      %dma_start3A_83 = tpu.memref_slice %arg18[%add3A_45, %dma_start3A_82] : memref<10112x128xf32, #tpu.memory_space<vmem_shared>> -> memref<40x128xf32, #tpu.memory_space<vmem_shared>>
      %dma_start3A_84 = arith.constant 0 : i32
      %dma_start3A_85 = arith.constant 0 : i32
      %dma_start3A_86 = tpu.memref_slice %arg11[%dma_start3A_84, %dma_start3A_85] : memref<40x128xf32, #tpu.memory_space<vmem>> -> memref<40x128xf32, #tpu.memory_space<vmem>>
      tpu.enqueue_dma source(%dma_start3A_86 : memref<40x128xf32, #tpu.memory_space<vmem>>) target(%dma_start3A_83 : memref<40x128xf32, #tpu.memory_space<vmem_shared>>) target_semaphore(%run_scoped3A : memref<!tpu.dma_semaphore, #tpu.memory_space<semaphore_mem>>)
      %dma_wait3A = arith.constant 0 : i32
      %dma_wait3A_87 = arith.constant 0 : i32
      %dma_wait3A_88 = tpu.memref_slice %arg11[%dma_wait3A, %dma_wait3A_87] : memref<40x128xf32, #tpu.memory_space<vmem>> -> memref<40x128xf32, #tpu.memory_space<vmem>>
      %dma_wait3A_89 = arith.constant 0 : i32
      %dma_wait3A_90 = tpu.memref_slice %arg18[%add3A_45, %dma_wait3A_89] : memref<10112x128xf32, #tpu.memory_space<vmem_shared>> -> memref<40x128xf32, #tpu.memory_space<vmem_shared>>
      %dma_wait3A_91 = arith.constant 0 : i32
      %dma_wait3A_92 = tpu.memref_slice %arg18[%add3A_45, %dma_wait3A_91] : memref<10112x128xf32, #tpu.memory_space<vmem_shared>> -> memref<40x128xf32, #tpu.memory_space<vmem_shared>>
      %dma_wait3A_93 = arith.constant 0 : i32
      %dma_wait3A_94 = arith.constant 0 : i32
      %dma_wait3A_95 = tpu.memref_slice %arg11[%dma_wait3A_93, %dma_wait3A_94] : memref<40x128xf32, #tpu.memory_space<vmem>> -> memref<40x128xf32, #tpu.memory_space<vmem>>
      tpu.wait_dma2 semaphore(%run_scoped3A : memref<!tpu.dma_semaphore, #tpu.memory_space<semaphore_mem>>) src(%dma_wait3A_95 : memref<40x128xf32, #tpu.memory_space<vmem>>) dst(%dma_wait3A_92 : memref<40x128xf32, #tpu.memory_space<vmem_shared>>)
      tpu.yield
    }) : () -> ()
    %add3A_46 = arith.constant 360 : i32
    %add3A_47 = arith.addi %mul3A_7, %add3A_46 : i32
    "tpu.region"() ({
      %run_scoped3A = tpu.sem_alloc : memref<!tpu.dma_semaphore, #tpu.memory_space<semaphore_mem>>
      %dma_start3A = arith.constant 0 : i32
      %dma_start3A_78 = arith.constant 0 : i32
      %dma_start3A_79 = tpu.memref_slice %arg17[%dma_start3A, %dma_start3A_78] : memref<40x16xf32, #tpu.memory_space<vmem>> -> memref<40x16xf32, #tpu.memory_space<vmem>>
      %dma_start3A_80 = arith.constant 0 : i32
      %dma_start3A_81 = tpu.memref_slice %arg19[%add3A_47, %dma_start3A_80] : memref<10112x16xf32, #tpu.memory_space<vmem_shared>> -> memref<40x16xf32, #tpu.memory_space<vmem_shared>>
      %dma_start3A_82 = arith.constant 0 : i32
      %dma_start3A_83 = tpu.memref_slice %arg19[%add3A_47, %dma_start3A_82] : memref<10112x16xf32, #tpu.memory_space<vmem_shared>> -> memref<40x16xf32, #tpu.memory_space<vmem_shared>>
      %dma_start3A_84 = arith.constant 0 : i32
      %dma_start3A_85 = arith.constant 0 : i32
      %dma_start3A_86 = tpu.memref_slice %arg17[%dma_start3A_84, %dma_start3A_85] : memref<40x16xf32, #tpu.memory_space<vmem>> -> memref<40x16xf32, #tpu.memory_space<vmem>>
      tpu.enqueue_dma source(%dma_start3A_86 : memref<40x16xf32, #tpu.memory_space<vmem>>) target(%dma_start3A_83 : memref<40x16xf32, #tpu.memory_space<vmem_shared>>) target_semaphore(%run_scoped3A : memref<!tpu.dma_semaphore, #tpu.memory_space<semaphore_mem>>)
      %dma_wait3A = arith.constant 0 : i32
      %dma_wait3A_87 = arith.constant 0 : i32
      %dma_wait3A_88 = tpu.memref_slice %arg17[%dma_wait3A, %dma_wait3A_87] : memref<40x16xf32, #tpu.memory_space<vmem>> -> memref<40x16xf32, #tpu.memory_space<vmem>>
      %dma_wait3A_89 = arith.constant 0 : i32
      %dma_wait3A_90 = tpu.memref_slice %arg19[%add3A_47, %dma_wait3A_89] : memref<10112x16xf32, #tpu.memory_space<vmem_shared>> -> memref<40x16xf32, #tpu.memory_space<vmem_shared>>
      %dma_wait3A_91 = arith.constant 0 : i32
      %dma_wait3A_92 = tpu.memref_slice %arg19[%add3A_47, %dma_wait3A_91] : memref<10112x16xf32, #tpu.memory_space<vmem_shared>> -> memref<40x16xf32, #tpu.memory_space<vmem_shared>>
      %dma_wait3A_93 = arith.constant 0 : i32
      %dma_wait3A_94 = arith.constant 0 : i32
      %dma_wait3A_95 = tpu.memref_slice %arg17[%dma_wait3A_93, %dma_wait3A_94] : memref<40x16xf32, #tpu.memory_space<vmem>> -> memref<40x16xf32, #tpu.memory_space<vmem>>
      tpu.wait_dma2 semaphore(%run_scoped3A : memref<!tpu.dma_semaphore, #tpu.memory_space<semaphore_mem>>) src(%dma_wait3A_95 : memref<40x16xf32, #tpu.memory_space<vmem>>) dst(%dma_wait3A_92 : memref<40x16xf32, #tpu.memory_space<vmem_shared>>)
      tpu.yield
    }) : () -> ()
    %add3A_48 = arith.constant 400 : i32
    %add3A_49 = arith.addi %mul3A_7, %add3A_48 : i32
    "tpu.region"() ({
      %run_scoped3A = tpu.sem_alloc : memref<!tpu.dma_semaphore, #tpu.memory_space<semaphore_mem>>
      %dma_start3A = arith.constant 0 : i32
      %dma_start3A_78 = arith.constant 0 : i32
      %dma_start3A_79 = tpu.memref_slice %arg11[%dma_start3A, %dma_start3A_78] : memref<40x128xf32, #tpu.memory_space<vmem>> -> memref<40x128xf32, #tpu.memory_space<vmem>>
      %dma_start3A_80 = arith.constant 0 : i32
      %dma_start3A_81 = tpu.memref_slice %arg18[%add3A_49, %dma_start3A_80] : memref<10112x128xf32, #tpu.memory_space<vmem_shared>> -> memref<40x128xf32, #tpu.memory_space<vmem_shared>>
      %dma_start3A_82 = arith.constant 0 : i32
      %dma_start3A_83 = tpu.memref_slice %arg18[%add3A_49, %dma_start3A_82] : memref<10112x128xf32, #tpu.memory_space<vmem_shared>> -> memref<40x128xf32, #tpu.memory_space<vmem_shared>>
      %dma_start3A_84 = arith.constant 0 : i32
      %dma_start3A_85 = arith.constant 0 : i32
      %dma_start3A_86 = tpu.memref_slice %arg11[%dma_start3A_84, %dma_start3A_85] : memref<40x128xf32, #tpu.memory_space<vmem>> -> memref<40x128xf32, #tpu.memory_space<vmem>>
      tpu.enqueue_dma source(%dma_start3A_86 : memref<40x128xf32, #tpu.memory_space<vmem>>) target(%dma_start3A_83 : memref<40x128xf32, #tpu.memory_space<vmem_shared>>) target_semaphore(%run_scoped3A : memref<!tpu.dma_semaphore, #tpu.memory_space<semaphore_mem>>)
      %dma_wait3A = arith.constant 0 : i32
      %dma_wait3A_87 = arith.constant 0 : i32
      %dma_wait3A_88 = tpu.memref_slice %arg11[%dma_wait3A, %dma_wait3A_87] : memref<40x128xf32, #tpu.memory_space<vmem>> -> memref<40x128xf32, #tpu.memory_space<vmem>>
      %dma_wait3A_89 = arith.constant 0 : i32
      %dma_wait3A_90 = tpu.memref_slice %arg18[%add3A_49, %dma_wait3A_89] : memref<10112x128xf32, #tpu.memory_space<vmem_shared>> -> memref<40x128xf32, #tpu.memory_space<vmem_shared>>
      %dma_wait3A_91 = arith.constant 0 : i32
      %dma_wait3A_92 = tpu.memref_slice %arg18[%add3A_49, %dma_wait3A_91] : memref<10112x128xf32, #tpu.memory_space<vmem_shared>> -> memref<40x128xf32, #tpu.memory_space<vmem_shared>>
      %dma_wait3A_93 = arith.constant 0 : i32
      %dma_wait3A_94 = arith.constant 0 : i32
      %dma_wait3A_95 = tpu.memref_slice %arg11[%dma_wait3A_93, %dma_wait3A_94] : memref<40x128xf32, #tpu.memory_space<vmem>> -> memref<40x128xf32, #tpu.memory_space<vmem>>
      tpu.wait_dma2 semaphore(%run_scoped3A : memref<!tpu.dma_semaphore, #tpu.memory_space<semaphore_mem>>) src(%dma_wait3A_95 : memref<40x128xf32, #tpu.memory_space<vmem>>) dst(%dma_wait3A_92 : memref<40x128xf32, #tpu.memory_space<vmem_shared>>)
      tpu.yield
    }) : () -> ()
    %add3A_50 = arith.constant 400 : i32
    %add3A_51 = arith.addi %mul3A_7, %add3A_50 : i32
    "tpu.region"() ({
      %run_scoped3A = tpu.sem_alloc : memref<!tpu.dma_semaphore, #tpu.memory_space<semaphore_mem>>
      %dma_start3A = arith.constant 0 : i32
      %dma_start3A_78 = arith.constant 0 : i32
      %dma_start3A_79 = tpu.memref_slice %arg17[%dma_start3A, %dma_start3A_78] : memref<40x16xf32, #tpu.memory_space<vmem>> -> memref<40x16xf32, #tpu.memory_space<vmem>>
      %dma_start3A_80 = arith.constant 0 : i32
      %dma_start3A_81 = tpu.memref_slice %arg19[%add3A_51, %dma_start3A_80] : memref<10112x16xf32, #tpu.memory_space<vmem_shared>> -> memref<40x16xf32, #tpu.memory_space<vmem_shared>>
      %dma_start3A_82 = arith.constant 0 : i32
      %dma_start3A_83 = tpu.memref_slice %arg19[%add3A_51, %dma_start3A_82] : memref<10112x16xf32, #tpu.memory_space<vmem_shared>> -> memref<40x16xf32, #tpu.memory_space<vmem_shared>>
      %dma_start3A_84 = arith.constant 0 : i32
      %dma_start3A_85 = arith.constant 0 : i32
      %dma_start3A_86 = tpu.memref_slice %arg17[%dma_start3A_84, %dma_start3A_85] : memref<40x16xf32, #tpu.memory_space<vmem>> -> memref<40x16xf32, #tpu.memory_space<vmem>>
      tpu.enqueue_dma source(%dma_start3A_86 : memref<40x16xf32, #tpu.memory_space<vmem>>) target(%dma_start3A_83 : memref<40x16xf32, #tpu.memory_space<vmem_shared>>) target_semaphore(%run_scoped3A : memref<!tpu.dma_semaphore, #tpu.memory_space<semaphore_mem>>)
      %dma_wait3A = arith.constant 0 : i32
      %dma_wait3A_87 = arith.constant 0 : i32
      %dma_wait3A_88 = tpu.memref_slice %arg17[%dma_wait3A, %dma_wait3A_87] : memref<40x16xf32, #tpu.memory_space<vmem>> -> memref<40x16xf32, #tpu.memory_space<vmem>>
      %dma_wait3A_89 = arith.constant 0 : i32
      %dma_wait3A_90 = tpu.memref_slice %arg19[%add3A_51, %dma_wait3A_89] : memref<10112x16xf32, #tpu.memory_space<vmem_shared>> -> memref<40x16xf32, #tpu.memory_space<vmem_shared>>
      %dma_wait3A_91 = arith.constant 0 : i32
      %dma_wait3A_92 = tpu.memref_slice %arg19[%add3A_51, %dma_wait3A_91] : memref<10112x16xf32, #tpu.memory_space<vmem_shared>> -> memref<40x16xf32, #tpu.memory_space<vmem_shared>>
      %dma_wait3A_93 = arith.constant 0 : i32
      %dma_wait3A_94 = arith.constant 0 : i32
      %dma_wait3A_95 = tpu.memref_slice %arg17[%dma_wait3A_93, %dma_wait3A_94] : memref<40x16xf32, #tpu.memory_space<vmem>> -> memref<40x16xf32, #tpu.memory_space<vmem>>
      tpu.wait_dma2 semaphore(%run_scoped3A : memref<!tpu.dma_semaphore, #tpu.memory_space<semaphore_mem>>) src(%dma_wait3A_95 : memref<40x16xf32, #tpu.memory_space<vmem>>) dst(%dma_wait3A_92 : memref<40x16xf32, #tpu.memory_space<vmem_shared>>)
      tpu.yield
    }) : () -> ()
    %add3A_52 = arith.constant 440 : i32
    %add3A_53 = arith.addi %mul3A_7, %add3A_52 : i32
    "tpu.region"() ({
      %run_scoped3A = tpu.sem_alloc : memref<!tpu.dma_semaphore, #tpu.memory_space<semaphore_mem>>
      %dma_start3A = arith.constant 0 : i32
      %dma_start3A_78 = arith.constant 0 : i32
      %dma_start3A_79 = tpu.memref_slice %arg11[%dma_start3A, %dma_start3A_78] : memref<40x128xf32, #tpu.memory_space<vmem>> -> memref<40x128xf32, #tpu.memory_space<vmem>>
      %dma_start3A_80 = arith.constant 0 : i32
      %dma_start3A_81 = tpu.memref_slice %arg18[%add3A_53, %dma_start3A_80] : memref<10112x128xf32, #tpu.memory_space<vmem_shared>> -> memref<40x128xf32, #tpu.memory_space<vmem_shared>>
      %dma_start3A_82 = arith.constant 0 : i32
      %dma_start3A_83 = tpu.memref_slice %arg18[%add3A_53, %dma_start3A_82] : memref<10112x128xf32, #tpu.memory_space<vmem_shared>> -> memref<40x128xf32, #tpu.memory_space<vmem_shared>>
      %dma_start3A_84 = arith.constant 0 : i32
      %dma_start3A_85 = arith.constant 0 : i32
      %dma_start3A_86 = tpu.memref_slice %arg11[%dma_start3A_84, %dma_start3A_85] : memref<40x128xf32, #tpu.memory_space<vmem>> -> memref<40x128xf32, #tpu.memory_space<vmem>>
      tpu.enqueue_dma source(%dma_start3A_86 : memref<40x128xf32, #tpu.memory_space<vmem>>) target(%dma_start3A_83 : memref<40x128xf32, #tpu.memory_space<vmem_shared>>) target_semaphore(%run_scoped3A : memref<!tpu.dma_semaphore, #tpu.memory_space<semaphore_mem>>)
      %dma_wait3A = arith.constant 0 : i32
      %dma_wait3A_87 = arith.constant 0 : i32
      %dma_wait3A_88 = tpu.memref_slice %arg11[%dma_wait3A, %dma_wait3A_87] : memref<40x128xf32, #tpu.memory_space<vmem>> -> memref<40x128xf32, #tpu.memory_space<vmem>>
      %dma_wait3A_89 = arith.constant 0 : i32
      %dma_wait3A_90 = tpu.memref_slice %arg18[%add3A_53, %dma_wait3A_89] : memref<10112x128xf32, #tpu.memory_space<vmem_shared>> -> memref<40x128xf32, #tpu.memory_space<vmem_shared>>
      %dma_wait3A_91 = arith.constant 0 : i32
      %dma_wait3A_92 = tpu.memref_slice %arg18[%add3A_53, %dma_wait3A_91] : memref<10112x128xf32, #tpu.memory_space<vmem_shared>> -> memref<40x128xf32, #tpu.memory_space<vmem_shared>>
      %dma_wait3A_93 = arith.constant 0 : i32
      %dma_wait3A_94 = arith.constant 0 : i32
      %dma_wait3A_95 = tpu.memref_slice %arg11[%dma_wait3A_93, %dma_wait3A_94] : memref<40x128xf32, #tpu.memory_space<vmem>> -> memref<40x128xf32, #tpu.memory_space<vmem>>
      tpu.wait_dma2 semaphore(%run_scoped3A : memref<!tpu.dma_semaphore, #tpu.memory_space<semaphore_mem>>) src(%dma_wait3A_95 : memref<40x128xf32, #tpu.memory_space<vmem>>) dst(%dma_wait3A_92 : memref<40x128xf32, #tpu.memory_space<vmem_shared>>)
      tpu.yield
    }) : () -> ()
    %add3A_54 = arith.constant 440 : i32
    %add3A_55 = arith.addi %mul3A_7, %add3A_54 : i32
    "tpu.region"() ({
      %run_scoped3A = tpu.sem_alloc : memref<!tpu.dma_semaphore, #tpu.memory_space<semaphore_mem>>
      %dma_start3A = arith.constant 0 : i32
      %dma_start3A_78 = arith.constant 0 : i32
      %dma_start3A_79 = tpu.memref_slice %arg17[%dma_start3A, %dma_start3A_78] : memref<40x16xf32, #tpu.memory_space<vmem>> -> memref<40x16xf32, #tpu.memory_space<vmem>>
      %dma_start3A_80 = arith.constant 0 : i32
      %dma_start3A_81 = tpu.memref_slice %arg19[%add3A_55, %dma_start3A_80] : memref<10112x16xf32, #tpu.memory_space<vmem_shared>> -> memref<40x16xf32, #tpu.memory_space<vmem_shared>>
      %dma_start3A_82 = arith.constant 0 : i32
      %dma_start3A_83 = tpu.memref_slice %arg19[%add3A_55, %dma_start3A_82] : memref<10112x16xf32, #tpu.memory_space<vmem_shared>> -> memref<40x16xf32, #tpu.memory_space<vmem_shared>>
      %dma_start3A_84 = arith.constant 0 : i32
      %dma_start3A_85 = arith.constant 0 : i32
      %dma_start3A_86 = tpu.memref_slice %arg17[%dma_start3A_84, %dma_start3A_85] : memref<40x16xf32, #tpu.memory_space<vmem>> -> memref<40x16xf32, #tpu.memory_space<vmem>>
      tpu.enqueue_dma source(%dma_start3A_86 : memref<40x16xf32, #tpu.memory_space<vmem>>) target(%dma_start3A_83 : memref<40x16xf32, #tpu.memory_space<vmem_shared>>) target_semaphore(%run_scoped3A : memref<!tpu.dma_semaphore, #tpu.memory_space<semaphore_mem>>)
      %dma_wait3A = arith.constant 0 : i32
      %dma_wait3A_87 = arith.constant 0 : i32
      %dma_wait3A_88 = tpu.memref_slice %arg17[%dma_wait3A, %dma_wait3A_87] : memref<40x16xf32, #tpu.memory_space<vmem>> -> memref<40x16xf32, #tpu.memory_space<vmem>>
      %dma_wait3A_89 = arith.constant 0 : i32
      %dma_wait3A_90 = tpu.memref_slice %arg19[%add3A_55, %dma_wait3A_89] : memref<10112x16xf32, #tpu.memory_space<vmem_shared>> -> memref<40x16xf32, #tpu.memory_space<vmem_shared>>
      %dma_wait3A_91 = arith.constant 0 : i32
      %dma_wait3A_92 = tpu.memref_slice %arg19[%add3A_55, %dma_wait3A_91] : memref<10112x16xf32, #tpu.memory_space<vmem_shared>> -> memref<40x16xf32, #tpu.memory_space<vmem_shared>>
      %dma_wait3A_93 = arith.constant 0 : i32
      %dma_wait3A_94 = arith.constant 0 : i32
      %dma_wait3A_95 = tpu.memref_slice %arg17[%dma_wait3A_93, %dma_wait3A_94] : memref<40x16xf32, #tpu.memory_space<vmem>> -> memref<40x16xf32, #tpu.memory_space<vmem>>
      tpu.wait_dma2 semaphore(%run_scoped3A : memref<!tpu.dma_semaphore, #tpu.memory_space<semaphore_mem>>) src(%dma_wait3A_95 : memref<40x16xf32, #tpu.memory_space<vmem>>) dst(%dma_wait3A_92 : memref<40x16xf32, #tpu.memory_space<vmem_shared>>)
      tpu.yield
    }) : () -> ()
    %add3A_56 = arith.constant 480 : i32
    %add3A_57 = arith.addi %mul3A_7, %add3A_56 : i32
    "tpu.region"() ({
      %run_scoped3A = tpu.sem_alloc : memref<!tpu.dma_semaphore, #tpu.memory_space<semaphore_mem>>
      %dma_start3A = arith.constant 0 : i32
      %dma_start3A_78 = arith.constant 0 : i32
      %dma_start3A_79 = tpu.memref_slice %arg11[%dma_start3A, %dma_start3A_78] : memref<40x128xf32, #tpu.memory_space<vmem>> -> memref<40x128xf32, #tpu.memory_space<vmem>>
      %dma_start3A_80 = arith.constant 0 : i32
      %dma_start3A_81 = tpu.memref_slice %arg18[%add3A_57, %dma_start3A_80] : memref<10112x128xf32, #tpu.memory_space<vmem_shared>> -> memref<40x128xf32, #tpu.memory_space<vmem_shared>>
      %dma_start3A_82 = arith.constant 0 : i32
      %dma_start3A_83 = tpu.memref_slice %arg18[%add3A_57, %dma_start3A_82] : memref<10112x128xf32, #tpu.memory_space<vmem_shared>> -> memref<40x128xf32, #tpu.memory_space<vmem_shared>>
      %dma_start3A_84 = arith.constant 0 : i32
      %dma_start3A_85 = arith.constant 0 : i32
      %dma_start3A_86 = tpu.memref_slice %arg11[%dma_start3A_84, %dma_start3A_85] : memref<40x128xf32, #tpu.memory_space<vmem>> -> memref<40x128xf32, #tpu.memory_space<vmem>>
      tpu.enqueue_dma source(%dma_start3A_86 : memref<40x128xf32, #tpu.memory_space<vmem>>) target(%dma_start3A_83 : memref<40x128xf32, #tpu.memory_space<vmem_shared>>) target_semaphore(%run_scoped3A : memref<!tpu.dma_semaphore, #tpu.memory_space<semaphore_mem>>)
      %dma_wait3A = arith.constant 0 : i32
      %dma_wait3A_87 = arith.constant 0 : i32
      %dma_wait3A_88 = tpu.memref_slice %arg11[%dma_wait3A, %dma_wait3A_87] : memref<40x128xf32, #tpu.memory_space<vmem>> -> memref<40x128xf32, #tpu.memory_space<vmem>>
      %dma_wait3A_89 = arith.constant 0 : i32
      %dma_wait3A_90 = tpu.memref_slice %arg18[%add3A_57, %dma_wait3A_89] : memref<10112x128xf32, #tpu.memory_space<vmem_shared>> -> memref<40x128xf32, #tpu.memory_space<vmem_shared>>
      %dma_wait3A_91 = arith.constant 0 : i32
      %dma_wait3A_92 = tpu.memref_slice %arg18[%add3A_57, %dma_wait3A_91] : memref<10112x128xf32, #tpu.memory_space<vmem_shared>> -> memref<40x128xf32, #tpu.memory_space<vmem_shared>>
      %dma_wait3A_93 = arith.constant 0 : i32
      %dma_wait3A_94 = arith.constant 0 : i32
      %dma_wait3A_95 = tpu.memref_slice %arg11[%dma_wait3A_93, %dma_wait3A_94] : memref<40x128xf32, #tpu.memory_space<vmem>> -> memref<40x128xf32, #tpu.memory_space<vmem>>
      tpu.wait_dma2 semaphore(%run_scoped3A : memref<!tpu.dma_semaphore, #tpu.memory_space<semaphore_mem>>) src(%dma_wait3A_95 : memref<40x128xf32, #tpu.memory_space<vmem>>) dst(%dma_wait3A_92 : memref<40x128xf32, #tpu.memory_space<vmem_shared>>)
      tpu.yield
    }) : () -> ()
    %add3A_58 = arith.constant 480 : i32
    %add3A_59 = arith.addi %mul3A_7, %add3A_58 : i32
    "tpu.region"() ({
      %run_scoped3A = tpu.sem_alloc : memref<!tpu.dma_semaphore, #tpu.memory_space<semaphore_mem>>
      %dma_start3A = arith.constant 0 : i32
      %dma_start3A_78 = arith.constant 0 : i32
      %dma_start3A_79 = tpu.memref_slice %arg17[%dma_start3A, %dma_start3A_78] : memref<40x16xf32, #tpu.memory_space<vmem>> -> memref<40x16xf32, #tpu.memory_space<vmem>>
      %dma_start3A_80 = arith.constant 0 : i32
      %dma_start3A_81 = tpu.memref_slice %arg19[%add3A_59, %dma_start3A_80] : memref<10112x16xf32, #tpu.memory_space<vmem_shared>> -> memref<40x16xf32, #tpu.memory_space<vmem_shared>>
      %dma_start3A_82 = arith.constant 0 : i32
      %dma_start3A_83 = tpu.memref_slice %arg19[%add3A_59, %dma_start3A_82] : memref<10112x16xf32, #tpu.memory_space<vmem_shared>> -> memref<40x16xf32, #tpu.memory_space<vmem_shared>>
      %dma_start3A_84 = arith.constant 0 : i32
      %dma_start3A_85 = arith.constant 0 : i32
      %dma_start3A_86 = tpu.memref_slice %arg17[%dma_start3A_84, %dma_start3A_85] : memref<40x16xf32, #tpu.memory_space<vmem>> -> memref<40x16xf32, #tpu.memory_space<vmem>>
      tpu.enqueue_dma source(%dma_start3A_86 : memref<40x16xf32, #tpu.memory_space<vmem>>) target(%dma_start3A_83 : memref<40x16xf32, #tpu.memory_space<vmem_shared>>) target_semaphore(%run_scoped3A : memref<!tpu.dma_semaphore, #tpu.memory_space<semaphore_mem>>)
      %dma_wait3A = arith.constant 0 : i32
      %dma_wait3A_87 = arith.constant 0 : i32
      %dma_wait3A_88 = tpu.memref_slice %arg17[%dma_wait3A, %dma_wait3A_87] : memref<40x16xf32, #tpu.memory_space<vmem>> -> memref<40x16xf32, #tpu.memory_space<vmem>>
      %dma_wait3A_89 = arith.constant 0 : i32
      %dma_wait3A_90 = tpu.memref_slice %arg19[%add3A_59, %dma_wait3A_89] : memref<10112x16xf32, #tpu.memory_space<vmem_shared>> -> memref<40x16xf32, #tpu.memory_space<vmem_shared>>
      %dma_wait3A_91 = arith.constant 0 : i32
      %dma_wait3A_92 = tpu.memref_slice %arg19[%add3A_59, %dma_wait3A_91] : memref<10112x16xf32, #tpu.memory_space<vmem_shared>> -> memref<40x16xf32, #tpu.memory_space<vmem_shared>>
      %dma_wait3A_93 = arith.constant 0 : i32
      %dma_wait3A_94 = arith.constant 0 : i32
      %dma_wait3A_95 = tpu.memref_slice %arg17[%dma_wait3A_93, %dma_wait3A_94] : memref<40x16xf32, #tpu.memory_space<vmem>> -> memref<40x16xf32, #tpu.memory_space<vmem>>
      tpu.wait_dma2 semaphore(%run_scoped3A : memref<!tpu.dma_semaphore, #tpu.memory_space<semaphore_mem>>) src(%dma_wait3A_95 : memref<40x16xf32, #tpu.memory_space<vmem>>) dst(%dma_wait3A_92 : memref<40x16xf32, #tpu.memory_space<vmem_shared>>)
      tpu.yield
    }) : () -> ()
    %add3A_60 = arith.constant 520 : i32
    %add3A_61 = arith.addi %mul3A_7, %add3A_60 : i32
    "tpu.region"() ({
      %run_scoped3A = tpu.sem_alloc : memref<!tpu.dma_semaphore, #tpu.memory_space<semaphore_mem>>
      %dma_start3A = arith.constant 0 : i32
      %dma_start3A_78 = arith.constant 0 : i32
      %dma_start3A_79 = tpu.memref_slice %arg11[%dma_start3A, %dma_start3A_78] : memref<40x128xf32, #tpu.memory_space<vmem>> -> memref<40x128xf32, #tpu.memory_space<vmem>>
      %dma_start3A_80 = arith.constant 0 : i32
      %dma_start3A_81 = tpu.memref_slice %arg18[%add3A_61, %dma_start3A_80] : memref<10112x128xf32, #tpu.memory_space<vmem_shared>> -> memref<40x128xf32, #tpu.memory_space<vmem_shared>>
      %dma_start3A_82 = arith.constant 0 : i32
      %dma_start3A_83 = tpu.memref_slice %arg18[%add3A_61, %dma_start3A_82] : memref<10112x128xf32, #tpu.memory_space<vmem_shared>> -> memref<40x128xf32, #tpu.memory_space<vmem_shared>>
      %dma_start3A_84 = arith.constant 0 : i32
      %dma_start3A_85 = arith.constant 0 : i32
      %dma_start3A_86 = tpu.memref_slice %arg11[%dma_start3A_84, %dma_start3A_85] : memref<40x128xf32, #tpu.memory_space<vmem>> -> memref<40x128xf32, #tpu.memory_space<vmem>>
      tpu.enqueue_dma source(%dma_start3A_86 : memref<40x128xf32, #tpu.memory_space<vmem>>) target(%dma_start3A_83 : memref<40x128xf32, #tpu.memory_space<vmem_shared>>) target_semaphore(%run_scoped3A : memref<!tpu.dma_semaphore, #tpu.memory_space<semaphore_mem>>)
      %dma_wait3A = arith.constant 0 : i32
      %dma_wait3A_87 = arith.constant 0 : i32
      %dma_wait3A_88 = tpu.memref_slice %arg11[%dma_wait3A, %dma_wait3A_87] : memref<40x128xf32, #tpu.memory_space<vmem>> -> memref<40x128xf32, #tpu.memory_space<vmem>>
      %dma_wait3A_89 = arith.constant 0 : i32
      %dma_wait3A_90 = tpu.memref_slice %arg18[%add3A_61, %dma_wait3A_89] : memref<10112x128xf32, #tpu.memory_space<vmem_shared>> -> memref<40x128xf32, #tpu.memory_space<vmem_shared>>
      %dma_wait3A_91 = arith.constant 0 : i32
      %dma_wait3A_92 = tpu.memref_slice %arg18[%add3A_61, %dma_wait3A_91] : memref<10112x128xf32, #tpu.memory_space<vmem_shared>> -> memref<40x128xf32, #tpu.memory_space<vmem_shared>>
      %dma_wait3A_93 = arith.constant 0 : i32
      %dma_wait3A_94 = arith.constant 0 : i32
      %dma_wait3A_95 = tpu.memref_slice %arg11[%dma_wait3A_93, %dma_wait3A_94] : memref<40x128xf32, #tpu.memory_space<vmem>> -> memref<40x128xf32, #tpu.memory_space<vmem>>
      tpu.wait_dma2 semaphore(%run_scoped3A : memref<!tpu.dma_semaphore, #tpu.memory_space<semaphore_mem>>) src(%dma_wait3A_95 : memref<40x128xf32, #tpu.memory_space<vmem>>) dst(%dma_wait3A_92 : memref<40x128xf32, #tpu.memory_space<vmem_shared>>)
      tpu.yield
    }) : () -> ()
    %add3A_62 = arith.constant 520 : i32
    %add3A_63 = arith.addi %mul3A_7, %add3A_62 : i32
    "tpu.region"() ({
      %run_scoped3A = tpu.sem_alloc : memref<!tpu.dma_semaphore, #tpu.memory_space<semaphore_mem>>
      %dma_start3A = arith.constant 0 : i32
      %dma_start3A_78 = arith.constant 0 : i32
      %dma_start3A_79 = tpu.memref_slice %arg17[%dma_start3A, %dma_start3A_78] : memref<40x16xf32, #tpu.memory_space<vmem>> -> memref<40x16xf32, #tpu.memory_space<vmem>>
      %dma_start3A_80 = arith.constant 0 : i32
      %dma_start3A_81 = tpu.memref_slice %arg19[%add3A_63, %dma_start3A_80] : memref<10112x16xf32, #tpu.memory_space<vmem_shared>> -> memref<40x16xf32, #tpu.memory_space<vmem_shared>>
      %dma_start3A_82 = arith.constant 0 : i32
      %dma_start3A_83 = tpu.memref_slice %arg19[%add3A_63, %dma_start3A_82] : memref<10112x16xf32, #tpu.memory_space<vmem_shared>> -> memref<40x16xf32, #tpu.memory_space<vmem_shared>>
      %dma_start3A_84 = arith.constant 0 : i32
      %dma_start3A_85 = arith.constant 0 : i32
      %dma_start3A_86 = tpu.memref_slice %arg17[%dma_start3A_84, %dma_start3A_85] : memref<40x16xf32, #tpu.memory_space<vmem>> -> memref<40x16xf32, #tpu.memory_space<vmem>>
      tpu.enqueue_dma source(%dma_start3A_86 : memref<40x16xf32, #tpu.memory_space<vmem>>) target(%dma_start3A_83 : memref<40x16xf32, #tpu.memory_space<vmem_shared>>) target_semaphore(%run_scoped3A : memref<!tpu.dma_semaphore, #tpu.memory_space<semaphore_mem>>)
      %dma_wait3A = arith.constant 0 : i32
      %dma_wait3A_87 = arith.constant 0 : i32
      %dma_wait3A_88 = tpu.memref_slice %arg17[%dma_wait3A, %dma_wait3A_87] : memref<40x16xf32, #tpu.memory_space<vmem>> -> memref<40x16xf32, #tpu.memory_space<vmem>>
      %dma_wait3A_89 = arith.constant 0 : i32
      %dma_wait3A_90 = tpu.memref_slice %arg19[%add3A_63, %dma_wait3A_89] : memref<10112x16xf32, #tpu.memory_space<vmem_shared>> -> memref<40x16xf32, #tpu.memory_space<vmem_shared>>
      %dma_wait3A_91 = arith.constant 0 : i32
      %dma_wait3A_92 = tpu.memref_slice %arg19[%add3A_63, %dma_wait3A_91] : memref<10112x16xf32, #tpu.memory_space<vmem_shared>> -> memref<40x16xf32, #tpu.memory_space<vmem_shared>>
      %dma_wait3A_93 = arith.constant 0 : i32
      %dma_wait3A_94 = arith.constant 0 : i32
      %dma_wait3A_95 = tpu.memref_slice %arg17[%dma_wait3A_93, %dma_wait3A_94] : memref<40x16xf32, #tpu.memory_space<vmem>> -> memref<40x16xf32, #tpu.memory_space<vmem>>
      tpu.wait_dma2 semaphore(%run_scoped3A : memref<!tpu.dma_semaphore, #tpu.memory_space<semaphore_mem>>) src(%dma_wait3A_95 : memref<40x16xf32, #tpu.memory_space<vmem>>) dst(%dma_wait3A_92 : memref<40x16xf32, #tpu.memory_space<vmem_shared>>)
      tpu.yield
    }) : () -> ()
    %add3A_64 = arith.constant 560 : i32
    %add3A_65 = arith.addi %mul3A_7, %add3A_64 : i32
    "tpu.region"() ({
      %run_scoped3A = tpu.sem_alloc : memref<!tpu.dma_semaphore, #tpu.memory_space<semaphore_mem>>
      %dma_start3A = arith.constant 0 : i32
      %dma_start3A_78 = arith.constant 0 : i32
      %dma_start3A_79 = tpu.memref_slice %arg11[%dma_start3A, %dma_start3A_78] : memref<40x128xf32, #tpu.memory_space<vmem>> -> memref<40x128xf32, #tpu.memory_space<vmem>>
      %dma_start3A_80 = arith.constant 0 : i32
      %dma_start3A_81 = tpu.memref_slice %arg18[%add3A_65, %dma_start3A_80] : memref<10112x128xf32, #tpu.memory_space<vmem_shared>> -> memref<40x128xf32, #tpu.memory_space<vmem_shared>>
      %dma_start3A_82 = arith.constant 0 : i32
      %dma_start3A_83 = tpu.memref_slice %arg18[%add3A_65, %dma_start3A_82] : memref<10112x128xf32, #tpu.memory_space<vmem_shared>> -> memref<40x128xf32, #tpu.memory_space<vmem_shared>>
      %dma_start3A_84 = arith.constant 0 : i32
      %dma_start3A_85 = arith.constant 0 : i32
      %dma_start3A_86 = tpu.memref_slice %arg11[%dma_start3A_84, %dma_start3A_85] : memref<40x128xf32, #tpu.memory_space<vmem>> -> memref<40x128xf32, #tpu.memory_space<vmem>>
      tpu.enqueue_dma source(%dma_start3A_86 : memref<40x128xf32, #tpu.memory_space<vmem>>) target(%dma_start3A_83 : memref<40x128xf32, #tpu.memory_space<vmem_shared>>) target_semaphore(%run_scoped3A : memref<!tpu.dma_semaphore, #tpu.memory_space<semaphore_mem>>)
      %dma_wait3A = arith.constant 0 : i32
      %dma_wait3A_87 = arith.constant 0 : i32
      %dma_wait3A_88 = tpu.memref_slice %arg11[%dma_wait3A, %dma_wait3A_87] : memref<40x128xf32, #tpu.memory_space<vmem>> -> memref<40x128xf32, #tpu.memory_space<vmem>>
      %dma_wait3A_89 = arith.constant 0 : i32
      %dma_wait3A_90 = tpu.memref_slice %arg18[%add3A_65, %dma_wait3A_89] : memref<10112x128xf32, #tpu.memory_space<vmem_shared>> -> memref<40x128xf32, #tpu.memory_space<vmem_shared>>
      %dma_wait3A_91 = arith.constant 0 : i32
      %dma_wait3A_92 = tpu.memref_slice %arg18[%add3A_65, %dma_wait3A_91] : memref<10112x128xf32, #tpu.memory_space<vmem_shared>> -> memref<40x128xf32, #tpu.memory_space<vmem_shared>>
      %dma_wait3A_93 = arith.constant 0 : i32
      %dma_wait3A_94 = arith.constant 0 : i32
      %dma_wait3A_95 = tpu.memref_slice %arg11[%dma_wait3A_93, %dma_wait3A_94] : memref<40x128xf32, #tpu.memory_space<vmem>> -> memref<40x128xf32, #tpu.memory_space<vmem>>
      tpu.wait_dma2 semaphore(%run_scoped3A : memref<!tpu.dma_semaphore, #tpu.memory_space<semaphore_mem>>) src(%dma_wait3A_95 : memref<40x128xf32, #tpu.memory_space<vmem>>) dst(%dma_wait3A_92 : memref<40x128xf32, #tpu.memory_space<vmem_shared>>)
      tpu.yield
    }) : () -> ()
    %add3A_66 = arith.constant 560 : i32
    %add3A_67 = arith.addi %mul3A_7, %add3A_66 : i32
    "tpu.region"() ({
      %run_scoped3A = tpu.sem_alloc : memref<!tpu.dma_semaphore, #tpu.memory_space<semaphore_mem>>
      %dma_start3A = arith.constant 0 : i32
      %dma_start3A_78 = arith.constant 0 : i32
      %dma_start3A_79 = tpu.memref_slice %arg17[%dma_start3A, %dma_start3A_78] : memref<40x16xf32, #tpu.memory_space<vmem>> -> memref<40x16xf32, #tpu.memory_space<vmem>>
      %dma_start3A_80 = arith.constant 0 : i32
      %dma_start3A_81 = tpu.memref_slice %arg19[%add3A_67, %dma_start3A_80] : memref<10112x16xf32, #tpu.memory_space<vmem_shared>> -> memref<40x16xf32, #tpu.memory_space<vmem_shared>>
      %dma_start3A_82 = arith.constant 0 : i32
      %dma_start3A_83 = tpu.memref_slice %arg19[%add3A_67, %dma_start3A_82] : memref<10112x16xf32, #tpu.memory_space<vmem_shared>> -> memref<40x16xf32, #tpu.memory_space<vmem_shared>>
      %dma_start3A_84 = arith.constant 0 : i32
      %dma_start3A_85 = arith.constant 0 : i32
      %dma_start3A_86 = tpu.memref_slice %arg17[%dma_start3A_84, %dma_start3A_85] : memref<40x16xf32, #tpu.memory_space<vmem>> -> memref<40x16xf32, #tpu.memory_space<vmem>>
      tpu.enqueue_dma source(%dma_start3A_86 : memref<40x16xf32, #tpu.memory_space<vmem>>) target(%dma_start3A_83 : memref<40x16xf32, #tpu.memory_space<vmem_shared>>) target_semaphore(%run_scoped3A : memref<!tpu.dma_semaphore, #tpu.memory_space<semaphore_mem>>)
      %dma_wait3A = arith.constant 0 : i32
      %dma_wait3A_87 = arith.constant 0 : i32
      %dma_wait3A_88 = tpu.memref_slice %arg17[%dma_wait3A, %dma_wait3A_87] : memref<40x16xf32, #tpu.memory_space<vmem>> -> memref<40x16xf32, #tpu.memory_space<vmem>>
      %dma_wait3A_89 = arith.constant 0 : i32
      %dma_wait3A_90 = tpu.memref_slice %arg19[%add3A_67, %dma_wait3A_89] : memref<10112x16xf32, #tpu.memory_space<vmem_shared>> -> memref<40x16xf32, #tpu.memory_space<vmem_shared>>
      %dma_wait3A_91 = arith.constant 0 : i32
      %dma_wait3A_92 = tpu.memref_slice %arg19[%add3A_67, %dma_wait3A_91] : memref<10112x16xf32, #tpu.memory_space<vmem_shared>> -> memref<40x16xf32, #tpu.memory_space<vmem_shared>>
      %dma_wait3A_93 = arith.constant 0 : i32
      %dma_wait3A_94 = arith.constant 0 : i32
      %dma_wait3A_95 = tpu.memref_slice %arg17[%dma_wait3A_93, %dma_wait3A_94] : memref<40x16xf32, #tpu.memory_space<vmem>> -> memref<40x16xf32, #tpu.memory_space<vmem>>
      tpu.wait_dma2 semaphore(%run_scoped3A : memref<!tpu.dma_semaphore, #tpu.memory_space<semaphore_mem>>) src(%dma_wait3A_95 : memref<40x16xf32, #tpu.memory_space<vmem>>) dst(%dma_wait3A_92 : memref<40x16xf32, #tpu.memory_space<vmem_shared>>)
      tpu.yield
    }) : () -> ()
    %add3A_68 = arith.constant 600 : i32
    %add3A_69 = arith.addi %mul3A_7, %add3A_68 : i32
    "tpu.region"() ({
      %run_scoped3A = tpu.sem_alloc : memref<!tpu.dma_semaphore, #tpu.memory_space<semaphore_mem>>
      %dma_start3A = arith.constant 0 : i32
      %dma_start3A_78 = arith.constant 0 : i32
      %dma_start3A_79 = tpu.memref_slice %arg11[%dma_start3A, %dma_start3A_78] : memref<40x128xf32, #tpu.memory_space<vmem>> -> memref<32x128xf32, #tpu.memory_space<vmem>>
      %dma_start3A_80 = arith.constant 0 : i32
      %dma_start3A_81 = tpu.memref_slice %arg18[%add3A_69, %dma_start3A_80] : memref<10112x128xf32, #tpu.memory_space<vmem_shared>> -> memref<32x128xf32, #tpu.memory_space<vmem_shared>>
      %dma_start3A_82 = arith.constant 0 : i32
      %dma_start3A_83 = tpu.memref_slice %arg18[%add3A_69, %dma_start3A_82] : memref<10112x128xf32, #tpu.memory_space<vmem_shared>> -> memref<32x128xf32, #tpu.memory_space<vmem_shared>>
      %dma_start3A_84 = arith.constant 0 : i32
      %dma_start3A_85 = arith.constant 0 : i32
      %dma_start3A_86 = tpu.memref_slice %arg11[%dma_start3A_84, %dma_start3A_85] : memref<40x128xf32, #tpu.memory_space<vmem>> -> memref<32x128xf32, #tpu.memory_space<vmem>>
      tpu.enqueue_dma source(%dma_start3A_86 : memref<32x128xf32, #tpu.memory_space<vmem>>) target(%dma_start3A_83 : memref<32x128xf32, #tpu.memory_space<vmem_shared>>) target_semaphore(%run_scoped3A : memref<!tpu.dma_semaphore, #tpu.memory_space<semaphore_mem>>)
      %dma_wait3A = arith.constant 0 : i32
      %dma_wait3A_87 = arith.constant 0 : i32
      %dma_wait3A_88 = tpu.memref_slice %arg11[%dma_wait3A, %dma_wait3A_87] : memref<40x128xf32, #tpu.memory_space<vmem>> -> memref<32x128xf32, #tpu.memory_space<vmem>>
      %dma_wait3A_89 = arith.constant 0 : i32
      %dma_wait3A_90 = tpu.memref_slice %arg18[%add3A_69, %dma_wait3A_89] : memref<10112x128xf32, #tpu.memory_space<vmem_shared>> -> memref<32x128xf32, #tpu.memory_space<vmem_shared>>
      %dma_wait3A_91 = arith.constant 0 : i32
      %dma_wait3A_92 = tpu.memref_slice %arg18[%add3A_69, %dma_wait3A_91] : memref<10112x128xf32, #tpu.memory_space<vmem_shared>> -> memref<32x128xf32, #tpu.memory_space<vmem_shared>>
      %dma_wait3A_93 = arith.constant 0 : i32
      %dma_wait3A_94 = arith.constant 0 : i32
      %dma_wait3A_95 = tpu.memref_slice %arg11[%dma_wait3A_93, %dma_wait3A_94] : memref<40x128xf32, #tpu.memory_space<vmem>> -> memref<32x128xf32, #tpu.memory_space<vmem>>
      tpu.wait_dma2 semaphore(%run_scoped3A : memref<!tpu.dma_semaphore, #tpu.memory_space<semaphore_mem>>) src(%dma_wait3A_95 : memref<32x128xf32, #tpu.memory_space<vmem>>) dst(%dma_wait3A_92 : memref<32x128xf32, #tpu.memory_space<vmem_shared>>)
      tpu.yield
    }) : () -> ()
    %add3A_70 = arith.constant 600 : i32
    %add3A_71 = arith.addi %mul3A_7, %add3A_70 : i32
    "tpu.region"() ({
      %run_scoped3A = tpu.sem_alloc : memref<!tpu.dma_semaphore, #tpu.memory_space<semaphore_mem>>
      %dma_start3A = arith.constant 0 : i32
      %dma_start3A_78 = arith.constant 0 : i32
      %dma_start3A_79 = tpu.memref_slice %arg17[%dma_start3A, %dma_start3A_78] : memref<40x16xf32, #tpu.memory_space<vmem>> -> memref<32x16xf32, #tpu.memory_space<vmem>>
      %dma_start3A_80 = arith.constant 0 : i32
      %dma_start3A_81 = tpu.memref_slice %arg19[%add3A_71, %dma_start3A_80] : memref<10112x16xf32, #tpu.memory_space<vmem_shared>> -> memref<32x16xf32, #tpu.memory_space<vmem_shared>>
      %dma_start3A_82 = arith.constant 0 : i32
      %dma_start3A_83 = tpu.memref_slice %arg19[%add3A_71, %dma_start3A_82] : memref<10112x16xf32, #tpu.memory_space<vmem_shared>> -> memref<32x16xf32, #tpu.memory_space<vmem_shared>>
      %dma_start3A_84 = arith.constant 0 : i32
      %dma_start3A_85 = arith.constant 0 : i32
      %dma_start3A_86 = tpu.memref_slice %arg17[%dma_start3A_84, %dma_start3A_85] : memref<40x16xf32, #tpu.memory_space<vmem>> -> memref<32x16xf32, #tpu.memory_space<vmem>>
      tpu.enqueue_dma source(%dma_start3A_86 : memref<32x16xf32, #tpu.memory_space<vmem>>) target(%dma_start3A_83 : memref<32x16xf32, #tpu.memory_space<vmem_shared>>) target_semaphore(%run_scoped3A : memref<!tpu.dma_semaphore, #tpu.memory_space<semaphore_mem>>)
      %dma_wait3A = arith.constant 0 : i32
      %dma_wait3A_87 = arith.constant 0 : i32
      %dma_wait3A_88 = tpu.memref_slice %arg17[%dma_wait3A, %dma_wait3A_87] : memref<40x16xf32, #tpu.memory_space<vmem>> -> memref<32x16xf32, #tpu.memory_space<vmem>>
      %dma_wait3A_89 = arith.constant 0 : i32
      %dma_wait3A_90 = tpu.memref_slice %arg19[%add3A_71, %dma_wait3A_89] : memref<10112x16xf32, #tpu.memory_space<vmem_shared>> -> memref<32x16xf32, #tpu.memory_space<vmem_shared>>
      %dma_wait3A_91 = arith.constant 0 : i32
      %dma_wait3A_92 = tpu.memref_slice %arg19[%add3A_71, %dma_wait3A_91] : memref<10112x16xf32, #tpu.memory_space<vmem_shared>> -> memref<32x16xf32, #tpu.memory_space<vmem_shared>>
      %dma_wait3A_93 = arith.constant 0 : i32
      %dma_wait3A_94 = arith.constant 0 : i32
      %dma_wait3A_95 = tpu.memref_slice %arg17[%dma_wait3A_93, %dma_wait3A_94] : memref<40x16xf32, #tpu.memory_space<vmem>> -> memref<32x16xf32, #tpu.memory_space<vmem>>
      tpu.wait_dma2 semaphore(%run_scoped3A : memref<!tpu.dma_semaphore, #tpu.memory_space<semaphore_mem>>) src(%dma_wait3A_95 : memref<32x16xf32, #tpu.memory_space<vmem>>) dst(%dma_wait3A_92 : memref<32x16xf32, #tpu.memory_space<vmem_shared>>)
      tpu.yield
    }) : () -> ()
    %barrier3A = arith.constant 0 : index
    tpu.barrier barrier_id(%barrier3A)
    %scan3A_72 = arith.constant 0 : i32
    %scan3A_73 = arith.constant 5 : i32
    %scan3A_74 = arith.addi %scan3A_72, %scan3A_73 : i32
    %scan3A_75 = arith.constant 1 : i32
    scf.for %scan3A_78 = %scan3A_72 to %scan3A_74 step %scan3A_75  : i32 {
      %mul3A_79 = arith.constant 250 : i32
      %mul3A_80 = arith.muli %add3A, %mul3A_79 : i32
      %mul3A_81 = arith.constant 50 : i32
      %mul3A_82 = arith.muli %scan3A_78, %mul3A_81 : i32
      %add3A_83 = arith.addi %mul3A_80, %mul3A_82 : i32
      "tpu.region"() ({
        %run_scoped3A = tpu.sem_alloc : memref<!tpu.dma_semaphore, #tpu.memory_space<semaphore_mem>>
        %dma_start3A_109 = arith.constant 0 : i32
        %dma_start3A_110 = tpu.memref_slice %arg5[%add3A_83, %dma_start3A_109] : memref<8000x40xi32, #tpu.memory_space<hbm>> -> memref<50x40xi32, #tpu.memory_space<hbm>>
        %dma_start3A_111 = arith.constant 0 : i32
        %dma_start3A_112 = tpu.memref_slice %arg5[%add3A_83, %dma_start3A_111] : memref<8000x40xi32, #tpu.memory_space<hbm>> -> memref<50x40xi32, #tpu.memory_space<hbm>>
        tpu.enqueue_dma source(%dma_start3A_112 : memref<50x40xi32, #tpu.memory_space<hbm>>) target(%arg9 : memref<50x40xi32, #tpu.memory_space<vmem>>) target_semaphore(%run_scoped3A : memref<!tpu.dma_semaphore, #tpu.memory_space<semaphore_mem>>)
        %dma_wait3A = arith.constant 0 : i32
        %dma_wait3A_113 = tpu.memref_slice %arg5[%add3A_83, %dma_wait3A] : memref<8000x40xi32, #tpu.memory_space<hbm>> -> memref<50x40xi32, #tpu.memory_space<hbm>>
        %dma_wait3A_114 = arith.constant 0 : i32
        %dma_wait3A_115 = tpu.memref_slice %arg5[%add3A_83, %dma_wait3A_114] : memref<8000x40xi32, #tpu.memory_space<hbm>> -> memref<50x40xi32, #tpu.memory_space<hbm>>
        tpu.wait_dma2 semaphore(%run_scoped3A : memref<!tpu.dma_semaphore, #tpu.memory_space<semaphore_mem>>) src(%dma_wait3A_115 : memref<50x40xi32, #tpu.memory_space<hbm>>) dst(%arg9 : memref<50x40xi32, #tpu.memory_space<vmem>>)
        tpu.yield
      }) : () -> ()
      "tpu.region"() ({
        %run_scoped3A = tpu.sem_alloc : memref<!tpu.dma_semaphore, #tpu.memory_space<semaphore_mem>>
        %dma_start3A_109 = arith.constant 0 : i32
        %dma_start3A_110 = tpu.memref_slice %arg6[%add3A_83, %dma_start3A_109] : memref<8000x40xi32, #tpu.memory_space<hbm>> -> memref<50x40xi32, #tpu.memory_space<hbm>>
        %dma_start3A_111 = arith.constant 0 : i32
        %dma_start3A_112 = tpu.memref_slice %arg6[%add3A_83, %dma_start3A_111] : memref<8000x40xi32, #tpu.memory_space<hbm>> -> memref<50x40xi32, #tpu.memory_space<hbm>>
        tpu.enqueue_dma source(%dma_start3A_112 : memref<50x40xi32, #tpu.memory_space<hbm>>) target(%arg10 : memref<50x40xi32, #tpu.memory_space<vmem>>) target_semaphore(%run_scoped3A : memref<!tpu.dma_semaphore, #tpu.memory_space<semaphore_mem>>)
        %dma_wait3A = arith.constant 0 : i32
        %dma_wait3A_113 = tpu.memref_slice %arg6[%add3A_83, %dma_wait3A] : memref<8000x40xi32, #tpu.memory_space<hbm>> -> memref<50x40xi32, #tpu.memory_space<hbm>>
        %dma_wait3A_114 = arith.constant 0 : i32
        %dma_wait3A_115 = tpu.memref_slice %arg6[%add3A_83, %dma_wait3A_114] : memref<8000x40xi32, #tpu.memory_space<hbm>> -> memref<50x40xi32, #tpu.memory_space<hbm>>
        tpu.wait_dma2 semaphore(%run_scoped3A : memref<!tpu.dma_semaphore, #tpu.memory_space<semaphore_mem>>) src(%dma_wait3A_115 : memref<50x40xi32, #tpu.memory_space<hbm>>) dst(%arg10 : memref<50x40xi32, #tpu.memory_space<vmem>>)
        tpu.yield
      }) : () -> ()
      %dma_start3A = arith.constant 0 : i32
      %dma_start3A_84 = arith.constant 0 : i32
      %dma_start3A_85 = tpu.memref_slice %arg9[%dma_start3A, %dma_start3A_84] : memref<50x40xi32, #tpu.memory_space<vmem>> -> memref<1x40xi32, #tpu.memory_space<vmem>>
      %dma_start3A_86 = tpu.memref_squeeze %dma_start3A_85 : memref<1x40xi32, #tpu.memory_space<vmem>> -> memref<40xi32, #tpu.memory_space<vmem>>
      %dma_start3A_87 = arith.constant 0 : i32
      %dma_start3A_88 = arith.constant 0 : i32
      %dma_start3A_89 = tpu.memref_slice %arg3[%dma_start3A_87, %dma_start3A_88] : memref<10000x128xf32, #tpu.memory_space<hbm>> -> memref<10000x128xf32, #tpu.memory_space<hbm>>
      tpu.enqueue_indirect_dma source(%dma_start3A_89 : memref<10000x128xf32, #tpu.memory_space<hbm>>) target(%arg11 : memref<40x128xf32, #tpu.memory_space<vmem>>) offsets(%dma_start3A_86 : memref<40xi32, #tpu.memory_space<vmem>>) semaphore(%arg20 : memref<!tpu.dma_semaphore, #tpu.memory_space<semaphore_mem>>)
      %dma_start3A_90 = arith.constant 0 : i32
      %dma_start3A_91 = arith.constant 0 : i32
      %dma_start3A_92 = tpu.memref_slice %arg10[%dma_start3A_90, %dma_start3A_91] : memref<50x40xi32, #tpu.memory_space<vmem>> -> memref<1x40xi32, #tpu.memory_space<vmem>>
      %dma_start3A_93 = tpu.memref_squeeze %dma_start3A_92 : memref<1x40xi32, #tpu.memory_space<vmem>> -> memref<40xi32, #tpu.memory_space<vmem>>
      %dma_start3A_94 = arith.constant 0 : i32
      %dma_start3A_95 = arith.constant 0 : i32
      %dma_start3A_96 = tpu.memref_slice %arg2[%dma_start3A_94, %dma_start3A_95] : memref<10000x128xf32, #tpu.memory_space<hbm>> -> memref<10000x128xf32, #tpu.memory_space<hbm>>
      tpu.enqueue_indirect_dma source(%dma_start3A_96 : memref<10000x128xf32, #tpu.memory_space<hbm>>) target(%arg12 : memref<40x128xf32, #tpu.memory_space<vmem>>) offsets(%dma_start3A_93 : memref<40xi32, #tpu.memory_space<vmem>>) semaphore(%arg20 : memref<!tpu.dma_semaphore, #tpu.memory_space<semaphore_mem>>)
      %dma_start3A_97 = arith.constant 0 : i32
      %dma_start3A_98 = arith.constant 0 : i32
      %dma_start3A_99 = tpu.memref_slice %arg9[%dma_start3A_97, %dma_start3A_98] : memref<50x40xi32, #tpu.memory_space<vmem>> -> memref<1x40xi32, #tpu.memory_space<vmem>>
      %dma_start3A_100 = tpu.memref_squeeze %dma_start3A_99 : memref<1x40xi32, #tpu.memory_space<vmem>> -> memref<40xi32, #tpu.memory_space<vmem>>
      %dma_start3A_101 = arith.constant 0 : i32
      %dma_start3A_102 = arith.constant 0 : i32
      %dma_start3A_103 = tpu.memref_slice %arg4[%dma_start3A_101, %dma_start3A_102] : memref<10000x128xf32, #tpu.memory_space<hbm>> -> memref<10000x128xf32, #tpu.memory_space<hbm>>
      tpu.enqueue_indirect_dma source(%dma_start3A_103 : memref<10000x128xf32, #tpu.memory_space<hbm>>) target(%arg13 : memref<40x128xf32, #tpu.memory_space<vmem>>) offsets(%dma_start3A_100 : memref<40xi32, #tpu.memory_space<vmem>>) semaphore(%arg20 : memref<!tpu.dma_semaphore, #tpu.memory_space<semaphore_mem>>)
      %scan3A_104 = arith.constant 0 : i32
      %scan3A_105 = arith.constant 25 : i32
      %scan3A_106 = arith.addi %scan3A_104, %scan3A_105 : i32
      %scan3A_107 = arith.constant 1 : i32
      scf.for %scan3A_109 = %scan3A_104 to %scan3A_106 step %scan3A_107  : i32 {
        %mul3A_110 = arith.constant 2 : i32
        %mul3A_111 = arith.muli %mul3A_110, %scan3A_109 : i32
        %add3A_112 = arith.constant 0 : i32
        %add3A_113 = arith.addi %mul3A_111, %add3A_112 : i32
        %add3A_114 = arith.constant 1 : i32
        %add3A_115 = arith.addi %add3A_113, %add3A_114 : i32
        %lt3A = arith.constant 50 : i32
        %lt3A_116 = arith.cmpi slt, %add3A_115, %lt3A : i32
        %convert_element_type3A = arith.extui %lt3A_116 : i1 to i32
        %cond3A = arith.constant 0 : i32
        %cond3A_117 = arith.cmpi ne, %convert_element_type3A, %cond3A : i32
        scf.if %cond3A_117 {
          %dma_start3A_169 = arith.constant 0 : i32
          %dma_start3A_170 = tpu.memref_slice %arg9[%add3A_115, %dma_start3A_169] : memref<50x40xi32, #tpu.memory_space<vmem>> -> memref<1x40xi32, #tpu.memory_space<vmem>>
          %dma_start3A_171 = tpu.memref_squeeze %dma_start3A_170 : memref<1x40xi32, #tpu.memory_space<vmem>> -> memref<40xi32, #tpu.memory_space<vmem>>
          %dma_start3A_172 = arith.constant 0 : i32
          %dma_start3A_173 = arith.constant 0 : i32
          %dma_start3A_174 = tpu.memref_slice %arg3[%dma_start3A_172, %dma_start3A_173] : memref<10000x128xf32, #tpu.memory_space<hbm>> -> memref<10000x128xf32, #tpu.memory_space<hbm>>
          tpu.enqueue_indirect_dma source(%dma_start3A_174 : memref<10000x128xf32, #tpu.memory_space<hbm>>) target(%arg14 : memref<40x128xf32, #tpu.memory_space<vmem>>) offsets(%dma_start3A_171 : memref<40xi32, #tpu.memory_space<vmem>>) semaphore(%arg21 : memref<!tpu.dma_semaphore, #tpu.memory_space<semaphore_mem>>)
          %dma_start3A_175 = arith.constant 0 : i32
          %dma_start3A_176 = tpu.memref_slice %arg10[%add3A_115, %dma_start3A_175] : memref<50x40xi32, #tpu.memory_space<vmem>> -> memref<1x40xi32, #tpu.memory_space<vmem>>
          %dma_start3A_177 = tpu.memref_squeeze %dma_start3A_176 : memref<1x40xi32, #tpu.memory_space<vmem>> -> memref<40xi32, #tpu.memory_space<vmem>>
          %dma_start3A_178 = arith.constant 0 : i32
          %dma_start3A_179 = arith.constant 0 : i32
          %dma_start3A_180 = tpu.memref_slice %arg2[%dma_start3A_178, %dma_start3A_179] : memref<10000x128xf32, #tpu.memory_space<hbm>> -> memref<10000x128xf32, #tpu.memory_space<hbm>>
          tpu.enqueue_indirect_dma source(%dma_start3A_180 : memref<10000x128xf32, #tpu.memory_space<hbm>>) target(%arg15 : memref<40x128xf32, #tpu.memory_space<vmem>>) offsets(%dma_start3A_177 : memref<40xi32, #tpu.memory_space<vmem>>) semaphore(%arg21 : memref<!tpu.dma_semaphore, #tpu.memory_space<semaphore_mem>>)
          %dma_start3A_181 = arith.constant 0 : i32
          %dma_start3A_182 = tpu.memref_slice %arg9[%add3A_115, %dma_start3A_181] : memref<50x40xi32, #tpu.memory_space<vmem>> -> memref<1x40xi32, #tpu.memory_space<vmem>>
          %dma_start3A_183 = tpu.memref_squeeze %dma_start3A_182 : memref<1x40xi32, #tpu.memory_space<vmem>> -> memref<40xi32, #tpu.memory_space<vmem>>
          %dma_start3A_184 = arith.constant 0 : i32
          %dma_start3A_185 = arith.constant 0 : i32
          %dma_start3A_186 = tpu.memref_slice %arg4[%dma_start3A_184, %dma_start3A_185] : memref<10000x128xf32, #tpu.memory_space<hbm>> -> memref<10000x128xf32, #tpu.memory_space<hbm>>
          tpu.enqueue_indirect_dma source(%dma_start3A_186 : memref<10000x128xf32, #tpu.memory_space<hbm>>) target(%arg16 : memref<40x128xf32, #tpu.memory_space<vmem>>) offsets(%dma_start3A_183 : memref<40xi32, #tpu.memory_space<vmem>>) semaphore(%arg21 : memref<!tpu.dma_semaphore, #tpu.memory_space<semaphore_mem>>)
        } else {
        }
        %dma_wait3A = arith.constant 0 : i32
        %dma_wait3A_118 = tpu.memref_slice %arg9[%add3A_113, %dma_wait3A] : memref<50x40xi32, #tpu.memory_space<vmem>> -> memref<1x40xi32, #tpu.memory_space<vmem>>
        %dma_wait3A_119 = tpu.memref_squeeze %dma_wait3A_118 : memref<1x40xi32, #tpu.memory_space<vmem>> -> memref<40xi32, #tpu.memory_space<vmem>>
        %dma_wait3A_120 = arith.constant 0 : i32
        %dma_wait3A_121 = arith.constant 0 : i32
        %dma_wait3A_122 = tpu.memref_slice %arg3[%dma_wait3A_120, %dma_wait3A_121] : memref<10000x128xf32, #tpu.memory_space<hbm>> -> memref<10000x128xf32, #tpu.memory_space<hbm>>
        tpu.wait_indirect_dma semaphore(%arg20 : memref<!tpu.dma_semaphore, #tpu.memory_space<semaphore_mem>>) src(%dma_wait3A_122 : memref<10000x128xf32, #tpu.memory_space<hbm>>) dst(%arg11 : memref<40x128xf32, #tpu.memory_space<vmem>>)
        %dma_wait3A_123 = arith.constant 0 : i32
        %dma_wait3A_124 = tpu.memref_slice %arg10[%add3A_113, %dma_wait3A_123] : memref<50x40xi32, #tpu.memory_space<vmem>> -> memref<1x40xi32, #tpu.memory_space<vmem>>
        %dma_wait3A_125 = tpu.memref_squeeze %dma_wait3A_124 : memref<1x40xi32, #tpu.memory_space<vmem>> -> memref<40xi32, #tpu.memory_space<vmem>>
        %dma_wait3A_126 = arith.constant 0 : i32
        %dma_wait3A_127 = arith.constant 0 : i32
        %dma_wait3A_128 = tpu.memref_slice %arg2[%dma_wait3A_126, %dma_wait3A_127] : memref<10000x128xf32, #tpu.memory_space<hbm>> -> memref<10000x128xf32, #tpu.memory_space<hbm>>
        tpu.wait_indirect_dma semaphore(%arg20 : memref<!tpu.dma_semaphore, #tpu.memory_space<semaphore_mem>>) src(%dma_wait3A_128 : memref<10000x128xf32, #tpu.memory_space<hbm>>) dst(%arg12 : memref<40x128xf32, #tpu.memory_space<vmem>>)
        %dma_wait3A_129 = arith.constant 0 : i32
        %dma_wait3A_130 = tpu.memref_slice %arg9[%add3A_113, %dma_wait3A_129] : memref<50x40xi32, #tpu.memory_space<vmem>> -> memref<1x40xi32, #tpu.memory_space<vmem>>
        %dma_wait3A_131 = tpu.memref_squeeze %dma_wait3A_130 : memref<1x40xi32, #tpu.memory_space<vmem>> -> memref<40xi32, #tpu.memory_space<vmem>>
        %dma_wait3A_132 = arith.constant 0 : i32
        %dma_wait3A_133 = arith.constant 0 : i32
        %dma_wait3A_134 = tpu.memref_slice %arg4[%dma_wait3A_132, %dma_wait3A_133] : memref<10000x128xf32, #tpu.memory_space<hbm>> -> memref<10000x128xf32, #tpu.memory_space<hbm>>
        tpu.wait_indirect_dma semaphore(%arg20 : memref<!tpu.dma_semaphore, #tpu.memory_space<semaphore_mem>>) src(%dma_wait3A_134 : memref<10000x128xf32, #tpu.memory_space<hbm>>) dst(%arg13 : memref<40x128xf32, #tpu.memory_space<vmem>>)
        %parallel_loop3A = arith.constant 0 : i32
        %parallel_loop3A_135 = arith.constant 40 : i32
        %parallel_loop3A_136 = arith.constant 1 : i32
        scf.for %parallel_loop3A_169 = %parallel_loop3A to %parallel_loop3A_135 step %parallel_loop3A_136  : i32 {
          %parallel_loop3A_170 = arith.index_cast %parallel_loop3A_169 : i32 to index
          %parallel_loop3A_171 = arith.constant 0 : index
          %parallel_loop3A_172 = tpu.vector_load %arg11[%parallel_loop3A_170, %parallel_loop3A_171] {strides = array<i32>} : memref<40x128xf32, #tpu.memory_space<vmem>>, vector<16xf32>,
          %parallel_loop3A_173 = arith.index_cast %parallel_loop3A_169 : i32 to index
          %parallel_loop3A_174 = arith.constant 0 : index
          %parallel_loop3A_175 = tpu.vector_load %arg12[%parallel_loop3A_173, %parallel_loop3A_174] {strides = array<i32>} : memref<40x128xf32, #tpu.memory_space<vmem>>, vector<16xf32>,
          %parallel_loop3A_176 = arith.mulf %parallel_loop3A_172, %parallel_loop3A_175 : vector<16xf32>
          %parallel_loop3A_177 = arith.constant true
          %parallel_loop3A_178 = vector.broadcast %parallel_loop3A_177 : i1 to vector<16xi1>
          %parallel_loop3A_179 = tpu.scan <sum>, %parallel_loop3A_176 masked %parallel_loop3A_178 : vector<16xf32>, vector<16xi1> -> vector<16xf32>
          %parallel_loop3A_180 = arith.constant 15 : i32
          %parallel_loop3A_181 = vector.broadcast %parallel_loop3A_180 : i32 to vector<16x1xi32>
          %parallel_loop3A_182 = vector.shape_cast %parallel_loop3A_181 : vector<16x1xi32> to vector<16xi32>
          %parallel_loop3A_183 = tpu.dynamic_gather %parallel_loop3A_179[%parallel_loop3A_182] in [0] : vector<16xf32>, vector<16xi32> -> vector<16xf32>
          %parallel_loop3A_184 = arith.constant -5.000000e+00 : f32
          %parallel_loop3A_185 = arith.constant 5.000000e+00 : f32
          %parallel_loop3A_186 = vector.broadcast %parallel_loop3A_184 : f32 to vector<16xf32>
          %parallel_loop3A_187 = arith.maximumf %parallel_loop3A_186, %parallel_loop3A_183 : vector<16xf32>
          %parallel_loop3A_188 = vector.broadcast %parallel_loop3A_185 : f32 to vector<16xf32>
          %parallel_loop3A_189 = arith.minimumf %parallel_loop3A_188, %parallel_loop3A_187 : vector<16xf32>
          %parallel_loop3A_190 = math.exp %parallel_loop3A_189 : vector<16xf32>
          %parallel_loop3A_191 = arith.index_cast %parallel_loop3A_169 : i32 to index
          %parallel_loop3A_192 = arith.constant 0 : index
          %parallel_loop3A_193 = tpu.vector_load %arg13[%parallel_loop3A_191, %parallel_loop3A_192] {strides = array<i32>} : memref<40x128xf32, #tpu.memory_space<vmem>>, vector<16xf32>,
          %parallel_loop3A_194 = arith.mulf %parallel_loop3A_193, %parallel_loop3A_190 : vector<16xf32>
          %parallel_loop3A_195 = arith.index_cast %parallel_loop3A_169 : i32 to index
          %parallel_loop3A_196 = arith.constant 0 : index
          %parallel_loop3A_197 = tpu.vector_load %arg13[%parallel_loop3A_195, %parallel_loop3A_196] {strides = array<i32>} : memref<40x128xf32, #tpu.memory_space<vmem>>, vector<16xf32>,
          tpu.vector_store %arg13[%parallel_loop3A_195, %parallel_loop3A_196], %parallel_loop3A_194 {strides = array<i32>} : memref<40x128xf32, #tpu.memory_space<vmem>>, vector<16xf32>,
          %parallel_loop3A_198 = arith.constant 0 : i32
          %parallel_loop3A_199 = vector.broadcast %parallel_loop3A_198 : i32 to vector<16xi32>
          %parallel_loop3A_200 = arith.cmpi eq, %iota3A, %parallel_loop3A_199 : vector<16xi32>
          %parallel_loop3A_201 = arith.select %parallel_loop3A_200, %parallel_loop3A_190, %broadcast_in_dim3A_1 : vector<16xi1>, vector<16xf32>
          %parallel_loop3A_202 = arith.index_cast %parallel_loop3A_169 : i32 to index
          %parallel_loop3A_203 = arith.constant 16 : index
          %parallel_loop3A_204 = tpu.vector_load %arg11[%parallel_loop3A_202, %parallel_loop3A_203] {strides = array<i32>} : memref<40x128xf32, #tpu.memory_space<vmem>>, vector<16xf32>,
          %parallel_loop3A_205 = arith.index_cast %parallel_loop3A_169 : i32 to index
          %parallel_loop3A_206 = arith.constant 16 : index
          %parallel_loop3A_207 = tpu.vector_load %arg12[%parallel_loop3A_205, %parallel_loop3A_206] {strides = array<i32>} : memref<40x128xf32, #tpu.memory_space<vmem>>, vector<16xf32>,
          %parallel_loop3A_208 = arith.mulf %parallel_loop3A_204, %parallel_loop3A_207 : vector<16xf32>
          %parallel_loop3A_209 = arith.constant true
          %parallel_loop3A_210 = vector.broadcast %parallel_loop3A_209 : i1 to vector<16xi1>
          %parallel_loop3A_211 = tpu.scan <sum>, %parallel_loop3A_208 masked %parallel_loop3A_210 : vector<16xf32>, vector<16xi1> -> vector<16xf32>
          %parallel_loop3A_212 = arith.constant 15 : i32
          %parallel_loop3A_213 = vector.broadcast %parallel_loop3A_212 : i32 to vector<16x1xi32>
          %parallel_loop3A_214 = vector.shape_cast %parallel_loop3A_213 : vector<16x1xi32> to vector<16xi32>
          %parallel_loop3A_215 = tpu.dynamic_gather %parallel_loop3A_211[%parallel_loop3A_214] in [0] : vector<16xf32>, vector<16xi32> -> vector<16xf32>
          %parallel_loop3A_216 = arith.constant -5.000000e+00 : f32
          %parallel_loop3A_217 = arith.constant 5.000000e+00 : f32
          %parallel_loop3A_218 = vector.broadcast %parallel_loop3A_216 : f32 to vector<16xf32>
          %parallel_loop3A_219 = arith.maximumf %parallel_loop3A_218, %parallel_loop3A_215 : vector<16xf32>
          %parallel_loop3A_220 = vector.broadcast %parallel_loop3A_217 : f32 to vector<16xf32>
          %parallel_loop3A_221 = arith.minimumf %parallel_loop3A_220, %parallel_loop3A_219 : vector<16xf32>
          %parallel_loop3A_222 = math.exp %parallel_loop3A_221 : vector<16xf32>
          %parallel_loop3A_223 = arith.index_cast %parallel_loop3A_169 : i32 to index
          %parallel_loop3A_224 = arith.constant 16 : index
          %parallel_loop3A_225 = tpu.vector_load %arg13[%parallel_loop3A_223, %parallel_loop3A_224] {strides = array<i32>} : memref<40x128xf32, #tpu.memory_space<vmem>>, vector<16xf32>,
          %parallel_loop3A_226 = arith.mulf %parallel_loop3A_225, %parallel_loop3A_222 : vector<16xf32>
          %parallel_loop3A_227 = arith.index_cast %parallel_loop3A_169 : i32 to index
          %parallel_loop3A_228 = arith.constant 16 : index
          %parallel_loop3A_229 = tpu.vector_load %arg13[%parallel_loop3A_227, %parallel_loop3A_228] {strides = array<i32>} : memref<40x128xf32, #tpu.memory_space<vmem>>, vector<16xf32>,
          tpu.vector_store %arg13[%parallel_loop3A_227, %parallel_loop3A_228], %parallel_loop3A_226 {strides = array<i32>} : memref<40x128xf32, #tpu.memory_space<vmem>>, vector<16xf32>,
          %parallel_loop3A_230 = arith.constant 1 : i32
          %parallel_loop3A_231 = vector.broadcast %parallel_loop3A_230 : i32 to vector<16xi32>
          %parallel_loop3A_232 = arith.cmpi eq, %iota3A, %parallel_loop3A_231 : vector<16xi32>
          %parallel_loop3A_233 = arith.select %parallel_loop3A_232, %parallel_loop3A_222, %parallel_loop3A_201 : vector<16xi1>, vector<16xf32>
          %parallel_loop3A_234 = arith.index_cast %parallel_loop3A_169 : i32 to index
          %parallel_loop3A_235 = arith.constant 32 : index
          %parallel_loop3A_236 = tpu.vector_load %arg11[%parallel_loop3A_234, %parallel_loop3A_235] {strides = array<i32>} : memref<40x128xf32, #tpu.memory_space<vmem>>, vector<16xf32>,
          %parallel_loop3A_237 = arith.index_cast %parallel_loop3A_169 : i32 to index
          %parallel_loop3A_238 = arith.constant 32 : index
          %parallel_loop3A_239 = tpu.vector_load %arg12[%parallel_loop3A_237, %parallel_loop3A_238] {strides = array<i32>} : memref<40x128xf32, #tpu.memory_space<vmem>>, vector<16xf32>,
          %parallel_loop3A_240 = arith.mulf %parallel_loop3A_236, %parallel_loop3A_239 : vector<16xf32>
          %parallel_loop3A_241 = arith.constant true
          %parallel_loop3A_242 = vector.broadcast %parallel_loop3A_241 : i1 to vector<16xi1>
          %parallel_loop3A_243 = tpu.scan <sum>, %parallel_loop3A_240 masked %parallel_loop3A_242 : vector<16xf32>, vector<16xi1> -> vector<16xf32>
          %parallel_loop3A_244 = arith.constant 15 : i32
          %parallel_loop3A_245 = vector.broadcast %parallel_loop3A_244 : i32 to vector<16x1xi32>
          %parallel_loop3A_246 = vector.shape_cast %parallel_loop3A_245 : vector<16x1xi32> to vector<16xi32>
          %parallel_loop3A_247 = tpu.dynamic_gather %parallel_loop3A_243[%parallel_loop3A_246] in [0] : vector<16xf32>, vector<16xi32> -> vector<16xf32>
          %parallel_loop3A_248 = arith.constant -5.000000e+00 : f32
          %parallel_loop3A_249 = arith.constant 5.000000e+00 : f32
          %parallel_loop3A_250 = vector.broadcast %parallel_loop3A_248 : f32 to vector<16xf32>
          %parallel_loop3A_251 = arith.maximumf %parallel_loop3A_250, %parallel_loop3A_247 : vector<16xf32>
          %parallel_loop3A_252 = vector.broadcast %parallel_loop3A_249 : f32 to vector<16xf32>
          %parallel_loop3A_253 = arith.minimumf %parallel_loop3A_252, %parallel_loop3A_251 : vector<16xf32>
          %parallel_loop3A_254 = math.exp %parallel_loop3A_253 : vector<16xf32>
          %parallel_loop3A_255 = arith.index_cast %parallel_loop3A_169 : i32 to index
          %parallel_loop3A_256 = arith.constant 32 : index
          %parallel_loop3A_257 = tpu.vector_load %arg13[%parallel_loop3A_255, %parallel_loop3A_256] {strides = array<i32>} : memref<40x128xf32, #tpu.memory_space<vmem>>, vector<16xf32>,
          %parallel_loop3A_258 = arith.mulf %parallel_loop3A_257, %parallel_loop3A_254 : vector<16xf32>
          %parallel_loop3A_259 = arith.index_cast %parallel_loop3A_169 : i32 to index
          %parallel_loop3A_260 = arith.constant 32 : index
          %parallel_loop3A_261 = tpu.vector_load %arg13[%parallel_loop3A_259, %parallel_loop3A_260] {strides = array<i32>} : memref<40x128xf32, #tpu.memory_space<vmem>>, vector<16xf32>,
          tpu.vector_store %arg13[%parallel_loop3A_259, %parallel_loop3A_260], %parallel_loop3A_258 {strides = array<i32>} : memref<40x128xf32, #tpu.memory_space<vmem>>, vector<16xf32>,
          %parallel_loop3A_262 = arith.constant 2 : i32
          %parallel_loop3A_263 = vector.broadcast %parallel_loop3A_262 : i32 to vector<16xi32>
          %parallel_loop3A_264 = arith.cmpi eq, %iota3A, %parallel_loop3A_263 : vector<16xi32>
          %parallel_loop3A_265 = arith.select %parallel_loop3A_264, %parallel_loop3A_254, %parallel_loop3A_233 : vector<16xi1>, vector<16xf32>
          %parallel_loop3A_266 = arith.index_cast %parallel_loop3A_169 : i32 to index
          %parallel_loop3A_267 = arith.constant 48 : index
          %parallel_loop3A_268 = tpu.vector_load %arg11[%parallel_loop3A_266, %parallel_loop3A_267] {strides = array<i32>} : memref<40x128xf32, #tpu.memory_space<vmem>>, vector<16xf32>,
          %parallel_loop3A_269 = arith.index_cast %parallel_loop3A_169 : i32 to index
          %parallel_loop3A_270 = arith.constant 48 : index
          %parallel_loop3A_271 = tpu.vector_load %arg12[%parallel_loop3A_269, %parallel_loop3A_270] {strides = array<i32>} : memref<40x128xf32, #tpu.memory_space<vmem>>, vector<16xf32>,
          %parallel_loop3A_272 = arith.mulf %parallel_loop3A_268, %parallel_loop3A_271 : vector<16xf32>
          %parallel_loop3A_273 = arith.constant true
          %parallel_loop3A_274 = vector.broadcast %parallel_loop3A_273 : i1 to vector<16xi1>
          %parallel_loop3A_275 = tpu.scan <sum>, %parallel_loop3A_272 masked %parallel_loop3A_274 : vector<16xf32>, vector<16xi1> -> vector<16xf32>
          %parallel_loop3A_276 = arith.constant 15 : i32
          %parallel_loop3A_277 = vector.broadcast %parallel_loop3A_276 : i32 to vector<16x1xi32>
          %parallel_loop3A_278 = vector.shape_cast %parallel_loop3A_277 : vector<16x1xi32> to vector<16xi32>
          %parallel_loop3A_279 = tpu.dynamic_gather %parallel_loop3A_275[%parallel_loop3A_278] in [0] : vector<16xf32>, vector<16xi32> -> vector<16xf32>
          %parallel_loop3A_280 = arith.constant -5.000000e+00 : f32
          %parallel_loop3A_281 = arith.constant 5.000000e+00 : f32
          %parallel_loop3A_282 = vector.broadcast %parallel_loop3A_280 : f32 to vector<16xf32>
          %parallel_loop3A_283 = arith.maximumf %parallel_loop3A_282, %parallel_loop3A_279 : vector<16xf32>
          %parallel_loop3A_284 = vector.broadcast %parallel_loop3A_281 : f32 to vector<16xf32>
          %parallel_loop3A_285 = arith.minimumf %parallel_loop3A_284, %parallel_loop3A_283 : vector<16xf32>
          %parallel_loop3A_286 = math.exp %parallel_loop3A_285 : vector<16xf32>
          %parallel_loop3A_287 = arith.index_cast %parallel_loop3A_169 : i32 to index
          %parallel_loop3A_288 = arith.constant 48 : index
          %parallel_loop3A_289 = tpu.vector_load %arg13[%parallel_loop3A_287, %parallel_loop3A_288] {strides = array<i32>} : memref<40x128xf32, #tpu.memory_space<vmem>>, vector<16xf32>,
          %parallel_loop3A_290 = arith.mulf %parallel_loop3A_289, %parallel_loop3A_286 : vector<16xf32>
          %parallel_loop3A_291 = arith.index_cast %parallel_loop3A_169 : i32 to index
          %parallel_loop3A_292 = arith.constant 48 : index
          %parallel_loop3A_293 = tpu.vector_load %arg13[%parallel_loop3A_291, %parallel_loop3A_292] {strides = array<i32>} : memref<40x128xf32, #tpu.memory_space<vmem>>, vector<16xf32>,
          tpu.vector_store %arg13[%parallel_loop3A_291, %parallel_loop3A_292], %parallel_loop3A_290 {strides = array<i32>} : memref<40x128xf32, #tpu.memory_space<vmem>>, vector<16xf32>,
          %parallel_loop3A_294 = arith.constant 3 : i32
          %parallel_loop3A_295 = vector.broadcast %parallel_loop3A_294 : i32 to vector<16xi32>
          %parallel_loop3A_296 = arith.cmpi eq, %iota3A, %parallel_loop3A_295 : vector<16xi32>
          %parallel_loop3A_297 = arith.select %parallel_loop3A_296, %parallel_loop3A_286, %parallel_loop3A_265 : vector<16xi1>, vector<16xf32>
          %parallel_loop3A_298 = arith.index_cast %parallel_loop3A_169 : i32 to index
          %parallel_loop3A_299 = arith.constant 64 : index
          %parallel_loop3A_300 = tpu.vector_load %arg11[%parallel_loop3A_298, %parallel_loop3A_299] {strides = array<i32>} : memref<40x128xf32, #tpu.memory_space<vmem>>, vector<16xf32>,
          %parallel_loop3A_301 = arith.index_cast %parallel_loop3A_169 : i32 to index
          %parallel_loop3A_302 = arith.constant 64 : index
          %parallel_loop3A_303 = tpu.vector_load %arg12[%parallel_loop3A_301, %parallel_loop3A_302] {strides = array<i32>} : memref<40x128xf32, #tpu.memory_space<vmem>>, vector<16xf32>,
          %parallel_loop3A_304 = arith.mulf %parallel_loop3A_300, %parallel_loop3A_303 : vector<16xf32>
          %parallel_loop3A_305 = arith.constant true
          %parallel_loop3A_306 = vector.broadcast %parallel_loop3A_305 : i1 to vector<16xi1>
          %parallel_loop3A_307 = tpu.scan <sum>, %parallel_loop3A_304 masked %parallel_loop3A_306 : vector<16xf32>, vector<16xi1> -> vector<16xf32>
          %parallel_loop3A_308 = arith.constant 15 : i32
          %parallel_loop3A_309 = vector.broadcast %parallel_loop3A_308 : i32 to vector<16x1xi32>
          %parallel_loop3A_310 = vector.shape_cast %parallel_loop3A_309 : vector<16x1xi32> to vector<16xi32>
          %parallel_loop3A_311 = tpu.dynamic_gather %parallel_loop3A_307[%parallel_loop3A_310] in [0] : vector<16xf32>, vector<16xi32> -> vector<16xf32>
          %parallel_loop3A_312 = arith.constant -5.000000e+00 : f32
          %parallel_loop3A_313 = arith.constant 5.000000e+00 : f32
          %parallel_loop3A_314 = vector.broadcast %parallel_loop3A_312 : f32 to vector<16xf32>
          %parallel_loop3A_315 = arith.maximumf %parallel_loop3A_314, %parallel_loop3A_311 : vector<16xf32>
          %parallel_loop3A_316 = vector.broadcast %parallel_loop3A_313 : f32 to vector<16xf32>
          %parallel_loop3A_317 = arith.minimumf %parallel_loop3A_316, %parallel_loop3A_315 : vector<16xf32>
          %parallel_loop3A_318 = math.exp %parallel_loop3A_317 : vector<16xf32>
          %parallel_loop3A_319 = arith.index_cast %parallel_loop3A_169 : i32 to index
          %parallel_loop3A_320 = arith.constant 64 : index
          %parallel_loop3A_321 = tpu.vector_load %arg13[%parallel_loop3A_319, %parallel_loop3A_320] {strides = array<i32>} : memref<40x128xf32, #tpu.memory_space<vmem>>, vector<16xf32>,
          %parallel_loop3A_322 = arith.mulf %parallel_loop3A_321, %parallel_loop3A_318 : vector<16xf32>
          %parallel_loop3A_323 = arith.index_cast %parallel_loop3A_169 : i32 to index
          %parallel_loop3A_324 = arith.constant 64 : index
          %parallel_loop3A_325 = tpu.vector_load %arg13[%parallel_loop3A_323, %parallel_loop3A_324] {strides = array<i32>} : memref<40x128xf32, #tpu.memory_space<vmem>>, vector<16xf32>,
          tpu.vector_store %arg13[%parallel_loop3A_323, %parallel_loop3A_324], %parallel_loop3A_322 {strides = array<i32>} : memref<40x128xf32, #tpu.memory_space<vmem>>, vector<16xf32>,
          %parallel_loop3A_326 = arith.constant 4 : i32
          %parallel_loop3A_327 = vector.broadcast %parallel_loop3A_326 : i32 to vector<16xi32>
          %parallel_loop3A_328 = arith.cmpi eq, %iota3A, %parallel_loop3A_327 : vector<16xi32>
          %parallel_loop3A_329 = arith.select %parallel_loop3A_328, %parallel_loop3A_318, %parallel_loop3A_297 : vector<16xi1>, vector<16xf32>
          %parallel_loop3A_330 = arith.index_cast %parallel_loop3A_169 : i32 to index
          %parallel_loop3A_331 = arith.constant 80 : index
          %parallel_loop3A_332 = tpu.vector_load %arg11[%parallel_loop3A_330, %parallel_loop3A_331] {strides = array<i32>} : memref<40x128xf32, #tpu.memory_space<vmem>>, vector<16xf32>,
          %parallel_loop3A_333 = arith.index_cast %parallel_loop3A_169 : i32 to index
          %parallel_loop3A_334 = arith.constant 80 : index
          %parallel_loop3A_335 = tpu.vector_load %arg12[%parallel_loop3A_333, %parallel_loop3A_334] {strides = array<i32>} : memref<40x128xf32, #tpu.memory_space<vmem>>, vector<16xf32>,
          %parallel_loop3A_336 = arith.mulf %parallel_loop3A_332, %parallel_loop3A_335 : vector<16xf32>
          %parallel_loop3A_337 = arith.constant true
          %parallel_loop3A_338 = vector.broadcast %parallel_loop3A_337 : i1 to vector<16xi1>
          %parallel_loop3A_339 = tpu.scan <sum>, %parallel_loop3A_336 masked %parallel_loop3A_338 : vector<16xf32>, vector<16xi1> -> vector<16xf32>
          %parallel_loop3A_340 = arith.constant 15 : i32
          %parallel_loop3A_341 = vector.broadcast %parallel_loop3A_340 : i32 to vector<16x1xi32>
          %parallel_loop3A_342 = vector.shape_cast %parallel_loop3A_341 : vector<16x1xi32> to vector<16xi32>
          %parallel_loop3A_343 = tpu.dynamic_gather %parallel_loop3A_339[%parallel_loop3A_342] in [0] : vector<16xf32>, vector<16xi32> -> vector<16xf32>
          %parallel_loop3A_344 = arith.constant -5.000000e+00 : f32
          %parallel_loop3A_345 = arith.constant 5.000000e+00 : f32
          %parallel_loop3A_346 = vector.broadcast %parallel_loop3A_344 : f32 to vector<16xf32>
          %parallel_loop3A_347 = arith.maximumf %parallel_loop3A_346, %parallel_loop3A_343 : vector<16xf32>
          %parallel_loop3A_348 = vector.broadcast %parallel_loop3A_345 : f32 to vector<16xf32>
          %parallel_loop3A_349 = arith.minimumf %parallel_loop3A_348, %parallel_loop3A_347 : vector<16xf32>
          %parallel_loop3A_350 = math.exp %parallel_loop3A_349 : vector<16xf32>
          %parallel_loop3A_351 = arith.index_cast %parallel_loop3A_169 : i32 to index
          %parallel_loop3A_352 = arith.constant 80 : index
          %parallel_loop3A_353 = tpu.vector_load %arg13[%parallel_loop3A_351, %parallel_loop3A_352] {strides = array<i32>} : memref<40x128xf32, #tpu.memory_space<vmem>>, vector<16xf32>,
          %parallel_loop3A_354 = arith.mulf %parallel_loop3A_353, %parallel_loop3A_350 : vector<16xf32>
          %parallel_loop3A_355 = arith.index_cast %parallel_loop3A_169 : i32 to index
          %parallel_loop3A_356 = arith.constant 80 : index
          %parallel_loop3A_357 = tpu.vector_load %arg13[%parallel_loop3A_355, %parallel_loop3A_356] {strides = array<i32>} : memref<40x128xf32, #tpu.memory_space<vmem>>, vector<16xf32>,
          tpu.vector_store %arg13[%parallel_loop3A_355, %parallel_loop3A_356], %parallel_loop3A_354 {strides = array<i32>} : memref<40x128xf32, #tpu.memory_space<vmem>>, vector<16xf32>,
          %parallel_loop3A_358 = arith.constant 5 : i32
          %parallel_loop3A_359 = vector.broadcast %parallel_loop3A_358 : i32 to vector<16xi32>
          %parallel_loop3A_360 = arith.cmpi eq, %iota3A, %parallel_loop3A_359 : vector<16xi32>
          %parallel_loop3A_361 = arith.select %parallel_loop3A_360, %parallel_loop3A_350, %parallel_loop3A_329 : vector<16xi1>, vector<16xf32>
          %parallel_loop3A_362 = arith.index_cast %parallel_loop3A_169 : i32 to index
          %parallel_loop3A_363 = arith.constant 96 : index
          %parallel_loop3A_364 = tpu.vector_load %arg11[%parallel_loop3A_362, %parallel_loop3A_363] {strides = array<i32>} : memref<40x128xf32, #tpu.memory_space<vmem>>, vector<16xf32>,
          %parallel_loop3A_365 = arith.index_cast %parallel_loop3A_169 : i32 to index
          %parallel_loop3A_366 = arith.constant 96 : index
          %parallel_loop3A_367 = tpu.vector_load %arg12[%parallel_loop3A_365, %parallel_loop3A_366] {strides = array<i32>} : memref<40x128xf32, #tpu.memory_space<vmem>>, vector<16xf32>,
          %parallel_loop3A_368 = arith.mulf %parallel_loop3A_364, %parallel_loop3A_367 : vector<16xf32>
          %parallel_loop3A_369 = arith.constant true
          %parallel_loop3A_370 = vector.broadcast %parallel_loop3A_369 : i1 to vector<16xi1>
          %parallel_loop3A_371 = tpu.scan <sum>, %parallel_loop3A_368 masked %parallel_loop3A_370 : vector<16xf32>, vector<16xi1> -> vector<16xf32>
          %parallel_loop3A_372 = arith.constant 15 : i32
          %parallel_loop3A_373 = vector.broadcast %parallel_loop3A_372 : i32 to vector<16x1xi32>
          %parallel_loop3A_374 = vector.shape_cast %parallel_loop3A_373 : vector<16x1xi32> to vector<16xi32>
          %parallel_loop3A_375 = tpu.dynamic_gather %parallel_loop3A_371[%parallel_loop3A_374] in [0] : vector<16xf32>, vector<16xi32> -> vector<16xf32>
          %parallel_loop3A_376 = arith.constant -5.000000e+00 : f32
          %parallel_loop3A_377 = arith.constant 5.000000e+00 : f32
          %parallel_loop3A_378 = vector.broadcast %parallel_loop3A_376 : f32 to vector<16xf32>
          %parallel_loop3A_379 = arith.maximumf %parallel_loop3A_378, %parallel_loop3A_375 : vector<16xf32>
          %parallel_loop3A_380 = vector.broadcast %parallel_loop3A_377 : f32 to vector<16xf32>
          %parallel_loop3A_381 = arith.minimumf %parallel_loop3A_380, %parallel_loop3A_379 : vector<16xf32>
          %parallel_loop3A_382 = math.exp %parallel_loop3A_381 : vector<16xf32>
          %parallel_loop3A_383 = arith.index_cast %parallel_loop3A_169 : i32 to index
          %parallel_loop3A_384 = arith.constant 96 : index
          %parallel_loop3A_385 = tpu.vector_load %arg13[%parallel_loop3A_383, %parallel_loop3A_384] {strides = array<i32>} : memref<40x128xf32, #tpu.memory_space<vmem>>, vector<16xf32>,
          %parallel_loop3A_386 = arith.mulf %parallel_loop3A_385, %parallel_loop3A_382 : vector<16xf32>
          %parallel_loop3A_387 = arith.index_cast %parallel_loop3A_169 : i32 to index
          %parallel_loop3A_388 = arith.constant 96 : index
          %parallel_loop3A_389 = tpu.vector_load %arg13[%parallel_loop3A_387, %parallel_loop3A_388] {strides = array<i32>} : memref<40x128xf32, #tpu.memory_space<vmem>>, vector<16xf32>,
          tpu.vector_store %arg13[%parallel_loop3A_387, %parallel_loop3A_388], %parallel_loop3A_386 {strides = array<i32>} : memref<40x128xf32, #tpu.memory_space<vmem>>, vector<16xf32>,
          %parallel_loop3A_390 = arith.constant 6 : i32
          %parallel_loop3A_391 = vector.broadcast %parallel_loop3A_390 : i32 to vector<16xi32>
          %parallel_loop3A_392 = arith.cmpi eq, %iota3A, %parallel_loop3A_391 : vector<16xi32>
          %parallel_loop3A_393 = arith.select %parallel_loop3A_392, %parallel_loop3A_382, %parallel_loop3A_361 : vector<16xi1>, vector<16xf32>
          %parallel_loop3A_394 = arith.index_cast %parallel_loop3A_169 : i32 to index
          %parallel_loop3A_395 = arith.constant 112 : index
          %parallel_loop3A_396 = tpu.vector_load %arg11[%parallel_loop3A_394, %parallel_loop3A_395] {strides = array<i32>} : memref<40x128xf32, #tpu.memory_space<vmem>>, vector<16xf32>,
          %parallel_loop3A_397 = arith.index_cast %parallel_loop3A_169 : i32 to index
          %parallel_loop3A_398 = arith.constant 112 : index
          %parallel_loop3A_399 = tpu.vector_load %arg12[%parallel_loop3A_397, %parallel_loop3A_398] {strides = array<i32>} : memref<40x128xf32, #tpu.memory_space<vmem>>, vector<16xf32>,
          %parallel_loop3A_400 = arith.mulf %parallel_loop3A_396, %parallel_loop3A_399 : vector<16xf32>
          %parallel_loop3A_401 = arith.constant true
          %parallel_loop3A_402 = vector.broadcast %parallel_loop3A_401 : i1 to vector<16xi1>
          %parallel_loop3A_403 = tpu.scan <sum>, %parallel_loop3A_400 masked %parallel_loop3A_402 : vector<16xf32>, vector<16xi1> -> vector<16xf32>
          %parallel_loop3A_404 = arith.constant 15 : i32
          %parallel_loop3A_405 = vector.broadcast %parallel_loop3A_404 : i32 to vector<16x1xi32>
          %parallel_loop3A_406 = vector.shape_cast %parallel_loop3A_405 : vector<16x1xi32> to vector<16xi32>
          %parallel_loop3A_407 = tpu.dynamic_gather %parallel_loop3A_403[%parallel_loop3A_406] in [0] : vector<16xf32>, vector<16xi32> -> vector<16xf32>
          %parallel_loop3A_408 = arith.constant -5.000000e+00 : f32
          %parallel_loop3A_409 = arith.constant 5.000000e+00 : f32
          %parallel_loop3A_410 = vector.broadcast %parallel_loop3A_408 : f32 to vector<16xf32>
          %parallel_loop3A_411 = arith.maximumf %parallel_loop3A_410, %parallel_loop3A_407 : vector<16xf32>
          %parallel_loop3A_412 = vector.broadcast %parallel_loop3A_409 : f32 to vector<16xf32>
          %parallel_loop3A_413 = arith.minimumf %parallel_loop3A_412, %parallel_loop3A_411 : vector<16xf32>
          %parallel_loop3A_414 = math.exp %parallel_loop3A_413 : vector<16xf32>
          %parallel_loop3A_415 = arith.index_cast %parallel_loop3A_169 : i32 to index
          %parallel_loop3A_416 = arith.constant 112 : index
          %parallel_loop3A_417 = tpu.vector_load %arg13[%parallel_loop3A_415, %parallel_loop3A_416] {strides = array<i32>} : memref<40x128xf32, #tpu.memory_space<vmem>>, vector<16xf32>,
          %parallel_loop3A_418 = arith.mulf %parallel_loop3A_417, %parallel_loop3A_414 : vector<16xf32>
          %parallel_loop3A_419 = arith.index_cast %parallel_loop3A_169 : i32 to index
          %parallel_loop3A_420 = arith.constant 112 : index
          %parallel_loop3A_421 = tpu.vector_load %arg13[%parallel_loop3A_419, %parallel_loop3A_420] {strides = array<i32>} : memref<40x128xf32, #tpu.memory_space<vmem>>, vector<16xf32>,
          tpu.vector_store %arg13[%parallel_loop3A_419, %parallel_loop3A_420], %parallel_loop3A_418 {strides = array<i32>} : memref<40x128xf32, #tpu.memory_space<vmem>>, vector<16xf32>,
          %parallel_loop3A_422 = arith.constant 7 : i32
          %parallel_loop3A_423 = vector.broadcast %parallel_loop3A_422 : i32 to vector<16xi32>
          %parallel_loop3A_424 = arith.cmpi eq, %iota3A, %parallel_loop3A_423 : vector<16xi32>
          %parallel_loop3A_425 = arith.select %parallel_loop3A_424, %parallel_loop3A_414, %parallel_loop3A_393 : vector<16xi1>, vector<16xf32>
          %parallel_loop3A_426 = arith.index_cast %parallel_loop3A_169 : i32 to index
          %parallel_loop3A_427 = arith.constant 0 : index
          %parallel_loop3A_428 = tpu.vector_load %arg17[%parallel_loop3A_426, %parallel_loop3A_427] {strides = array<i32>} : memref<40x16xf32, #tpu.memory_space<vmem>>, vector<16xf32>,
          tpu.vector_store %arg17[%parallel_loop3A_426, %parallel_loop3A_427], %parallel_loop3A_425 {strides = array<i32>} : memref<40x16xf32, #tpu.memory_space<vmem>>, vector<16xf32>,
        } {sc.loop_unroll_factor = 20 : i64, sc.parallel_access}
        "tpu.region"() ({
          %run_scoped3A = tpu.sem_alloc : memref<!tpu.dma_semaphore, #tpu.memory_space<semaphore_mem>>
          %dma_start3A_169 = arith.constant 0 : i32
          %dma_start3A_170 = tpu.memref_slice %arg10[%add3A_113, %dma_start3A_169] : memref<50x40xi32, #tpu.memory_space<vmem>> -> memref<1x40xi32, #tpu.memory_space<vmem>>
          %dma_start3A_171 = tpu.memref_squeeze %dma_start3A_170 : memref<1x40xi32, #tpu.memory_space<vmem>> -> memref<40xi32, #tpu.memory_space<vmem>>
          %dma_start3A_172 = arith.constant 0 : i32
          %dma_start3A_173 = arith.constant 0 : i32
          %dma_start3A_174 = tpu.memref_slice %arg18[%dma_start3A_172, %dma_start3A_173] : memref<10112x128xf32, #tpu.memory_space<vmem_shared>> -> memref<10112x128xf32, #tpu.memory_space<vmem_shared>>
          tpu.enqueue_indirect_dma source(%arg13 : memref<40x128xf32, #tpu.memory_space<vmem>>) target(%dma_start3A_174 : memref<10112x128xf32, #tpu.memory_space<vmem_shared>>) offsets(%dma_start3A_171 : memref<40xi32, #tpu.memory_space<vmem>>) semaphore(%run_scoped3A : memref<!tpu.dma_semaphore, #tpu.memory_space<semaphore_mem>>) {add = true}
          %dma_wait3A_175 = arith.constant 0 : i32
          %dma_wait3A_176 = tpu.memref_slice %arg10[%add3A_113, %dma_wait3A_175] : memref<50x40xi32, #tpu.memory_space<vmem>> -> memref<1x40xi32, #tpu.memory_space<vmem>>
          %dma_wait3A_177 = tpu.memref_squeeze %dma_wait3A_176 : memref<1x40xi32, #tpu.memory_space<vmem>> -> memref<40xi32, #tpu.memory_space<vmem>>
          %dma_wait3A_178 = arith.constant 0 : i32
          %dma_wait3A_179 = arith.constant 0 : i32
          %dma_wait3A_180 = tpu.memref_slice %arg18[%dma_wait3A_178, %dma_wait3A_179] : memref<10112x128xf32, #tpu.memory_space<vmem_shared>> -> memref<10112x128xf32, #tpu.memory_space<vmem_shared>>
          tpu.wait_indirect_dma semaphore(%run_scoped3A : memref<!tpu.dma_semaphore, #tpu.memory_space<semaphore_mem>>) src(%arg13 : memref<40x128xf32, #tpu.memory_space<vmem>>) dst(%dma_wait3A_180 : memref<10112x128xf32, #tpu.memory_space<vmem_shared>>)
          tpu.yield
        }) : () -> ()
        "tpu.region"() ({
          %run_scoped3A = tpu.sem_alloc : memref<!tpu.dma_semaphore, #tpu.memory_space<semaphore_mem>>
          %dma_start3A_169 = arith.constant 0 : i32
          %dma_start3A_170 = tpu.memref_slice %arg10[%add3A_113, %dma_start3A_169] : memref<50x40xi32, #tpu.memory_space<vmem>> -> memref<1x40xi32, #tpu.memory_space<vmem>>
          %dma_start3A_171 = tpu.memref_squeeze %dma_start3A_170 : memref<1x40xi32, #tpu.memory_space<vmem>> -> memref<40xi32, #tpu.memory_space<vmem>>
          %dma_start3A_172 = arith.constant 0 : i32
          %dma_start3A_173 = arith.constant 0 : i32
          %dma_start3A_174 = tpu.memref_slice %arg19[%dma_start3A_172, %dma_start3A_173] : memref<10112x16xf32, #tpu.memory_space<vmem_shared>> -> memref<10112x16xf32, #tpu.memory_space<vmem_shared>>
          tpu.enqueue_indirect_dma source(%arg17 : memref<40x16xf32, #tpu.memory_space<vmem>>) target(%dma_start3A_174 : memref<10112x16xf32, #tpu.memory_space<vmem_shared>>) offsets(%dma_start3A_171 : memref<40xi32, #tpu.memory_space<vmem>>) semaphore(%run_scoped3A : memref<!tpu.dma_semaphore, #tpu.memory_space<semaphore_mem>>) {add = true}
          %dma_wait3A_175 = arith.constant 0 : i32
          %dma_wait3A_176 = tpu.memref_slice %arg10[%add3A_113, %dma_wait3A_175] : memref<50x40xi32, #tpu.memory_space<vmem>> -> memref<1x40xi32, #tpu.memory_space<vmem>>
          %dma_wait3A_177 = tpu.memref_squeeze %dma_wait3A_176 : memref<1x40xi32, #tpu.memory_space<vmem>> -> memref<40xi32, #tpu.memory_space<vmem>>
          %dma_wait3A_178 = arith.constant 0 : i32
          %dma_wait3A_179 = arith.constant 0 : i32
          %dma_wait3A_180 = tpu.memref_slice %arg19[%dma_wait3A_178, %dma_wait3A_179] : memref<10112x16xf32, #tpu.memory_space<vmem_shared>> -> memref<10112x16xf32, #tpu.memory_space<vmem_shared>>
          tpu.wait_indirect_dma semaphore(%run_scoped3A : memref<!tpu.dma_semaphore, #tpu.memory_space<semaphore_mem>>) src(%arg17 : memref<40x16xf32, #tpu.memory_space<vmem>>) dst(%dma_wait3A_180 : memref<10112x16xf32, #tpu.memory_space<vmem_shared>>)
          tpu.yield
        }) : () -> ()
        %mul3A_137 = arith.constant 2 : i32
        %mul3A_138 = arith.muli %mul3A_137, %scan3A_109 : i32
        %add3A_139 = arith.constant 1 : i32
        %add3A_140 = arith.addi %mul3A_138, %add3A_139 : i32
        %add3A_141 = arith.constant 1 : i32
        %add3A_142 = arith.addi %add3A_140, %add3A_141 : i32
        %lt3A_143 = arith.constant 50 : i32
        %lt3A_144 = arith.cmpi slt, %add3A_142, %lt3A_143 : i32
        %convert_element_type3A_145 = arith.extui %lt3A_144 : i1 to i32
        %cond3A_146 = arith.constant 0 : i32
        %cond3A_147 = arith.cmpi ne, %convert_element_type3A_145, %cond3A_146 : i32
        scf.if %cond3A_147 {
          %dma_start3A_169 = arith.constant 0 : i32
          %dma_start3A_170 = tpu.memref_slice %arg9[%add3A_142, %dma_start3A_169] : memref<50x40xi32, #tpu.memory_space<vmem>> -> memref<1x40xi32, #tpu.memory_space<vmem>>
          %dma_start3A_171 = tpu.memref_squeeze %dma_start3A_170 : memref<1x40xi32, #tpu.memory_space<vmem>> -> memref<40xi32, #tpu.memory_space<vmem>>
          %dma_start3A_172 = arith.constant 0 : i32
          %dma_start3A_173 = arith.constant 0 : i32
          %dma_start3A_174 = tpu.memref_slice %arg3[%dma_start3A_172, %dma_start3A_173] : memref<10000x128xf32, #tpu.memory_space<hbm>> -> memref<10000x128xf32, #tpu.memory_space<hbm>>
          tpu.enqueue_indirect_dma source(%dma_start3A_174 : memref<10000x128xf32, #tpu.memory_space<hbm>>) target(%arg11 : memref<40x128xf32, #tpu.memory_space<vmem>>) offsets(%dma_start3A_171 : memref<40xi32, #tpu.memory_space<vmem>>) semaphore(%arg20 : memref<!tpu.dma_semaphore, #tpu.memory_space<semaphore_mem>>)
          %dma_start3A_175 = arith.constant 0 : i32
          %dma_start3A_176 = tpu.memref_slice %arg10[%add3A_142, %dma_start3A_175] : memref<50x40xi32, #tpu.memory_space<vmem>> -> memref<1x40xi32, #tpu.memory_space<vmem>>
          %dma_start3A_177 = tpu.memref_squeeze %dma_start3A_176 : memref<1x40xi32, #tpu.memory_space<vmem>> -> memref<40xi32, #tpu.memory_space<vmem>>
          %dma_start3A_178 = arith.constant 0 : i32
          %dma_start3A_179 = arith.constant 0 : i32
          %dma_start3A_180 = tpu.memref_slice %arg2[%dma_start3A_178, %dma_start3A_179] : memref<10000x128xf32, #tpu.memory_space<hbm>> -> memref<10000x128xf32, #tpu.memory_space<hbm>>
          tpu.enqueue_indirect_dma source(%dma_start3A_180 : memref<10000x128xf32, #tpu.memory_space<hbm>>) target(%arg12 : memref<40x128xf32, #tpu.memory_space<vmem>>) offsets(%dma_start3A_177 : memref<40xi32, #tpu.memory_space<vmem>>) semaphore(%arg20 : memref<!tpu.dma_semaphore, #tpu.memory_space<semaphore_mem>>)
          %dma_start3A_181 = arith.constant 0 : i32
          %dma_start3A_182 = tpu.memref_slice %arg9[%add3A_142, %dma_start3A_181] : memref<50x40xi32, #tpu.memory_space<vmem>> -> memref<1x40xi32, #tpu.memory_space<vmem>>
          %dma_start3A_183 = tpu.memref_squeeze %dma_start3A_182 : memref<1x40xi32, #tpu.memory_space<vmem>> -> memref<40xi32, #tpu.memory_space<vmem>>
          %dma_start3A_184 = arith.constant 0 : i32
          %dma_start3A_185 = arith.constant 0 : i32
          %dma_start3A_186 = tpu.memref_slice %arg4[%dma_start3A_184, %dma_start3A_185] : memref<10000x128xf32, #tpu.memory_space<hbm>> -> memref<10000x128xf32, #tpu.memory_space<hbm>>
          tpu.enqueue_indirect_dma source(%dma_start3A_186 : memref<10000x128xf32, #tpu.memory_space<hbm>>) target(%arg13 : memref<40x128xf32, #tpu.memory_space<vmem>>) offsets(%dma_start3A_183 : memref<40xi32, #tpu.memory_space<vmem>>) semaphore(%arg20 : memref<!tpu.dma_semaphore, #tpu.memory_space<semaphore_mem>>)
        } else {
        }
        %dma_wait3A_148 = arith.constant 0 : i32
        %dma_wait3A_149 = tpu.memref_slice %arg9[%add3A_140, %dma_wait3A_148] : memref<50x40xi32, #tpu.memory_space<vmem>> -> memref<1x40xi32, #tpu.memory_space<vmem>>
        %dma_wait3A_150 = tpu.memref_squeeze %dma_wait3A_149 : memref<1x40xi32, #tpu.memory_space<vmem>> -> memref<40xi32, #tpu.memory_space<vmem>>
        %dma_wait3A_151 = arith.constant 0 : i32
        %dma_wait3A_152 = arith.constant 0 : i32
        %dma_wait3A_153 = tpu.memref_slice %arg3[%dma_wait3A_151, %dma_wait3A_152] : memref<10000x128xf32, #tpu.memory_space<hbm>> -> memref<10000x128xf32, #tpu.memory_space<hbm>>
        tpu.wait_indirect_dma semaphore(%arg21 : memref<!tpu.dma_semaphore, #tpu.memory_space<semaphore_mem>>) src(%dma_wait3A_153 : memref<10000x128xf32, #tpu.memory_space<hbm>>) dst(%arg14 : memref<40x128xf32, #tpu.memory_space<vmem>>)
        %dma_wait3A_154 = arith.constant 0 : i32
        %dma_wait3A_155 = tpu.memref_slice %arg10[%add3A_140, %dma_wait3A_154] : memref<50x40xi32, #tpu.memory_space<vmem>> -> memref<1x40xi32, #tpu.memory_space<vmem>>
        %dma_wait3A_156 = tpu.memref_squeeze %dma_wait3A_155 : memref<1x40xi32, #tpu.memory_space<vmem>> -> memref<40xi32, #tpu.memory_space<vmem>>
        %dma_wait3A_157 = arith.constant 0 : i32
        %dma_wait3A_158 = arith.constant 0 : i32
        %dma_wait3A_159 = tpu.memref_slice %arg2[%dma_wait3A_157, %dma_wait3A_158] : memref<10000x128xf32, #tpu.memory_space<hbm>> -> memref<10000x128xf32, #tpu.memory_space<hbm>>
        tpu.wait_indirect_dma semaphore(%arg21 : memref<!tpu.dma_semaphore, #tpu.memory_space<semaphore_mem>>) src(%dma_wait3A_159 : memref<10000x128xf32, #tpu.memory_space<hbm>>) dst(%arg15 : memref<40x128xf32, #tpu.memory_space<vmem>>)
        %dma_wait3A_160 = arith.constant 0 : i32
        %dma_wait3A_161 = tpu.memref_slice %arg9[%add3A_140, %dma_wait3A_160] : memref<50x40xi32, #tpu.memory_space<vmem>> -> memref<1x40xi32, #tpu.memory_space<vmem>>
        %dma_wait3A_162 = tpu.memref_squeeze %dma_wait3A_161 : memref<1x40xi32, #tpu.memory_space<vmem>> -> memref<40xi32, #tpu.memory_space<vmem>>
        %dma_wait3A_163 = arith.constant 0 : i32
        %dma_wait3A_164 = arith.constant 0 : i32
        %dma_wait3A_165 = tpu.memref_slice %arg4[%dma_wait3A_163, %dma_wait3A_164] : memref<10000x128xf32, #tpu.memory_space<hbm>> -> memref<10000x128xf32, #tpu.memory_space<hbm>>
        tpu.wait_indirect_dma semaphore(%arg21 : memref<!tpu.dma_semaphore, #tpu.memory_space<semaphore_mem>>) src(%dma_wait3A_165 : memref<10000x128xf32, #tpu.memory_space<hbm>>) dst(%arg16 : memref<40x128xf32, #tpu.memory_space<vmem>>)
        %parallel_loop3A_166 = arith.constant 0 : i32
        %parallel_loop3A_167 = arith.constant 40 : i32
        %parallel_loop3A_168 = arith.constant 1 : i32
        scf.for %parallel_loop3A_169 = %parallel_loop3A_166 to %parallel_loop3A_167 step %parallel_loop3A_168  : i32 {
          %parallel_loop3A_170 = arith.index_cast %parallel_loop3A_169 : i32 to index
          %parallel_loop3A_171 = arith.constant 0 : index
          %parallel_loop3A_172 = tpu.vector_load %arg14[%parallel_loop3A_170, %parallel_loop3A_171] {strides = array<i32>} : memref<40x128xf32, #tpu.memory_space<vmem>>, vector<16xf32>,
          %parallel_loop3A_173 = arith.index_cast %parallel_loop3A_169 : i32 to index
          %parallel_loop3A_174 = arith.constant 0 : index
          %parallel_loop3A_175 = tpu.vector_load %arg15[%parallel_loop3A_173, %parallel_loop3A_174] {strides = array<i32>} : memref<40x128xf32, #tpu.memory_space<vmem>>, vector<16xf32>,
          %parallel_loop3A_176 = arith.mulf %parallel_loop3A_172, %parallel_loop3A_175 : vector<16xf32>
          %parallel_loop3A_177 = arith.constant true
          %parallel_loop3A_178 = vector.broadcast %parallel_loop3A_177 : i1 to vector<16xi1>
          %parallel_loop3A_179 = tpu.scan <sum>, %parallel_loop3A_176 masked %parallel_loop3A_178 : vector<16xf32>, vector<16xi1> -> vector<16xf32>
          %parallel_loop3A_180 = arith.constant 15 : i32
          %parallel_loop3A_181 = vector.broadcast %parallel_loop3A_180 : i32 to vector<16x1xi32>
          %parallel_loop3A_182 = vector.shape_cast %parallel_loop3A_181 : vector<16x1xi32> to vector<16xi32>
          %parallel_loop3A_183 = tpu.dynamic_gather %parallel_loop3A_179[%parallel_loop3A_182] in [0] : vector<16xf32>, vector<16xi32> -> vector<16xf32>
          %parallel_loop3A_184 = arith.constant -5.000000e+00 : f32
          %parallel_loop3A_185 = arith.constant 5.000000e+00 : f32
          %parallel_loop3A_186 = vector.broadcast %parallel_loop3A_184 : f32 to vector<16xf32>
          %parallel_loop3A_187 = arith.maximumf %parallel_loop3A_186, %parallel_loop3A_183 : vector<16xf32>
          %parallel_loop3A_188 = vector.broadcast %parallel_loop3A_185 : f32 to vector<16xf32>
          %parallel_loop3A_189 = arith.minimumf %parallel_loop3A_188, %parallel_loop3A_187 : vector<16xf32>
          %parallel_loop3A_190 = math.exp %parallel_loop3A_189 : vector<16xf32>
          %parallel_loop3A_191 = arith.index_cast %parallel_loop3A_169 : i32 to index
          %parallel_loop3A_192 = arith.constant 0 : index
          %parallel_loop3A_193 = tpu.vector_load %arg16[%parallel_loop3A_191, %parallel_loop3A_192] {strides = array<i32>} : memref<40x128xf32, #tpu.memory_space<vmem>>, vector<16xf32>,
          %parallel_loop3A_194 = arith.mulf %parallel_loop3A_193, %parallel_loop3A_190 : vector<16xf32>
          %parallel_loop3A_195 = arith.index_cast %parallel_loop3A_169 : i32 to index
          %parallel_loop3A_196 = arith.constant 0 : index
          %parallel_loop3A_197 = tpu.vector_load %arg16[%parallel_loop3A_195, %parallel_loop3A_196] {strides = array<i32>} : memref<40x128xf32, #tpu.memory_space<vmem>>, vector<16xf32>,
          tpu.vector_store %arg16[%parallel_loop3A_195, %parallel_loop3A_196], %parallel_loop3A_194 {strides = array<i32>} : memref<40x128xf32, #tpu.memory_space<vmem>>, vector<16xf32>,
          %parallel_loop3A_198 = arith.constant 0 : i32
          %parallel_loop3A_199 = vector.broadcast %parallel_loop3A_198 : i32 to vector<16xi32>
          %parallel_loop3A_200 = arith.cmpi eq, %iota3A, %parallel_loop3A_199 : vector<16xi32>
          %parallel_loop3A_201 = arith.select %parallel_loop3A_200, %parallel_loop3A_190, %broadcast_in_dim3A_1 : vector<16xi1>, vector<16xf32>
          %parallel_loop3A_202 = arith.index_cast %parallel_loop3A_169 : i32 to index
          %parallel_loop3A_203 = arith.constant 16 : index
          %parallel_loop3A_204 = tpu.vector_load %arg14[%parallel_loop3A_202, %parallel_loop3A_203] {strides = array<i32>} : memref<40x128xf32, #tpu.memory_space<vmem>>, vector<16xf32>,
          %parallel_loop3A_205 = arith.index_cast %parallel_loop3A_169 : i32 to index
          %parallel_loop3A_206 = arith.constant 16 : index
          %parallel_loop3A_207 = tpu.vector_load %arg15[%parallel_loop3A_205, %parallel_loop3A_206] {strides = array<i32>} : memref<40x128xf32, #tpu.memory_space<vmem>>, vector<16xf32>,
          %parallel_loop3A_208 = arith.mulf %parallel_loop3A_204, %parallel_loop3A_207 : vector<16xf32>
          %parallel_loop3A_209 = arith.constant true
          %parallel_loop3A_210 = vector.broadcast %parallel_loop3A_209 : i1 to vector<16xi1>
          %parallel_loop3A_211 = tpu.scan <sum>, %parallel_loop3A_208 masked %parallel_loop3A_210 : vector<16xf32>, vector<16xi1> -> vector<16xf32>
          %parallel_loop3A_212 = arith.constant 15 : i32
          %parallel_loop3A_213 = vector.broadcast %parallel_loop3A_212 : i32 to vector<16x1xi32>
          %parallel_loop3A_214 = vector.shape_cast %parallel_loop3A_213 : vector<16x1xi32> to vector<16xi32>
          %parallel_loop3A_215 = tpu.dynamic_gather %parallel_loop3A_211[%parallel_loop3A_214] in [0] : vector<16xf32>, vector<16xi32> -> vector<16xf32>
          %parallel_loop3A_216 = arith.constant -5.000000e+00 : f32
          %parallel_loop3A_217 = arith.constant 5.000000e+00 : f32
          %parallel_loop3A_218 = vector.broadcast %parallel_loop3A_216 : f32 to vector<16xf32>
          %parallel_loop3A_219 = arith.maximumf %parallel_loop3A_218, %parallel_loop3A_215 : vector<16xf32>
          %parallel_loop3A_220 = vector.broadcast %parallel_loop3A_217 : f32 to vector<16xf32>
          %parallel_loop3A_221 = arith.minimumf %parallel_loop3A_220, %parallel_loop3A_219 : vector<16xf32>
          %parallel_loop3A_222 = math.exp %parallel_loop3A_221 : vector<16xf32>
          %parallel_loop3A_223 = arith.index_cast %parallel_loop3A_169 : i32 to index
          %parallel_loop3A_224 = arith.constant 16 : index
          %parallel_loop3A_225 = tpu.vector_load %arg16[%parallel_loop3A_223, %parallel_loop3A_224] {strides = array<i32>} : memref<40x128xf32, #tpu.memory_space<vmem>>, vector<16xf32>,
          %parallel_loop3A_226 = arith.mulf %parallel_loop3A_225, %parallel_loop3A_222 : vector<16xf32>
          %parallel_loop3A_227 = arith.index_cast %parallel_loop3A_169 : i32 to index
          %parallel_loop3A_228 = arith.constant 16 : index
          %parallel_loop3A_229 = tpu.vector_load %arg16[%parallel_loop3A_227, %parallel_loop3A_228] {strides = array<i32>} : memref<40x128xf32, #tpu.memory_space<vmem>>, vector<16xf32>,
          tpu.vector_store %arg16[%parallel_loop3A_227, %parallel_loop3A_228], %parallel_loop3A_226 {strides = array<i32>} : memref<40x128xf32, #tpu.memory_space<vmem>>, vector<16xf32>,
          %parallel_loop3A_230 = arith.constant 1 : i32
          %parallel_loop3A_231 = vector.broadcast %parallel_loop3A_230 : i32 to vector<16xi32>
          %parallel_loop3A_232 = arith.cmpi eq, %iota3A, %parallel_loop3A_231 : vector<16xi32>
          %parallel_loop3A_233 = arith.select %parallel_loop3A_232, %parallel_loop3A_222, %parallel_loop3A_201 : vector<16xi1>, vector<16xf32>
          %parallel_loop3A_234 = arith.index_cast %parallel_loop3A_169 : i32 to index
          %parallel_loop3A_235 = arith.constant 32 : index
          %parallel_loop3A_236 = tpu.vector_load %arg14[%parallel_loop3A_234, %parallel_loop3A_235] {strides = array<i32>} : memref<40x128xf32, #tpu.memory_space<vmem>>, vector<16xf32>,
          %parallel_loop3A_237 = arith.index_cast %parallel_loop3A_169 : i32 to index
          %parallel_loop3A_238 = arith.constant 32 : index
          %parallel_loop3A_239 = tpu.vector_load %arg15[%parallel_loop3A_237, %parallel_loop3A_238] {strides = array<i32>} : memref<40x128xf32, #tpu.memory_space<vmem>>, vector<16xf32>,
          %parallel_loop3A_240 = arith.mulf %parallel_loop3A_236, %parallel_loop3A_239 : vector<16xf32>
          %parallel_loop3A_241 = arith.constant true
          %parallel_loop3A_242 = vector.broadcast %parallel_loop3A_241 : i1 to vector<16xi1>
          %parallel_loop3A_243 = tpu.scan <sum>, %parallel_loop3A_240 masked %parallel_loop3A_242 : vector<16xf32>, vector<16xi1> -> vector<16xf32>
          %parallel_loop3A_244 = arith.constant 15 : i32
          %parallel_loop3A_245 = vector.broadcast %parallel_loop3A_244 : i32 to vector<16x1xi32>
          %parallel_loop3A_246 = vector.shape_cast %parallel_loop3A_245 : vector<16x1xi32> to vector<16xi32>
          %parallel_loop3A_247 = tpu.dynamic_gather %parallel_loop3A_243[%parallel_loop3A_246] in [0] : vector<16xf32>, vector<16xi32> -> vector<16xf32>
          %parallel_loop3A_248 = arith.constant -5.000000e+00 : f32
          %parallel_loop3A_249 = arith.constant 5.000000e+00 : f32
          %parallel_loop3A_250 = vector.broadcast %parallel_loop3A_248 : f32 to vector<16xf32>
          %parallel_loop3A_251 = arith.maximumf %parallel_loop3A_250, %parallel_loop3A_247 : vector<16xf32>
          %parallel_loop3A_252 = vector.broadcast %parallel_loop3A_249 : f32 to vector<16xf32>
          %parallel_loop3A_253 = arith.minimumf %parallel_loop3A_252, %parallel_loop3A_251 : vector<16xf32>
          %parallel_loop3A_254 = math.exp %parallel_loop3A_253 : vector<16xf32>
          %parallel_loop3A_255 = arith.index_cast %parallel_loop3A_169 : i32 to index
          %parallel_loop3A_256 = arith.constant 32 : index
          %parallel_loop3A_257 = tpu.vector_load %arg16[%parallel_loop3A_255, %parallel_loop3A_256] {strides = array<i32>} : memref<40x128xf32, #tpu.memory_space<vmem>>, vector<16xf32>,
          %parallel_loop3A_258 = arith.mulf %parallel_loop3A_257, %parallel_loop3A_254 : vector<16xf32>
          %parallel_loop3A_259 = arith.index_cast %parallel_loop3A_169 : i32 to index
          %parallel_loop3A_260 = arith.constant 32 : index
          %parallel_loop3A_261 = tpu.vector_load %arg16[%parallel_loop3A_259, %parallel_loop3A_260] {strides = array<i32>} : memref<40x128xf32, #tpu.memory_space<vmem>>, vector<16xf32>,
          tpu.vector_store %arg16[%parallel_loop3A_259, %parallel_loop3A_260], %parallel_loop3A_258 {strides = array<i32>} : memref<40x128xf32, #tpu.memory_space<vmem>>, vector<16xf32>,
          %parallel_loop3A_262 = arith.constant 2 : i32
          %parallel_loop3A_263 = vector.broadcast %parallel_loop3A_262 : i32 to vector<16xi32>
          %parallel_loop3A_264 = arith.cmpi eq, %iota3A, %parallel_loop3A_263 : vector<16xi32>
          %parallel_loop3A_265 = arith.select %parallel_loop3A_264, %parallel_loop3A_254, %parallel_loop3A_233 : vector<16xi1>, vector<16xf32>
          %parallel_loop3A_266 = arith.index_cast %parallel_loop3A_169 : i32 to index
          %parallel_loop3A_267 = arith.constant 48 : index
          %parallel_loop3A_268 = tpu.vector_load %arg14[%parallel_loop3A_266, %parallel_loop3A_267] {strides = array<i32>} : memref<40x128xf32, #tpu.memory_space<vmem>>, vector<16xf32>,
          %parallel_loop3A_269 = arith.index_cast %parallel_loop3A_169 : i32 to index
          %parallel_loop3A_270 = arith.constant 48 : index
          %parallel_loop3A_271 = tpu.vector_load %arg15[%parallel_loop3A_269, %parallel_loop3A_270] {strides = array<i32>} : memref<40x128xf32, #tpu.memory_space<vmem>>, vector<16xf32>,
          %parallel_loop3A_272 = arith.mulf %parallel_loop3A_268, %parallel_loop3A_271 : vector<16xf32>
          %parallel_loop3A_273 = arith.constant true
          %parallel_loop3A_274 = vector.broadcast %parallel_loop3A_273 : i1 to vector<16xi1>
          %parallel_loop3A_275 = tpu.scan <sum>, %parallel_loop3A_272 masked %parallel_loop3A_274 : vector<16xf32>, vector<16xi1> -> vector<16xf32>
          %parallel_loop3A_276 = arith.constant 15 : i32
          %parallel_loop3A_277 = vector.broadcast %parallel_loop3A_276 : i32 to vector<16x1xi32>
          %parallel_loop3A_278 = vector.shape_cast %parallel_loop3A_277 : vector<16x1xi32> to vector<16xi32>
          %parallel_loop3A_279 = tpu.dynamic_gather %parallel_loop3A_275[%parallel_loop3A_278] in [0] : vector<16xf32>, vector<16xi32> -> vector<16xf32>
          %parallel_loop3A_280 = arith.constant -5.000000e+00 : f32
          %parallel_loop3A_281 = arith.constant 5.000000e+00 : f32
          %parallel_loop3A_282 = vector.broadcast %parallel_loop3A_280 : f32 to vector<16xf32>
          %parallel_loop3A_283 = arith.maximumf %parallel_loop3A_282, %parallel_loop3A_279 : vector<16xf32>
          %parallel_loop3A_284 = vector.broadcast %parallel_loop3A_281 : f32 to vector<16xf32>
          %parallel_loop3A_285 = arith.minimumf %parallel_loop3A_284, %parallel_loop3A_283 : vector<16xf32>
          %parallel_loop3A_286 = math.exp %parallel_loop3A_285 : vector<16xf32>
          %parallel_loop3A_287 = arith.index_cast %parallel_loop3A_169 : i32 to index
          %parallel_loop3A_288 = arith.constant 48 : index
          %parallel_loop3A_289 = tpu.vector_load %arg16[%parallel_loop3A_287, %parallel_loop3A_288] {strides = array<i32>} : memref<40x128xf32, #tpu.memory_space<vmem>>, vector<16xf32>,
          %parallel_loop3A_290 = arith.mulf %parallel_loop3A_289, %parallel_loop3A_286 : vector<16xf32>
          %parallel_loop3A_291 = arith.index_cast %parallel_loop3A_169 : i32 to index
          %parallel_loop3A_292 = arith.constant 48 : index
          %parallel_loop3A_293 = tpu.vector_load %arg16[%parallel_loop3A_291, %parallel_loop3A_292] {strides = array<i32>} : memref<40x128xf32, #tpu.memory_space<vmem>>, vector<16xf32>,
          tpu.vector_store %arg16[%parallel_loop3A_291, %parallel_loop3A_292], %parallel_loop3A_290 {strides = array<i32>} : memref<40x128xf32, #tpu.memory_space<vmem>>, vector<16xf32>,
          %parallel_loop3A_294 = arith.constant 3 : i32
          %parallel_loop3A_295 = vector.broadcast %parallel_loop3A_294 : i32 to vector<16xi32>
          %parallel_loop3A_296 = arith.cmpi eq, %iota3A, %parallel_loop3A_295 : vector<16xi32>
          %parallel_loop3A_297 = arith.select %parallel_loop3A_296, %parallel_loop3A_286, %parallel_loop3A_265 : vector<16xi1>, vector<16xf32>
          %parallel_loop3A_298 = arith.index_cast %parallel_loop3A_169 : i32 to index
          %parallel_loop3A_299 = arith.constant 64 : index
          %parallel_loop3A_300 = tpu.vector_load %arg14[%parallel_loop3A_298, %parallel_loop3A_299] {strides = array<i32>} : memref<40x128xf32, #tpu.memory_space<vmem>>, vector<16xf32>,
          %parallel_loop3A_301 = arith.index_cast %parallel_loop3A_169 : i32 to index
          %parallel_loop3A_302 = arith.constant 64 : index
          %parallel_loop3A_303 = tpu.vector_load %arg15[%parallel_loop3A_301, %parallel_loop3A_302] {strides = array<i32>} : memref<40x128xf32, #tpu.memory_space<vmem>>, vector<16xf32>,
          %parallel_loop3A_304 = arith.mulf %parallel_loop3A_300, %parallel_loop3A_303 : vector<16xf32>
          %parallel_loop3A_305 = arith.constant true
          %parallel_loop3A_306 = vector.broadcast %parallel_loop3A_305 : i1 to vector<16xi1>
          %parallel_loop3A_307 = tpu.scan <sum>, %parallel_loop3A_304 masked %parallel_loop3A_306 : vector<16xf32>, vector<16xi1> -> vector<16xf32>
          %parallel_loop3A_308 = arith.constant 15 : i32
          %parallel_loop3A_309 = vector.broadcast %parallel_loop3A_308 : i32 to vector<16x1xi32>
          %parallel_loop3A_310 = vector.shape_cast %parallel_loop3A_309 : vector<16x1xi32> to vector<16xi32>
          %parallel_loop3A_311 = tpu.dynamic_gather %parallel_loop3A_307[%parallel_loop3A_310] in [0] : vector<16xf32>, vector<16xi32> -> vector<16xf32>
          %parallel_loop3A_312 = arith.constant -5.000000e+00 : f32
          %parallel_loop3A_313 = arith.constant 5.000000e+00 : f32
          %parallel_loop3A_314 = vector.broadcast %parallel_loop3A_312 : f32 to vector<16xf32>
          %parallel_loop3A_315 = arith.maximumf %parallel_loop3A_314, %parallel_loop3A_311 : vector<16xf32>
          %parallel_loop3A_316 = vector.broadcast %parallel_loop3A_313 : f32 to vector<16xf32>
          %parallel_loop3A_317 = arith.minimumf %parallel_loop3A_316, %parallel_loop3A_315 : vector<16xf32>
          %parallel_loop3A_318 = math.exp %parallel_loop3A_317 : vector<16xf32>
          %parallel_loop3A_319 = arith.index_cast %parallel_loop3A_169 : i32 to index
          %parallel_loop3A_320 = arith.constant 64 : index
          %parallel_loop3A_321 = tpu.vector_load %arg16[%parallel_loop3A_319, %parallel_loop3A_320] {strides = array<i32>} : memref<40x128xf32, #tpu.memory_space<vmem>>, vector<16xf32>,
          %parallel_loop3A_322 = arith.mulf %parallel_loop3A_321, %parallel_loop3A_318 : vector<16xf32>
          %parallel_loop3A_323 = arith.index_cast %parallel_loop3A_169 : i32 to index
          %parallel_loop3A_324 = arith.constant 64 : index
          %parallel_loop3A_325 = tpu.vector_load %arg16[%parallel_loop3A_323, %parallel_loop3A_324] {strides = array<i32>} : memref<40x128xf32, #tpu.memory_space<vmem>>, vector<16xf32>,
          tpu.vector_store %arg16[%parallel_loop3A_323, %parallel_loop3A_324], %parallel_loop3A_322 {strides = array<i32>} : memref<40x128xf32, #tpu.memory_space<vmem>>, vector<16xf32>,
          %parallel_loop3A_326 = arith.constant 4 : i32
          %parallel_loop3A_327 = vector.broadcast %parallel_loop3A_326 : i32 to vector<16xi32>
          %parallel_loop3A_328 = arith.cmpi eq, %iota3A, %parallel_loop3A_327 : vector<16xi32>
          %parallel_loop3A_329 = arith.select %parallel_loop3A_328, %parallel_loop3A_318, %parallel_loop3A_297 : vector<16xi1>, vector<16xf32>
          %parallel_loop3A_330 = arith.index_cast %parallel_loop3A_169 : i32 to index
          %parallel_loop3A_331 = arith.constant 80 : index
          %parallel_loop3A_332 = tpu.vector_load %arg14[%parallel_loop3A_330, %parallel_loop3A_331] {strides = array<i32>} : memref<40x128xf32, #tpu.memory_space<vmem>>, vector<16xf32>,
          %parallel_loop3A_333 = arith.index_cast %parallel_loop3A_169 : i32 to index
          %parallel_loop3A_334 = arith.constant 80 : index
          %parallel_loop3A_335 = tpu.vector_load %arg15[%parallel_loop3A_333, %parallel_loop3A_334] {strides = array<i32>} : memref<40x128xf32, #tpu.memory_space<vmem>>, vector<16xf32>,
          %parallel_loop3A_336 = arith.mulf %parallel_loop3A_332, %parallel_loop3A_335 : vector<16xf32>
          %parallel_loop3A_337 = arith.constant true
          %parallel_loop3A_338 = vector.broadcast %parallel_loop3A_337 : i1 to vector<16xi1>
          %parallel_loop3A_339 = tpu.scan <sum>, %parallel_loop3A_336 masked %parallel_loop3A_338 : vector<16xf32>, vector<16xi1> -> vector<16xf32>
          %parallel_loop3A_340 = arith.constant 15 : i32
          %parallel_loop3A_341 = vector.broadcast %parallel_loop3A_340 : i32 to vector<16x1xi32>
          %parallel_loop3A_342 = vector.shape_cast %parallel_loop3A_341 : vector<16x1xi32> to vector<16xi32>
          %parallel_loop3A_343 = tpu.dynamic_gather %parallel_loop3A_339[%parallel_loop3A_342] in [0] : vector<16xf32>, vector<16xi32> -> vector<16xf32>
          %parallel_loop3A_344 = arith.constant -5.000000e+00 : f32
          %parallel_loop3A_345 = arith.constant 5.000000e+00 : f32
          %parallel_loop3A_346 = vector.broadcast %parallel_loop3A_344 : f32 to vector<16xf32>
          %parallel_loop3A_347 = arith.maximumf %parallel_loop3A_346, %parallel_loop3A_343 : vector<16xf32>
          %parallel_loop3A_348 = vector.broadcast %parallel_loop3A_345 : f32 to vector<16xf32>
          %parallel_loop3A_349 = arith.minimumf %parallel_loop3A_348, %parallel_loop3A_347 : vector<16xf32>
          %parallel_loop3A_350 = math.exp %parallel_loop3A_349 : vector<16xf32>
          %parallel_loop3A_351 = arith.index_cast %parallel_loop3A_169 : i32 to index
          %parallel_loop3A_352 = arith.constant 80 : index
          %parallel_loop3A_353 = tpu.vector_load %arg16[%parallel_loop3A_351, %parallel_loop3A_352] {strides = array<i32>} : memref<40x128xf32, #tpu.memory_space<vmem>>, vector<16xf32>,
          %parallel_loop3A_354 = arith.mulf %parallel_loop3A_353, %parallel_loop3A_350 : vector<16xf32>
          %parallel_loop3A_355 = arith.index_cast %parallel_loop3A_169 : i32 to index
          %parallel_loop3A_356 = arith.constant 80 : index
          %parallel_loop3A_357 = tpu.vector_load %arg16[%parallel_loop3A_355, %parallel_loop3A_356] {strides = array<i32>} : memref<40x128xf32, #tpu.memory_space<vmem>>, vector<16xf32>,
          tpu.vector_store %arg16[%parallel_loop3A_355, %parallel_loop3A_356], %parallel_loop3A_354 {strides = array<i32>} : memref<40x128xf32, #tpu.memory_space<vmem>>, vector<16xf32>,
          %parallel_loop3A_358 = arith.constant 5 : i32
          %parallel_loop3A_359 = vector.broadcast %parallel_loop3A_358 : i32 to vector<16xi32>
          %parallel_loop3A_360 = arith.cmpi eq, %iota3A, %parallel_loop3A_359 : vector<16xi32>
          %parallel_loop3A_361 = arith.select %parallel_loop3A_360, %parallel_loop3A_350, %parallel_loop3A_329 : vector<16xi1>, vector<16xf32>
          %parallel_loop3A_362 = arith.index_cast %parallel_loop3A_169 : i32 to index
          %parallel_loop3A_363 = arith.constant 96 : index
          %parallel_loop3A_364 = tpu.vector_load %arg14[%parallel_loop3A_362, %parallel_loop3A_363] {strides = array<i32>} : memref<40x128xf32, #tpu.memory_space<vmem>>, vector<16xf32>,
          %parallel_loop3A_365 = arith.index_cast %parallel_loop3A_169 : i32 to index
          %parallel_loop3A_366 = arith.constant 96 : index
          %parallel_loop3A_367 = tpu.vector_load %arg15[%parallel_loop3A_365, %parallel_loop3A_366] {strides = array<i32>} : memref<40x128xf32, #tpu.memory_space<vmem>>, vector<16xf32>,
          %parallel_loop3A_368 = arith.mulf %parallel_loop3A_364, %parallel_loop3A_367 : vector<16xf32>
          %parallel_loop3A_369 = arith.constant true
          %parallel_loop3A_370 = vector.broadcast %parallel_loop3A_369 : i1 to vector<16xi1>
          %parallel_loop3A_371 = tpu.scan <sum>, %parallel_loop3A_368 masked %parallel_loop3A_370 : vector<16xf32>, vector<16xi1> -> vector<16xf32>
          %parallel_loop3A_372 = arith.constant 15 : i32
          %parallel_loop3A_373 = vector.broadcast %parallel_loop3A_372 : i32 to vector<16x1xi32>
          %parallel_loop3A_374 = vector.shape_cast %parallel_loop3A_373 : vector<16x1xi32> to vector<16xi32>
          %parallel_loop3A_375 = tpu.dynamic_gather %parallel_loop3A_371[%parallel_loop3A_374] in [0] : vector<16xf32>, vector<16xi32> -> vector<16xf32>
          %parallel_loop3A_376 = arith.constant -5.000000e+00 : f32
          %parallel_loop3A_377 = arith.constant 5.000000e+00 : f32
          %parallel_loop3A_378 = vector.broadcast %parallel_loop3A_376 : f32 to vector<16xf32>
          %parallel_loop3A_379 = arith.maximumf %parallel_loop3A_378, %parallel_loop3A_375 : vector<16xf32>
          %parallel_loop3A_380 = vector.broadcast %parallel_loop3A_377 : f32 to vector<16xf32>
          %parallel_loop3A_381 = arith.minimumf %parallel_loop3A_380, %parallel_loop3A_379 : vector<16xf32>
          %parallel_loop3A_382 = math.exp %parallel_loop3A_381 : vector<16xf32>
          %parallel_loop3A_383 = arith.index_cast %parallel_loop3A_169 : i32 to index
          %parallel_loop3A_384 = arith.constant 96 : index
          %parallel_loop3A_385 = tpu.vector_load %arg16[%parallel_loop3A_383, %parallel_loop3A_384] {strides = array<i32>} : memref<40x128xf32, #tpu.memory_space<vmem>>, vector<16xf32>,
          %parallel_loop3A_386 = arith.mulf %parallel_loop3A_385, %parallel_loop3A_382 : vector<16xf32>
          %parallel_loop3A_387 = arith.index_cast %parallel_loop3A_169 : i32 to index
          %parallel_loop3A_388 = arith.constant 96 : index
          %parallel_loop3A_389 = tpu.vector_load %arg16[%parallel_loop3A_387, %parallel_loop3A_388] {strides = array<i32>} : memref<40x128xf32, #tpu.memory_space<vmem>>, vector<16xf32>,
          tpu.vector_store %arg16[%parallel_loop3A_387, %parallel_loop3A_388], %parallel_loop3A_386 {strides = array<i32>} : memref<40x128xf32, #tpu.memory_space<vmem>>, vector<16xf32>,
          %parallel_loop3A_390 = arith.constant 6 : i32
          %parallel_loop3A_391 = vector.broadcast %parallel_loop3A_390 : i32 to vector<16xi32>
          %parallel_loop3A_392 = arith.cmpi eq, %iota3A, %parallel_loop3A_391 : vector<16xi32>
          %parallel_loop3A_393 = arith.select %parallel_loop3A_392, %parallel_loop3A_382, %parallel_loop3A_361 : vector<16xi1>, vector<16xf32>
          %parallel_loop3A_394 = arith.index_cast %parallel_loop3A_169 : i32 to index
          %parallel_loop3A_395 = arith.constant 112 : index
          %parallel_loop3A_396 = tpu.vector_load %arg14[%parallel_loop3A_394, %parallel_loop3A_395] {strides = array<i32>} : memref<40x128xf32, #tpu.memory_space<vmem>>, vector<16xf32>,
          %parallel_loop3A_397 = arith.index_cast %parallel_loop3A_169 : i32 to index
          %parallel_loop3A_398 = arith.constant 112 : index
          %parallel_loop3A_399 = tpu.vector_load %arg15[%parallel_loop3A_397, %parallel_loop3A_398] {strides = array<i32>} : memref<40x128xf32, #tpu.memory_space<vmem>>, vector<16xf32>,
          %parallel_loop3A_400 = arith.mulf %parallel_loop3A_396, %parallel_loop3A_399 : vector<16xf32>
          %parallel_loop3A_401 = arith.constant true
          %parallel_loop3A_402 = vector.broadcast %parallel_loop3A_401 : i1 to vector<16xi1>
          %parallel_loop3A_403 = tpu.scan <sum>, %parallel_loop3A_400 masked %parallel_loop3A_402 : vector<16xf32>, vector<16xi1> -> vector<16xf32>
          %parallel_loop3A_404 = arith.constant 15 : i32
          %parallel_loop3A_405 = vector.broadcast %parallel_loop3A_404 : i32 to vector<16x1xi32>
          %parallel_loop3A_406 = vector.shape_cast %parallel_loop3A_405 : vector<16x1xi32> to vector<16xi32>
          %parallel_loop3A_407 = tpu.dynamic_gather %parallel_loop3A_403[%parallel_loop3A_406] in [0] : vector<16xf32>, vector<16xi32> -> vector<16xf32>
          %parallel_loop3A_408 = arith.constant -5.000000e+00 : f32
          %parallel_loop3A_409 = arith.constant 5.000000e+00 : f32
          %parallel_loop3A_410 = vector.broadcast %parallel_loop3A_408 : f32 to vector<16xf32>
          %parallel_loop3A_411 = arith.maximumf %parallel_loop3A_410, %parallel_loop3A_407 : vector<16xf32>
          %parallel_loop3A_412 = vector.broadcast %parallel_loop3A_409 : f32 to vector<16xf32>
          %parallel_loop3A_413 = arith.minimumf %parallel_loop3A_412, %parallel_loop3A_411 : vector<16xf32>
          %parallel_loop3A_414 = math.exp %parallel_loop3A_413 : vector<16xf32>
          %parallel_loop3A_415 = arith.index_cast %parallel_loop3A_169 : i32 to index
          %parallel_loop3A_416 = arith.constant 112 : index
          %parallel_loop3A_417 = tpu.vector_load %arg16[%parallel_loop3A_415, %parallel_loop3A_416] {strides = array<i32>} : memref<40x128xf32, #tpu.memory_space<vmem>>, vector<16xf32>,
          %parallel_loop3A_418 = arith.mulf %parallel_loop3A_417, %parallel_loop3A_414 : vector<16xf32>
          %parallel_loop3A_419 = arith.index_cast %parallel_loop3A_169 : i32 to index
          %parallel_loop3A_420 = arith.constant 112 : index
          %parallel_loop3A_421 = tpu.vector_load %arg16[%parallel_loop3A_419, %parallel_loop3A_420] {strides = array<i32>} : memref<40x128xf32, #tpu.memory_space<vmem>>, vector<16xf32>,
          tpu.vector_store %arg16[%parallel_loop3A_419, %parallel_loop3A_420], %parallel_loop3A_418 {strides = array<i32>} : memref<40x128xf32, #tpu.memory_space<vmem>>, vector<16xf32>,
          %parallel_loop3A_422 = arith.constant 7 : i32
          %parallel_loop3A_423 = vector.broadcast %parallel_loop3A_422 : i32 to vector<16xi32>
          %parallel_loop3A_424 = arith.cmpi eq, %iota3A, %parallel_loop3A_423 : vector<16xi32>
          %parallel_loop3A_425 = arith.select %parallel_loop3A_424, %parallel_loop3A_414, %parallel_loop3A_393 : vector<16xi1>, vector<16xf32>
          %parallel_loop3A_426 = arith.index_cast %parallel_loop3A_169 : i32 to index
          %parallel_loop3A_427 = arith.constant 0 : index
          %parallel_loop3A_428 = tpu.vector_load %arg17[%parallel_loop3A_426, %parallel_loop3A_427] {strides = array<i32>} : memref<40x16xf32, #tpu.memory_space<vmem>>, vector<16xf32>,
          tpu.vector_store %arg17[%parallel_loop3A_426, %parallel_loop3A_427], %parallel_loop3A_425 {strides = array<i32>} : memref<40x16xf32, #tpu.memory_space<vmem>>, vector<16xf32>,
        } {sc.loop_unroll_factor = 20 : i64, sc.parallel_access}
        "tpu.region"() ({
          %run_scoped3A = tpu.sem_alloc : memref<!tpu.dma_semaphore, #tpu.memory_space<semaphore_mem>>
          %dma_start3A_169 = arith.constant 0 : i32
          %dma_start3A_170 = tpu.memref_slice %arg10[%add3A_140, %dma_start3A_169] : memref<50x40xi32, #tpu.memory_space<vmem>> -> memref<1x40xi32, #tpu.memory_space<vmem>>
          %dma_start3A_171 = tpu.memref_squeeze %dma_start3A_170 : memref<1x40xi32, #tpu.memory_space<vmem>> -> memref<40xi32, #tpu.memory_space<vmem>>
          %dma_start3A_172 = arith.constant 0 : i32
          %dma_start3A_173 = arith.constant 0 : i32
          %dma_start3A_174 = tpu.memref_slice %arg18[%dma_start3A_172, %dma_start3A_173] : memref<10112x128xf32, #tpu.memory_space<vmem_shared>> -> memref<10112x128xf32, #tpu.memory_space<vmem_shared>>
          tpu.enqueue_indirect_dma source(%arg16 : memref<40x128xf32, #tpu.memory_space<vmem>>) target(%dma_start3A_174 : memref<10112x128xf32, #tpu.memory_space<vmem_shared>>) offsets(%dma_start3A_171 : memref<40xi32, #tpu.memory_space<vmem>>) semaphore(%run_scoped3A : memref<!tpu.dma_semaphore, #tpu.memory_space<semaphore_mem>>) {add = true}
          %dma_wait3A_175 = arith.constant 0 : i32
          %dma_wait3A_176 = tpu.memref_slice %arg10[%add3A_140, %dma_wait3A_175] : memref<50x40xi32, #tpu.memory_space<vmem>> -> memref<1x40xi32, #tpu.memory_space<vmem>>
          %dma_wait3A_177 = tpu.memref_squeeze %dma_wait3A_176 : memref<1x40xi32, #tpu.memory_space<vmem>> -> memref<40xi32, #tpu.memory_space<vmem>>
          %dma_wait3A_178 = arith.constant 0 : i32
          %dma_wait3A_179 = arith.constant 0 : i32
          %dma_wait3A_180 = tpu.memref_slice %arg18[%dma_wait3A_178, %dma_wait3A_179] : memref<10112x128xf32, #tpu.memory_space<vmem_shared>> -> memref<10112x128xf32, #tpu.memory_space<vmem_shared>>
          tpu.wait_indirect_dma semaphore(%run_scoped3A : memref<!tpu.dma_semaphore, #tpu.memory_space<semaphore_mem>>) src(%arg16 : memref<40x128xf32, #tpu.memory_space<vmem>>) dst(%dma_wait3A_180 : memref<10112x128xf32, #tpu.memory_space<vmem_shared>>)
          tpu.yield
        }) : () -> ()
        "tpu.region"() ({
          %run_scoped3A = tpu.sem_alloc : memref<!tpu.dma_semaphore, #tpu.memory_space<semaphore_mem>>
          %dma_start3A_169 = arith.constant 0 : i32
          %dma_start3A_170 = tpu.memref_slice %arg10[%add3A_140, %dma_start3A_169] : memref<50x40xi32, #tpu.memory_space<vmem>> -> memref<1x40xi32, #tpu.memory_space<vmem>>
          %dma_start3A_171 = tpu.memref_squeeze %dma_start3A_170 : memref<1x40xi32, #tpu.memory_space<vmem>> -> memref<40xi32, #tpu.memory_space<vmem>>
          %dma_start3A_172 = arith.constant 0 : i32
          %dma_start3A_173 = arith.constant 0 : i32
          %dma_start3A_174 = tpu.memref_slice %arg19[%dma_start3A_172, %dma_start3A_173] : memref<10112x16xf32, #tpu.memory_space<vmem_shared>> -> memref<10112x16xf32, #tpu.memory_space<vmem_shared>>
          tpu.enqueue_indirect_dma source(%arg17 : memref<40x16xf32, #tpu.memory_space<vmem>>) target(%dma_start3A_174 : memref<10112x16xf32, #tpu.memory_space<vmem_shared>>) offsets(%dma_start3A_171 : memref<40xi32, #tpu.memory_space<vmem>>) semaphore(%run_scoped3A : memref<!tpu.dma_semaphore, #tpu.memory_space<semaphore_mem>>) {add = true}
          %dma_wait3A_175 = arith.constant 0 : i32
          %dma_wait3A_176 = tpu.memref_slice %arg10[%add3A_140, %dma_wait3A_175] : memref<50x40xi32, #tpu.memory_space<vmem>> -> memref<1x40xi32, #tpu.memory_space<vmem>>
          %dma_wait3A_177 = tpu.memref_squeeze %dma_wait3A_176 : memref<1x40xi32, #tpu.memory_space<vmem>> -> memref<40xi32, #tpu.memory_space<vmem>>
          %dma_wait3A_178 = arith.constant 0 : i32
          %dma_wait3A_179 = arith.constant 0 : i32
          %dma_wait3A_180 = tpu.memref_slice %arg19[%dma_wait3A_178, %dma_wait3A_179] : memref<10112x16xf32, #tpu.memory_space<vmem_shared>> -> memref<10112x16xf32, #tpu.memory_space<vmem_shared>>
          tpu.wait_indirect_dma semaphore(%run_scoped3A : memref<!tpu.dma_semaphore, #tpu.memory_space<semaphore_mem>>) src(%arg17 : memref<40x16xf32, #tpu.memory_space<vmem>>) dst(%dma_wait3A_180 : memref<10112x16xf32, #tpu.memory_space<vmem_shared>>)
          tpu.yield
        }) : () -> ()
      }
      %scan3A_108 = arith.constant 25 : i32
    }
    %scan3A_76 = arith.constant 5 : i32
    %barrier3A_77 = arith.constant 0 : index
    tpu.barrier barrier_id(%barrier3A_77)
    "tpu.region"() ({
      %run_scoped3A = tpu.sem_alloc : memref<!tpu.dma_semaphore, #tpu.memory_space<semaphore_mem>>
      %dma_start3A = arith.constant 0 : i32
      %dma_start3A_78 = tpu.memref_slice %arg7[%arg0, %mul3A_7, %dma_start3A] : memref<2x10112x128xf32, #tpu.memory_space<hbm>> -> memref<1x632x128xf32, #tpu.memory_space<hbm>>
      %dma_start3A_79 = tpu.memref_squeeze %dma_start3A_78 : memref<1x632x128xf32, #tpu.memory_space<hbm>> -> memref<632x128xf32, #tpu.memory_space<hbm>>
      %dma_start3A_80 = arith.constant 0 : i32
      %dma_start3A_81 = tpu.memref_slice %arg18[%mul3A_7, %dma_start3A_80] : memref<10112x128xf32, #tpu.memory_space<vmem_shared>> -> memref<632x128xf32, #tpu.memory_space<vmem_shared>>
      tpu.enqueue_dma source(%dma_start3A_81 : memref<632x128xf32, #tpu.memory_space<vmem_shared>>) target(%dma_start3A_79 : memref<632x128xf32, #tpu.memory_space<hbm>>) target_semaphore(%run_scoped3A : memref<!tpu.dma_semaphore, #tpu.memory_space<semaphore_mem>>)
      %dma_wait3A = arith.constant 0 : i32
      %dma_wait3A_82 = tpu.memref_slice %arg7[%arg0, %mul3A_7, %dma_wait3A] : memref<2x10112x128xf32, #tpu.memory_space<hbm>> -> memref<1x632x128xf32, #tpu.memory_space<hbm>>
      %dma_wait3A_83 = tpu.memref_squeeze %dma_wait3A_82 : memref<1x632x128xf32, #tpu.memory_space<hbm>> -> memref<632x128xf32, #tpu.memory_space<hbm>>
      %dma_wait3A_84 = arith.constant 0 : i32
      %dma_wait3A_85 = tpu.memref_slice %arg18[%mul3A_7, %dma_wait3A_84] : memref<10112x128xf32, #tpu.memory_space<vmem_shared>> -> memref<632x128xf32, #tpu.memory_space<vmem_shared>>
      tpu.wait_dma2 semaphore(%run_scoped3A : memref<!tpu.dma_semaphore, #tpu.memory_space<semaphore_mem>>) src(%dma_wait3A_85 : memref<632x128xf32, #tpu.memory_space<vmem_shared>>) dst(%dma_wait3A_83 : memref<632x128xf32, #tpu.memory_space<hbm>>)
      tpu.yield
    }) : () -> ()
    "tpu.region"() ({
      %run_scoped3A = tpu.sem_alloc : memref<!tpu.dma_semaphore, #tpu.memory_space<semaphore_mem>>
      %dma_start3A = arith.constant 0 : i32
      %dma_start3A_78 = tpu.memref_slice %arg8[%arg0, %mul3A_7, %dma_start3A] : memref<2x10112x16xf32, #tpu.memory_space<hbm>> -> memref<1x632x16xf32, #tpu.memory_space<hbm>>
      %dma_start3A_79 = tpu.memref_squeeze %dma_start3A_78 : memref<1x632x16xf32, #tpu.memory_space<hbm>> -> memref<632x16xf32, #tpu.memory_space<hbm>>
      %dma_start3A_80 = arith.constant 0 : i32
      %dma_start3A_81 = tpu.memref_slice %arg19[%mul3A_7, %dma_start3A_80] : memref<10112x16xf32, #tpu.memory_space<vmem_shared>> -> memref<632x16xf32, #tpu.memory_space<vmem_shared>>
      tpu.enqueue_dma source(%dma_start3A_81 : memref<632x16xf32, #tpu.memory_space<vmem_shared>>) target(%dma_start3A_79 : memref<632x16xf32, #tpu.memory_space<hbm>>) target_semaphore(%run_scoped3A : memref<!tpu.dma_semaphore, #tpu.memory_space<semaphore_mem>>)
      %dma_wait3A = arith.constant 0 : i32
      %dma_wait3A_82 = tpu.memref_slice %arg8[%arg0, %mul3A_7, %dma_wait3A] : memref<2x10112x16xf32, #tpu.memory_space<hbm>> -> memref<1x632x16xf32, #tpu.memory_space<hbm>>
      %dma_wait3A_83 = tpu.memref_squeeze %dma_wait3A_82 : memref<1x632x16xf32, #tpu.memory_space<hbm>> -> memref<632x16xf32, #tpu.memory_space<hbm>>
      %dma_wait3A_84 = arith.constant 0 : i32
      %dma_wait3A_85 = tpu.memref_slice %arg19[%mul3A_7, %dma_wait3A_84] : memref<10112x16xf32, #tpu.memory_space<vmem_shared>> -> memref<632x16xf32, #tpu.memory_space<vmem_shared>>
      tpu.wait_dma2 semaphore(%run_scoped3A : memref<!tpu.dma_semaphore, #tpu.memory_space<semaphore_mem>>) src(%dma_wait3A_85 : memref<632x16xf32, #tpu.memory_space<vmem_shared>>) dst(%dma_wait3A_83 : memref<632x16xf32, #tpu.memory_space<hbm>>)
      tpu.yield
    }) : () -> ()
    return
  }
}

module attributes {stable_mosaic.version = 14 : i64} {
  func.func @_proj_body(%arg0: i32, %arg1: memref<1000x128xf32, #tpu.memory_space<vmem>>, %arg2: memref<128x384xf32, #tpu.memory_space<vmem>>, %arg3: memref<1x384xf32, #tpu.memory_space<vmem>>, %arg4: memref<1000x128xf32, #tpu.memory_space<vmem>>, %arg5: memref<1000x128xf32, #tpu.memory_space<vmem>>, %arg6: memref<1000x128xf32, #tpu.memory_space<vmem>>) attributes {dimension_semantics = [#tpu.dimension_semantics<arbitrary>], iteration_bounds = array<i64: 10>, scalar_prefetch = 0 : i64, scratch_operands = 0 : i64, tpu.core_type = #tpu.core_type<tc>, window_params = [{transform_indices = @transform_0, window_bounds = array<i64: 1000, 128>}, {pipeline_mode = #tpu.pipeline_mode<synchronous>, transform_indices = @transform_1, window_bounds = array<i64: 128, 384>}, {pipeline_mode = #tpu.pipeline_mode<synchronous>, transform_indices = @transform_2, window_bounds = array<i64: 1, 384>}, {transform_indices = @transform_3, window_bounds = array<i64: 1000, 128>}, {transform_indices = @transform_4, window_bounds = array<i64: 1000, 128>}, {transform_indices = @transform_5, window_bounds = array<i64: 1000, 128>}]} {
    %get3A = arith.constant 0 : index
    %get3A_0 = arith.constant 0 : index
    %get3A_1 = vector.load %arg1[%get3A, %get3A_0] : memref<1000x128xf32, #tpu.memory_space<vmem>>, vector<1000x128xf32>
    %get3A_2 = arith.constant 0 : index
    %get3A_3 = arith.constant 0 : index
    %get3A_4 = vector.load %arg2[%get3A_2, %get3A_3] : memref<128x384xf32, #tpu.memory_space<vmem>>, vector<128x384xf32>
    %dot_general3A = arith.constant dense<0.000000e+00> : vector<1000x384xf32>
    %dot_general3A_5 = tpu.matmul %get3A_1, %get3A_4, %dot_general3A {dimension_numbers = #tpu.dot_dimension_numbers<[1], [0], [0], [1], [0, 0, 1, 1], [], []>, transpose_lhs_hint = false} : vector<1000x128xf32>, vector<128x384xf32>, vector<1000x384xf32> -> vector<1000x384xf32>
    %get3A_6 = arith.constant 0 : index
    %get3A_7 = arith.constant 0 : index
    %get3A_8 = vector.load %arg3[%get3A_6, %get3A_7] : memref<1x384xf32, #tpu.memory_space<vmem>>, vector<1x384xf32>
    %add3A = vector.broadcast %get3A_8 : vector<1x384xf32> to vector<1000x384xf32>
    %add3A_9 = arith.addf %dot_general3A_5, %add3A : vector<1000x384xf32>
    %slice3A = vector.extract_strided_slice %add3A_9 {offsets = [0, 0], sizes = [1000, 128], strides = [1, 1]} : vector<1000x384xf32> to vector<1000x128xf32>
    %swap3A = arith.constant 0 : index
    %swap3A_10 = arith.constant 0 : index
    %swap3A_11 = vector.load %arg4[%swap3A, %swap3A_10] : memref<1000x128xf32, #tpu.memory_space<vmem>>, vector<1000x128xf32>
    tpu.vector_store %arg4[%swap3A, %swap3A_10], %slice3A {strides = array<i32>} : memref<1000x128xf32, #tpu.memory_space<vmem>>, vector<1000x128xf32>,
    %slice3A_12 = vector.extract_strided_slice %add3A_9 {offsets = [0, 128], sizes = [1000, 128], strides = [1, 1]} : vector<1000x384xf32> to vector<1000x128xf32>
    %swap3A_13 = arith.constant 0 : index
    %swap3A_14 = arith.constant 0 : index
    %swap3A_15 = vector.load %arg5[%swap3A_13, %swap3A_14] : memref<1000x128xf32, #tpu.memory_space<vmem>>, vector<1000x128xf32>
    tpu.vector_store %arg5[%swap3A_13, %swap3A_14], %slice3A_12 {strides = array<i32>} : memref<1000x128xf32, #tpu.memory_space<vmem>>, vector<1000x128xf32>,
    %slice3A_16 = vector.extract_strided_slice %add3A_9 {offsets = [0, 256], sizes = [1000, 128], strides = [1, 1]} : vector<1000x384xf32> to vector<1000x128xf32>
    %swap3A_17 = arith.constant 0 : index
    %swap3A_18 = arith.constant 0 : index
    %swap3A_19 = vector.load %arg6[%swap3A_17, %swap3A_18] : memref<1000x128xf32, #tpu.memory_space<vmem>>, vector<1000x128xf32>
    tpu.vector_store %arg6[%swap3A_17, %swap3A_18], %slice3A_16 {strides = array<i32>} : memref<1000x128xf32, #tpu.memory_space<vmem>>, vector<1000x128xf32>,
    return
  }
  func.func @transform_0(%arg0: i32) -> (i32, i32) {
    %c0_i32 = arith.constant 0 : i32
    %c0_i32_0 = arith.constant 0 : i32
    return %arg0, %c0_i32 : i32, i32
  }
  func.func @transform_1(%arg0: i32) -> (i32, i32) {
    %c0_i32 = arith.constant 0 : i32
    %c0_i32_0 = arith.constant 0 : i32
    %c0_i32_1 = arith.constant 0 : i32
    return %c0_i32, %c0_i32_0 : i32, i32
  }
  func.func @transform_2(%arg0: i32) -> (i32, i32) {
    %c0_i32 = arith.constant 0 : i32
    %c0_i32_0 = arith.constant 0 : i32
    %c0_i32_1 = arith.constant 0 : i32
    return %c0_i32, %c0_i32_0 : i32, i32
  }
  func.func @transform_3(%arg0: i32) -> (i32, i32) {
    %c0_i32 = arith.constant 0 : i32
    %c0_i32_0 = arith.constant 0 : i32
    return %arg0, %c0_i32 : i32, i32
  }
  func.func @transform_4(%arg0: i32) -> (i32, i32) {
    %c0_i32 = arith.constant 0 : i32
    %c0_i32_0 = arith.constant 0 : i32
    return %arg0, %c0_i32 : i32, i32
  }
  func.func @transform_5(%arg0: i32) -> (i32, i32) {
    %c0_i32 = arith.constant 0 : i32
    %c0_i32_0 = arith.constant 0 : i32
    return %arg0, %c0_i32 : i32, i32
  }
}

module attributes {stable_mosaic.version = 14 : i64} {
  func.func @_combine_body(%arg0: i32, %arg1: memref<1264x128xf32, #tpu.memory_space<vmem>>, %arg2: memref<1264x128xf32, #tpu.memory_space<vmem>>, %arg3: memref<1264x16xf32, #tpu.memory_space<vmem>>, %arg4: memref<1264x16xf32, #tpu.memory_space<vmem>>, %arg5: memref<16x128xf32, #tpu.memory_space<vmem>>, %arg6: memref<1264x128xf32, #tpu.memory_space<vmem>>) attributes {dimension_semantics = [#tpu.dimension_semantics<arbitrary>], iteration_bounds = array<i64: 8>, scalar_prefetch = 0 : i64, scratch_operands = 0 : i64, tpu.core_type = #tpu.core_type<tc>, window_params = [{transform_indices = @transform_0, window_bounds = array<i64: 1264, 128>}, {transform_indices = @transform_1, window_bounds = array<i64: 1264, 128>}, {transform_indices = @transform_2, window_bounds = array<i64: 1264, 16>}, {transform_indices = @transform_3, window_bounds = array<i64: 1264, 16>}, {pipeline_mode = #tpu.pipeline_mode<synchronous>, transform_indices = @transform_4, window_bounds = array<i64: 16, 128>}, {transform_indices = @transform_5, window_bounds = array<i64: 1264, 128>}]} {
    %get3A = arith.constant 0 : index
    %get3A_0 = arith.constant 0 : index
    %get3A_1 = vector.load %arg1[%get3A, %get3A_0] : memref<1264x128xf32, #tpu.memory_space<vmem>>, vector<1264x128xf32>
    %get3A_2 = arith.constant 0 : index
    %get3A_3 = arith.constant 0 : index
    %get3A_4 = vector.load %arg2[%get3A_2, %get3A_3] : memref<1264x128xf32, #tpu.memory_space<vmem>>, vector<1264x128xf32>
    %add3A = arith.addf %get3A_1, %get3A_4 : vector<1264x128xf32>
    %get3A_5 = arith.constant 0 : index
    %get3A_6 = arith.constant 0 : index
    %get3A_7 = vector.load %arg3[%get3A_5, %get3A_6] : memref<1264x16xf32, #tpu.memory_space<vmem>>, vector<1264x16xf32>
    %get3A_8 = arith.constant 0 : index
    %get3A_9 = arith.constant 0 : index
    %get3A_10 = vector.load %arg4[%get3A_8, %get3A_9] : memref<1264x16xf32, #tpu.memory_space<vmem>>, vector<1264x16xf32>
    %add3A_11 = arith.addf %get3A_7, %get3A_10 : vector<1264x16xf32>
    %get3A_12 = arith.constant 0 : index
    %get3A_13 = arith.constant 0 : index
    %get3A_14 = vector.load %arg5[%get3A_12, %get3A_13] : memref<16x128xf32, #tpu.memory_space<vmem>>, vector<16x128xf32>
    %dot_general3A = arith.constant dense<0.000000e+00> : vector<1264x128xf32>
    %dot_general3A_15 = tpu.matmul %add3A_11, %get3A_14, %dot_general3A {dimension_numbers = #tpu.dot_dimension_numbers<[1], [0], [0], [1], [0, 0, 1, 1], [], []>, transpose_lhs_hint = false} : vector<1264x16xf32>, vector<16x128xf32>, vector<1264x128xf32> -> vector<1264x128xf32>
    %add3A_16 = arith.constant 9.99999997E-7 : f32
    %add3A_17 = vector.broadcast %add3A_16 : f32 to vector<1264x128xf32>
    %add3A_18 = arith.addf %dot_general3A_15, %add3A_17 : vector<1264x128xf32>
    %div3A = arith.divf %add3A, %add3A_18 : vector<1264x128xf32>
    %swap3A = arith.constant 0 : index
    %swap3A_19 = arith.constant 0 : index
    %swap3A_20 = vector.load %arg6[%swap3A, %swap3A_19] : memref<1264x128xf32, #tpu.memory_space<vmem>>, vector<1264x128xf32>
    tpu.vector_store %arg6[%swap3A, %swap3A_19], %div3A {strides = array<i32>} : memref<1264x128xf32, #tpu.memory_space<vmem>>, vector<1264x128xf32>,
    return
  }
  func.func @transform_0(%arg0: i32) -> (i32, i32) {
    %c0_i32 = arith.constant 0 : i32
    %c0_i32_0 = arith.constant 0 : i32
    return %arg0, %c0_i32 : i32, i32
  }
  func.func @transform_1(%arg0: i32) -> (i32, i32) {
    %c0_i32 = arith.constant 0 : i32
    %c0_i32_0 = arith.constant 0 : i32
    return %arg0, %c0_i32 : i32, i32
  }
  func.func @transform_2(%arg0: i32) -> (i32, i32) {
    %c0_i32 = arith.constant 0 : i32
    %c0_i32_0 = arith.constant 0 : i32
    return %arg0, %c0_i32 : i32, i32
  }
  func.func @transform_3(%arg0: i32) -> (i32, i32) {
    %c0_i32 = arith.constant 0 : i32
    %c0_i32_0 = arith.constant 0 : i32
    return %arg0, %c0_i32 : i32, i32
  }
  func.func @transform_4(%arg0: i32) -> (i32, i32) {
    %c0_i32 = arith.constant 0 : i32
    %c0_i32_0 = arith.constant 0 : i32
    %c0_i32_1 = arith.constant 0 : i32
    return %c0_i32, %c0_i32_0 : i32, i32
  }
  func.func @transform_5(%arg0: i32) -> (i32, i32) {
    %c0_i32 = arith.constant 0 : i32
    %c0_i32_0 = arith.constant 0 : i32
    return %arg0, %c0_i32 : i32, i32
  }
}

</mosaic_0001>

<sc_bundles>
// kernel: kernel.5.cloned.1.call-start
scs
__scs_entry_jumppad:
0x0: {  	(pc) =	sbr.rel $0x88, $3  }
0x1: {  	(tag) =	ssettag $0x0;
	lr =	simm.s32 $0x1  }
0x2: {  	[smem:$0x3F99] =	sst lr;
	_ =	strace $0xD0000000  }
0x3: {  	_ = 	snop  }
0x4: {  	_ = 	snop  }
0x5: {  	_ = 	snop  }
0x6: {  	_ = 	snop  }
0x7: {  	_ = 	snop  }
__scs_overlays_trampoline_lowered:
0x8: {  	[smem:$0x3FA8] =	sst s0  }
0x9: {  	[smem:$0x3FA9] =	sst s1  }
0xa: {  	[smem:$0x3FAA] =	sst s2  }
0xb: {  	[smem:$0x3FAB] =	sst s3  }
0xc: {  	[smem:$0x3FAC] =	sst s4  }
0xd: {  	[smem:$0x3FAD] =	sst s5  }
0xe: {  	[smem:$0x3FAE] =	sst s6  }
0xf: {  	[smem:$0x3FAF] =	sst s7  }
0x10: {  	[smem:$0x3FB0] =	sst s8  }
0x11: {  	[smem:$0x3FB1] =	sst s9;
	s0 =	simm.s32 @!p0 $0x0  }
0x12: {  	s1 =	sld [smem:$0x3F97];
	s0 =	simm.s32 @p0 $0x1  }
0x13: {  	[smem:$0x3FB2] =	sst s0;
	s0 =	simm.s32 @!p1 $0x0  }
0x14: {  	s2 =	sld [smem:$0x3F96];
	s0 =	simm.s32 @p1 $0x1  }
0x15: {  	[smem:$0x3FB3] =	sst s0;
	s0 =	simm.s32 @!p2 $0x0  }
0x16: {  	s3 =	sld [smem:$0x3FDB];
	s0 =	simm.s32 @p2 $0x1  }
0x17: {  	s4 =	simm.s32 $0x1BF5;
	[smem:$0x3FB5] =	sst s0  }
0x18: {  	s0 =	sld [smem:$0x3F98];
	_ =	swait.ge [sflag:s4], $0x0  }
0x19: {  	s7 =	sld [smem:$0x3F99]  }
0x1a: {  	s8 =	sadd.s32 $0xFFFFE003, lr  }
0x1b: {  	s9 =	sadd.s32 $0xFFFFFEF7, lr;
	s5 =	simm.s32 $0xFFFFFFFF;
	p2 =	slt.u32 s8, $0xFFFFF086  }
0x1c: {  	p1 =	slt.u32 s9, $0xF7A;
	s5 =	simm.s32 @!p2 $0x0  }
0x1d: {  	s5 =	simm.s32 @p1 $0x1;
	p0 =	seq.s32 s7, s2  }
0x1e: {  	s7 =	smul.u32 @!p0 $0xF7A, s2;
	p2 =	seq.s32 @!p0 s5, $0x0  }
0x1f: {  	s9 =	smul.u32 $0xF7A, s1;
	s8 =	simm.s32 @!p0 $0x1BF5;
	p2 =	por !p2, p0  }
0x20: {  	[sflag:s8] =	ssyncset.s32 @!p0 $0xFFFFF086;
	s6 =	sadd.s32 @!p0 s3, s7;
	s7 =	simm.s32 @!p0 $0x108  }
0x21: {  	s3 =	sadd.s32 s3, s9;
	s6 =	sadd.s32 @!p0 $0x88, s6;
	s7 =	simm.s32 @p2 $0x1082  }
0x22: {  	[simem:s7], [sflag:s8] =	dma.local @!p0 [hbm:s6], $0xF7A  }
0x23: {  	s9 =	sor.u32 $0xD0000000, s2;
	s6 =	simm.s32 $0x108;
	_ =	swait.ge @!p0 [sflag:s8], $0x0  }
0x24: {  	s3 =	sadd.s32 $0x88, s3;
	s6 =	simm.s32 @!p1 $0x1082;
	[sflag:s4] =	ssyncset.s32 $0xFFFFF086  }
0x25: {  	[simem:s6], [sflag:s4] =	dma.local [hbm:s3], $0xF7A  }
0x26: {  	[smem:$0x3F99] =	sst s1;
	(tag) =	ssettag s2;
	_ =	strace s9  }
0x27: {  	s1 =	sld [smem:$0x3FA9]  }
0x28: {  	s2 =	sld [smem:$0x3FAA]  }
0x29: {  	s4 =	sld [smem:$0x3FAC]  }
0x2a: {  	p0 =	seq.s32 s5, $0x0;
	s5 =	sld [smem:$0x3FAD]  }
0x2b: {  	s6 =	sld [smem:$0x3FAE]  }
0x2c: {  	s7 =	sld [smem:$0x3FAF]  }
0x2d: {  	s3 =	simm.s32 $0x108;
	s8 =	sld [smem:$0x3FB0]  }
0x2e: {  	s3 =	simm.s32 @!p0 $0x1082;
	s9 =	sld [smem:$0x3FB1]  }
0x2f: {  	lr =	sadd.s32 s0, s3;
	s0 =	sld [smem:$0x3FA8]  }
0x30: {  	s3 =	sld [smem:$0x3FAB]  }
0x31: {  	[smem:$0x3FB4] =	sst s10  }
0x32: {  	s10 =	sld [smem:$0x3FB2];
	_ =	sdelay $0x3  }
0x33: {  	p0 =	seq.s32 s10, $0x1;
	s10 =	sld [smem:$0x3FB4];
	_ =	sdelay $0x3  }
0x34: {  	[smem:$0x3FB4] =	sst s10  }
0x35: {  	s10 =	sld [smem:$0x3FB3];
	_ =	sdelay $0x3  }
0x36: {  	p1 =	seq.s32 s10, $0x1;
	s10 =	sld [smem:$0x3FB4];
	_ =	sdelay $0x3  }
0x37: {  	[smem:$0x3FB4] =	sst s10  }
0x38: {  	s10 =	sld [smem:$0x3FB5]  }
0x39: {  	_ = 	snop;
	(pc) =	sbr.ind lr, $3  }
0x3a: {  	_ = 	snop  }
0x3b: {  	_ = 	snop  }
0x3c: {  	p2 =	seq.s32 s10, $0x1;
	s10 =	sld [smem:$0x3FB4]  }
0x3d: {  	_ =	shalt  }
0x3e: {  	_ =	shalt  }
0x3f: {  	_ =	shalt  }
0x40: {  	_ =	shalt  }
0x41: {  	_ =	shalt  }
0x42: {  	_ =	shalt  }
0x43: {  	_ =	shalt  }
0x44: {  	_ =	shalt  }
0x45: {  	_ =	shalt  }
0x46: {  	_ =	shalt  }
0x47: {  	_ =	shalt  }
0x48: {  	_ =	shalt  }
0x49: {  	_ =	shalt  }
0x4a: {  	_ =	shalt  }
0x4b: {  	_ =	shalt  }
0x4c: {  	_ =	shalt  }
0x4d: {  	_ =	shalt  }
0x4e: {  	_ =	shalt  }
0x4f: {  	_ =	shalt  }
0x50: {  	_ =	shalt  }
0x51: {  	_ =	shalt  }
0x52: {  	_ =	shalt  }
0x53: {  	_ =	shalt  }
0x54: {  	_ =	shalt  }
0x55: {  	_ =	shalt  }
0x56: {  	_ =	shalt  }
0x57: {  	_ =	shalt  }
0x58: {  	_ =	shalt  }
0x59: {  	_ =	shalt  }
0x5a: {  	_ =	shalt  }
0x5b: {  	_ =	shalt  }
0x5c: {  	_ =	shalt  }
0x5d: {  	_ =	shalt  }
0x5e: {  	_ =	shalt  }
0x5f: {  	_ =	shalt  }
0x60: {  	_ =	shalt  }
0x61: {  	_ =	shalt  }
0x62: {  	_ =	shalt  }
0x63: {  	_ =	shalt  }
0x64: {  	_ =	shalt  }
0x65: {  	_ =	shalt  }
0x66: {  	_ =	shalt  }
0x67: {  	_ =	shalt  }
0x68: {  	_ =	shalt  }
0x69: {  	_ =	shalt  }
0x6a: {  	_ =	shalt  }
0x6b: {  	_ =	shalt  }
0x6c: {  	_ =	shalt  }
0x6d: {  	_ =	shalt  }
0x6e: {  	_ =	shalt  }
0x6f: {  	_ =	shalt  }
0x70: {  	_ =	shalt  }
0x71: {  	_ =	shalt  }
0x72: {  	_ =	shalt  }
0x73: {  	_ =	shalt  }
0x74: {  	_ =	shalt  }
0x75: {  	_ =	shalt  }
0x76: {  	_ =	shalt  }
0x77: {  	_ =	shalt  }
0x78: {  	_ =	shalt  }
0x79: {  	_ =	shalt  }
0x7a: {  	_ =	shalt  }
0x7b: {  	_ =	shalt  }
0x7c: {  	_ =	shalt  }
0x7d: {  	_ =	shalt  }
0x7e: {  	_ =	shalt  }
0x7f: {  	_ =	shalt  }
0x80: {  	_ =	shalt  }
0x81: {  	_ =	shalt  }
0x82: {  	_ =	shalt  }
0x83: {  	_ =	shalt  }
0x84: {  	_ =	shalt  }
0x85: {  	_ =	shalt  }
0x86: {  	_ =	shalt  }
0x87: {  	_ =	shalt  }
.Lfunc_end0:
.L_simem_size_0:
called_computation_lowered:
.L_overlay_start_0:
0x88: {  	s2 =	sld [smem:$0x3FD9]  }
0x89: {  	s3 =	sld [smem:$0x3FFE];
	_ =	sdelay $0x1  }
0x8a: {  	s1 =	srdreg.scid  }
0x8b: {  	s0 =	sand.u32 $0x1, s1  }
0x8c: {  	s17 =	sshll.u32 s0, $0xA;
	s2 =	sadd.s32 s3, s2  }
0x8d: {  	s2 =	sadd.s32 s2, s17  }
0x8e: {  	[smem:$0x3FC0] =	sst s2  }
0x8f: {  	_ = 	snop  }
0x90: {  	s2 =	sld [smem:$0x3FD0];
	(tm) =	ssettm $0x1  }
0x91: {  	s18 =	sld [smem:$0x3FFB];
	_ =	sdelay $0x3  }
0x92: {  	_ =	strace s18  }
0x93: {  	s3 =	sld [smem:$0x3FFC];
	_ =	sdelay $0x3  }
0x94: {  	_ =	strace s3  }
0x95: {  	s3 =	sld [smem:$0x3FFD];
	_ =	sdelay $0x3  }
0x96: {  	_ =	strace s3  }
0x97: {  	_ =	strace $0x8FFFFFFF  }
0x98: {  	s19 =	sld [smem:$0x3FDB];
	_ =	sdelay $0x1  }
0x99: {  	s4 =	simm.s32 $_scs_section_size  }
0x9a: {  	s5 =	simm.s32 $_size__tile_overlayer_lowered;
	s6 =	simm.s32 $_tile_overlayer_lowered  }
0x9b: {  	s22 =	simm.s32 $0x1BFF;
	s21 =	sshll.u32 s6, $0x1;
	s3 =	sadd.s32 s4, s19  }
0x9c: {  	s7 =	simm.s32 $0x0;
	s20 =	sshll.u32 s5, $0x1;
	s5 =	sadd.s32 s21, s3  }
0x9d: {  	[timem:s7], [sflag:s22] =	dma.local [hbm:s5], s20  }
0x9e: {  	_ =	swait.ge [sflag:s22], s20  }
0x9f: {  	s4 =	ssub.s32 $0x0, s20;
	[sflag:s22] =	ssyncset.done $0x0  }
0xa0: {  	[sflag:s22] =	ssyncadd.s32 s4;
	_ =	sdelay $0x1  }
0xa1: {  	s23 =	simm.s32 $0x1B8B  }
0xa2: {  	_ =	swait.ge [sflag:s23], $0x1  }
0xa3: {  	[sflag:s23] =	ssyncset.done $0x0  }
0xa4: {  	s25 =	simm.s32 $0x1B8E;
	s24 =	sld [smem:$0x3FFE];
	[sflag:s23] =	ssyncadd.s32 $0xFFFFFFFF  }
0xa5: {  	s26 =	simm.s32 $execute0_lowered;
	[smem:$0x3FD2] =	sst s25  }
0xa6: {  	s5 =	sshll.u32 s26, $0x1;
	_ =	strace $0x80000046;
	[dreg:$0x1] =	wrdreg $0xFFFFFFFF  }
0xa7: {  	s28 =	simm.s32 $_size_execute0_lowered;
	s3 =	sadd.s32 s3, s5;
	[dreg:$0x0] =	wrdreg $0x0  }
0xa8: {  	s5 =	sshll.u32 s28, $0x1;
	[dreg:$0x2] =	wrdreg s3  }
0xa9: {  	[dreg:$0x3] =	wrdreg s5  }
0xaa: {  	[dreg:$0x4] =	wrdreg $0xC0  }
0xab: {  	_ =	task [dreg:s7], $0x5FFFF  }
0xac: {  	[dreg:$0x1] =	wrdreg $0xFFFFFFFF  }
0xad: {  	[dreg:$0x0] =	wrdreg $0x60  }
0xae: {  	[dreg:$0x2] =	wrdreg s2  }
0xaf: {  	[dreg:$0x3] =	wrdreg s24  }
0xb0: {  	[dreg:$0x4] =	wrdreg $0x8A200  }
0xb1: {  	[dreg:$0x5] =	wrdreg $0x1C6200  }
0xb2: {  	[dreg:$0x6] =	wrdreg $0x9  }
0xb3: {  	_ =	task.clear_ibuf [dreg:s7], $0x7FFFF;
	_ =	strace $0x90000046  }
0xb4: {  	s29 =	simm.s32 $0x9;
	_ =	strace $0x80000048  }
0xb5: {  	_ =	swait.ge [sflag:s29], $0x1  }
0xb6: {  	[sflag:s29] =	ssyncadd.s32 $0xFFFFFFFF  }
0xb7: {  	_ =	strace $0x90000048  }
0xb8: {  	_ =	sfence  }
0xb9: {  	s30 =	sld [smem:$0x0];
	_ =	sdelay $0x2  }
0xba: {  	s31 =	sshll.u32 s1, $0xD;
	s1 =	sshrl.u32 s1, $0x2  }
0xbb: {  	s3 =	sand.u32 $0x4000, s31;
	s1 =	sadd.s32 s1, s30  }
0xbc: {  	s0 =	sor.u32 s3, s0;
	s1 =	sshll.u32 s1, $0x11  }
0xbd: {  	s0 =	sor.u32 s1, s0  }
0xbe: {  	s0 =	sadd.s32 $0x8F2B, s0  }
0xbf: {  	[sflag:s0] =	ssyncadd.remote.s32 $0x1  }
0xc0: {  	_ =	sfence.sel $0xFFFF  }
0xc1: {  	[dreg:$0x0] =	wrdreg $0xFFFFFFFF;
	(pc) =	sbr.abs _section_cstart, $3  }
0xc2: {  	[dreg:$0x1] =	wrdreg $0xFFFFFFFF  }
0xc3: {  	_ =	task.clear_ibuf [dreg:s7], $0x2FFFF;
	_ =	strace $0x9FFFFFFF  }
0xc4: {  	(tm) =	ssettm $0x7FFFFFFF  }
0xc5: {  	_ =	shalt  }
tec
execute0_lowered:
.L_overlay_start_1:
0x0: {  	(tag) =	ssettag $0x1  }
0x1: {  	s1 =	rddreg [dreg:$0x0]  }
0x2: {  	s2 =	rddreg [dreg:$0x1]  }
0x3: {  	s3 =	rddreg [dreg:$0x2]  }
0x4: {  	s0 =	srdreg.scid;
	s9 =	stileid.u32  }
0x5: {  	s4 =	rddreg [dreg:$0x3];
	s16 =	simm.s32 $0x0;
	s28 =	simm.s32 $0x87A0  }
0x6: {  	s30 =	simm.s32 $0x28;
	s8 =	sand.u32 $0x1, s0;
	s10 =	smul.u32 $0x13C00, s9  }
0x7: {  	[smem:$0x7FF] =	sst s16;
	s11 =	smul.u32 $0x2780, s9;
	s6 =	sadd.s32 $0x15200, s2  }
0x8: {  	s7 =	sadd.s32 $0x3C400, s2;
	s14 =	sshll.u32 s9, $0x1;
	s9 =	smul.u32 $0x278, s9  }
0x9: {  	s12 =	sadd.s32 $0xB400, s2;
	s29 =	sadd.s32 $0x1600, s2;
	s0 =	smul.u32 $0x13C000, s8  }
0xa: {  	_ =	strace $0x80000047;
	s5 =	smul.u32 $0x27800, s8;
	[dreg:$0x6] =	wrdreg s12  }
0xb: {  	[dreg:$0x7] =	wrdreg s29;
	s31 =	ssub.s32 $0x2, s8;
	s8 =	sor.u32 s8, s14  }
0xc: {  	s13 =	sshrl.u32 s31, $0x1;
	s17 =	sadd.s32 s10, s3;
	s18 =	sadd.s32 s11, s4  }
0xd: {  	s14 =	sadd.s32 $0x28, s9;
	s19 =	sadd.s32 $0x50, s9;
	s22 =	sadd.s32 $0x78, s9  }
0xe: {  	s25 =	sadd.s32 $0xA0, s9;
	s29 =	sadd.s32 $0xC8, s9;
	s12 =	sadd.s32 $0xF0, s9  }
0xf: {  	s8 =	smul.u32 $0xFA, s8;
	s0 =	sadd.s32 s10, s0;
	s5 =	sadd.s32 s11, s5  }
0x10: {  	s15 =	sshll.u32 s14, $0x7;
	s10 =	sshll.u32 s14, $0x4;
	s20 =	sshll.u32 s19, $0x7  }
0x11: {  	s21 =	sshll.u32 s19, $0x4;
	s23 =	sshll.u32 s22, $0x7;
	[dreg:$0x8] =	wrdreg s17  }
0x12: {  	s26 =	sshll.u32 s25, $0x7;
	[dreg:$0x9] =	wrdreg s18;
	s0 =	sshrl.u32 s0, $0x3  }
0x13: {  	s5 =	sshrl.u32 s5, $0x3;
	s11 =	sadd.s32 s15, s3;
	s10 =	sadd.s32 s10, s4  }
0x14: {  	s15 =	sadd.s32 $0x118, s9;
	[smem:$0x7FA] =	sst s8;
	s0 =	sadd.s32 s0, s2  }
0x15: {  	s2 =	sadd.s32 s5, s2;
	s5 =	ssub.s32 s31, s13;
	[dreg:$0xa] =	wrdreg s11  }
0x16: {  	[dreg:$0xb] =	wrdreg s10;
	s10 =	sadd.s32 s20, s3;
	s11 =	sshll.u32 s22, $0x4  }
0x17: {  	s31 =	sshll.u32 s29, $0x7;
	s13 =	sshll.u32 s12, $0x7;
	s19 =	sshll.u32 s15, $0x7  }
0x18: {  	s20 =	sadd.s32 $0x140, s9;
	[dreg:$0xc] =	wrdreg s10;
	s10 =	sadd.s32 s21, s4  }
0x19: {  	s24 =	sadd.s32 s11, s4;
	s11 =	sadd.s32 s26, s3;
	s21 =	sshll.u32 s20, $0x7  }
0x1a: {  	s22 =	sshll.u32 s20, $0x4;
	s26 =	sadd.s32 $0x190, s9;
	[dreg:$0xd] =	wrdreg s10  }
0x1b: {  	s0 =	sadd.s32 $0x63600, s0;
	s10 =	sadd.s32 s23, s3;
	[dreg:$0xf] =	wrdreg s24  }
0x1c: {  	[dreg:$0x10] =	wrdreg s11;
	s11 =	sshll.u32 s29, $0x4;
	s23 =	sadd.s32 $0x168, s9  }
0x1d: {  	s29 =	sshll.u32 s26, $0x7;
	[dreg:$0xe] =	wrdreg s10;
	s10 =	sshll.u32 s25, $0x4  }
0x1e: {  	[smem:$0x7FB] =	sst s0;
	s0 =	simm.s32 $0x4BA0;
	s10 =	sadd.s32 s10, s4  }
0x1f: {  	s24 =	sshll.u32 s23, $0x7;
	[dreg:$0x11] =	wrdreg s10;
	s10 =	sadd.s32 s31, s3  }
0x20: {  	s31 =	sadd.s32 $0x1B8, s9;
	[dreg:$0x12] =	wrdreg s10;
	s10 =	sadd.s32 s11, s4  }
0x21: {  	s11 =	sshll.u32 s12, $0x4;
	[dreg:$0x13] =	wrdreg s10;
	s10 =	sadd.s32 s13, s3  }
0x22: {  	s14 =	sadd.s32 s11, s4;
	s11 =	sadd.s32 s19, s3;
	[dreg:$0x14] =	wrdreg s10  }
0x23: {  	s13 =	sshll.u32 s31, $0x7;
	[dreg:$0x15] =	wrdreg s14;
	s10 =	sshll.u32 s15, $0x4  }
0x24: {  	[dreg:$0x16] =	wrdreg s11;
	s14 =	sshll.u32 s31, $0x4;
	s31 =	smax.u32 s5, $0x1  }
0x25: {  	s11 =	sshll.u32 s23, $0x4;
	s10 =	sadd.s32 s10, s4;
	[smem:$0x7FD] =	sst s31  }
0x26: {  	s12 =	simm.s32 $0x5FA0;
	s25 =	sadd.s32 s11, s4;
	[dreg:$0x17] =	wrdreg s10  }
0x27: {  	s15 =	sadd.s32 $0x1E0, s9;
	s11 =	sadd.s32 s29, s3;
	[dreg:$0x1b] =	wrdreg s25  }
0x28: {  	s23 =	sadd.s32 $0x230, s9;
	s29 =	sadd.s32 $0xB2600, s2;
	[dreg:$0x1c] =	wrdreg s11  }
0x29: {  	s19 =	sshll.u32 s15, $0x7;
	s10 =	sadd.s32 s21, s3;
	[smem:$0x7FC] =	sst s29  }
0x2a: {  	s11 =	sshll.u32 s15, $0x4;
	[dreg:$0x18] =	wrdreg s10;
	s10 =	sadd.s32 s22, s4  }
0x2b: {  	s21 =	sadd.s32 $0x208, s9;
	s20 =	sadd.s32 s11, s4;
	[dreg:$0x19] =	wrdreg s10  }
0x2c: {  	s22 =	sshll.u32 s21, $0x7;
	s10 =	sadd.s32 s24, s3;
	[smem:$0x7F3] =	sst s20  }
0x2d: {  	s11 =	sadd.s32 s22, s3;
	[dreg:$0x1a] =	wrdreg s10;
	s10 =	sshll.u32 s26, $0x4  }
0x2e: {  	s2 =	simm.s32 $0x37A0;
	[smem:$0x7F4] =	sst s11;
	s10 =	sadd.s32 s10, s4  }
0x2f: {  	s9 =	sadd.s32 $0x258, s9;
	[dreg:$0x1d] =	wrdreg s10;
	s10 =	sadd.s32 s13, s3  }
0x30: {  	s26 =	sshll.u32 s9, $0x7;
	[dreg:$0x1e] =	wrdreg s10;
	s10 =	sadd.s32 s14, s4  }
0x31: {  	s9 =	sshll.u32 s9, $0x4;
	[dreg:$0x1f] =	wrdreg s10;
	s10 =	sadd.s32 s19, s3  }
0x32: {  	s9 =	sadd.s32 s9, s4;
	[smem:$0x7F2] =	sst s10;
	s10 =	sshll.u32 s21, $0x4  }
0x33: {  	s24 =	sshll.u32 s23, $0x7;
	[smem:$0x7F9] =	sst s9;
	s10 =	sadd.s32 s10, s4  }
0x34: {  	v0 =	vimm.f32 $0.0e+00;
	s25 =	sshll.u32 s23, $0x4;
	[smem:$0x7F5] =	sst s10;
	s10 =	sadd.s32 s24, s3  }
0x35: {  	v1 =	vimm.s32 $0xF;
	vm0 =	vmmov $0x1;
	vm1 =	vcmask $0x320;
	s15 =	simm.s32 $0x2;
	[smem:$0x7F6] =	sst s10;
	s10 =	sadd.s32 s25, s4  }
0x36: {  	vm2 =	vcmask $0x720;
	vm3 =	vcmask $0xB20;
	vm4 =	vcmask $0xF20;
	s13 =	simm.s32 $0x73A0;
	[smem:$0x7F7] =	sst s10;
	s10 =	sadd.s32 s26, s3  }
0x37: {  	vm5 =	vcmask $0x1320;
	vm6 =	vcmask $0x1720;
	vm7 =	vcmask $0x1B20;
	s14 =	simm.s32 $0x1;
	s26 =	simm.s32 $0x3;
	[smem:$0x7F8] =	sst s10  }
.LBB2_1:
0x38: {  	s5 =	simm.s32 $0xFE0  }
0x39: {  	[tilespmem:s5+$0xFFFFFFD0] =	vst v0  }
0x3a: {  	[tilespmem:s5+$0xFFFFFFE0] =	vst v0  }
0x3b: {  	[tilespmem:s5+$0xFFFFFFF0] =	vst v0  }
0x3c: {  	[tilespmem:s5+$0x0] =	vst v0  }
0x3d: {  	[tilespmem:s5+$0x10] =	vst v0  }
0x3e: {  	[tilespmem:s5+$0x20] =	vst v0  }
0x3f: {  	[tilespmem:s5+$0x30] =	vst v0  }
0x40: {  	[dreg:$0x5] =	wrdreg s16;
	s9 =	simm.s32 $0x0;
	s8 =	simm.s32 $0x40;
	[tilespmem:s5+$0xFFFFFFC0] =	vst v0  }
.LBB2_2:
0x41: {  	p0 =	sne.s32 s8, $0x9C0;
	[tilespmem:s9+$0x87A0] =	vst v0;
	s5 =	sadd.s32 $0x80, s5  }
0x42: {  	[tilespmem:s5+$0xFFFFFFD0] =	vst v0  }
0x43: {  	[tilespmem:s5+$0xFFFFFFE0] =	vst v0  }
0x44: {  	[tilespmem:s5+$0xFFFFFFF0] =	vst v0  }
.Ltmp0:
0x45: {  	[tilespmem:s5+$0x0] =	vst v0;
	(pc) =	sbr.rel @p0 .LBB2_2-.Ltmp0, $4  }
0x46: {  	[tilespmem:s5+$0x10] =	vst v0  }
0x47: {  	[tilespmem:s5+$0x20] =	vst v0  }
0x48: {  	[tilespmem:s5+$0x30] =	vst v0  }
0x49: {  	s9 =	sshra.s32 s8, $0x2;
	s8 =	sadd.s32 $0x40, s8;
	[tilespmem:s5+$0xFFFFFFC0] =	vst v0  }
0x4a: {  	[tilespmem:s9+$0x87A0] =	vst v0;
	s8 =	simm.s32 $0xFA0  }
0x4b: {  	[spmem:s17] =	stream.linear.scatter [tilespmem:s8], [sflag:$0x3], $0x1400, $0x38;
	[tilespmem:$0x1EDA0] =	vst v63  }
0x4c: {  	_ =	swait.ge [sflag:s26], $0x1400  }
0x4d: {  	[sflag:s26] =	ssyncset.done $0x0  }
0x4e: {  	[sflag:s26] =	ssyncadd.s32 $0xFFFFEC00  }
0x4f: {  	[spmem:s18] =	stream.linear.scatter [tilespmem:s28], [sflag:$0x3], $0x280, $0x38;
	[tilespmem:$0x1EDA0] =	vst v63  }
0x50: {  	_ =	swait.ge [sflag:s26], $0x280  }
0x51: {  	[sflag:s26] =	ssyncset.done $0x0  }
0x52: {  	s5 =	rddreg [dreg:$0xa];
	[sflag:s26] =	ssyncadd.s32 $0xFFFFFD80  }
0x53: {  	[spmem:s5] =	stream.linear.scatter [tilespmem:s8], [sflag:$0x3], $0x1400, $0x38;
	[tilespmem:$0x1EDA0] =	vst v63  }
0x54: {  	_ =	swait.ge [sflag:s26], $0x1400  }
0x55: {  	[sflag:s26] =	ssyncset.done $0x0  }
0x56: {  	s10 =	rddreg [dreg:$0xb];
	[sflag:s26] =	ssyncadd.s32 $0xFFFFEC00  }
0x57: {  	[spmem:s10] =	stream.linear.scatter [tilespmem:s28], [sflag:$0x3], $0x280, $0x38;
	[tilespmem:$0x1EDA0] =	vst v63  }
0x58: {  	_ =	swait.ge [sflag:s26], $0x280  }
0x59: {  	[sflag:s26] =	ssyncset.done $0x0  }
0x5a: {  	s11 =	rddreg [dreg:$0xc];
	[sflag:s26] =	ssyncadd.s32 $0xFFFFFD80  }
0x5b: {  	[spmem:s11] =	stream.linear.scatter [tilespmem:s8], [sflag:$0x3], $0x1400, $0x38;
	[tilespmem:$0x1EDA0] =	vst v63  }
0x5c: {  	_ =	swait.ge [sflag:s26], $0x1400  }
0x5d: {  	[sflag:s26] =	ssyncset.done $0x0  }
0x5e: {  	s16 =	rddreg [dreg:$0xd];
	[sflag:s26] =	ssyncadd.s32 $0xFFFFEC00  }
0x5f: {  	[spmem:s16] =	stream.linear.scatter [tilespmem:s28], [sflag:$0x3], $0x280, $0x38;
	[tilespmem:$0x1EDA0] =	vst v63  }
0x60: {  	_ =	swait.ge [sflag:s26], $0x280  }
0x61: {  	[sflag:s26] =	ssyncset.done $0x0  }
0x62: {  	s17 =	rddreg [dreg:$0xe];
	[sflag:s26] =	ssyncadd.s32 $0xFFFFFD80  }
0x63: {  	[spmem:s17] =	stream.linear.scatter [tilespmem:s8], [sflag:$0x3], $0x1400, $0x38;
	[tilespmem:$0x1EDA0] =	vst v63  }
0x64: {  	_ =	swait.ge [sflag:s26], $0x1400  }
0x65: {  	[sflag:s26] =	ssyncset.done $0x0  }
0x66: {  	s18 =	rddreg [dreg:$0xf];
	[sflag:s26] =	ssyncadd.s32 $0xFFFFEC00  }
0x67: {  	[spmem:s18] =	stream.linear.scatter [tilespmem:s28], [sflag:$0x3], $0x280, $0x38;
	[tilespmem:$0x1EDA0] =	vst v63  }
0x68: {  	_ =	swait.ge [sflag:s26], $0x280  }
0x69: {  	[sflag:s26] =	ssyncset.done $0x0  }
0x6a: {  	s19 =	rddreg [dreg:$0x10];
	[sflag:s26] =	ssyncadd.s32 $0xFFFFFD80  }
0x6b: {  	[spmem:s19] =	stream.linear.scatter [tilespmem:s8], [sflag:$0x3], $0x1400, $0x38;
	[tilespmem:$0x1EDA0] =	vst v63  }
0x6c: {  	_ =	swait.ge [sflag:s26], $0x1400  }
0x6d: {  	[sflag:s26] =	ssyncset.done $0x0  }
0x6e: {  	s20 =	rddreg [dreg:$0x11];
	[sflag:s26] =	ssyncadd.s32 $0xFFFFEC00  }
0x6f: {  	[spmem:s20] =	stream.linear.scatter [tilespmem:s28], [sflag:$0x3], $0x280, $0x38;
	[tilespmem:$0x1EDA0] =	vst v63  }
0x70: {  	_ =	swait.ge [sflag:s26], $0x280  }
0x71: {  	[sflag:s26] =	ssyncset.done $0x0  }
0x72: {  	s21 =	rddreg [dreg:$0x12];
	[sflag:s26] =	ssyncadd.s32 $0xFFFFFD80  }
0x73: {  	[spmem:s21] =	stream.linear.scatter [tilespmem:s8], [sflag:$0x3], $0x1400, $0x38;
	[tilespmem:$0x1EDA0] =	vst v63  }
0x74: {  	_ =	swait.ge [sflag:s26], $0x1400  }
0x75: {  	[sflag:s26] =	ssyncset.done $0x0  }
0x76: {  	s22 =	rddreg [dreg:$0x13];
	[sflag:s26] =	ssyncadd.s32 $0xFFFFEC00  }
0x77: {  	[spmem:s22] =	stream.linear.scatter [tilespmem:s28], [sflag:$0x3], $0x280, $0x38;
	[tilespmem:$0x1EDA0] =	vst v63  }
0x78: {  	_ =	swait.ge [sflag:s26], $0x280  }
0x79: {  	[sflag:s26] =	ssyncset.done $0x0  }
0x7a: {  	s23 =	rddreg [dreg:$0x14];
	[sflag:s26] =	ssyncadd.s32 $0xFFFFFD80  }
0x7b: {  	[spmem:s23] =	stream.linear.scatter [tilespmem:s8], [sflag:$0x3], $0x1400, $0x38;
	[tilespmem:$0x1EDA0] =	vst v63  }
0x7c: {  	_ =	swait.ge [sflag:s26], $0x1400  }
0x7d: {  	[sflag:s26] =	ssyncset.done $0x0  }
0x7e: {  	s24 =	rddreg [dreg:$0x15];
	[sflag:s26] =	ssyncadd.s32 $0xFFFFEC00  }
0x7f: {  	[spmem:s24] =	stream.linear.scatter [tilespmem:s28], [sflag:$0x3], $0x280, $0x38;
	[tilespmem:$0x1EDA0] =	vst v63  }
0x80: {  	_ =	swait.ge [sflag:s26], $0x280  }
0x81: {  	[sflag:s26] =	ssyncset.done $0x0  }
0x82: {  	s25 =	rddreg [dreg:$0x16];
	[sflag:s26] =	ssyncadd.s32 $0xFFFFFD80  }
0x83: {  	[spmem:s25] =	stream.linear.scatter [tilespmem:s8], [sflag:$0x3], $0x1400, $0x38;
	[tilespmem:$0x1EDA0] =	vst v63  }
0x84: {  	_ =	swait.ge [sflag:s26], $0x1400  }
0x85: {  	[sflag:s26] =	ssyncset.done $0x0  }
0x86: {  	s29 =	rddreg [dreg:$0x17];
	[sflag:s26] =	ssyncadd.s32 $0xFFFFEC00  }
0x87: {  	[spmem:s29] =	stream.linear.scatter [tilespmem:s28], [sflag:$0x3], $0x280, $0x38;
	[tilespmem:$0x1EDA0] =	vst v63  }
0x88: {  	_ =	swait.ge [sflag:s26], $0x280  }
0x89: {  	[sflag:s26] =	ssyncset.done $0x0  }
0x8a: {  	s31 =	rddreg [dreg:$0x18];
	[sflag:s26] =	ssyncadd.s32 $0xFFFFFD80  }
0x8b: {  	[spmem:s31] =	stream.linear.scatter [tilespmem:s8], [sflag:$0x3], $0x1400, $0x38;
	[tilespmem:$0x1EDA0] =	vst v63  }
0x8c: {  	_ =	swait.ge [sflag:s26], $0x1400  }
0x8d: {  	[sflag:s26] =	ssyncset.done $0x0  }
0x8e: {  	s9 =	rddreg [dreg:$0x19];
	[sflag:s26] =	ssyncadd.s32 $0xFFFFEC00  }
0x8f: {  	[spmem:s9] =	stream.linear.scatter [tilespmem:s28], [sflag:$0x3], $0x280, $0x38;
	[tilespmem:$0x1EDA0] =	vst v63  }
0x90: {  	_ =	swait.ge [sflag:s26], $0x280  }
0x91: {  	[sflag:s26] =	ssyncset.done $0x0  }
0x92: {  	s10 =	rddreg [dreg:$0x1a];
	[sflag:s26] =	ssyncadd.s32 $0xFFFFFD80  }
0x93: {  	[spmem:s10] =	stream.linear.scatter [tilespmem:s8], [sflag:$0x3], $0x1400, $0x38;
	[tilespmem:$0x1EDA0] =	vst v63  }
0x94: {  	_ =	swait.ge [sflag:s26], $0x1400  }
0x95: {  	[sflag:s26] =	ssyncset.done $0x0  }
0x96: {  	s11 =	rddreg [dreg:$0x1b];
	[sflag:s26] =	ssyncadd.s32 $0xFFFFEC00  }
0x97: {  	[spmem:s11] =	stream.linear.scatter [tilespmem:s28], [sflag:$0x3], $0x280, $0x38;
	[tilespmem:$0x1EDA0] =	vst v63  }
0x98: {  	_ =	swait.ge [sflag:s26], $0x280  }
0x99: {  	[sflag:s26] =	ssyncset.done $0x0  }
0x9a: {  	s16 =	rddreg [dreg:$0x1c];
	[sflag:s26] =	ssyncadd.s32 $0xFFFFFD80  }
0x9b: {  	[spmem:s16] =	stream.linear.scatter [tilespmem:s8], [sflag:$0x3], $0x1400, $0x38;
	[tilespmem:$0x1EDA0] =	vst v63  }
0x9c: {  	_ =	swait.ge [sflag:s26], $0x1400  }
0x9d: {  	[sflag:s26] =	ssyncset.done $0x0  }
0x9e: {  	s17 =	rddreg [dreg:$0x1d];
	[sflag:s26] =	ssyncadd.s32 $0xFFFFEC00  }
0x9f: {  	[spmem:s17] =	stream.linear.scatter [tilespmem:s28], [sflag:$0x3], $0x280, $0x38;
	[tilespmem:$0x1EDA0] =	vst v63  }
0xa0: {  	_ =	swait.ge [sflag:s26], $0x280  }
0xa1: {  	[sflag:s26] =	ssyncset.done $0x0  }
0xa2: {  	s18 =	rddreg [dreg:$0x1e];
	[sflag:s26] =	ssyncadd.s32 $0xFFFFFD80  }
0xa3: {  	[spmem:s18] =	stream.linear.scatter [tilespmem:s8], [sflag:$0x3], $0x1400, $0x38;
	[tilespmem:$0x1EDA0] =	vst v63  }
0xa4: {  	_ =	swait.ge [sflag:s26], $0x1400  }
0xa5: {  	[sflag:s26] =	ssyncset.done $0x0  }
0xa6: {  	s19 =	rddreg [dreg:$0x1f];
	[sflag:s26] =	ssyncadd.s32 $0xFFFFEC00  }
0xa7: {  	[spmem:s19] =	stream.linear.scatter [tilespmem:s28], [sflag:$0x3], $0x280, $0x38;
	[tilespmem:$0x1EDA0] =	vst v63  }
0xa8: {  	_ =	swait.ge [sflag:s26], $0x280  }
0xa9: {  	s20 =	sld [smem:$0x7F2]  }
0xaa: {  	[sflag:s26] =	ssyncset.done $0x0  }
0xab: {  	[sflag:s26] =	ssyncadd.s32 $0xFFFFFD80  }
0xac: {  	[spmem:s20] =	stream.linear.scatter [tilespmem:s8], [sflag:$0x3], $0x1400, $0x38;
	[tilespmem:$0x1EDA0] =	vst v63  }
0xad: {  	_ =	swait.ge [sflag:s26], $0x1400  }
0xae: {  	s21 =	sld [smem:$0x7F3]  }
0xaf: {  	[sflag:s26] =	ssyncset.done $0x0  }
0xb0: {  	[sflag:s26] =	ssyncadd.s32 $0xFFFFEC00  }
0xb1: {  	[spmem:s21] =	stream.linear.scatter [tilespmem:s28], [sflag:$0x3], $0x280, $0x38;
	[tilespmem:$0x1EDA0] =	vst v63  }
0xb2: {  	_ =	swait.ge [sflag:s26], $0x280  }
0xb3: {  	s22 =	sld [smem:$0x7F4]  }
0xb4: {  	[sflag:s26] =	ssyncset.done $0x0  }
0xb5: {  	[sflag:s26] =	ssyncadd.s32 $0xFFFFFD80  }
0xb6: {  	[spmem:s22] =	stream.linear.scatter [tilespmem:s8], [sflag:$0x3], $0x1400, $0x38;
	[tilespmem:$0x1EDA0] =	vst v63  }
0xb7: {  	_ =	swait.ge [sflag:s26], $0x1400  }
0xb8: {  	s23 =	sld [smem:$0x7F5]  }
0xb9: {  	[sflag:s26] =	ssyncset.done $0x0  }
0xba: {  	[sflag:s26] =	ssyncadd.s32 $0xFFFFEC00  }
0xbb: {  	[spmem:s23] =	stream.linear.scatter [tilespmem:s28], [sflag:$0x3], $0x280, $0x38;
	[tilespmem:$0x1EDA0] =	vst v63  }
0xbc: {  	_ =	swait.ge [sflag:s26], $0x280  }
0xbd: {  	s24 =	sld [smem:$0x7F6]  }
0xbe: {  	[sflag:s26] =	ssyncset.done $0x0  }
0xbf: {  	[sflag:s26] =	ssyncadd.s32 $0xFFFFFD80  }
0xc0: {  	[spmem:s24] =	stream.linear.scatter [tilespmem:s8], [sflag:$0x3], $0x1400, $0x38;
	[tilespmem:$0x1EDA0] =	vst v63  }
0xc1: {  	_ =	swait.ge [sflag:s26], $0x1400  }
0xc2: {  	s25 =	sld [smem:$0x7F7]  }
0xc3: {  	[sflag:s26] =	ssyncset.done $0x0  }
0xc4: {  	[sflag:s26] =	ssyncadd.s32 $0xFFFFEC00  }
0xc5: {  	[spmem:s25] =	stream.linear.scatter [tilespmem:s28], [sflag:$0x3], $0x280, $0x38;
	[tilespmem:$0x1EDA0] =	vst v63  }
0xc6: {  	_ =	swait.ge [sflag:s26], $0x280  }
0xc7: {  	s29 =	sld [smem:$0x7F8]  }
0xc8: {  	[sflag:s26] =	ssyncset.done $0x0  }
0xc9: {  	[sflag:s26] =	ssyncadd.s32 $0xFFFFFD80  }
0xca: {  	[spmem:s29] =	stream.linear.scatter [tilespmem:s8], [sflag:$0x3], $0x1000, $0x38;
	[tilespmem:$0x1EDA0] =	vst v63  }
0xcb: {  	_ =	swait.ge [sflag:s26], $0x1000  }
0xcc: {  	s31 =	sld [smem:$0x7F9]  }
0xcd: {  	[sflag:s26] =	ssyncset.done $0x0  }
0xce: {  	[sflag:s26] =	ssyncadd.s32 $0xFFFFF000  }
0xcf: {  	[spmem:s31] =	stream.linear.scatter [tilespmem:s28], [sflag:$0x3], $0x200, $0x38;
	[tilespmem:$0x1EDA0] =	vst v63  }
0xd0: {  	_ =	swait.ge [sflag:s26], $0x200  }
0xd1: {  	[sflag:s26] =	ssyncset.done $0x0  }
0xd2: {  	[sflag:s26] =	ssyncadd.s32 $0xFFFFFE00  }
0xd3: {  	s17 =	simm.s32 $0x0;
	[bflag:$0x0] =	sbarrier.arrive $0xFFFF  }
.LBB2_4:
0xd4: {  	s8 =	sld [smem:$0x7FA]  }
0xd5: {  	s5 =	smul.u32 $0x32, s17;
	_ =	sdelay $0x1  }
0xd6: {  	s5 =	sadd.s32 s8, s5  }
0xd7: {  	s5 =	smul.u32 $0x5, s5  }
0xd8: {  	s23 =	rddreg [dreg:$0x6]  }
0xd9: {  	s9 =	simm.s32 $0x0;
	s8 =	sadd.s32 s23, s5  }
0xda: {  	[tilespmem:s9], [sflag:$0x3] =	stream.linear.gather [hbm4b:s8+s9], $0x7D0, $0x38;
	[tilespmem:$0x1EDA0] =	vst v63  }
0xdb: {  	_ =	swait.ge [sflag:s26], $0x7D0  }
0xdc: {  	[sflag:s26] =	ssyncset.done $0x0;
	s24 =	rddreg [dreg:$0x7]  }
0xdd: {  	s25 =	simm.s32 $0x7D0;
	[sflag:s26] =	ssyncadd.s32 $0xFFFFF830;
	s5 =	sadd.s32 s24, s5  }
0xde: {  	[tilespmem:s25], [sflag:$0x3] =	stream.linear.gather [hbm4b:s5+s9], $0x7D0, $0x38;
	[tilespmem:$0x1EDA0] =	vst v63  }
0xdf: {  	_ =	swait.ge [sflag:s26], $0x7D0  }
0xe0: {  	[sflag:s26] =	ssyncset.done $0x0  }
0xe1: {  	s29 =	simm.s32 $0xFA0;
	[sflag:s26] =	ssyncadd.s32 $0xFFFFF830  }
0xe2: {  	[tilespmem:s29], [sflag:$0x1] =	stream.indirect.gather [hbm4b:s6+s30], $0x80, s9, s30, $0xb8;
	[tilespmem:$0x1EDA0] =	vst v63  }
0xe3: {  	s31 =	simm.s32 $0x23A0  }
0xe4: {  	[tilespmem:s31], [sflag:$0x1] =	stream.indirect.gather [hbm4b:s1+s30], $0x80, s25, s30, $0xb8;
	[tilespmem:$0x1EDA0] =	vst v63  }
0xe5: {  	s18 =	simm.s32 $0x0  }
0xe6: {  	[tilespmem:s2], [sflag:$0x1] =	stream.indirect.gather [hbm4b:s7+s30], $0x80, s9, s30, $0xb8;
	[tilespmem:$0x1EDA0] =	vst v63  }
.LBB2_5:
0xe7: {  	s19 =	sshllo.u32 s18, $0x1  }
0xe8: {  	s5 =	smul.u32 $0x28, s19;
	_ =	sdelay $0x1  }
0xe9: {  	[tilespmem:s0], [sflag:$0x2] =	stream.indirect.gather [hbm4b:s6+s30], $0x80, s5, s30, $0xb8;
	[tilespmem:$0x1EDA0] =	vst v63  }
0xea: {  	s8 =	sadd.s32 $0x7D0, s5  }
0xeb: {  	[tilespmem:s12], [sflag:$0x2] =	stream.indirect.gather [hbm4b:s1+s30], $0x80, s8, s30, $0xb8;
	[tilespmem:$0x1EDA0] =	vst v63  }
0xec: {  	_ = 	snop  }
0xed: {  	[tilespmem:s13], [sflag:$0x2] =	stream.indirect.gather [hbm4b:s7+s30], $0x80, s5, s30, $0xb8;
	[tilespmem:$0x1EDA0] =	vst v63  }
0xee: {  	_ =	swait.ge [sflag:s14], $0x1400  }
0xef: {  	[sflag:s14] =	ssyncset.done $0x0  }
0xf0: {  	[sflag:s14] =	ssyncadd.s32 $0xFFFFEC00  }
0xf1: {  	_ =	swait.ge [sflag:s14], $0x1400  }
0xf2: {  	[sflag:s14] =	ssyncset.done $0x0  }
0xf3: {  	[sflag:s14] =	ssyncadd.s32 $0xFFFFEC00  }
0xf4: {  	_ =	swait.ge [sflag:s14], $0x1400  }
0xf5: {  	[sflag:s14] =	ssyncset.done $0x0  }
0xf6: {  	s20 =	simm.s32 $0x0;
	[sflag:s14] =	ssyncadd.s32 $0xFFFFEC00  }
.LBB2_6:
0xf7: {  	s11 =	sshll.u32 s20, $0x7  }
0xf8: {  	v2 =	vld [tilespmem:s11+$0xFA0]  }
0xf9: {  	v3 =	vld [tilespmem:s11+$0x23A0]  }
0xfa: {  	v4 =	vld [tilespmem:s11+$0x37A0]  }
0xfb: {  	v5 =	vld [tilespmem:s11+$0xFB0]  }
0xfc: {  	v6 =	vld [tilespmem:s11+$0x23B0]  }
0xfd: {  	v8 =	vld [tilespmem:s11+$0xFC0]  }
0xfe: {  	v7 =	vld [tilespmem:s11+$0x37C0]  }
0xff: {  	v9 =	vld [tilespmem:s11+$0xFD0]  }
0x100: {  	v39 =	vld [tilespmem:s11+$0x23D0]  }
0x101: {  	v17 =	vld [tilespmem:s11+$0x37D0]  }
0x102: {  	v40 =	vld [tilespmem:s11+$0xFE0]  }
0x103: {  	v12 =	vld [tilespmem:s11+$0x23E0];
	v2 =	vmul.f32 v3, v2  }
0x104: {  	v13 =	vld [tilespmem:s11+$0xFF0];
	v5 =	vmul.f32 v6, v5  }
0x105: {  	v16 =	vld [tilespmem:s11+$0x23F0];
	(xrf2) =	vadd.scan.msk.f32 $0xffff, v2  }
0x106: {  	v2 =	vld [tilespmem:s11+$0x23C0];
	(xrf2) =	vadd.scan.msk.f32 $0xffff, v5  }
0x107: {  	v19 =	vld [tilespmem:s11+$0x1000]  }
0x108: {  	v20 =	vld [tilespmem:s11+$0x2400]  }
0x109: {  	s5 =	sor.u32 $0x1, s20;
	v21 =	vld [tilespmem:s11+$0x1010]  }
0x10a: {  	v22 =	vld [tilespmem:s11+$0x2410];
	s8 =	sshll.u32 s5, $0x7  }
0x10b: {  	v42 =	vld [tilespmem:s8+$0xFA0];
	v2 =	vmul.f32 v2, v8  }
0x10c: {  	v44 =	vld [tilespmem:s8+$0x23A0];
	v6 =	vmul.f32 v39, v9  }
0x10d: {  	v46 =	vld [tilespmem:s8+$0xFB0];
	(xrf2) =	vadd.scan.msk.f32 $0xffff, v2;
	v2 =	vmul.f32 v12, v40  }
0x10e: {  	v47 =	vld [tilespmem:s8+$0x23B0];
	(xrf2) =	vadd.scan.msk.f32 $0xffff, v6  }
0x10f: {  	v48 =	vld [tilespmem:s8+$0xFC0];
	(xrf2) =	vadd.scan.msk.f32 $0xffff, v2;
	v2 =	vmul.f32 v16, v13;
	v11, _, _ =	vpop (xrf2)  }
0x110: {  	v50 =	vld [tilespmem:s8+$0xFD0];
	v11 =	vperm.xlane v11, v1;
	v41, _, _ =	vpop (xrf2)  }
0x111: {  	v51 =	vld [tilespmem:s8+$0x23D0];
	(xrf2) =	vadd.scan.msk.f32 $0xffff, v2;
	v2 =	vmul.f32 v20, v19;
	v23 =	vperm.xlane v41, v1  }
0x112: {  	v55 =	vld [tilespmem:s8+$0xFE0];
	v49 =	vmul.f32 v22, v21;
	v11 =	vmax.f32 v11, $-5.000000000e+00  }
0x113: {  	v25 =	vld [tilespmem:s8+$0x23E0];
	(xrf2) =	vadd.scan.msk.f32 $0xffff, v2;
	v11 =	vmin.f32 v11, $5.000000000e+00;
	v43 =	vmax.f32 v23, $-5.000000000e+00  }
0x114: {  	v2 =	vld [tilespmem:s8+$0x23C0];
	(xrf2) =	vadd.scan.msk.f32 $0xffff, v49;
	v18 =	vmul.f32 $1.442695020e+00, v11;
	v9 =	vmin.f32 v43, $5.000000000e+00  }
0x115: {  	v61 =	vld [tilespmem:s8+$0xFF0];
	v45 =	vmul.f32 $1.442695020e+00, v9  }
0x116: {  	v63 =	vld [tilespmem:s8+$0x1000];
	v5 =	vmul.f32 v44, v42;
	(erf) = vpow2.f32 v18  }
0x117: {  	v36 =	vld [tilespmem:s8+$0x2400];
	v9 =	vmul.f32 v47, v46;
	v52, _, _ =	vpop (xrf2);
	(erf) = vpow2.f32 v45  }
0x118: {  	v62 =	vld [tilespmem:s8+$0x23F0];
	(xrf2) =	vadd.scan.msk.f32 $0xffff, v5;
	v54, _, _ =	vpop (xrf2)  }
0x119: {  	v39 =	vld [tilespmem:s8+$0x1010];
	v25 =	vmul.f32 v25, v55;
	v6 =	vmul.f32 v2, v48;
	v24, _, _ =	vpop (xrf2);
	(xrf2) =	vadd.scan.msk.f32 $0xffff, v9  }
0x11a: {  	v16 =	vmul.f32 v51, v50;
	v41 =	vld [tilespmem:s8+$0x2410];
	v53 =	vperm.xlane v52, v1  }
0x11b: {  	v10 =	vld [tilespmem:s11+$0x37E0];
	v56 =	vperm.xlane v54, v1;
	v58 =	vperm.xlane v24, v1;
	(xrf2) =	vadd.scan.msk.f32 $0xffff, v6;
	v60, _, _ =	vpop (xrf2)  }
0x11c: {  	s9 =	sor.u32 $0x2, s20;
	v3 =	vld [tilespmem:s11+$0x37B0];
	v19 =	vmul.f32 v36, v63;
	v57 =	vmax.f32 v53, $-5.000000000e+00;
	v23 =	vperm.xlane v60, v1  }
0x11d: {  	v15 =	vld [tilespmem:s11+$0x37F0];
	s10 =	sshll.u32 s9, $0x7;
	v24 =	vmul.f32 v62, v61;
	v59 =	vmax.f32 v56, $-5.000000000e+00;
	(xrf2) =	vadd.scan.msk.f32 $0xffff, v16;
	v22 =	vmax.f32 v58, $-5.000000000e+00;
	v28, _, _ =	vpop (xrf2)  }
0x11e: {  	v44 =	vld [tilespmem:s10+$0xFA0];
	v22 =	vmin.f32 v22, $5.000000000e+00;
	v23 =	vmax.f32 v23, $-5.000000000e+00;
	v28 =	vperm.xlane v28, v1;
	v29, _, _ =	vpop (xrf2)  }
0x11f: {  	v45 =	vld [tilespmem:s10+$0x23A0];
	v56 =	vmul.f32 v41, v39;
	v22 =	vmul.f32 $1.442695020e+00, v22;
	v23 =	vmin.f32 v23, $5.000000000e+00;
	v21 =	vpop (erf)  }
0x120: {  	v14 =	vld [tilespmem:s11+$0x3800];
	v38 =	vperm.xlane v29, v1;
	v23 =	vmul.f32 $1.442695020e+00, v23;
	v28 =	vmax.f32 v28, $-5.000000000e+00;
	v26 =	vpop (erf)  }
0x121: {  	v12 =	vld [tilespmem:s8+$0x37C0];
	v8 =	vmul.f32 v21, v4;
	v9 =	vmul.f32 v26, v3;
	v3 =	vmin.f32 v57, $5.000000000e+00  }
0x122: {  	v61 =	vld [tilespmem:s10+$0x23D0];
	v40, _, _ =	vpop (xrf2);
	v4 =	vmin.f32 v59, $5.000000000e+00;
	v37 =	vmin.f32 v28, $5.000000000e+00;
	v27 =	vmul.f32 $1.442695020e+00, v3  }
0x123: {  	v4 =	vmul.f32 $1.442695020e+00, v4;
	v16 =	vmul.f32 $1.442695020e+00, v37;
	v57 =	vld [tilespmem:s10+$0xFD0];
	v30, _, _ =	vpop (xrf2);
	(xrf2) =	vadd.scan.msk.f32 $0xffff, v25  }
0x124: {  	v13 =	vld [tilespmem:s8+$0x37D0];
	v25 =	vmul.f32 v45, v44;
	(erf) = vpow2.f32 v27  }
0x125: {  	v49 =	vld [tilespmem:s10+$0x23B0];
	v43 =	vperm.xlane v30, v1;
	v31, _, _ =	vpop (xrf2);
	(xrf2) =	vadd.scan.msk.f32 $0xffff, v24;
	(erf) = vpow2.f32 v4  }
0x126: {  	v47 =	vld [tilespmem:s10+$0xFB0];
	v31 =	vperm.xlane v31, v1;
	(erf) = vpow2.f32 v22  }
0x127: {  	v52 =	vld [tilespmem:s10+$0xFC0];
	v51, _, _ =	vpop (xrf2);
	v22 =	vmax.f32 v38, $-5.000000000e+00;
	(erf) = vpow2.f32 v23;
	v23 =	vperm.xlane v40, v1  }
0x128: {  	v54 =	vld [tilespmem:s10+$0x23C0];
	v53 =	vperm.xlane v51, v1;
	v28 =	vmul.f32 v61, v57;
	v42 =	vmin.f32 v22, $5.000000000e+00  }
0x129: {  	v20 =	vld [tilespmem:s8+$0x37B0];
	(xrf2) =	vadd.scan.msk.f32 $0xffff, v19;
	v22 =	vmax.f32 v43, $-5.000000000e+00;
	(erf) = vpow2.f32 v16;
	v23 =	vmax.f32 v23, $-5.000000000e+00  }
0x12a: {  	v44 =	vld [tilespmem:s10+$0xFF0];
	v16 =	vmul.f32 $1.442695020e+00, v42;
	v46 =	vmin.f32 v22, $5.000000000e+00;
	v23 =	vmin.f32 v23, $5.000000000e+00  }
0x12b: {  	v32 =	vmul.f32 $1.442695020e+00, v46;
	v46 =	vld [tilespmem:s10+$0x23F0];
	v23 =	vmul.f32 $1.442695020e+00, v23  }
0x12c: {  	v63 =	vld [tilespmem:s10+$0xFE0];
	v31 =	vmax.f32 v31, $-5.000000000e+00;
	v22 =	vmul.f32 v49, v47;
	(erf) = vpow2.f32 v16  }
0x12d: {  	v41 =	vld [tilespmem:s10+$0x23E0];
	v50 =	vmin.f32 v31, $5.000000000e+00;
	v47 =	vmul.f32 v54, v52;
	v40, _, _ =	vpop (xrf2);
	(erf) = vpow2.f32 v23  }
0x12e: {  	v11 =	vld [tilespmem:s11+$0x3810];
	v21 =	vnsel vm0, $0x0, v21;
	(xrf2) =	vadd.scan.msk.f32 $0xffff, v56;
	v48 =	vpop (erf);
	v23 =	vmul.f32 $1.442695020e+00, v50;
	v43 =	vperm.xlane v40, v1  }
0x12f: {  	v5 =	vld [tilespmem:s8+$0x3810];
	v21 =	vsel vm1, v21, v26;
	v45, _, _ =	vpop (xrf2);
	v16 =	vmul.f32 v48, v7;
	(erf) = vpow2.f32 v32  }
0x130: {  	v18 =	vld [tilespmem:s8+$0x37A0];
	(xrf2) =	vadd.scan.msk.f32 $0xffff, v25;
	v60 =	vmax.f32 v53, $-5.000000000e+00;
	v33 =	vpop (erf);
	v35 =	vperm.xlane v45, v1;
	v61 =	vmul.f32 v46, v44  }
0x131: {  	v51 =	vld [tilespmem:s10+$0x2400];
	v21 =	vsel vm2, v21, v48;
	v19 =	vmul.f32 v33, v17;
	(erf) = vpow2.f32 v23  }
0x132: {  	s16 =	sor.u32 $0x3, s20;
	v57 =	vld [tilespmem:s10+$0x2410];
	(xrf2) =	vadd.scan.msk.f32 $0xffff, v22;
	v55 =	vpop (erf);
	v58 =	vsel vm3, v21, v33;
	v33 =	vmin.f32 v60, $5.000000000e+00;
	v23 =	vmul.f32 v41, v63  }
0x133: {  	s21 =	sshll.u32 s16, $0x7;
	v48 =	vld [tilespmem:s10+$0x1000];
	v54, _, _ =	vpop (xrf2);
	v21 =	vmul.f32 v55, v10;
	v39 =	vmul.f32 $1.442695020e+00, v33;
	v33 =	vmax.f32 v43, $-5.000000000e+00  }
0x134: {  	v38 =	vld [tilespmem:s21+$0xFB0];
	v59 =	vpop (erf);
	v24 =	vsel vm4, v58, v55;
	v50 =	vmin.f32 v33, $5.000000000e+00;
	v33 =	vperm.xlane v54, v1  }
0x135: {  	(xrf2) =	vadd.scan.msk.f32 $0xffff, v47;
	v53 =	vmax.f32 v35, $-5.000000000e+00;
	v55 =	vld [tilespmem:s10+$0x1010];
	v17 =	vmul.f32 v59, v15;
	v62 =	vpop (erf);
	v24 =	vsel vm5, v24, v59  }
0x136: {  	v40 =	vld [tilespmem:s21+$0x23B0];
	(xrf2) =	vadd.scan.msk.f32 $0xffff, v28;
	v36 =	vmin.f32 v53, $5.000000000e+00;
	v15 =	vmul.f32 v62, v14;
	v52 =	vmul.f32 $1.442695020e+00, v50  }
0x137: {  	v59 =	vld [tilespmem:s21+$0xFA0];
	v24 =	vsel vm6, v24, v62;
	(erf) = vpow2.f32 v39;
	v58 =	vmul.f32 $1.442695020e+00, v36;
	v42 =	vpop (erf)  }
0x138: {  	v62 =	vld [tilespmem:s21+$0x23A0];
	v60 =	vmax.f32 v33, $-5.000000000e+00;
	v26 =	vmul.f32 v51, v48;
	(erf) = vpow2.f32 v52;
	v33, _, _ =	vpop (xrf2)  }
0x139: {  	v2 =	vld [tilespmem:s8+$0x37E0];
	(xrf2) =	vadd.scan.msk.f32 $0xffff, v23;
	v14 =	vmul.f32 v42, v11;
	(erf) = vpow2.f32 v58;
	v34 =	vpop (erf)  }
0x13a: {  	v6 =	vld [tilespmem:s10+$0x37A0];
	v63 =	vmin.f32 v60, $5.000000000e+00;
	v25 =	vmul.f32 v57, v55;
	v29 =	vperm.xlane v33, v1;
	v37, _, _ =	vpop (xrf2)  }
0x13b: {  	v3 =	vld [tilespmem:s8+$0x37F0];
	v33 =	vmul.f32 v40, v38;
	v11 =	vmul.f32 v34, v18;
	v49 =	vpop (erf);
	v18 =	vsel vm7, v24, v42  }
0x13c: {  	v4 =	vld [tilespmem:s8+$0x3800];
	v36 =	vnsel vm0, $0x0, v34;
	v24 =	vmul.f32 $1.442695020e+00, v63;
	v31 =	vperm.xlane v37, v1;
	v43, _, _ =	vpop (xrf2)  }
0x13d: {  	v54 =	vld [tilespmem:s21+$0xFC0];
	(xrf2) =	vadd.scan.msk.f32 $0xffff, v61;
	v44 =	vmul.f32 v62, v59;
	v10 =	vmul.f32 v49, v20;
	v56 =	vpop (erf);
	v30 =	vsel vm1, v36, v49  }
0x13e: {  	v55 =	vld [tilespmem:s21+$0x23C0];
	v29 =	vmax.f32 v29, $-5.000000000e+00;
	v47 =	vperm.xlane v43, v1;
	v12 =	vmul.f32 v56, v12  }
0x13f: {  	(xrf2) =	vadd.scan.msk.f32 $0xffff, v26;
	v38 =	vld [tilespmem:s21+$0x23E0];
	v48, _, _ =	vpop (xrf2);
	v41 =	vsel vm2, v30, v56;
	(erf) = vpow2.f32 v24;
	v42 =	vmax.f32 v31, $-5.000000000e+00  }
0x140: {  	(xrf2) =	vadd.scan.msk.f32 $0xffff, v25;
	v36 =	vld [tilespmem:s21+$0xFE0];
	v45 =	vmin.f32 v29, $5.000000000e+00;
	v32 =	vperm.xlane v48, v1;
	v49, _, _ =	vpop (xrf2);
	v46 =	vmin.f32 v42, $5.000000000e+00  }
0x141: {  	v59 =	vld [tilespmem:s21+$0xFD0];
	v28 =	vmul.f32 $1.442695020e+00, v45;
	v30 =	vmax.f32 v47, $-5.000000000e+00;
	v51 =	vperm.xlane v49, v1;
	v39 =	vpop (erf)  }
0x142: {  	v37 =	vld [tilespmem:s21+$0x23D0];
	(xrf2) =	vadd.scan.msk.f32 $0xffff, v44;
	v29 =	vmul.f32 $1.442695020e+00, v46;
	v50 =	vmin.f32 v30, $5.000000000e+00;
	v13 =	vmul.f32 v39, v13  }
0x143: {  	v7 =	vld [tilespmem:s10+$0x37B0];
	v52 =	vmax.f32 v32, $-5.000000000e+00;
	v53, _, _ =	vpop (xrf2);
	(erf) = vpow2.f32 v28;
	v28 =	vmul.f32 $1.442695020e+00, v50  }
0x144: {  	v20 =	vld [tilespmem:s10+$0x37C0];
	v30 =	vmax.f32 v51, $-5.000000000e+00;
	v32 =	vperm.xlane v53, v1;
	v51 =	vmul.f32 v55, v54  }
0x145: {  	v43 =	vld [tilespmem:s21+$0xFF0];
	(erf) = vpow2.f32 v29;
	v29 =	vmin.f32 v52, $5.000000000e+00;
	v36 =	vmul.f32 v38, v36  }
0x146: {  	v24 =	vld [tilespmem:s10+$0x37D0];
	(xrf2) =	vadd.scan.msk.f32 $0xffff, v33;
	v57 =	vmin.f32 v30, $5.000000000e+00;
	v49 =	vpop (erf);
	(erf) = vpow2.f32 v28;
	v56 =	vmul.f32 $1.442695020e+00, v29  }
0x147: {  	v48 =	vld [tilespmem:s21+$0x1000];
	v29 =	vmul.f32 $1.442695020e+00, v57;
	v32 =	vmax.f32 v32, $-5.000000000e+00;
	v57 =	vmul.f32 v37, v59;
	v58, _, _ =	vpop (xrf2)  }
0x148: {  	v46 =	vld [tilespmem:s21+$0x23F0];
	v2 =	vmul.f32 v49, v2;
	v61 =	vmin.f32 v32, $5.000000000e+00;
	v30 =	vperm.xlane v58, v1  }
0x149: {  	v31 =	vsel vm3, v41, v39;
	v55 =	vld [tilespmem:s21+$0x1010];
	v60, _, _ =	vpop (xrf2);
	(erf) = vpow2.f32 v56;
	v28 =	vmul.f32 $1.442695020e+00, v61  }
0x14a: {  	s22 =	sadd.s32 $0x4, s20;
	[tilespmem:s11+$0x37A0] =	vst v8;
	v52 =	vld [tilespmem:s21+$0x2400];
	v59 =	vsel vm4, v31, v49;
	v62 =	vperm.xlane v60, v1;
	(erf) = vpow2.f32 v29;
	v40, _, _ =	vpop (xrf2)  }
0x14b: {  	s23 =	sshll.u32 s22, $0x7;
	[tilespmem:s11+$0x37B0] =	vst v9;
	v58 =	vld [tilespmem:s21+$0x2410];
	v63 =	vmax.f32 v30, $-5.000000000e+00;
	v30 =	vperm.xlane v40, v1;
	(erf) = vpow2.f32 v28;
	v56 =	vpop (erf)  }
0x14c: {  	[tilespmem:s11+$0x37F0] =	vst v17;
	v38 =	vld [tilespmem:s23+$0x23A0];
	v41 =	vmin.f32 v63, $5.000000000e+00;
	v42 =	vmax.f32 v62, $-5.000000000e+00;
	v45, _, _ =	vpop (xrf2);
	v3 =	vmul.f32 v56, v3  }
0x14d: {  	v61 =	vld [tilespmem:s23+$0xFA0];
	(xrf2) =	vadd.scan.msk.f32 $0xffff, v51;
	v60 =	vpop (erf);
	v17 =	vsel vm5, v59, v56;
	v8 =	vmul.f32 $1.442695020e+00, v41;
	v28 =	vperm.xlane v45, v1  }
0x14e: {  	(xrf2) =	vadd.scan.msk.f32 $0xffff, v57;
	v40 =	vld [tilespmem:s23+$0xFB0];
	v44 =	vmin.f32 v42, $5.000000000e+00;
	v42 =	vmul.f32 v46, v43;
	v4 =	vmul.f32 v60, v4  }
0x14f: {  	v57 =	vld [tilespmem:s23+$0x23E0];
	(xrf2) =	vadd.scan.msk.f32 $0xffff, v36;
	v47 =	vmax.f32 v30, $-5.000000000e+00;
	v46 =	vmul.f32 v52, v48;
	v9 =	vmul.f32 $1.442695020e+00, v44  }
0x150: {  	v43 =	vld [tilespmem:s23+$0x23B0];
	v50 =	vmin.f32 v47, $5.000000000e+00;
	v54, _, _ =	vpop (xrf2);
	v51 =	vmul.f32 v58, v55;
	(erf) = vpow2.f32 v8  }
0x151: {  	[tilespmem:s11+$0x37E0] =	vst v21;
	v52 =	vld [tilespmem:s23+$0xFD0];
	v62 =	vpop (erf);
	v8 =	vmul.f32 $1.442695020e+00, v50;
	v53 =	vmax.f32 v28, $-5.000000000e+00;
	v21 =	vperm.xlane v54, v1  }
0x152: {  	v55 =	vld [tilespmem:s23+$0xFE0];
	v39 =	vpop (erf);
	v5 =	vmul.f32 v62, v5;
	(xrf2) =	vadd.scan.msk.f32 $0xffff, v42;
	(erf) = vpow2.f32 v9;
	v9 =	vmin.f32 v53, $5.000000000e+00  }
0x153: {  	[tilespmem:s11+$0x3800] =	vst v15;
	v44 =	vsel vm6, v17, v60;
	v54 =	vld [tilespmem:s23+$0x23D0];
	v41 =	vpop (erf);
	v6 =	vmul.f32 v39, v6;
	v9 =	vmul.f32 $1.442695020e+00, v9  }
0x154: {  	v22 =	vld [tilespmem:s10+$0x37E0];
	(xrf2) =	vadd.scan.msk.f32 $0xffff, v46;
	(erf) = vpow2.f32 v8;
	v63 =	vmax.f32 v21, $-5.000000000e+00;
	v7 =	vmul.f32 v41, v7;
	v45 =	vpop (erf)  }
0x155: {  	v49 =	vld [tilespmem:s23+$0x23C0];
	v21 =	vmul.f32 v38, v61;
	(xrf2) =	vadd.scan.msk.f32 $0xffff, v51;
	v8 =	vmin.f32 v63, $5.000000000e+00;
	(erf) = vpow2.f32 v9;
	v48 =	vpop (erf)  }
0x156: {  	[tilespmem:s11+$0x3810] =	vst v14;
	v47 =	vld [tilespmem:s23+$0xFC0];
	v14 =	vsel vm7, v44, v62;
	v8 =	vmul.f32 $1.442695020e+00, v8;
	v20 =	vmul.f32 v45, v20;
	v50 =	vpop (erf)  }
0x157: {  	v27 =	vld [tilespmem:s10+$0x37F0];
	v15 =	vnsel vm0, $0x0, v39;
	(xrf2) =	vadd.scan.msk.f32 $0xffff, v21;
	v9 =	vmul.f32 v43, v40;
	v37 =	vmul.f32 v57, v55;
	v56, _, _ =	vpop (xrf2)  }
0x158: {  	s31 =	sshll.u32 s20, $0x4;
	[tilespmem:s11+$0x37C0] =	vst v16;
	v26 =	vld [tilespmem:s10+$0x3800];
	v15 =	vsel vm1, v15, v41;
	v17 =	vmul.f32 v48, v24;
	v35 =	vmul.f32 v54, v52;
	v63, _, _ =	vpop (xrf2)  }
0x159: {  	[tilespmem:s11+$0x37D0] =	vst v19;
	s11 =	sand.u32 $0x3FFFFFF0, s31;
	v25 =	vld [tilespmem:s10+$0x3810];
	v15 =	vsel vm2, v15, v45;
	(erf) = vpow2.f32 v8;
	v22 =	vmul.f32 v50, v22;
	v34, _, _ =	vpop (xrf2)  }
0x15a: {  	[tilespmem:s11+$0x87A0] =	vst v18;
	v15 =	vsel vm3, v15, v48;
	v32 =	vperm.xlane v56, v1;
	v18 =	vperm.xlane v63, v1;
	v53 =	vpop (erf)  }
0x15b: {  	v58 =	vsel vm4, v15, v50;
	v8 =	vmul.f32 v49, v47;
	v29 =	vperm.xlane v34, v1;
	v24 =	vpop (erf)  }
0x15c: {  	v23 =	vld [tilespmem:s21+$0x37A0];
	[tilespmem:s8+$0x37E0] =	vst v2;
	v33 =	vmax.f32 v32, $-5.000000000e+00;
	v18 =	vmax.f32 v18, $-5.000000000e+00;
	v27 =	vmul.f32 v53, v27;
	v40, _, _ =	vpop (xrf2)  }
0x15d: {  	(xrf2) =	vadd.scan.msk.f32 $0xffff, v9;
	v18 =	vmin.f32 v18, $5.000000000e+00;
	v42 =	vmax.f32 v29, $-5.000000000e+00;
	v15 =	vmul.f32 v24, v26;
	v59 =	vpop (erf)  }
0x15e: {  	v60 =	vld [tilespmem:s21+$0x37B0];
	(xrf2) =	vadd.scan.msk.f32 $0xffff, v8;
	v41 =	vmul.f32 $1.442695020e+00, v18;
	v43, _, _ =	vpop (xrf2);
	v44 =	vmin.f32 v42, $5.000000000e+00;
	v62 =	vmul.f32 v59, v25  }
0x15f: {  	(xrf2) =	vadd.scan.msk.f32 $0xffff, v35;
	v25 =	vmin.f32 v33, $5.000000000e+00;
	v45 =	vperm.xlane v43, v1;
	v2 =	vmul.f32 $1.442695020e+00, v44;
	v47, _, _ =	vpop (xrf2)  }
0x160: {  	[tilespmem:s8+$0x37C0] =	vst v12;
	(xrf2) =	vadd.scan.msk.f32 $0xffff, v37;
	v12 =	vpop (erf);
	v39 =	vmul.f32 $1.442695020e+00, v25;
	v25 =	vperm.xlane v40, v1  }
0x161: {  	[tilespmem:s8+$0x37A0] =	vst v11;
	v61 =	vsel vm5, v58, v53;
	v9 =	vperm.xlane v47, v1;
	v23 =	vmul.f32 v12, v23;
	v49, _, _ =	vpop (xrf2)  }
0x162: {  	[tilespmem:s8+$0x37B0] =	vst v10;
	v48 =	vmax.f32 v45, $-5.000000000e+00;
	v36 =	vpop (erf);
	(erf) = vpow2.f32 v39;
	v46 =	vmax.f32 v25, $-5.000000000e+00  }
0x163: {  	[tilespmem:s8+$0x37F0] =	vst v3;
	v51 =	vperm.xlane v49, v1;
	v38 =	vmul.f32 v36, v60;
	v3 =	vmin.f32 v46, $5.000000000e+00  }
0x164: {  	[tilespmem:s8+$0x37D0] =	vst v13;
	v50 =	vmin.f32 v48, $5.000000000e+00;
	(erf) = vpow2.f32 v41;
	v3 =	vmul.f32 $1.442695020e+00, v3  }
0x165: {  	s5 =	sshll.u32 s5, $0x4;
	[tilespmem:s8+$0x3800] =	vst v4;
	v52 =	vmax.f32 v9, $-5.000000000e+00;
	(erf) = vpow2.f32 v2;
	v2 =	vmul.f32 $1.442695020e+00, v50  }
0x166: {  	s5 =	sand.u32 $0x3FFFFFF0, s5;
	[tilespmem:s8+$0x3810] =	vst v5;
	v53 =	vmax.f32 v51, $-5.000000000e+00;
	(erf) = vpow2.f32 v3;
	v3 =	vmin.f32 v52, $5.000000000e+00  }
0x167: {  	[tilespmem:s5+$0x87A0] =	vst v14;
	v54, _, _ =	vpop (xrf2);
	(erf) = vpow2.f32 v2;
	v2 =	vmul.f32 $1.442695020e+00, v3;
	v3 =	vmin.f32 v53, $5.000000000e+00  }
0x168: {  	[tilespmem:s10+$0x37A0] =	vst v6;
	v55 =	vsel vm6, v61, v24;
	v4 =	vperm.xlane v54, v1;
	v56, _, _ =	vpop (xrf2);
	v3 =	vmul.f32 $1.442695020e+00, v3  }
0x169: {  	[tilespmem:s10+$0x37B0] =	vst v7;
	v5 =	vsel vm7, v55, v59;
	v57, _, _ =	vpop (xrf2);
	(erf) = vpow2.f32 v2;
	v2 =	vperm.xlane v56, v1  }
0x16a: {  	[tilespmem:s10+$0x37C0] =	vst v20;
	v58 =	vperm.xlane v57, v1;
	v59, _, _ =	vpop (xrf2);
	(erf) = vpow2.f32 v3;
	v3 =	vmax.f32 v4, $-5.000000000e+00  }
0x16b: {  	[tilespmem:s10+$0x37D0] =	vst v17;
	v17 =	vld [tilespmem:s21+$0x3800];
	v6 =	vperm.xlane v59, v1;
	v3 =	vmin.f32 v3, $5.000000000e+00;
	v2 =	vmax.f32 v2, $-5.000000000e+00  }
0x16c: {  	[tilespmem:s10+$0x3810] =	vst v62;
	v62 =	vld [tilespmem:s21+$0x37E0];
	v4 =	vmax.f32 v58, $-5.000000000e+00;
	v3 =	vmul.f32 $1.442695020e+00, v3;
	v2 =	vmin.f32 v2, $5.000000000e+00  }
0x16d: {  	[tilespmem:s10+$0x37E0] =	vst v22;
	v60 =	vld [tilespmem:s21+$0x37C0];
	v4 =	vmin.f32 v4, $5.000000000e+00;
	v6 =	vmax.f32 v6, $-5.000000000e+00;
	v2 =	vmul.f32 $1.442695020e+00, v2  }
0x16e: {  	v61 =	vld [tilespmem:s21+$0x37D0];
	[tilespmem:s10+$0x3800] =	vst v15;
	v16 =	vpop (erf);
	v15 =	vmin.f32 v6, $5.000000000e+00;
	(erf) = vpow2.f32 v3;
	v3 =	vmul.f32 $1.442695020e+00, v4  }
0x16f: {  	s11 =	sshll.u32 s9, $0x4;
	v63 =	vld [tilespmem:s21+$0x37F0];
	[tilespmem:s10+$0x37F0] =	vst v27;
	v18 =	vnsel vm0, $0x0, v12;
	v20 =	vpop (erf);
	(erf) = vpow2.f32 v2;
	v2 =	vmul.f32 $1.442695020e+00, v15  }
0x170: {  	s5 =	sand.u32 $0x3FFFFFF0, s11;
	[tilespmem:s21+$0x37A0] =	vst v23;
	v23 =	vpop (erf);
	(erf) = vpow2.f32 v3;
	v3 =	vsel vm1, v18, v36  }
0x171: {  	v21 =	vld [tilespmem:s21+$0x3810];
	[tilespmem:s5+$0x87A0] =	vst v5;
	v24 =	vpop (erf);
	(erf) = vpow2.f32 v2;
	v2 =	vsel vm2, v3, v16;
	v3 =	vmul.f32 v23, v62  }
0x172: {  	[tilespmem:s21+$0x37B0] =	vst v38;
	v7 =	vmul.f32 v16, v60;
	v27 =	vpop (erf)  }
0x173: {  	v25 =	vld [tilespmem:s23+$0x37A0];
	v22 =	vmul.f32 v20, v61;
	[tilespmem:s21+$0x37E0] =	vst v3;
	v3 =	vmul.f32 v27, v17  }
0x174: {  	v28 =	vld [tilespmem:s23+$0x37B0];
	[tilespmem:s21+$0x37C0] =	vst v7;
	v26 =	vmul.f32 v24, v63;
	v2 =	vsel vm3, v2, v20  }
0x175: {  	v30 =	vld [tilespmem:s23+$0x37C0];
	[tilespmem:s21+$0x37D0] =	vst v22;
	v29 =	vpop (erf);
	v2 =	vsel vm4, v2, v23  }
0x176: {  	v32 =	vld [tilespmem:s23+$0x37D0];
	[tilespmem:s21+$0x37F0] =	vst v26;
	v31 =	vmul.f32 v29, v21;
	v2 =	vsel vm5, v2, v24  }
0x177: {  	s16 =	sshll.u32 s16, $0x4;
	v33 =	vld [tilespmem:s23+$0x37E0];
	[tilespmem:s21+$0x3800] =	vst v3;
	v2 =	vsel vm6, v2, v27;
	v3 =	vpop (erf)  }
0x178: {  	s5 =	sand.u32 $0x3FFFFFF0, s16;
	[tilespmem:s21+$0x3810] =	vst v31;
	v2 =	vsel vm7, v2, v29;
	v34 =	vmul.f32 v3, v25;
	v11 =	vpop (erf)  }
0x179: {  	[tilespmem:s5+$0x87A0] =	vst v2;
	v2 =	vmul.f32 v11, v28;
	v10 =	vpop (erf)  }
0x17a: {  	[tilespmem:s23+$0x37A0] =	vst v34;
	v35 =	vmul.f32 v10, v30;
	v18 =	vpop (erf)  }
0x17b: {  	[tilespmem:s23+$0x37B0] =	vst v2;
	v2 =	vmul.f32 v18, v32;
	v20 =	vpop (erf)  }
0x17c: {  	[tilespmem:s23+$0x37C0] =	vst v35;
	v36 =	vmul.f32 v20, v33  }
0x17d: {  	[tilespmem:s23+$0x37D0] =	vst v2  }
0x17e: {  	[tilespmem:s23+$0x37E0] =	vst v36  }
0x17f: {  	v2 =	vld [tilespmem:s23+$0xFF0]  }
0x180: {  	v37 =	vld [tilespmem:s23+$0x23F0]  }
0x181: {  	v22 =	vld [tilespmem:s23+$0x37F0]  }
0x182: {  	v38 =	vld [tilespmem:s23+$0x1000]  }
0x183: {  	v39 =	vld [tilespmem:s23+$0x2400]  }
0x184: {  	v23 =	vld [tilespmem:s23+$0x3800]  }
0x185: {  	v40 =	vld [tilespmem:s23+$0x1010]  }
0x186: {  	s8 =	sadd.s32 $0x5, s20;
	v41 =	vld [tilespmem:s23+$0x2410]  }
0x187: {  	s9 =	sshll.u32 s8, $0x7;
	v24 =	vld [tilespmem:s23+$0x3810]  }
0x188: {  	v42 =	vld [tilespmem:s9+$0xFA0]  }
0x189: {  	v43 =	vld [tilespmem:s9+$0x23A0]  }
0x18a: {  	v5 =	vld [tilespmem:s9+$0x37A0]  }
0x18b: {  	v44 =	vld [tilespmem:s9+$0xFB0]  }
0x18c: {  	v45 =	vld [tilespmem:s9+$0x23B0]  }
0x18d: {  	v9 =	vld [tilespmem:s9+$0x37B0]  }
0x18e: {  	v46 =	vld [tilespmem:s9+$0xFC0]  }
0x18f: {  	v47 =	vld [tilespmem:s9+$0x23C0]  }
0x190: {  	v12 =	vld [tilespmem:s9+$0x37C0]  }
0x191: {  	v48 =	vld [tilespmem:s9+$0xFD0]  }
0x192: {  	v14 =	vld [tilespmem:s9+$0x37D0]  }
0x193: {  	v49 =	vld [tilespmem:s9+$0xFE0]  }
0x194: {  	v51 =	vld [tilespmem:s9+$0x23E0]  }
0x195: {  	v17 =	vld [tilespmem:s9+$0x37E0]  }
0x196: {  	v52 =	vld [tilespmem:s9+$0xFF0]  }
0x197: {  	v53 =	vld [tilespmem:s9+$0x23F0]  }
0x198: {  	v8 =	vld [tilespmem:s9+$0x37F0];
	v2 =	vmul.f32 v37, v2  }
0x199: {  	v55 =	vld [tilespmem:s9+$0x1000];
	v6 =	vmul.f32 v39, v38  }
0x19a: {  	v56 =	vld [tilespmem:s9+$0x2400];
	v50 =	vmul.f32 v41, v40;
	(xrf2) =	vadd.scan.msk.f32 $0xffff, v2  }
0x19b: {  	s24 =	sadd.s32 $0x6, s20;
	v59 =	vld [tilespmem:s9+$0x1010];
	v54 =	vmul.f32 v43, v42;
	(xrf2) =	vadd.scan.msk.f32 $0xffff, v6  }
0x19c: {  	s10 =	sshll.u32 s24, $0x7;
	v60 =	vld [tilespmem:s9+$0x2410];
	v62 =	vmul.f32 v45, v44;
	(xrf2) =	vadd.scan.msk.f32 $0xffff, v50  }
0x19d: {  	v35 =	vld [tilespmem:s10+$0xFA0];
	v43 =	vmul.f32 v47, v46;
	(xrf2) =	vadd.scan.msk.f32 $0xffff, v54  }
0x19e: {  	v2 =	vld [tilespmem:s9+$0x23D0];
	(xrf2) =	vadd.scan.msk.f32 $0xffff, v62  }
0x19f: {  	v26 =	vld [tilespmem:s10+$0xFB0];
	(xrf2) =	vadd.scan.msk.f32 $0xffff, v43  }
0x1a0: {  	v28 =	vld [tilespmem:s10+$0xFD0]  }
0x1a1: {  	v41 =	vld [tilespmem:s10+$0x23A0]  }
0x1a2: {  	v37 =	vld [tilespmem:s10+$0x23B0];
	v49 =	vmul.f32 v51, v49  }
0x1a3: {  	v51 =	vmul.f32 v53, v52;
	v52 =	vld [tilespmem:s10+$0x23D0];
	v2 =	vmul.f32 v2, v48  }
0x1a4: {  	v3 =	vnsel vm0, $0x0, v3;
	v7 =	vld [tilespmem:s9+$0x3800];
	v57, _, _ =	vpop (xrf2)  }
0x1a5: {  	v3 =	vsel vm1, v3, v11;
	v16 =	vld [tilespmem:s10+$0x37C0];
	v58 =	vperm.xlane v57, v1;
	v61, _, _ =	vpop (xrf2);
	(xrf2) =	vadd.scan.msk.f32 $0xffff, v2  }
0x1a6: {  	v3 =	vsel vm2, v3, v10;
	v19 =	vld [tilespmem:s10+$0x37D0];
	v54 =	vmul.f32 v56, v55;
	v56 =	vmul.f32 v60, v59;
	v40, _, _ =	vpop (xrf2);
	(xrf2) =	vadd.scan.msk.f32 $0xffff, v49  }
0x1a7: {  	v31 =	vld [tilespmem:s10+$0xFE0];
	v39 =	vmul.f32 v41, v35;
	v15 =	vperm.xlane v61, v1;
	v13 =	vmax.f32 v58, $-5.000000000e+00;
	v47, _, _ =	vpop (xrf2);
	(xrf2) =	vadd.scan.msk.f32 $0xffff, v51  }
0x1a8: {  	v50 =	vld [tilespmem:s10+$0x23C0];
	v26 =	vmul.f32 v37, v26;
	v52 =	vmul.f32 v52, v28;
	v13 =	vmin.f32 v13, $5.000000000e+00;
	v53, _, _ =	vpop (xrf2);
	(xrf2) =	vadd.scan.msk.f32 $0xffff, v54  }
0x1a9: {  	v48 =	vld [tilespmem:s10+$0xFC0];
	v42 =	vperm.xlane v40, v1;
	v15 =	vmax.f32 v15, $-5.000000000e+00;
	v63 =	vmul.f32 $1.442695020e+00, v13;
	v60, _, _ =	vpop (xrf2);
	(xrf2) =	vadd.scan.msk.f32 $0xffff, v56  }
0x1aa: {  	v21 =	vld [tilespmem:s10+$0x37E0];
	v2 =	vperm.xlane v47, v1;
	v15 =	vmin.f32 v15, $5.000000000e+00;
	v55 =	vperm.xlane v53, v1  }
0x1ab: {  	v25 =	vld [tilespmem:s10+$0x37F0];
	v45 =	vmax.f32 v42, $-5.000000000e+00;
	v44 =	vmul.f32 $1.442695020e+00, v15;
	(erf) = vpow2.f32 v63  }
0x1ac: {  	v30 =	vld [tilespmem:s10+$0x3800];
	v46 =	vmin.f32 v45, $5.000000000e+00;
	v2 =	vmax.f32 v2, $-5.000000000e+00;
	v10 =	vperm.xlane v60, v1  }
0x1ad: {  	s11 =	sadd.s32 $0x7, s20;
	v62 =	vld [tilespmem:s10+$0xFF0];
	v4 =	vmul.f32 $1.442695020e+00, v46;
	v2 =	vmin.f32 v2, $5.000000000e+00;
	(erf) = vpow2.f32 v44  }
0x1ae: {  	s5 =	sshll.u32 s11, $0x7;
	v27 =	vmul.f32 v50, v48;
	v45 =	vld [tilespmem:s10+$0x23F0];
	v59 =	vmax.f32 v55, $-5.000000000e+00;
	v2 =	vmul.f32 $1.442695020e+00, v2  }
0x1af: {  	v36 =	vld [tilespmem:s5+$0xFF0];
	v10 =	vmax.f32 v10, $-5.000000000e+00;
	(erf) = vpow2.f32 v4;
	v4 =	vmin.f32 v59, $5.000000000e+00;
	v44, _, _ =	vpop (xrf2)  }
0x1b0: {  	v58 =	vld [tilespmem:s10+$0x23E0];
	v10 =	vmin.f32 v10, $5.000000000e+00;
	(erf) = vpow2.f32 v2;
	v43 =	vmul.f32 $1.442695020e+00, v4;
	v42, _, _ =	vpop (xrf2)  }
0x1b1: {  	v40 =	vld [tilespmem:s10+$0x1000];
	v10 =	vmul.f32 $1.442695020e+00, v10;
	v63 =	vperm.xlane v44, v1;
	v49, _, _ =	vpop (xrf2)  }
0x1b2: {  	v3 =	vsel vm3, v3, v18;
	(erf) = vpow2.f32 v43;
	v43 =	vld [tilespmem:s10+$0x2400];
	v47 =	vperm.xlane v42, v1;
	v55, _, _ =	vpop (xrf2)  }
0x1b3: {  	v3 =	vsel vm4, v3, v20;
	v33 =	vld [tilespmem:s5+$0x1010];
	(xrf2) =	vadd.scan.msk.f32 $0xffff, v39;
	v20 =	vmul.f32 v45, v62;
	(erf) = vpow2.f32 v10;
	v56, _, _ =	vpop (xrf2)  }
0x1b4: {  	v50 =	vld [tilespmem:s10+$0x1010];
	v41 =	vmax.f32 v63, $-5.000000000e+00;
	v35 =	vmax.f32 v47, $-5.000000000e+00;
	v29 =	vperm.xlane v55, v1;
	v57 =	vpop (erf)  }
0x1b5: {  	v53 =	vld [tilespmem:s10+$0x2410];
	(xrf2) =	vadd.scan.msk.f32 $0xffff, v26;
	v54 =	vmin.f32 v35, $5.000000000e+00;
	v59 =	vperm.xlane v56, v1;
	v2 =	vmul.f32 v57, v22  }
0x1b6: {  	v45 =	vld [tilespmem:s5+$0x23B0];
	v61 =	vpop (erf);
	v18 =	vsel vm5, v3, v57;
	v57 =	vmul.f32 v58, v31;
	v10 =	vmul.f32 $1.442695020e+00, v54  }
0x1b7: {  	v63 =	vld [tilespmem:s5+$0xFB0];
	v29 =	vmax.f32 v29, $-5.000000000e+00;
	v22 =	vmul.f32 v43, v40;
	v3 =	vmul.f32 v61, v23  }
0x1b8: {  	v60 =	vld [tilespmem:s5+$0x23A0];
	(xrf2) =	vadd.scan.msk.f32 $0xffff, v27;
	v46 =	vpop (erf);
	v11 =	vsel vm6, v18, v61;
	v18 =	vperm.xlane v49, v1;
	v61 =	vmin.f32 v29, $5.000000000e+00  }
0x1b9: {  	(xrf2) =	vadd.scan.msk.f32 $0xffff, v52;
	v58 =	vld [tilespmem:s5+$0xFA0];
	v62 =	vmax.f32 v59, $-5.000000000e+00;
	v4 =	vmul.f32 v46, v24;
	v24 =	vmin.f32 v41, $5.000000000e+00  }
0x1ba: {  	v6 =	vld [tilespmem:s9+$0x3810];
	v51 =	vpop (erf);
	v38 =	vmul.f32 $1.442695020e+00, v61;
	v44 =	vmin.f32 v62, $5.000000000e+00;
	v48 =	vmul.f32 $1.442695020e+00, v24  }
0x1bb: {  	v55 =	vld [tilespmem:s5+$0xFD0];
	(xrf2) =	vadd.scan.msk.f32 $0xffff, v57;
	v5 =	vmul.f32 v51, v5;
	v18 =	vmax.f32 v18, $-5.000000000e+00;
	v23 =	vmul.f32 $1.442695020e+00, v44  }
0x1bc: {  	v57 =	vld [tilespmem:s5+$0x23D0];
	(xrf2) =	vadd.scan.msk.f32 $0xffff, v20;
	v24 =	vmul.f32 v53, v50;
	v20 =	vmul.f32 v45, v63;
	v18 =	vmin.f32 v18, $5.000000000e+00  }
0x1bd: {  	v37 =	vld [tilespmem:s5+$0x37A0];
	v11 =	vsel vm7, v11, v46;
	v46, _, _ =	vpop (xrf2);
	(erf) = vpow2.f32 v48;
	v18 =	vmul.f32 $1.442695020e+00, v18  }
0x1be: {  	v28 =	vld [tilespmem:s5+$0x23E0];
	v47 =	vpop (erf);
	v48 =	vperm.xlane v46, v1;
	v54 =	vmul.f32 v60, v58  }
0x1bf: {  	v49 =	vld [tilespmem:s5+$0xFC0];
	v50, _, _ =	vpop (xrf2);
	(erf) = vpow2.f32 v10;
	v10 =	vmul.f32 v47, v9  }
0x1c0: {  	v26 =	vnsel vm0, $0x0, v51;
	v51 =	vld [tilespmem:s5+$0x23C0];
	(xrf2) =	vadd.scan.msk.f32 $0xffff, v22;
	v9 =	vperm.xlane v50, v1;
	(erf) = vpow2.f32 v18  }
0x1c1: {  	v13 =	vld [tilespmem:s10+$0x37A0];
	v52 =	vmax.f32 v48, $-5.000000000e+00;
	v27 =	vmul.f32 v57, v55;
	(erf) = vpow2.f32 v38  }
0x1c2: {  	v15 =	vld [tilespmem:s10+$0x37B0];
	v53, _, _ =	vpop (xrf2);
	(xrf2) =	vadd.scan.msk.f32 $0xffff, v24;
	v22 =	vmin.f32 v52, $5.000000000e+00;
	v9 =	vmax.f32 v9, $-5.000000000e+00;
	(erf) = vpow2.f32 v23  }
0x1c3: {  	v42 =	vld [tilespmem:s5+$0x37C0];
	v56, _, _ =	vpop (xrf2);
	v23 =	vperm.xlane v53, v1;
	v22 =	vmul.f32 $1.442695020e+00, v22;
	v9 =	vmin.f32 v9, $5.000000000e+00  }
0x1c4: {  	v35 =	vld [tilespmem:s10+$0x3810];
	v26 =	vsel vm1, v26, v47;
	(xrf2) =	vadd.scan.msk.f32 $0xffff, v54;
	v31 =	vperm.xlane v56, v1;
	v9 =	vmul.f32 $1.442695020e+00, v9  }
0x1c5: {  	v40 =	vld [tilespmem:s5+$0x37B0];
	v18 =	vmul.f32 v51, v49;
	v23 =	vmax.f32 v23, $-5.000000000e+00;
	(erf) = vpow2.f32 v22  }
0x1c6: {  	v43 =	vld [tilespmem:s5+$0x2400];
	v60 =	vmax.f32 v31, $-5.000000000e+00;
	v58 =	vmin.f32 v23, $5.000000000e+00;
	v59, _, _ =	vpop (xrf2);
	(erf) = vpow2.f32 v9  }
0x1c7: {  	v29 =	vld [tilespmem:s5+$0x1000];
	v62 =	vpop (erf);
	v24 =	vmin.f32 v60, $5.000000000e+00;
	v23 =	vperm.xlane v59, v1;
	v22 =	vmul.f32 $1.442695020e+00, v58  }
0x1c8: {  	s21 =	sadd.s32 $0x9, s20;
	v41 =	vld [tilespmem:s5+$0x37D0];
	[tilespmem:s23+$0x37F0] =	vst v2;
	v26 =	vsel vm2, v26, v62;
	v63 =	vmul.f32 $1.442695020e+00, v24;
	v24 =	vmul.f32 v62, v12;
	v61, _, _ =	vpop (xrf2)  }
0x1c9: {  	s29 =	sshll.u32 s21, $0x7;
	(xrf2) =	vadd.scan.msk.f32 $0xffff, v20;
	v20 =	vld [tilespmem:s5+$0xFE0];
	v31 =	vperm.xlane v61, v1;
	v49 =	vpop (erf);
	v23 =	vmax.f32 v23, $-5.000000000e+00;
	(erf) = vpow2.f32 v22  }
0x1ca: {  	v2 =	vld [tilespmem:s29+$0x37B0];
	(xrf2) =	vadd.scan.msk.f32 $0xffff, v18;
	v46, _, _ =	vpop (xrf2);
	v26 =	vsel vm3, v26, v49;
	v38 =	vmin.f32 v23, $5.000000000e+00;
	(erf) = vpow2.f32 v63  }
0x1cb: {  	v44 =	vld [tilespmem:s5+$0x2410];
	[tilespmem:s23+$0x3800] =	vst v3;
	v58 =	vpop (erf);
	v45 =	vmax.f32 v31, $-5.000000000e+00;
	v47 =	vperm.xlane v46, v1;
	v31 =	vmul.f32 v49, v14  }
0x1cc: {  	s22 =	sshll.u32 s22, $0x4;
	[tilespmem:s23+$0x3810] =	vst v4;
	v4 =	vld [tilespmem:s29+$0x37D0];
	v48, _, _ =	vpop (xrf2);
	v34 =	vmul.f32 v58, v17;
	v32 =	vsel vm4, v26, v58;
	v58 =	vmul.f32 v43, v29  }
0x1cd: {  	s16 =	sand.u32 $0x3FFFFFF0, s22;
	v23 =	vld [tilespmem:s5+$0x23F0];
	(xrf2) =	vadd.scan.msk.f32 $0xffff, v27;
	v39 =	vmul.f32 $1.442695020e+00, v38;
	v22 =	vmin.f32 v45, $5.000000000e+00;
	v50 =	vperm.xlane v48, v1  }
0x1ce: {  	[tilespmem:s16+$0x87A0] =	vst v11;
	v11 =	vld [tilespmem:s29+$0xFD0];
	v53, _, _ =	vpop (xrf2);
	v20 =	vmul.f32 v28, v20;
	v22 =	vmul.f32 $1.442695020e+00, v22;
	v51 =	vmax.f32 v47, $-5.000000000e+00  }
0x1cf: {  	[tilespmem:s9+$0x37B0] =	vst v10;
	v10 =	vld [tilespmem:s29+$0x23F0];
	v56 =	vperm.xlane v53, v1;
	v18 =	vmin.f32 v51, $5.000000000e+00;
	v52 =	vmax.f32 v50, $-5.000000000e+00  }
0x1d0: {  	v9 =	vld [tilespmem:s5+$0x37E0];
	v59 =	vpop (erf);
	(erf) = vpow2.f32 v39;
	v54 =	vmul.f32 $1.442695020e+00, v18;
	v55 =	vmin.f32 v52, $5.000000000e+00  }
0x1d1: {  	s25 =	sadd.s32 $0x8, s20;
	v12 =	vld [tilespmem:s5+$0x37F0];
	(erf) = vpow2.f32 v22;
	v22 =	vmax.f32 v56, $-5.000000000e+00;
	v47 =	vpop (erf);
	v39 =	vmul.f32 $1.442695020e+00, v55  }
0x1d2: {  	s31 =	sshll.u32 s25, $0x7;
	[tilespmem:s9+$0x37C0] =	vst v24;
	v24 =	vld [tilespmem:s29+$0xFE0];
	v22 =	vmin.f32 v22, $5.000000000e+00;
	v48 =	vpop (erf);
	v23 =	vmul.f32 v23, v36;
	(erf) = vpow2.f32 v54  }
0x1d3: {  	v46 =	vld [tilespmem:s31+$0x23A0];
	v17 =	vsel vm5, v32, v59;
	v57, _, _ =	vpop (xrf2);
	v61 =	vmul.f32 $1.442695020e+00, v22;
	v36 =	vmul.f32 v48, v6  }
0x1d4: {  	v45 =	vld [tilespmem:s31+$0xFA0];
	v17 =	vsel vm6, v17, v47;
	v27 =	vperm.xlane v57, v1;
	(erf) = vpow2.f32 v39;
	v60, _, _ =	vpop (xrf2)  }
0x1d5: {  	v49 =	vld [tilespmem:s31+$0xFB0];
	v50 =	vpop (erf);
	v32 =	vsel vm7, v17, v48;
	v39 =	vmul.f32 v47, v7;
	v38 =	vperm.xlane v60, v1  }
0x1d6: {  	v51 =	vld [tilespmem:s31+$0x23B0];
	(xrf2) =	vadd.scan.msk.f32 $0xffff, v20;
	v29 =	vmul.f32 v50, v13;
	(erf) = vpow2.f32 v61;
	v27 =	vmax.f32 v27, $-5.000000000e+00  }
0x1d7: {  	v52 =	vld [tilespmem:s31+$0xFC0];
	(xrf2) =	vadd.scan.msk.f32 $0xffff, v23;
	v27 =	vmin.f32 v27, $5.000000000e+00;
	v63 =	vmax.f32 v38, $-5.000000000e+00;
	v38 =	vmul.f32 v59, v8;
	v56, _, _ =	vpop (xrf2)  }
0x1d8: {  	v48 =	vld [tilespmem:s31+$0x23D0];
	v8 =	vpop (erf);
	v62 =	vmul.f32 $1.442695020e+00, v27;
	v27 =	vmin.f32 v63, $5.000000000e+00;
	v20 =	vperm.xlane v56, v1  }
0x1d9: {  	v54 =	vnsel vm0, $0x0, v50;
	(xrf2) =	vadd.scan.msk.f32 $0xffff, v58;
	v58 =	vld [tilespmem:s31+$0x23E0];
	v57 =	vpop (erf);
	v56 =	vmul.f32 v46, v45;
	v28 =	vmul.f32 $1.442695020e+00, v27  }
0x1da: {  	v59 =	vld [tilespmem:s31+$0x23C0];
	v27 =	vmul.f32 v8, v15;
	v23 =	vmul.f32 v57, v16;
	v8 =	vsel vm1, v54, v8  }
0x1db: {  	v45 =	vld [tilespmem:s31+$0xFE0];
	v60 =	vpop (erf);
	(erf) = vpow2.f32 v62;
	v61 =	vmax.f32 v20, $-5.000000000e+00;
	v62 =	vmul.f32 v44, v33  }
0x1dc: {  	v7 =	vpop (erf);
	v44 =	vld [tilespmem:s31+$0xFD0];
	v8 =	vsel vm2, v8, v57;
	(erf) = vpow2.f32 v28;
	v13 =	vmin.f32 v61, $5.000000000e+00  }
0x1dd: {  	v20 =	vmul.f32 v60, v19;
	v63 =	vpop (erf);
	v6 =	vsel vm3, v8, v60;
	v60 =	vld [tilespmem:s31+$0xFF0];
	v13 =	vmul.f32 $1.442695020e+00, v13;
	(xrf2) =	vadd.scan.msk.f32 $0xffff, v62  }
0x1de: {  	v57 =	vmul.f32 v51, v49;
	v17 =	vmul.f32 v7, v21;
	v55 =	vpop (erf);
	v62 =	vld [tilespmem:s31+$0x23F0]  }
0x1df: {  	v54 =	vld [tilespmem:s31+$0x2400];
	v59 =	vmul.f32 v59, v52;
	v21 =	vpop (erf);
	(xrf2) =	vadd.scan.msk.f32 $0xffff, v56;
	(erf) = vpow2.f32 v13  }
0x1e0: {  	v19 =	vmul.f32 v63, v25;
	v52 =	vld [tilespmem:s31+$0x1000];
	v15 =	vmul.f32 v55, v30;
	v61, _, _ =	vpop (xrf2);
	(xrf2) =	vadd.scan.msk.f32 $0xffff, v57  }
0x1e1: {  	v14 =	vld [tilespmem:s5+$0x3800];
	v6 =	vsel vm4, v6, v7;
	v58 =	vmul.f32 v58, v45;
	v13 =	vmul.f32 v21, v35;
	v47, _, _ =	vpop (xrf2);
	(xrf2) =	vadd.scan.msk.f32 $0xffff, v59  }
0x1e2: {  	v16 =	vsel vm5, v6, v63;
	v46 =	vpop (erf);
	v63 =	vperm.xlane v61, v1;
	v44 =	vmul.f32 v48, v44;
	v59 =	vld [tilespmem:s31+$0x1010]  }
0x1e3: {  	v16 =	vsel vm6, v16, v55;
	v53 =	vperm.xlane v47, v1;
	v57, _, _ =	vpop (xrf2);
	v25 =	vmul.f32 v62, v60;
	v60 =	vld [tilespmem:s31+$0x2410]  }
0x1e4: {  	v26 =	vld [tilespmem:s31+$0x37B0];
	v6 =	vmul.f32 v46, v37;
	v55 =	vmax.f32 v63, $-5.000000000e+00;
	v47 =	vperm.xlane v57, v1;
	(xrf2) =	vadd.scan.msk.f32 $0xffff, v44;
	v51 =	vpop (erf)  }
0x1e5: {  	v18 =	vld [tilespmem:s5+$0x3810];
	v56 =	vmax.f32 v53, $-5.000000000e+00;
	v48 =	vmul.f32 v54, v52;
	v43 =	vpop (erf);
	v8 =	vmul.f32 v51, v40  }
0x1e6: {  	v22 =	vld [tilespmem:s31+$0x37A0];
	(xrf2) =	vadd.scan.msk.f32 $0xffff, v58;
	v40 =	vmin.f32 v55, $5.000000000e+00;
	v7 =	vmul.f32 v43, v42;
	v42 =	vmin.f32 v56, $5.000000000e+00  }
0x1e7: {  	v50 =	vld [tilespmem:s29+$0x23B0];
	v21 =	vsel vm7, v16, v21;
	v61 =	vmul.f32 $1.442695020e+00, v40;
	v42 =	vmul.f32 $1.442695020e+00, v42;
	v62, _, _ =	vpop (xrf2)  }
0x1e8: {  	v33 =	vld [tilespmem:s31+$0x37D0];
	v47 =	vmax.f32 v47, $-5.000000000e+00;
	(xrf2) =	vadd.scan.msk.f32 $0xffff, v25;
	v45 =	vmul.f32 v60, v59;
	v44 =	vpop (erf);
	v63 =	vperm.xlane v62, v1  }
0x1e9: {  	v49 =	vld [tilespmem:s29+$0x23A0];
	v52 =	vmin.f32 v47, $5.000000000e+00;
	(erf) = vpow2.f32 v61;
	v54, _, _ =	vpop (xrf2);
	v16 =	vmul.f32 v44, v41  }
0x1ea: {  	v28 =	vld [tilespmem:s31+$0x37C0];
	(xrf2) =	vadd.scan.msk.f32 $0xffff, v48;
	v41 =	vmul.f32 $1.442695020e+00, v52;
	v56 =	vperm.xlane v54, v1;
	v57, _, _ =	vpop (xrf2);
	v53 =	vmax.f32 v63, $-5.000000000e+00  }
0x1eb: {  	[tilespmem:s10+$0x37C0] =	vst v23;
	v23 =	vld [tilespmem:s29+$0x37F0];
	(erf) = vpow2.f32 v42;
	v47 =	vperm.xlane v57, v1;
	v59, _, _ =	vpop (xrf2);
	v55 =	vmin.f32 v53, $5.000000000e+00  }
0x1ec: {  	v48 =	vld [tilespmem:s29+$0xFA0];
	(erf) = vpow2.f32 v41;
	v60 =	vmax.f32 v56, $-5.000000000e+00;
	v61 =	vperm.xlane v59, v1  }
0x1ed: {  	(xrf2) =	vadd.scan.msk.f32 $0xffff, v45;
	v45 =	vld [tilespmem:s29+$0xFB0];
	v58 =	vmul.f32 $1.442695020e+00, v55;
	v41 =	vmin.f32 v60, $5.000000000e+00;
	v47 =	vmax.f32 v47, $-5.000000000e+00  }
0x1ee: {  	[tilespmem:s10+$0x37D0] =	vst v20;
	v20 =	vld [tilespmem:s29+$0x3800];
	v46 =	vnsel vm0, $0x0, v46;
	v62, _, _ =	vpop (xrf2);
	v41 =	vmul.f32 $1.442695020e+00, v41;
	v47 =	vmin.f32 v47, $5.000000000e+00  }
0x1ef: {  	[tilespmem:s9+$0x37A0] =	vst v5;
	v30 =	vld [tilespmem:s31+$0x3810];
	v42 =	vmax.f32 v61, $-5.000000000e+00;
	v63 =	vperm.xlane v62, v1;
	(erf) = vpow2.f32 v58  }
0x1f0: {  	[tilespmem:s9+$0x37D0] =	vst v31;
	v35 =	vld [tilespmem:s31+$0x37E0];
	v3 =	vmul.f32 $1.442695020e+00, v47;
	v42 =	vmin.f32 v42, $5.000000000e+00;
	v55, _, _ =	vpop (xrf2);
	(erf) = vpow2.f32 v41  }
0x1f1: {  	[tilespmem:s9+$0x37E0] =	vst v34;
	v46 =	vsel vm1, v46, v51;
	v52 =	vld [tilespmem:s29+$0xFC0];
	v54 =	vmul.f32 $1.442695020e+00, v42;
	v41 =	vperm.xlane v55, v1  }
0x1f2: {  	[tilespmem:s9+$0x3810] =	vst v36;
	v47 =	vld [tilespmem:s29+$0x23E0];
	v56 =	vmax.f32 v63, $-5.000000000e+00;
	v57, _, _ =	vpop (xrf2);
	v63 =	vmul.f32 v49, v48;
	v45 =	vmul.f32 v50, v45  }
0x1f3: {  	s16 =	sadd.s32 $0xA, s20;
	[tilespmem:s9+$0x3800] =	vst v39;
	v42 =	vld [tilespmem:s29+$0x23C0];
	(erf) = vpow2.f32 v3;
	v58 =	vmin.f32 v56, $5.000000000e+00;
	v59 =	vperm.xlane v57, v1  }
0x1f4: {  	[tilespmem:s9+$0x37F0] =	vst v38;
	s9 =	sshll.u32 s16, $0x7;
	v48 =	vld [tilespmem:s29+$0x23D0];
	(erf) = vpow2.f32 v54;
	v60 =	vmul.f32 $1.442695020e+00, v58;
	v61 =	vmax.f32 v41, $-5.000000000e+00;
	v62, _, _ =	vpop (xrf2)  }
0x1f5: {  	v49 =	vld [tilespmem:s9+$0xFB0];
	(xrf2) =	vadd.scan.msk.f32 $0xffff, v63;
	v51 =	vmin.f32 v61, $5.000000000e+00;
	v5 =	vmax.f32 v59, $-5.000000000e+00;
	v41 =	vperm.xlane v62, v1  }
0x1f6: {  	v56 =	vpop (erf);
	v59 =	vsel vm2, v46, v43;
	(xrf2) =	vadd.scan.msk.f32 $0xffff, v45;
	v45 =	vld [tilespmem:s29+$0x1000];
	(erf) = vpow2.f32 v60;
	v53 =	vmul.f32 $1.442695020e+00, v51  }
0x1f7: {  	v5 =	vmin.f32 v5, $5.000000000e+00;
	v62 =	vsel vm3, v59, v44;
	v34 =	vmul.f32 v56, v9;
	v59 =	vld [tilespmem:s29+$0x2410]  }
0x1f8: {  	v5 =	vmul.f32 $1.442695020e+00, v5;
	v54 =	vmax.f32 v41, $-5.000000000e+00;
	v41 =	vld [tilespmem:s29+$0xFF0];
	v42 =	vmul.f32 v42, v52  }
0x1f9: {  	s8 =	sshll.u32 s8, $0x4;
	[tilespmem:s10+$0x37A0] =	vst v29;
	v55, _, _ =	vpop (xrf2);
	v11 =	vmul.f32 v48, v11;
	(erf) = vpow2.f32 v53;
	v57 =	vmin.f32 v54, $5.000000000e+00;
	v54 =	vld [tilespmem:s29+$0x2400]  }
0x1fa: {  	s8 =	sand.u32 $0x3FFFFFF0, s8;
	v58 =	vperm.xlane v55, v1;
	v60 =	vpop (erf);
	v55 =	vsel vm4, v62, v56;
	(erf) = vpow2.f32 v5;
	(xrf2) =	vadd.scan.msk.f32 $0xffff, v42;
	v42 =	vld [tilespmem:s29+$0x1010]  }
0x1fb: {  	[tilespmem:s8+$0x87A0] =	vst v32;
	v61 =	vmul.f32 $1.442695020e+00, v57;
	v63 =	vpop (erf);
	v36 =	vmul.f32 v60, v12;
	v57 =	vsel vm5, v55, v60;
	v55 =	vld [tilespmem:s9+$0xFC0]  }
0x1fc: {  	[tilespmem:s10+$0x37B0] =	vst v27;
	v31 =	vmax.f32 v58, $-5.000000000e+00;
	v38 =	vmul.f32 v63, v14;
	v12 =	vsel vm6, v57, v63;
	v63 =	vld [tilespmem:s9+$0x23A0]  }
0x1fd: {  	[tilespmem:s10+$0x37E0] =	vst v17;
	v24 =	vmul.f32 v47, v24;
	v52 =	vpop (erf);
	v57 =	vld [tilespmem:s9+$0x23C0];
	(erf) = vpow2.f32 v61;
	v53 =	vmin.f32 v31, $5.000000000e+00  }
0x1fe: {  	[tilespmem:s10+$0x37F0] =	vst v19;
	(xrf2) =	vadd.scan.msk.f32 $0xffff, v11;
	v56 =	vpop (erf);
	v61 =	vld [tilespmem:s9+$0xFA0];
	v39 =	vmul.f32 v52, v18;
	v5 =	vmul.f32 $1.442695020e+00, v53  }
0x1ff: {  	v31 =	vsel vm7, v12, v52;
	(xrf2) =	vadd.scan.msk.f32 $0xffff, v24;
	v58 =	vpop (erf);
	v10 =	vmul.f32 v10, v41;
	v24 =	vmul.f32 v56, v22;
	v53 =	vld [tilespmem:s9+$0x23B0]  }
0x200: {  	[tilespmem:s10+$0x3800] =	vst v15;
	v40 =	vld [tilespmem:s31+$0x37F0];
	v32 =	vnsel vm0, $0x0, v56;
	v14 =	vmul.f32 v58, v26;
	v52 =	vmul.f32 v54, v45;
	v48, _, _ =	vpop (xrf2)  }
0x201: {  	v60 =	vpop (erf);
	v11 =	vsel vm1, v32, v58;
	(erf) = vpow2.f32 v5;
	(xrf2) =	vadd.scan.msk.f32 $0xffff, v10;
	v51 =	vperm.xlane v48, v1;
	v48 =	vld [tilespmem:s9+$0xFE0]  }
0x202: {  	s23 =	sshll.u32 s24, $0x4;
	v18 =	vmul.f32 v60, v28;
	v54 =	vsel vm2, v11, v60;
	v42 =	vmul.f32 v59, v42;
	v62 =	vpop (erf);
	(xrf2) =	vadd.scan.msk.f32 $0xffff, v52;
	v52 =	vld [tilespmem:s9+$0x23E0]  }
0x203: {  	s8 =	sand.u32 $0x3FFFFFF0, s23;
	v37 =	vld [tilespmem:s31+$0x3800];
	[tilespmem:s10+$0x3810] =	vst v13;
	v56, _, _ =	vpop (xrf2);
	v47 =	vmul.f32 v57, v55;
	v12 =	vmul.f32 v62, v33;
	v9 =	vsel vm3, v54, v62  }
0x204: {  	[tilespmem:s8+$0x87A0] =	vst v21;
	v60 =	vld [tilespmem:s9+$0xFD0];
	v59 =	vmul.f32 v63, v61;
	v50 =	vpop (erf);
	v22 =	vmax.f32 v51, $-5.000000000e+00;
	v26 =	vmul.f32 v53, v49  }
0x205: {  	s8 =	sadd.s32 $0xB, s20;
	(xrf2) =	vadd.scan.msk.f32 $0xffff, v42;
	v63 =	vld [tilespmem:s9+$0x23D0];
	v29 =	vpop (erf);
	v11 =	vmul.f32 v50, v35;
	v58 =	vmin.f32 v22, $5.000000000e+00;
	v35 =	vperm.xlane v56, v1  }
0x206: {  	s10 =	sshll.u32 s8, $0x7;
	v25 =	vld [tilespmem:s29+$0x37A0];
	v32 =	vsel vm4, v9, v50;
	v10 =	vmul.f32 v29, v40;
	v27 =	vmul.f32 $1.442695020e+00, v58;
	v62, _, _ =	vpop (xrf2)  }
0x207: {  	v21 =	vld [tilespmem:s10+$0xFA0];
	v28 =	vpop (erf);
	v61 =	vmax.f32 v35, $-5.000000000e+00;
	v35 =	vperm.xlane v62, v1;
	v33 =	vmul.f32 v52, v48  }
0x208: {  	v3 =	vld [tilespmem:s29+$0x37C0];
	(xrf2) =	vadd.scan.msk.f32 $0xffff, v59;
	v46, _, _ =	vpop (xrf2);
	v5 =	vmul.f32 v28, v37;
	(erf) = vpow2.f32 v27;
	v45 =	vmin.f32 v61, $5.000000000e+00  }
0x209: {  	v44 =	vld [tilespmem:s9+$0x23F0];
	v50 =	vperm.xlane v46, v1;
	v51, _, _ =	vpop (xrf2);
	v27 =	vmul.f32 $1.442695020e+00, v45;
	v49 =	vmax.f32 v35, $-5.000000000e+00  }
0x20a: {  	v41 =	vld [tilespmem:s10+$0xFB0];
	(xrf2) =	vadd.scan.msk.f32 $0xffff, v26;
	v37 =	vmul.f32 v63, v60;
	v35 =	vperm.xlane v51, v1;
	v42 =	vpop (erf);
	v53 =	vmin.f32 v49, $5.000000000e+00  }
0x20b: {  	v22 =	vld [tilespmem:s29+$0x37E0];
	(xrf2) =	vadd.scan.msk.f32 $0xffff, v47;
	v55 =	vmax.f32 v50, $-5.000000000e+00;
	v9 =	vmul.f32 v42, v30;
	(erf) = vpow2.f32 v27  }
0x20c: {  	v48 =	vld [tilespmem:s9+$0x1000];
	(xrf2) =	vadd.scan.msk.f32 $0xffff, v37;
	v54 =	vmul.f32 $1.442695020e+00, v53;
	v56, _, _ =	vpop (xrf2);
	v57 =	vmin.f32 v55, $5.000000000e+00;
	v35 =	vmax.f32 v35, $-5.000000000e+00  }
0x20d: {  	(xrf2) =	vadd.scan.msk.f32 $0xffff, v33;
	v33 =	vld [tilespmem:s9+$0xFF0];
	v53 =	vsel vm5, v32, v29;
	v30 =	vperm.xlane v56, v1;
	v58 =	vmul.f32 $1.442695020e+00, v57;
	v59, _, _ =	vpop (xrf2)  }
0x20e: {  	v52 =	vld [tilespmem:s9+$0x2400];
	v35 =	vmin.f32 v35, $5.000000000e+00;
	(erf) = vpow2.f32 v54;
	v60 =	vperm.xlane v59, v1  }
0x20f: {  	v56 =	vld [tilespmem:s9+$0x1010];
	v35 =	vmul.f32 $1.442695020e+00, v35;
	v62, _, _ =	vpop (xrf2);
	v30 =	vmax.f32 v30, $-5.000000000e+00;
	(erf) = vpow2.f32 v58  }
0x210: {  	v59 =	vld [tilespmem:s9+$0x2410];
	v61 =	vmin.f32 v30, $5.000000000e+00;
	v37 =	vmax.f32 v60, $-5.000000000e+00;
	v30 =	vperm.xlane v62, v1  }
0x211: {  	v26 =	vld [tilespmem:s9+$0x37A0];
	(erf) = vpow2.f32 v35;
	v63 =	vmul.f32 $1.442695020e+00, v61;
	v37 =	vmin.f32 v37, $5.000000000e+00  }
0x212: {  	[tilespmem:s5+$0x37C0] =	vst v7;
	v27 =	vld [tilespmem:s29+$0x3810];
	v7 =	vsel vm6, v53, v28;
	v43, _, _ =	vpop (xrf2);
	v33 =	vmul.f32 v44, v33;
	v45 =	vmul.f32 $1.442695020e+00, v37  }
0x213: {  	v53 =	vld [tilespmem:s10+$0xFD0];
	v40 =	vpop (erf);
	v46 =	vmax.f32 v30, $-5.000000000e+00;
	v50 =	vperm.xlane v43, v1;
	v30 =	vmul.f32 v52, v48  }
0x214: {  	v44 =	vld [tilespmem:s10+$0x23B0];
	v47, _, _ =	vpop (xrf2);
	v13 =	vmul.f32 v40, v25;
	(erf) = vpow2.f32 v63  }
0x215: {  	v37 =	vld [tilespmem:s10+$0xFF0];
	v49 =	vmin.f32 v46, $5.000000000e+00;
	v51 =	vperm.xlane v47, v1;
	v25 =	vmul.f32 v59, v56  }
0x216: {  	[tilespmem:s5+$0x37A0] =	vst v6;
	v7 =	vsel vm7, v7, v42;
	v55, _, _ =	vpop (xrf2);
	v63 =	vld [tilespmem:s10+$0x23A0];
	(erf) = vpow2.f32 v45;
	v54 =	vmul.f32 $1.442695020e+00, v49  }
0x217: {  	[tilespmem:s5+$0x37B0] =	vst v8;
	v47 =	vld [tilespmem:s10+$0xFC0];
	v57 =	vmax.f32 v50, $-5.000000000e+00;
	v8 =	vperm.xlane v55, v1;
	v58 =	vmax.f32 v51, $-5.000000000e+00  }
0x218: {  	[tilespmem:s5+$0x3810] =	vst v39;
	v56 =	vld [tilespmem:s10+$0x23D0];
	v60 =	vmin.f32 v57, $5.000000000e+00;
	v62, _, _ =	vpop (xrf2);
	(erf) = vpow2.f32 v54;
	v61 =	vmin.f32 v58, $5.000000000e+00  }
0x219: {  	(xrf2) =	vadd.scan.msk.f32 $0xffff, v33;
	v59 =	vld [tilespmem:s10+$0xFE0];
	v48 =	vpop (erf);
	v6 =	vmul.f32 $1.442695020e+00, v60;
	v8 =	vmax.f32 v8, $-5.000000000e+00;
	v32 =	vperm.xlane v62, v1  }
0x21a: {  	(xrf2) =	vadd.scan.msk.f32 $0xffff, v30;
	v51 =	vld [tilespmem:s10+$0x23C0];
	v46, _, _ =	vpop (xrf2);
	v54 =	vnsel vm0, $0x0, v40;
	v2 =	vmul.f32 v48, v2;
	v39 =	vmul.f32 v44, v41  }
0x21b: {  	[tilespmem:s5+$0x37D0] =	vst v16;
	v62 =	vld [tilespmem:s10+$0x23E0];
	v16 =	vmul.f32 $1.442695020e+00, v61;
	v8 =	vmin.f32 v8, $5.000000000e+00;
	v50 =	vperm.xlane v46, v1  }
0x21c: {  	[tilespmem:s31+$0x37A0] =	vst v24;
	v40 =	vld [tilespmem:s10+$0x23F0];
	v52 =	vpop (erf);
	v24 =	vsel vm1, v54, v48;
	(erf) = vpow2.f32 v6;
	v43 =	vmul.f32 $1.442695020e+00, v8  }
0x21d: {  	(xrf2) =	vadd.scan.msk.f32 $0xffff, v25;
	v48 =	vld [tilespmem:s10+$0x1010];
	v45 =	vmax.f32 v32, $-5.000000000e+00;
	v60 =	vsel vm2, v24, v52;
	v21 =	vmul.f32 v63, v21  }
0x21e: {  	s22 =	sadd.s32 $0xC, s20;
	[tilespmem:s5+$0x37E0] =	vst v34;
	v55 =	vpop (erf);
	v3 =	vmul.f32 v52, v3;
	(erf) = vpow2.f32 v16;
	v49 =	vmin.f32 v45, $5.000000000e+00;
	v45 =	vld [tilespmem:s10+$0x2400]  }
0x21f: {  	s23 =	sshll.u32 s22, $0x7;
	[tilespmem:s31+$0x37B0] =	vst v14;
	v16 =	vmax.f32 v50, $-5.000000000e+00;
	v57 =	vpop (erf);
	v4 =	vmul.f32 v55, v4;
	v50 =	vld [tilespmem:s10+$0x2410];
	(erf) = vpow2.f32 v43  }
0x220: {  	[tilespmem:s31+$0x37D0] =	vst v12;
	v14 =	vsel vm3, v60, v55;
	v55 =	vld [tilespmem:s23+$0xFA0];
	v6 =	vmul.f32 $1.442695020e+00, v49;
	v12 =	vmul.f32 v57, v22  }
0x221: {  	v58 =	vmin.f32 v16, $5.000000000e+00;
	(xrf2) =	vadd.scan.msk.f32 $0xffff, v21;
	v42 =	vmul.f32 v51, v47;
	v43 =	vld [tilespmem:s10+$0x1000];
	v47 =	vmul.f32 v56, v53;
	v61 =	vpop (erf)  }
0x222: {  	s24 =	sshll.u32 s11, $0x4;
	[tilespmem:s5+$0x37F0] =	vst v36;
	v14 =	vsel vm4, v14, v57;
	v57 =	vld [tilespmem:s23+$0x23A0];
	v16 =	vmul.f32 v62, v59;
	v8 =	vmul.f32 v40, v37;
	v63 =	vpop (erf)  }
0x223: {  	[tilespmem:s5+$0x3800] =	vst v38;
	s5 =	sand.u32 $0x3FFFFFF0, s24;
	v60 =	vld [tilespmem:s23+$0x23B0];
	(xrf2) =	vadd.scan.msk.f32 $0xffff, v39;
	(erf) = vpow2.f32 v6;
	v6 =	vmul.f32 $1.442695020e+00, v58;
	v46, _, _ =	vpop (xrf2)  }
0x224: {  	[tilespmem:s5+$0x87A0] =	vst v31;
	(xrf2) =	vadd.scan.msk.f32 $0xffff, v42;
	v58 =	vld [tilespmem:s23+$0xFB0];
	v23 =	vmul.f32 v61, v23;
	v20 =	vmul.f32 v63, v20;
	v52, _, _ =	vpop (xrf2)  }
0x225: {  	v19 =	vld [tilespmem:s9+$0x37B0];
	v14 =	vsel vm5, v14, v61;
	(xrf2) =	vadd.scan.msk.f32 $0xffff, v47;
	v59 =	vmul.f32 v50, v48;
	v38 =	vpop (erf);
	(erf) = vpow2.f32 v6  }
0x226: {  	[tilespmem:s31+$0x37C0] =	vst v18;
	v14 =	vsel vm6, v14, v63;
	v54 =	vperm.xlane v52, v1;
	v6 =	vmul.f32 v45, v43  }
0x227: {  	v15 =	vld [tilespmem:s9+$0x37C0];
	(xrf2) =	vadd.scan.msk.f32 $0xffff, v16;
	v16 =	vmul.f32 v57, v55;
	v24 =	vmul.f32 v38, v27;
	v14 =	vsel vm7, v14, v38;
	v56, _, _ =	vpop (xrf2)  }
0x228: {  	[tilespmem:s31+$0x37E0] =	vst v11;
	v27 =	vperm.xlane v46, v1;
	v41 =	vpop (erf);
	v25 =	vmax.f32 v54, $-5.000000000e+00;
	v30 =	vperm.xlane v56, v1  }
0x229: {  	v17 =	vld [tilespmem:s9+$0x37D0];
	(xrf2) =	vadd.scan.msk.f32 $0xffff, v8;
	v8 =	vmul.f32 v60, v58;
	v44 =	vpop (erf);
	v11 =	vmul.f32 v41, v26;
	v21 =	vnsel vm0, $0x0, v41  }
0x22a: {  	[tilespmem:s31+$0x37F0] =	vst v10;
	v53 =	vmax.f32 v27, $-5.000000000e+00;
	v25 =	vmin.f32 v25, $5.000000000e+00;
	v49 =	vpop (erf);
	v19 =	vmul.f32 v44, v19  }
0x22b: {  	(xrf2) =	vadd.scan.msk.f32 $0xffff, v6;
	v22 =	vmin.f32 v53, $5.000000000e+00;
	v25 =	vmul.f32 $1.442695020e+00, v25;
	v30 =	vmax.f32 v30, $-5.000000000e+00;
	v61, _, _ =	vpop (xrf2)  }
0x22c: {  	[tilespmem:s31+$0x3800] =	vst v5;
	v51 =	vld [tilespmem:s9+$0x37E0];
	v15 =	vmul.f32 v49, v15;
	v22 =	vmul.f32 $1.442695020e+00, v22;
	v62 =	vmin.f32 v30, $5.000000000e+00;
	v10 =	vpop (erf)  }
0x22d: {  	s25 =	sshll.u32 s25, $0x4;
	v18 =	vsel vm1, v21, v44;
	(xrf2) =	vadd.scan.msk.f32 $0xffff, v59;
	v63 =	vperm.xlane v61, v1;
	v32, _, _ =	vpop (xrf2);
	v6 =	vmul.f32 $1.442695020e+00, v62  }
0x22e: {  	s5 =	sand.u32 $0x3FFFFFF0, s25;
	[tilespmem:s31+$0x3810] =	vst v9;
	v33 =	vsel vm2, v18, v49;
	v17 =	vmul.f32 v10, v17;
	(erf) = vpow2.f32 v22;
	v36, _, _ =	vpop (xrf2)  }
0x22f: {  	[tilespmem:s5+$0x87A0] =	vst v7;
	v35 =	vperm.xlane v32, v1;
	(erf) = vpow2.f32 v25;
	v34 =	vmax.f32 v63, $-5.000000000e+00;
	v40, _, _ =	vpop (xrf2)  }
0x230: {  	[tilespmem:s29+$0x37A0] =	vst v13;
	v37 =	vperm.xlane v36, v1;
	v5 =	vpop (erf);
	v7 =	vmin.f32 v34, $5.000000000e+00;
	(erf) = vpow2.f32 v6  }
0x231: {  	(xrf2) =	vadd.scan.msk.f32 $0xffff, v16;
	v39 =	vmax.f32 v35, $-5.000000000e+00;
	v41 =	vperm.xlane v40, v1;
	v21 =	vmul.f32 v5, v51  }
0x232: {  	(xrf2) =	vadd.scan.msk.f32 $0xffff, v8;
	v43, _, _ =	vpop (xrf2);
	v38 =	vmul.f32 $1.442695020e+00, v7;
	v7 =	vmin.f32 v39, $5.000000000e+00;
	v13 =	vmax.f32 v37, $-5.000000000e+00  }
0x233: {  	[tilespmem:s29+$0x37B0] =	vst v2;
	v2 =	vmul.f32 $1.442695020e+00, v7;
	v42 =	vmin.f32 v13, $5.000000000e+00;
	v7 =	vperm.xlane v43, v1  }
0x234: {  	[tilespmem:s29+$0x37C0] =	vst v3;
	v50 =	vld [tilespmem:s23+$0x23C0];
	v44 =	vmax.f32 v41, $-5.000000000e+00;
	v45, _, _ =	vpop (xrf2);
	(erf) = vpow2.f32 v38;
	v3 =	vmul.f32 $1.442695020e+00, v42  }
0x235: {  	v49 =	vld [tilespmem:s23+$0xFC0];
	v46 =	vperm.xlane v45, v1;
	v47, _, _ =	vpop (xrf2);
	(erf) = vpow2.f32 v2;
	v2 =	vmin.f32 v44, $5.000000000e+00  }
0x236: {  	[tilespmem:s29+$0x37D0] =	vst v4;
	v6 =	vperm.xlane v47, v1;
	(erf) = vpow2.f32 v3;
	v3 =	vmax.f32 v7, $-5.000000000e+00  }
0x237: {  	[tilespmem:s29+$0x37E0] =	vst v12;
	v2 =	vmul.f32 $1.442695020e+00, v2;
	v4 =	vmax.f32 v46, $-5.000000000e+00;
	v3 =	vmin.f32 v3, $5.000000000e+00;
	v48, _, _ =	vpop (xrf2)  }
0x238: {  	[tilespmem:s29+$0x37F0] =	vst v23;
	v4 =	vmin.f32 v4, $5.000000000e+00;
	v3 =	vmul.f32 $1.442695020e+00, v3;
	v7 =	vperm.xlane v48, v1  }
0x239: {  	s11 =	sshll.u32 s21, $0x4;
	[tilespmem:s29+$0x3800] =	vst v20;
	v51 =	vld [tilespmem:s9+$0x37F0];
	(erf) = vpow2.f32 v2;
	v2 =	vmul.f32 $1.442695020e+00, v4  }
0x23a: {  	s5 =	sand.u32 $0x3FFFFFF0, s11;
	[tilespmem:s29+$0x3810] =	vst v24;
	v8 =	vmul.f32 v50, v49;
	v52 =	vmax.f32 v6, $-5.000000000e+00;
	(erf) = vpow2.f32 v3  }
0x23b: {  	v54 =	vld [tilespmem:s9+$0x3800];
	[tilespmem:s5+$0x87A0] =	vst v14;
	v3 =	vmin.f32 v52, $5.000000000e+00;
	v53 =	vmax.f32 v7, $-5.000000000e+00;
	v55, _, _ =	vpop (xrf2);
	(erf) = vpow2.f32 v2  }
0x23c: {  	[tilespmem:s9+$0x37A0] =	vst v11;
	v2 =	vmul.f32 $1.442695020e+00, v3;
	v3 =	vmin.f32 v53, $5.000000000e+00;
	v4 =	vperm.xlane v55, v1;
	v58, _, _ =	vpop (xrf2)  }
0x23d: {  	v57 =	vld [tilespmem:s9+$0x3810];
	v56 =	vsel vm3, v33, v10;
	v59 =	vpop (erf);
	(xrf2) =	vadd.scan.msk.f32 $0xffff, v8;
	v3 =	vmul.f32 $1.442695020e+00, v3;
	v10 =	vperm.xlane v58, v1  }
0x23e: {  	[tilespmem:s9+$0x37B0] =	vst v19;
	v60 =	vmul.f32 v59, v51;
	(erf) = vpow2.f32 v2  }
0x23f: {  	v61 =	vld [tilespmem:s10+$0x37A0];
	[tilespmem:s9+$0x37C0] =	vst v15;
	v62 =	vpop (erf);
	v2 =	vmax.f32 v4, $-5.000000000e+00;
	(erf) = vpow2.f32 v3;
	v3 =	vmax.f32 v10, $-5.000000000e+00  }
0x240: {  	v63 =	vld [tilespmem:s10+$0x37B0];
	[tilespmem:s9+$0x37D0] =	vst v17;
	v6 =	vmul.f32 v62, v54;
	v2 =	vmin.f32 v2, $5.000000000e+00;
	v3 =	vmin.f32 v3, $5.000000000e+00  }
0x241: {  	v16 =	vld [tilespmem:s10+$0x37C0];
	v5 =	vsel vm4, v56, v5;
	[tilespmem:s9+$0x37E0] =	vst v21;
	v15 =	vpop (erf);
	v2 =	vmul.f32 $1.442695020e+00, v2;
	v3 =	vmul.f32 $1.442695020e+00, v3  }
0x242: {  	v19 =	vld [tilespmem:s10+$0x37D0];
	v5 =	vsel vm5, v5, v59;
	[tilespmem:s9+$0x37F0] =	vst v60;
	v17 =	vmul.f32 v15, v57;
	v18 =	vpop (erf)  }
0x243: {  	s16 =	sshll.u32 s16, $0x4;
	v21 =	vld [tilespmem:s10+$0x37E0];
	[tilespmem:s9+$0x3800] =	vst v6;
	v4 =	vsel vm6, v5, v62;
	v20 =	vpop (erf);
	(erf) = vpow2.f32 v2  }
0x244: {  	v24 =	vld [tilespmem:s10+$0x37F0];
	s5 =	sand.u32 $0x3FFFFFF0, s16;
	[tilespmem:s9+$0x3810] =	vst v17;
	v22 =	vmul.f32 v18, v61;
	v23 =	vpop (erf);
	v2 =	vsel vm7, v4, v15;
	(erf) = vpow2.f32 v3  }
0x245: {  	v25 =	vld [tilespmem:s10+$0x3800];
	[tilespmem:s5+$0x87A0] =	vst v2;
	v2 =	vmul.f32 v20, v63;
	v3 =	vpop (erf)  }
0x246: {  	v29 =	vld [tilespmem:s10+$0x3810];
	v26 =	vnsel vm0, $0x0, v18;
	[tilespmem:s10+$0x37A0] =	vst v22;
	v27 =	vmul.f32 v23, v16;
	v28 =	vpop (erf)  }
0x247: {  	[tilespmem:s10+$0x37B0] =	vst v2;
	v2 =	vsel vm1, v26, v20;
	v30 =	vmul.f32 v3, v19;
	v37, _, _ =	vpop (xrf2)  }
0x248: {  	v33 =	vld [tilespmem:s23+$0x37A0];
	[tilespmem:s10+$0x37C0] =	vst v27;
	v2 =	vsel vm2, v2, v23;
	v31 =	vpop (erf);
	v6 =	vmul.f32 v28, v21  }
0x249: {  	v35 =	vld [tilespmem:s23+$0x37B0];
	v2 =	vsel vm3, v2, v3;
	v32 =	vpop (erf);
	[tilespmem:s10+$0x37D0] =	vst v30;
	v3 =	vmul.f32 v31, v24  }
0x24a: {  	v2 =	vsel vm4, v2, v28;
	v34 =	vpop (erf);
	[tilespmem:s10+$0x37E0] =	vst v6;
	v36 =	vmul.f32 v32, v25  }
0x24b: {  	v10 =	vperm.xlane v37, v1;
	v2 =	vsel vm5, v2, v31;
	[tilespmem:s10+$0x37F0] =	vst v3;
	v3 =	vmul.f32 v34, v29  }
0x24c: {  	s21 =	sshll.u32 s8, $0x4;
	v2 =	vsel vm6, v2, v32;
	[tilespmem:s10+$0x3800] =	vst v36;
	v5 =	vpop (erf)  }
0x24d: {  	s5 =	sand.u32 $0x3FFFFFF0, s21;
	v38 =	vmax.f32 v10, $-5.000000000e+00;
	v2 =	vsel vm7, v2, v34;
	[tilespmem:s10+$0x3810] =	vst v3;
	v3 =	vmul.f32 v5, v33;
	v4 =	vpop (erf)  }
0x24e: {  	v6 =	vmin.f32 v38, $5.000000000e+00;
	[tilespmem:s5+$0x87A0] =	vst v2;
	v2 =	vmul.f32 v4, v35  }
0x24f: {  	[tilespmem:s23+$0x37A0] =	vst v3;
	v3 =	vmul.f32 $1.442695020e+00, v6  }
0x250: {  	[tilespmem:s23+$0x37B0] =	vst v2  }
0x251: {  	(erf) = vpow2.f32 v3  }
0x252: {  	v2 =	vld [tilespmem:s23+$0x37C0]  }
0x253: {  	v3 =	vld [tilespmem:s23+$0xFD0]  }
0x254: {  	v39 =	vld [tilespmem:s23+$0x23D0]  }
0x255: {  	v40 =	vld [tilespmem:s23+$0x37D0]  }
0x256: {  	v41 =	vld [tilespmem:s23+$0xFE0]  }
0x257: {  	v42 =	vld [tilespmem:s23+$0x23E0]  }
0x258: {  	v7 =	vld [tilespmem:s23+$0x37E0]  }
0x259: {  	v43 =	vld [tilespmem:s23+$0xFF0]  }
0x25a: {  	v44 =	vld [tilespmem:s23+$0x23F0]  }
0x25b: {  	v9 =	vld [tilespmem:s23+$0x37F0]  }
0x25c: {  	v45 =	vld [tilespmem:s23+$0x1000]  }
0x25d: {  	v46 =	vld [tilespmem:s23+$0x2400]  }
0x25e: {  	v11 =	vld [tilespmem:s23+$0x3800]  }
0x25f: {  	v47 =	vld [tilespmem:s23+$0x1010]  }
0x260: {  	s11 =	sadd.s32 $0xD, s20;
	v48 =	vld [tilespmem:s23+$0x2410]  }
0x261: {  	s25 =	sshll.u32 s11, $0x7;
	v22 =	vld [tilespmem:s23+$0x3810]  }
0x262: {  	v49 =	vld [tilespmem:s25+$0xFA0]  }
0x263: {  	v6 =	vld [tilespmem:s25+$0x37A0]  }
0x264: {  	v50 =	vld [tilespmem:s25+$0xFB0]  }
0x265: {  	v51 =	vld [tilespmem:s25+$0x23B0];
	v3 =	vmul.f32 v39, v3  }
0x266: {  	v8 =	vld [tilespmem:s25+$0x37B0]  }
0x267: {  	v52 =	vld [tilespmem:s25+$0xFC0];
	(xrf2) =	vadd.scan.msk.f32 $0xffff, v3  }
0x268: {  	v53 =	vld [tilespmem:s25+$0x23C0]  }
0x269: {  	v14 =	vld [tilespmem:s25+$0x37C0]  }
0x26a: {  	v54 =	vld [tilespmem:s25+$0xFD0];
	v10 =	vmul.f32 v42, v41  }
0x26b: {  	v55 =	vld [tilespmem:s25+$0x23D0]  }
0x26c: {  	v58 =	vld [tilespmem:s25+$0xFE0];
	(xrf2) =	vadd.scan.msk.f32 $0xffff, v10  }
0x26d: {  	v59 =	vld [tilespmem:s25+$0x23E0]  }
0x26e: {  	v61 =	vld [tilespmem:s25+$0xFF0];
	v15 =	vmul.f32 v44, v43  }
0x26f: {  	v3 =	vld [tilespmem:s25+$0x23A0]  }
0x270: {  	v62 =	vld [tilespmem:s25+$0x23F0];
	(xrf2) =	vadd.scan.msk.f32 $0xffff, v15  }
0x271: {  	v17 =	vld [tilespmem:s25+$0x37F0];
	v57 =	vmul.f32 v46, v45;
	v56, _, _ =	vpop (xrf2)  }
0x272: {  	v63 =	vld [tilespmem:s25+$0x1000];
	v19 =	vmul.f32 v48, v47;
	v12 =	vperm.xlane v56, v1  }
0x273: {  	s24 =	sadd.s32 $0xE, s20;
	v37 =	vld [tilespmem:s25+$0x2400];
	(xrf2) =	vadd.scan.msk.f32 $0xffff, v57  }
0x274: {  	s10 =	sshll.u32 s24, $0x7;
	v38 =	vld [tilespmem:s25+$0x1010];
	v3 =	vmul.f32 v3, v49;
	(xrf2) =	vadd.scan.msk.f32 $0xffff, v19;
	v60 =	vmax.f32 v12, $-5.000000000e+00  }
0x275: {  	v31 =	vld [tilespmem:s10+$0x37B0];
	v15 =	vmin.f32 v60, $5.000000000e+00  }
0x276: {  	v24 =	vld [tilespmem:s10+$0xFD0];
	v36, _, _ =	vpop (xrf2);
	(xrf2) =	vadd.scan.msk.f32 $0xffff, v3;
	v3 =	vmul.f32 v51, v50;
	v15 =	vmul.f32 $1.442695020e+00, v15  }
0x277: {  	v33 =	vld [tilespmem:s10+$0x23D0]  }
0x278: {  	v39 =	vld [tilespmem:s25+$0x2410];
	(xrf2) =	vadd.scan.msk.f32 $0xffff, v3;
	v3 =	vmul.f32 v53, v52;
	(erf) = vpow2.f32 v15  }
0x279: {  	v46 =	vld [tilespmem:s10+$0xFA0];
	v18 =	vmul.f32 v59, v58;
	v16 =	vmul.f32 v62, v61  }
0x27a: {  	v47 =	vld [tilespmem:s10+$0x23A0];
	v23 =	vmul.f32 v37, v63;
	v43, _, _ =	vpop (xrf2);
	(xrf2) =	vadd.scan.msk.f32 $0xffff, v3;
	v15 =	vperm.xlane v36, v1  }
0x27b: {  	v5 =	vnsel vm0, $0x0, v5;
	v25 =	vpop (erf);
	v49 =	vld [tilespmem:s10+$0xFB0];
	v44 =	vperm.xlane v43, v1;
	v3 =	vmul.f32 v55, v54  }
0x27c: {  	v24 =	vmul.f32 v33, v24;
	v2 =	vmul.f32 v25, v2;
	v52 =	vld [tilespmem:s10+$0x23B0];
	v15 =	vmax.f32 v15, $-5.000000000e+00  }
0x27d: {  	v34 =	vld [tilespmem:s10+$0xFF0];
	v58 =	vmul.f32 v39, v38;
	v42 =	vmin.f32 v15, $5.000000000e+00;
	v45, _, _ =	vpop (xrf2);
	(xrf2) =	vadd.scan.msk.f32 $0xffff, v3;
	v3 =	vmax.f32 v44, $-5.000000000e+00  }
0x27e: {  	v55 =	vld [tilespmem:s10+$0x23C0];
	v21 =	vmul.f32 $1.442695020e+00, v42;
	v28 =	vperm.xlane v45, v1;
	v48 =	vmin.f32 v3, $5.000000000e+00;
	v51, _, _ =	vpop (xrf2);
	(xrf2) =	vadd.scan.msk.f32 $0xffff, v18  }
0x27f: {  	v4 =	vsel vm1, v5, v4;
	v32 =	vmul.f32 v47, v46;
	v44 =	vld [tilespmem:s10+$0xFC0];
	v50 =	vmul.f32 $1.442695020e+00, v48  }
0x280: {  	s31 =	sadd.s32 $0xF, s20;
	v5 =	vld [tilespmem:s10+$0x3810];
	v41 =	vperm.xlane v51, v1;
	(erf) = vpow2.f32 v21;
	v28 =	vmax.f32 v28, $-5.000000000e+00;
	v42, _, _ =	vpop (xrf2);
	(xrf2) =	vadd.scan.msk.f32 $0xffff, v16  }
0x281: {  	s5 =	sshll.u32 s31, $0x7;
	v63 =	vld [tilespmem:s10+$0x23E0];
	v20 =	vmul.f32 v52, v49;
	v28 =	vmin.f32 v28, $5.000000000e+00;
	(erf) = vpow2.f32 v50;
	v27 =	vpop (erf)  }
0x282: {  	s8 =	sadd.s32 $0x10, s20;
	v33 =	vld [tilespmem:s5+$0xFA0];
	v43 =	vperm.xlane v42, v1;
	v53 =	vmax.f32 v41, $-5.000000000e+00;
	v54, _, _ =	vpop (xrf2);
	v3 =	vmul.f32 v27, v40  }
0x283: {  	s9 =	sshll.u32 s8, $0x7;
	v10 =	vld [tilespmem:s25+$0x37D0];
	v56 =	vmin.f32 v53, $5.000000000e+00;
	v40 =	vmul.f32 $1.442695020e+00, v28;
	v28 =	vperm.xlane v54, v1  }
0x284: {  	v38 =	vld [tilespmem:s9+$0xFB0];
	[tilespmem:s23+$0x37C0] =	vst v2;
	v30 =	vmul.f32 v55, v44;
	v13 =	vmax.f32 v43, $-5.000000000e+00;
	v29 =	vmul.f32 $1.442695020e+00, v56;
	v57, _, _ =	vpop (xrf2)  }
0x285: {  	v2 =	vld [tilespmem:s9+$0x3810];
	(xrf2) =	vadd.scan.msk.f32 $0xffff, v23;
	v13 =	vmin.f32 v13, $5.000000000e+00;
	v60 =	vperm.xlane v57, v1;
	v59 =	vmax.f32 v28, $-5.000000000e+00  }
0x286: {  	v19 =	vld [tilespmem:s25+$0x3800];
	(xrf2) =	vadd.scan.msk.f32 $0xffff, v58;
	v13 =	vmul.f32 $1.442695020e+00, v13;
	(erf) = vpow2.f32 v40;
	v26 =	vmin.f32 v59, $5.000000000e+00  }
0x287: {  	v48 =	vld [tilespmem:s10+$0x23F0];
	v28 =	vmax.f32 v60, $-5.000000000e+00;
	(erf) = vpow2.f32 v29;
	v61, _, _ =	vpop (xrf2);
	v26 =	vmul.f32 $1.442695020e+00, v26  }
0x288: {  	v40 =	vld [tilespmem:s10+$0x1010];
	v62 =	vmin.f32 v28, $5.000000000e+00;
	v35 =	vperm.xlane v61, v1;
	(erf) = vpow2.f32 v13;
	v45, _, _ =	vpop (xrf2)  }
0x289: {  	v4 =	vsel vm2, v4, v25;
	v60 =	vld [tilespmem:s10+$0x2410];
	v13 =	vmul.f32 $1.442695020e+00, v62;
	v23 =	vpop (erf);
	v36 =	vperm.xlane v45, v1  }
0x28a: {  	v27 =	vsel vm3, v4, v27;
	(xrf2) =	vadd.scan.msk.f32 $0xffff, v32;
	v32 =	vld [tilespmem:s10+$0xFE0];
	v7 =	vmul.f32 v23, v7;
	(erf) = vpow2.f32 v26;
	v46, _, _ =	vpop (xrf2)  }
0x28b: {  	v12 =	vld [tilespmem:s25+$0x37E0];
	v35 =	vmax.f32 v35, $-5.000000000e+00;
	v47 =	vpop (erf);
	v23 =	vsel vm4, v27, v23;
	v37 =	vperm.xlane v46, v1  }
0x28c: {  	v15 =	vld [tilespmem:s25+$0x3810];
	v35 =	vmin.f32 v35, $5.000000000e+00;
	v9 =	vmul.f32 v47, v9;
	(erf) = vpow2.f32 v13  }
0x28d: {  	v43 =	vld [tilespmem:s5+$0xFB0];
	(xrf2) =	vadd.scan.msk.f32 $0xffff, v20;
	v49 =	vmax.f32 v36, $-5.000000000e+00;
	v23 =	vsel vm5, v23, v47;
	v47 =	vmul.f32 v48, v34  }
0x28e: {  	v34 =	vld [tilespmem:s5+$0x23B0];
	v60 =	vmul.f32 v60, v40;
	v35 =	vmul.f32 $1.442695020e+00, v35;
	v13 =	vmin.f32 v49, $5.000000000e+00  }
0x28f: {  	v18 =	vld [tilespmem:s10+$0x37C0];
	v28 =	vmul.f32 v63, v32;
	v51 =	vmax.f32 v37, $-5.000000000e+00;
	v52 =	vmul.f32 $1.442695020e+00, v13;
	v54, _, _ =	vpop (xrf2)  }
0x290: {  	v21 =	vld [tilespmem:s10+$0x37A0];
	(xrf2) =	vadd.scan.msk.f32 $0xffff, v30;
	(erf) = vpow2.f32 v35;
	v53 =	vmin.f32 v51, $5.000000000e+00;
	v35 =	vperm.xlane v54, v1;
	v57, _, _ =	vpop (xrf2)  }
0x291: {  	v55 =	vld [tilespmem:s10+$0x2400];
	v50 =	vpop (erf);
	v56 =	vmul.f32 $1.442695020e+00, v53;
	(erf) = vpow2.f32 v52  }
0x292: {  	v37 =	vld [tilespmem:s10+$0x1000];
	(xrf2) =	vadd.scan.msk.f32 $0xffff, v24;
	v25 =	vperm.xlane v57, v1;
	v13 =	vmul.f32 v50, v11  }
0x293: {  	v16 =	vld [tilespmem:s10+$0x3800];
	v42 =	vpop (erf);
	v58 =	vmax.f32 v35, $-5.000000000e+00;
	v48 =	vsel vm6, v23, v50;
	v34 =	vmul.f32 v34, v43  }
0x294: {  	v32 =	vld [tilespmem:s5+$0x23A0];
	v11 =	vmul.f32 v42, v22;
	(erf) = vpow2.f32 v56;
	v59, _, _ =	vpop (xrf2);
	v61 =	vmin.f32 v58, $5.000000000e+00  }
0x295: {  	v53 =	vld [tilespmem:s5+$0xFC0];
	v25 =	vmax.f32 v25, $-5.000000000e+00;
	v46 =	vpop (erf);
	v30 =	vsel vm7, v48, v42;
	v22 =	vperm.xlane v59, v1  }
0x296: {  	(xrf2) =	vadd.scan.msk.f32 $0xffff, v28;
	v56 =	vld [tilespmem:s5+$0x23C0];
	v62 =	vmul.f32 $1.442695020e+00, v61;
	v25 =	vmin.f32 v25, $5.000000000e+00;
	v23 =	vmul.f32 v46, v6  }
0x297: {  	v4 =	vld [tilespmem:s5+$0x37A0];
	v52 =	vmul.f32 v55, v37;
	v63 =	vmul.f32 $1.442695020e+00, v25;
	v22 =	vmax.f32 v22, $-5.000000000e+00;
	v45, _, _ =	vpop (xrf2)  }
0x298: {  	v35 =	vld [tilespmem:s5+$0xFD0];
	v49 =	vpop (erf);
	(erf) = vpow2.f32 v62;
	v22 =	vmin.f32 v22, $5.000000000e+00;
	v25 =	vperm.xlane v45, v1  }
0x299: {  	v58 =	vnsel vm0, $0x0, v46;
	v50 =	vpop (erf);
	(xrf2) =	vadd.scan.msk.f32 $0xffff, v47;
	v62 =	vld [tilespmem:s5+$0x23D0];
	(erf) = vpow2.f32 v63;
	v22 =	vmul.f32 $1.442695020e+00, v22  }
0x29a: {  	v27 =	vmul.f32 v49, v8;
	v47 =	vsel vm1, v58, v49;
	v49 =	vld [tilespmem:s5+$0xFE0];
	v55, _, _ =	vpop (xrf2);
	(xrf2) =	vadd.scan.msk.f32 $0xffff, v52;
	v63 =	vmul.f32 v32, v33  }
0x29b: {  	v37 =	vmul.f32 v56, v53;
	v53 =	vld [tilespmem:s5+$0xFF0];
	v51 =	vmax.f32 v25, $-5.000000000e+00;
	v57 =	vpop (erf);
	(erf) = vpow2.f32 v22  }
0x29c: {  	(xrf2) =	vadd.scan.msk.f32 $0xffff, v60;
	v56 =	vld [tilespmem:s5+$0x23F0];
	v48, _, _ =	vpop (xrf2);
	v22 =	vmul.f32 v50, v14;
	v54 =	vmin.f32 v51, $5.000000000e+00;
	v14 =	vperm.xlane v55, v1  }
0x29d: {  	v28 =	vmul.f32 v57, v10;
	v59 =	vpop (erf);
	v51 =	vld [tilespmem:s5+$0x23E0];
	v24 =	vmul.f32 $1.442695020e+00, v54  }
0x29e: {  	v29 =	vld [tilespmem:s10+$0x37D0];
	(xrf2) =	vadd.scan.msk.f32 $0xffff, v63;
	v32 =	vperm.xlane v48, v1;
	v25 =	vmul.f32 v59, v12  }
0x29f: {  	v26 =	vld [tilespmem:s10+$0x37E0];
	v35 =	vmul.f32 v62, v35;
	v40 =	vpop (erf);
	v61 =	vmax.f32 v14, $-5.000000000e+00;
	(erf) = vpow2.f32 v24  }
0x2a0: {  	v20 =	vld [tilespmem:s10+$0x37F0];
	v24 =	vmul.f32 v40, v17;
	v12 =	vmin.f32 v61, $5.000000000e+00;
	v17 =	vsel vm2, v47, v50;
	v50, _, _ =	vpop (xrf2)  }
0x2a1: {  	v63 =	vld [tilespmem:s5+$0x2400];
	v52 =	vmax.f32 v32, $-5.000000000e+00;
	v32 =	vmul.f32 v56, v53;
	v12 =	vmul.f32 $1.442695020e+00, v12;
	v46 =	vpop (erf)  }
0x2a2: {  	v61 =	vld [tilespmem:s5+$0x1000];
	v36 =	vperm.xlane v50, v1;
	v33 =	vmul.f32 v51, v49;
	v42 =	vpop (erf)  }
0x2a3: {  	v48 =	vld [tilespmem:s5+$0x1010];
	v41 =	vsel vm3, v17, v57;
	v19 =	vmul.f32 v46, v19;
	(erf) = vpow2.f32 v12;
	v55, _, _ =	vpop (xrf2)  }
0x2a4: {  	(xrf2) =	vadd.scan.msk.f32 $0xffff, v34;
	v51 =	vld [tilespmem:s5+$0x2410];
	v54 =	vmax.f32 v36, $-5.000000000e+00;
	v17 =	vmul.f32 v42, v15;
	v15 =	vmin.f32 v52, $5.000000000e+00;
	v60, _, _ =	vpop (xrf2)  }
0x2a5: {  	v6 =	vld [tilespmem:s5+$0x37B0];
	(xrf2) =	vadd.scan.msk.f32 $0xffff, v37;
	v58 =	vmin.f32 v54, $5.000000000e+00;
	v34 =	vperm.xlane v55, v1;
	v62 =	vperm.xlane v60, v1  }
0x2a6: {  	v41 =	vsel vm4, v41, v59;
	(xrf2) =	vadd.scan.msk.f32 $0xffff, v35;
	v52 =	vld [tilespmem:s9+$0xFA0];
	v57 =	vmul.f32 $1.442695020e+00, v15;
	v59 =	vmul.f32 $1.442695020e+00, v58;
	v50, _, _ =	vpop (xrf2)  }
0x2a7: {  	v55 =	vld [tilespmem:s9+$0x23A0];
	(xrf2) =	vadd.scan.msk.f32 $0xffff, v33;
	v56 =	vmul.f32 v63, v61;
	v39 =	vpop (erf);
	v34 =	vmax.f32 v34, $-5.000000000e+00;
	v49 =	vmax.f32 v62, $-5.000000000e+00  }
0x2a8: {  	v54, _, _ =	vpop (xrf2);
	(xrf2) =	vadd.scan.msk.f32 $0xffff, v32;
	v32 =	vld [tilespmem:s9+$0xFC0];
	v12 =	vmul.f32 v39, v21;
	(erf) = vpow2.f32 v57;
	v35 =	vmin.f32 v49, $5.000000000e+00  }
0x2a9: {  	v37 =	vmin.f32 v34, $5.000000000e+00;
	v33 =	vmul.f32 v51, v48;
	v34 =	vld [tilespmem:s9+$0x23C0];
	v45 =	vpop (erf);
	v53 =	vmul.f32 $1.442695020e+00, v35  }
0x2aa: {  	v8 =	vld [tilespmem:s5+$0x37C0];
	v35 =	vperm.xlane v54, v1;
	v15 =	vmul.f32 v45, v31  }
0x2ab: {  	v10 =	vld [tilespmem:s5+$0x37D0];
	v40 =	vsel vm5, v41, v40;
	v31 =	vmul.f32 $1.442695020e+00, v37;
	v37 =	vperm.xlane v50, v1  }
0x2ac: {  	s21 =	sadd.s32 $0x11, s20;
	v40 =	vsel vm6, v40, v46;
	(erf) = vpow2.f32 v59;
	v59 =	vld [tilespmem:s9+$0x23B0];
	v63 =	vmul.f32 v55, v52  }
0x2ad: {  	s29 =	sshll.u32 s21, $0x7;
	v14 =	vld [tilespmem:s5+$0x37E0];
	[tilespmem:s25+$0x37C0] =	vst v22;
	v35 =	vmax.f32 v35, $-5.000000000e+00;
	(erf) = vpow2.f32 v31;
	v43 =	vpop (erf);
	v37 =	vmax.f32 v37, $-5.000000000e+00  }
0x2ae: {  	v22 =	vld [tilespmem:s29+$0xFE0];
	v58, _, _ =	vpop (xrf2);
	(xrf2) =	vadd.scan.msk.f32 $0xffff, v56;
	v35 =	vmin.f32 v35, $5.000000000e+00;
	v32 =	vmul.f32 v34, v32;
	v18 =	vmul.f32 v43, v18  }
0x2af: {  	v36 =	vld [tilespmem:s9+$0x23D0];
	(erf) = vpow2.f32 v53;
	v57 =	vmin.f32 v37, $5.000000000e+00;
	v37 =	vperm.xlane v58, v1  }
0x2b0: {  	v21 =	vld [tilespmem:s5+$0x37F0];
	v39 =	vnsel vm0, $0x0, v39;
	v60, _, _ =	vpop (xrf2);
	v61 =	vmul.f32 $1.442695020e+00, v35;
	v31 =	vmul.f32 $1.442695020e+00, v57  }
0x2b1: {  	v54 =	vld [tilespmem:s9+$0xFE0];
	(xrf2) =	vadd.scan.msk.f32 $0xffff, v33;
	v38 =	vmul.f32 v59, v38;
	v47 =	vperm.xlane v60, v1;
	v53, _, _ =	vpop (xrf2);
	v62 =	vmax.f32 v37, $-5.000000000e+00  }
0x2b2: {  	v57 =	vld [tilespmem:s9+$0x23E0];
	v41 =	vperm.xlane v53, v1;
	v56, _, _ =	vpop (xrf2);
	(erf) = vpow2.f32 v31;
	v35 =	vmin.f32 v62, $5.000000000e+00  }
0x2b3: {  	v37 =	vld [tilespmem:s9+$0xFD0];
	(xrf2) =	vadd.scan.msk.f32 $0xffff, v63;
	v47 =	vmax.f32 v47, $-5.000000000e+00;
	v31 =	vsel vm7, v40, v42;
	v58 =	vperm.xlane v56, v1  }
0x2b4: {  	[tilespmem:s23+$0x37D0] =	vst v3;
	v59 =	vld [tilespmem:s9+$0xFF0];
	v46 =	vpop (erf);
	(erf) = vpow2.f32 v61;
	v35 =	vmul.f32 $1.442695020e+00, v35;
	v52 =	vmin.f32 v47, $5.000000000e+00  }
0x2b5: {  	[tilespmem:s23+$0x37E0] =	vst v7;
	v60 =	vmax.f32 v41, $-5.000000000e+00;
	v61 =	vld [tilespmem:s9+$0x23F0];
	v29 =	vmul.f32 v46, v29;
	v55 =	vmul.f32 $1.442695020e+00, v52;
	v62, _, _ =	vpop (xrf2)  }
0x2b6: {  	[tilespmem:s23+$0x37F0] =	vst v9;
	v63 =	vld [tilespmem:s9+$0x2400];
	v40 =	vmax.f32 v58, $-5.000000000e+00;
	(erf) = vpow2.f32 v35;
	v41 =	vperm.xlane v62, v1  }
0x2b7: {  	v53 =	vld [tilespmem:s9+$0x2410];
	(xrf2) =	vadd.scan.msk.f32 $0xffff, v38;
	v35 =	vmin.f32 v60, $5.000000000e+00;
	v33 =	vmul.f32 v57, v54;
	(erf) = vpow2.f32 v55  }
0x2b8: {  	[tilespmem:s23+$0x3800] =	vst v13;
	v38 =	vld [tilespmem:s9+$0x1000];
	v40 =	vmin.f32 v40, $5.000000000e+00;
	v35 =	vmul.f32 $1.442695020e+00, v35;
	v51, _, _ =	vpop (xrf2);
	v36 =	vmul.f32 v36, v37  }
0x2b9: {  	v39 =	vsel vm1, v39, v45;
	(xrf2) =	vadd.scan.msk.f32 $0xffff, v32;
	v40 =	vmul.f32 $1.442695020e+00, v40;
	v37 =	vld [tilespmem:s9+$0x1010];
	v52 =	vperm.xlane v51, v1  }
0x2ba: {  	v48 =	vld [tilespmem:s29+$0xFC0];
	v44 =	vpop (erf);
	v41 =	vmax.f32 v41, $-5.000000000e+00;
	(erf) = vpow2.f32 v35;
	(xrf2) =	vadd.scan.msk.f32 $0xffff, v36;
	v59 =	vmul.f32 v61, v59  }
0x2bb: {  	v34 =	vld [tilespmem:s9+$0x37A0];
	v26 =	vmul.f32 v44, v26;
	v54 =	vmin.f32 v41, $5.000000000e+00;
	(erf) = vpow2.f32 v40;
	v56, _, _ =	vpop (xrf2);
	(xrf2) =	vadd.scan.msk.f32 $0xffff, v33  }
0x2bc: {  	v60 =	vld [tilespmem:s29+$0x23A0];
	v35 =	vmul.f32 $1.442695020e+00, v54;
	v55 =	vmax.f32 v52, $-5.000000000e+00;
	(xrf2) =	vadd.scan.msk.f32 $0xffff, v59;
	v59 =	vsel vm2, v39, v43;
	v43 =	vpop (erf)  }
0x2bd: {  	s22 =	sshll.u32 s22, $0x4;
	[tilespmem:s23+$0x3810] =	vst v11;
	v41 =	vld [tilespmem:s29+$0xFA0];
	v38 =	vmul.f32 v63, v38;
	v57 =	vmin.f32 v55, $5.000000000e+00;
	v58 =	vperm.xlane v56, v1;
	v62, _, _ =	vpop (xrf2)  }
0x2be: {  	s16 =	sand.u32 $0x3FFFFFF0, s22;
	[tilespmem:s10+$0x37B0] =	vst v15;
	v15 =	vld [tilespmem:s29+$0x37E0];
	v61 =	vmul.f32 $1.442695020e+00, v57;
	v52 =	vmul.f32 v53, v37;
	v42 =	vpop (erf)  }
0x2bf: {  	[tilespmem:s16+$0x87A0] =	vst v30;
	v32 =	vld [tilespmem:s5+$0x3800];
	(erf) = vpow2.f32 v35;
	v20 =	vmul.f32 v43, v20;
	v49 =	vpop (erf)  }
0x2c0: {  	v33 =	vld [tilespmem:s5+$0x3810];
	(xrf2) =	vadd.scan.msk.f32 $0xffff, v38;
	v3 =	vsel vm3, v59, v46;
	v36 =	vmax.f32 v58, $-5.000000000e+00;
	v63 =	vperm.xlane v62, v1;
	v30 =	vpop (erf)  }
0x2c1: {  	v40 =	vld [tilespmem:s9+$0x37E0];
	v16 =	vmul.f32 v42, v16;
	v53 =	vmin.f32 v36, $5.000000000e+00;
	(erf) = vpow2.f32 v61;
	(xrf2) =	vadd.scan.msk.f32 $0xffff, v52;
	v56, _, _ =	vpop (xrf2)  }
0x2c2: {  	[tilespmem:s25+$0x37A0] =	vst v23;
	v39 =	vld [tilespmem:s9+$0x37F0];
	v41 =	vmul.f32 v60, v41;
	v54 =	vmul.f32 $1.442695020e+00, v53;
	v55 =	vmax.f32 v63, $-5.000000000e+00;
	v23 =	vpop (erf)  }
0x2c3: {  	v37 =	vld [tilespmem:s9+$0x37B0];
	v57 =	vmin.f32 v55, $5.000000000e+00;
	v45 =	vperm.xlane v56, v1;
	v58, _, _ =	vpop (xrf2);
	v50 =	vmul.f32 v23, v6  }
0x2c4: {  	v35 =	vld [tilespmem:s9+$0x37C0];
	v3 =	vsel vm4, v3, v44;
	(xrf2) =	vadd.scan.msk.f32 $0xffff, v41;
	v51 =	vpop (erf);
	v60 =	vmul.f32 $1.442695020e+00, v57;
	v47 =	vperm.xlane v58, v1  }
0x2c5: {  	[tilespmem:s25+$0x37B0] =	vst v27;
	v38 =	vld [tilespmem:s9+$0x3800];
	(erf) = vpow2.f32 v54;
	v27 =	vmul.f32 v51, v8;
	v61 =	vmax.f32 v45, $-5.000000000e+00  }
0x2c6: {  	v36 =	vld [tilespmem:s9+$0x37D0];
	(erf) = vpow2.f32 v60;
	v62 =	vmin.f32 v61, $5.000000000e+00;
	v63 =	vmax.f32 v47, $-5.000000000e+00;
	v52, _, _ =	vpop (xrf2)  }
0x2c7: {  	v41 =	vld [tilespmem:s29+$0x37A0];
	v53 =	vmul.f32 $1.442695020e+00, v62;
	v54 =	vmin.f32 v63, $5.000000000e+00;
	v55 =	vperm.xlane v52, v1;
	v56, _, _ =	vpop (xrf2)  }
0x2c8: {  	v3 =	vsel vm5, v3, v43;
	v45 =	vld [tilespmem:s29+$0xFB0];
	v57 =	vmul.f32 $1.442695020e+00, v54;
	v47 =	vperm.xlane v56, v1;
	v60, _, _ =	vpop (xrf2)  }
0x2c9: {  	v56 =	vld [tilespmem:s29+$0xFD0];
	(erf) = vpow2.f32 v53;
	v58 =	vmax.f32 v55, $-5.000000000e+00;
	v46 =	vperm.xlane v60, v1  }
0x2ca: {  	v62, _, _ =	vpop (xrf2);
	(erf) = vpow2.f32 v57;
	v7 =	vmin.f32 v58, $5.000000000e+00;
	v59 =	vmax.f32 v47, $-5.000000000e+00;
	v47 =	vld [tilespmem:s29+$0x23B0]  }
0x2cb: {  	v63 =	vperm.xlane v62, v1;
	v61 =	vmul.f32 $1.442695020e+00, v7;
	v9 =	vmin.f32 v59, $5.000000000e+00;
	v7 =	vld [tilespmem:s29+$0x37B0];
	v52, _, _ =	vpop (xrf2)  }
0x2cc: {  	v53 =	vmax.f32 v46, $-5.000000000e+00;
	v46 =	vld [tilespmem:s29+$0x23C0];
	v9 =	vmul.f32 $1.442695020e+00, v9;
	v44 =	vperm.xlane v52, v1  }
0x2cd: {  	[tilespmem:s25+$0x37D0] =	vst v28;
	v59 =	vld [tilespmem:s29+$0x23D0];
	v13 =	vmin.f32 v53, $5.000000000e+00;
	v11 =	vmax.f32 v63, $-5.000000000e+00;
	(erf) = vpow2.f32 v61  }
0x2ce: {  	[tilespmem:s25+$0x37E0] =	vst v25;
	v63 =	vld [tilespmem:s29+$0x23E0];
	v13 =	vmul.f32 $1.442695020e+00, v13;
	v11 =	vmin.f32 v11, $5.000000000e+00;
	v55, _, _ =	vpop (xrf2);
	(erf) = vpow2.f32 v9  }
0x2cf: {  	[tilespmem:s25+$0x37F0] =	vst v24;
	v9 =	vld [tilespmem:s29+$0x37C0];
	v54 =	vmax.f32 v44, $-5.000000000e+00;
	v11 =	vmul.f32 $1.442695020e+00, v11;
	v58 =	vperm.xlane v55, v1  }
0x2d0: {  	[tilespmem:s25+$0x3800] =	vst v19;
	v55 =	vld [tilespmem:s29+$0x23F0];
	v57 =	vmin.f32 v54, $5.000000000e+00;
	(erf) = vpow2.f32 v13;
	v62 =	vmul.f32 v47, v45  }
0x2d1: {  	[tilespmem:s25+$0x3810] =	vst v17;
	v3 =	vsel vm6, v3, v42;
	v28 =	vpop (erf);
	v45 =	vmul.f32 v49, v5;
	v47 =	vld [tilespmem:s29+$0xFF0];
	v60 =	vmul.f32 $1.442695020e+00, v57  }
0x2d2: {  	s22 =	sshll.u32 s11, $0x4;
	s11 =	sadd.s32 $0x12, s20;
	[tilespmem:s10+$0x37A0] =	vst v12;
	v25 =	vpop (erf);
	(erf) = vpow2.f32 v11;
	v61 =	vmax.f32 v58, $-5.000000000e+00;
	v54 =	vmul.f32 v46, v48;
	v57 =	vld [tilespmem:s29+$0x1000]  }
0x2d3: {  	s16 =	sshll.u32 s11, $0x7;
	[tilespmem:s10+$0x37C0] =	vst v18;
	v5 =	vpop (erf);
	v46 =	vsel vm7, v3, v49;
	v3 =	vnsel vm0, $0x0, v30;
	v56 =	vmul.f32 v59, v56;
	v59 =	vld [tilespmem:s29+$0x2400]  }
0x2d4: {  	v52 =	vpop (erf);
	v49 =	vld [tilespmem:s16+$0x23D0];
	v11 =	vmin.f32 v61, $5.000000000e+00;
	(xrf2) =	vadd.scan.msk.f32 $0xffff, v62;
	v3 =	vsel vm1, v3, v23;
	(erf) = vpow2.f32 v60  }
0x2d5: {  	s23 =	sand.u32 $0x3FFFFFF0, s22;
	v24 =	vmul.f32 v25, v14;
	v48 =	vpop (erf);
	v62 =	vld [tilespmem:s29+$0x1010];
	v11 =	vmul.f32 $1.442695020e+00, v11;
	(xrf2) =	vadd.scan.msk.f32 $0xffff, v54;
	v3 =	vsel vm2, v3, v51  }
0x2d6: {  	[tilespmem:s23+$0x87A0] =	vst v31;
	v30 =	vmul.f32 v30, v4;
	v61 =	vmul.f32 v63, v22;
	v58 =	vpop (erf);
	v51 =	vld [tilespmem:s29+$0x2410];
	v3 =	vsel vm3, v3, v28  }
0x2d7: {  	v19 =	vmul.f32 v5, v21;
	(xrf2) =	vadd.scan.msk.f32 $0xffff, v56;
	v56 =	vld [tilespmem:s16+$0x23A0];
	(erf) = vpow2.f32 v11;
	v60 =	vpop (erf);
	v3 =	vsel vm4, v3, v25  }
0x2d8: {  	v23 =	vmul.f32 v28, v10;
	(xrf2) =	vadd.scan.msk.f32 $0xffff, v61;
	v54 =	vmul.f32 v55, v47;
	v55 =	vld [tilespmem:s16+$0xFA0];
	v63 =	vpop (erf);
	v3 =	vsel vm5, v3, v5  }
0x2d9: {  	[tilespmem:s10+$0x37D0] =	vst v29;
	v21 =	vmul.f32 v52, v32;
	v17 =	vmul.f32 v48, v33;
	v61 =	vld [tilespmem:s16+$0xFC0];
	v53 =	vpop (erf);
	v3 =	vsel vm6, v3, v52  }
0x2da: {  	[tilespmem:s10+$0x37E0] =	vst v26;
	v12 =	vmul.f32 v58, v34;
	v31 =	vpop (erf);
	v14 =	vsel vm7, v3, v48;
	v3 =	vmul.f32 v59, v57;
	v57 =	vld [tilespmem:s16+$0xFB0]  }
0x2db: {  	v4 =	vnsel vm0, $0x0, v58;
	v11 =	vmul.f32 v60, v37;
	(xrf2) =	vadd.scan.msk.f32 $0xffff, v54;
	v10 =	vmul.f32 v63, v35;
	v59 =	vld [tilespmem:s16+$0x23B0];
	v33 =	vpop (erf)  }
0x2dc: {  	[tilespmem:s10+$0x37F0] =	vst v20;
	v4 =	vsel vm1, v4, v60;
	v58 =	vmul.f32 v51, v62;
	v8 =	vmul.f32 v53, v36;
	v48 =	vld [tilespmem:s16+$0xFD0];
	v37 =	vpop (erf)  }
0x2dd: {  	v5 =	vmul.f32 v31, v40;
	(xrf2) =	vadd.scan.msk.f32 $0xffff, v3;
	v3 =	vsel vm2, v4, v63;
	v6 =	vmul.f32 v33, v39;
	v63 =	vld [tilespmem:s16+$0x23C0];
	v25 =	vpop (erf)  }
0x2de: {  	[tilespmem:s10+$0x3800] =	vst v16;
	v32 =	vmul.f32 v56, v55;
	v56 =	vld [tilespmem:s16+$0xFE0];
	v43 =	vsel vm3, v3, v53;
	v3 =	vmul.f32 v37, v38;
	v60, _, _ =	vpop (xrf2)  }
0x2df: {  	(xrf2) =	vadd.scan.msk.f32 $0xffff, v58;
	v58 =	vld [tilespmem:s16+$0x23E0];
	v31 =	vsel vm4, v43, v31;
	v62 =	vperm.xlane v60, v1;
	v44, _, _ =	vpop (xrf2);
	v4 =	vmul.f32 v25, v2  }
0x2e0: {  	s24 =	sshll.u32 s24, $0x4;
	[tilespmem:s10+$0x3810] =	vst v45;
	v35 =	vmul.f32 v59, v57;
	v60 =	vld [tilespmem:s16+$0xFF0];
	v31 =	vsel vm5, v31, v33;
	v22 =	vpop (erf);
	v18 =	vperm.xlane v44, v1  }
0x2e1: {  	s10 =	sand.u32 $0x3FFFFFF0, s24;
	v47, _, _ =	vpop (xrf2);
	(xrf2) =	vadd.scan.msk.f32 $0xffff, v32;
	v32 =	vmul.f32 v49, v48;
	v49 =	vld [tilespmem:s16+$0x2400];
	v28 =	vmax.f32 v62, $-5.000000000e+00;
	v2 =	vmul.f32 v22, v41  }
0x2e2: {  	[tilespmem:s10+$0x87A0] =	vst v46;
	v29 =	vperm.xlane v47, v1;
	v53, _, _ =	vpop (xrf2);
	v36 =	vmul.f32 v63, v61;
	v63 =	vld [tilespmem:s16+$0x23F0];
	v22 =	vnsel vm0, $0x0, v22  }
0x2e3: {  	(xrf2) =	vadd.scan.msk.f32 $0xffff, v35;
	v47 =	vld [tilespmem:s16+$0x1000];
	v28 =	vmin.f32 v28, $5.000000000e+00;
	v52 =	vmax.f32 v18, $-5.000000000e+00;
	v55 =	vperm.xlane v53, v1  }
0x2e4: {  	s10 =	sadd.s32 $0x13, s20;
	v53 =	vld [tilespmem:s16+$0x2410];
	v51 =	vmul.f32 $1.442695020e+00, v28;
	v54 =	vmax.f32 v29, $-5.000000000e+00;
	v57 =	vmin.f32 v52, $5.000000000e+00  }
0x2e5: {  	s22 =	sshll.u32 s10, $0x7;
	v59, _, _ =	vpop (xrf2);
	v28 =	vmul.f32 v58, v56;
	v52 =	vld [tilespmem:s16+$0x1010];
	v20 =	vmin.f32 v54, $5.000000000e+00;
	v26 =	vmul.f32 $1.442695020e+00, v57  }
0x2e6: {  	v29 =	vmax.f32 v55, $-5.000000000e+00;
	v62 =	vperm.xlane v59, v1;
	v54 =	vld [tilespmem:s22+$0xFA0];
	(erf) = vpow2.f32 v51  }
0x2e7: {  	(xrf2) =	vadd.scan.msk.f32 $0xffff, v36;
	v57 =	vld [tilespmem:s22+$0x23A0];
	v20 =	vmul.f32 $1.442695020e+00, v20;
	v61 =	vmin.f32 v29, $5.000000000e+00;
	(erf) = vpow2.f32 v26  }
0x2e8: {  	[tilespmem:s5+$0x37B0] =	vst v50;
	v50 =	vld [tilespmem:s22+$0xFE0];
	v42 =	vmul.f32 $1.442695020e+00, v61;
	v43, _, _ =	vpop (xrf2);
	v29 =	vmax.f32 v62, $-5.000000000e+00;
	v34 =	vmul.f32 v63, v60  }
0x2e9: {  	v40 =	vld [tilespmem:s22+$0xFC0];
	v62 =	vsel vm6, v31, v37;
	(erf) = vpow2.f32 v20;
	v35 =	vperm.xlane v43, v1;
	v44, _, _ =	vpop (xrf2);
	(xrf2) =	vadd.scan.msk.f32 $0xffff, v32  }
0x2ea: {  	v61 =	vld [tilespmem:s22+$0xFB0];
	v39 =	vmul.f32 v49, v47;
	v45 =	vmin.f32 v29, $5.000000000e+00;
	(erf) = vpow2.f32 v42  }
0x2eb: {  	[tilespmem:s5+$0x37C0] =	vst v27;
	v63 =	vld [tilespmem:s22+$0x23B0];
	v26 =	vmul.f32 $1.442695020e+00, v45;
	v46 =	vperm.xlane v44, v1;
	v48 =	vmax.f32 v35, $-5.000000000e+00  }
0x2ec: {  	[tilespmem:s5+$0x37A0] =	vst v30;
	v43 =	vld [tilespmem:s22+$0x23C0];
	v45 =	vmul.f32 v53, v52;
	v49 =	vmul.f32 v57, v54;
	v30 =	vmin.f32 v48, $5.000000000e+00;
	v51, _, _ =	vpop (xrf2)  }
0x2ed: {  	v52 =	vld [tilespmem:s22+$0x23E0];
	(xrf2) =	vadd.scan.msk.f32 $0xffff, v28;
	v29 =	vmax.f32 v46, $-5.000000000e+00;
	v30 =	vmul.f32 $1.442695020e+00, v30;
	v38 =	vperm.xlane v51, v1;
	v56, _, _ =	vpop (xrf2)  }
0x2ee: {  	[tilespmem:s5+$0x37E0] =	vst v24;
	v44 =	vld [tilespmem:s22+$0xFD0];
	(erf) = vpow2.f32 v26;
	v29 =	vmin.f32 v29, $5.000000000e+00;
	v59 =	vperm.xlane v56, v1  }
0x2ef: {  	(xrf2) =	vadd.scan.msk.f32 $0xffff, v34;
	v46 =	vld [tilespmem:s22+$0x23D0];
	v29 =	vmul.f32 $1.442695020e+00, v29;
	(erf) = vpow2.f32 v30;
	v55 =	vmax.f32 v38, $-5.000000000e+00;
	v26 =	vpop (erf)  }
0x2f0: {  	v13 =	vld [tilespmem:s29+$0x37D0];
	[tilespmem:s5+$0x37D0] =	vst v23;
	v30 =	vmul.f32 v63, v61;
	v58 =	vmin.f32 v55, $5.000000000e+00;
	v7 =	vmul.f32 v26, v7  }
0x2f1: {  	v16 =	vld [tilespmem:s29+$0x3800];
	[tilespmem:s5+$0x3810] =	vst v17;
	v17 =	vsel vm7, v62, v25;
	v60, _, _ =	vpop (xrf2);
	(erf) = vpow2.f32 v29;
	v23 =	vmul.f32 $1.442695020e+00, v58  }
0x2f2: {  	[tilespmem:s5+$0x37F0] =	vst v19;
	v18 =	vld [tilespmem:s29+$0x37F0];
	v38 =	vmax.f32 v59, $-5.000000000e+00;
	v31 =	vpop (erf);
	v29 =	vperm.xlane v60, v1;
	v60 =	vmul.f32 v43, v40  }
0x2f3: {  	v54 =	vld [tilespmem:s22+$0xFF0];
	v19 =	vmin.f32 v38, $5.000000000e+00;
	v40 =	vmul.f32 v52, v50;
	v9 =	vmul.f32 v31, v9;
	v42, _, _ =	vpop (xrf2);
	(xrf2) =	vadd.scan.msk.f32 $0xffff, v39  }
0x2f4: {  	v58 =	vld [tilespmem:s22+$0x23F0];
	v19 =	vmul.f32 $1.442695020e+00, v19;
	v47 =	vpop (erf);
	v25 =	vmul.f32 v46, v44;
	v41 =	vmax.f32 v29, $-5.000000000e+00;
	(xrf2) =	vadd.scan.msk.f32 $0xffff, v45  }
0x2f5: {  	[tilespmem:s5+$0x3800] =	vst v21;
	v61 =	vld [tilespmem:s22+$0x1000];
	(erf) = vpow2.f32 v23;
	v13 =	vmul.f32 v47, v13;
	v21 =	vmin.f32 v41, $5.000000000e+00  }
0x2f6: {  	[tilespmem:s9+$0x37B0] =	vst v11;
	v63 =	vld [tilespmem:s22+$0x2400];
	v55 =	vsel vm1, v22, v26;
	v56 =	vpop (erf);
	(erf) = vpow2.f32 v19;
	v21 =	vmul.f32 $1.442695020e+00, v21  }
0x2f7: {  	v37 =	vld [tilespmem:s22+$0x2410];
	v35 =	vsel vm2, v55, v31;
	v11 =	vmul.f32 v56, v15;
	v23 =	vperm.xlane v42, v1;
	v51, _, _ =	vpop (xrf2);
	(xrf2) =	vadd.scan.msk.f32 $0xffff, v49  }
0x2f8: {  	v34 =	vld [tilespmem:s22+$0x1010];
	v38 =	vsel vm3, v35, v47;
	v62 =	vpop (erf);
	(erf) = vpow2.f32 v21;
	v21 =	vperm.xlane v51, v1;
	(xrf2) =	vadd.scan.msk.f32 $0xffff, v30  }
0x2f9: {  	[tilespmem:s9+$0x37A0] =	vst v12;
	v53, _, _ =	vpop (xrf2);
	v18 =	vmul.f32 v62, v18;
	v45 =	vmul.f32 v58, v54;
	v48 =	vmax.f32 v23, $-5.000000000e+00  }
0x2fa: {  	[tilespmem:s9+$0x37D0] =	vst v8;
	v57 =	vperm.xlane v53, v1;
	v19 =	vmin.f32 v48, $5.000000000e+00;
	v59 =	vmax.f32 v21, $-5.000000000e+00  }
0x2fb: {  	s25 =	sshll.u32 s31, $0x4;
	v20 =	vld [tilespmem:s29+$0x3810];
	(xrf2) =	vadd.scan.msk.f32 $0xffff, v60;
	v36 =	vpop (erf);
	v48 =	vmul.f32 v63, v61;
	v19 =	vmul.f32 $1.442695020e+00, v19;
	v15 =	vmin.f32 v59, $5.000000000e+00  }
0x2fc: {  	s31 =	sand.u32 $0x3FFFFFF0, s25;
	v8 =	vsel vm4, v38, v56;
	(xrf2) =	vadd.scan.msk.f32 $0xffff, v25;
	v44 =	vmul.f32 v36, v16;
	v15 =	vmul.f32 $1.442695020e+00, v15  }
0x2fd: {  	[tilespmem:s31+$0x87A0] =	vst v14;
	v26 =	vmax.f32 v57, $-5.000000000e+00;
	v21 =	vmul.f32 v37, v34;
	(erf) = vpow2.f32 v19;
	v41, _, _ =	vpop (xrf2)  }
0x2fe: {  	[tilespmem:s9+$0x37C0] =	vst v10;
	v26 =	vmin.f32 v26, $5.000000000e+00;
	(erf) = vpow2.f32 v15;
	v15 =	vperm.xlane v41, v1;
	v49, _, _ =	vpop (xrf2)  }
0x2ff: {  	v39 =	vld [tilespmem:s16+$0x37A0];
	v8 =	vsel vm5, v8, v62;
	v42 =	vpop (erf);
	v26 =	vmul.f32 $1.442695020e+00, v26;
	(xrf2) =	vadd.scan.msk.f32 $0xffff, v40;
	v51 =	vperm.xlane v49, v1  }
0x300: {  	[tilespmem:s9+$0x37F0] =	vst v6;
	v8 =	vsel vm6, v8, v36;
	v47 =	vmul.f32 v42, v20;
	v15 =	vmax.f32 v15, $-5.000000000e+00  }
0x301: {  	[tilespmem:s9+$0x3800] =	vst v3;
	(erf) = vpow2.f32 v26;
	v52, _, _ =	vpop (xrf2);
	v50 =	vmin.f32 v15, $5.000000000e+00;
	v15 =	vmax.f32 v51, $-5.000000000e+00  }
0x302: {  	(xrf2) =	vadd.scan.msk.f32 $0xffff, v45;
	v23 =	vperm.xlane v52, v1;
	v58, _, _ =	vpop (xrf2);
	v6 =	vmul.f32 $1.442695020e+00, v50;
	v56 =	vmin.f32 v15, $5.000000000e+00  }
0x303: {  	v43 =	vld [tilespmem:s16+$0x37B0];
	v62 =	vsel vm7, v8, v42;
	v46 =	vpop (erf);
	(xrf2) =	vadd.scan.msk.f32 $0xffff, v48;
	v61 =	vperm.xlane v58, v1;
	v3 =	vmul.f32 $1.442695020e+00, v56  }
0x304: {  	v10 =	vmul.f32 v46, v39;
	(xrf2) =	vadd.scan.msk.f32 $0xffff, v21;
	v57 =	vmax.f32 v23, $-5.000000000e+00;
	(erf) = vpow2.f32 v6  }
0x305: {  	[tilespmem:s9+$0x37E0] =	vst v5;
	v59, _, _ =	vpop (xrf2);
	v60 =	vmin.f32 v57, $5.000000000e+00;
	(erf) = vpow2.f32 v3;
	v3 =	vmax.f32 v61, $-5.000000000e+00  }
0x306: {  	s23 =	sshll.u32 s8, $0x4;
	[tilespmem:s29+$0x37A0] =	vst v2;
	v54 =	vld [tilespmem:s16+$0x37C0];
	v21 =	vperm.xlane v59, v1;
	v25, _, _ =	vpop (xrf2);
	v6 =	vmul.f32 $1.442695020e+00, v60;
	v2 =	vmin.f32 v3, $5.000000000e+00  }
0x307: {  	v24 =	vld [tilespmem:s16+$0x37D0];
	s5 =	sand.u32 $0x3FFFFFF0, s23;
	[tilespmem:s9+$0x3810] =	vst v4;
	v53 =	vpop (erf);
	v28 =	vnsel vm0, $0x0, v46;
	v27 =	vperm.xlane v25, v1;
	v2 =	vmul.f32 $1.442695020e+00, v2  }
0x308: {  	[tilespmem:s5+$0x87A0] =	vst v17;
	v55 =	vmul.f32 v53, v43;
	(erf) = vpow2.f32 v6;
	v3 =	vmax.f32 v21, $-5.000000000e+00  }
0x309: {  	[tilespmem:s29+$0x37B0] =	vst v7;
	v26, _, _ =	vpop (xrf2);
	v3 =	vmin.f32 v3, $5.000000000e+00;
	(erf) = vpow2.f32 v2;
	v2 =	vmax.f32 v27, $-5.000000000e+00  }
0x30a: {  	[tilespmem:s29+$0x37C0] =	vst v9;
	v63 =	vpop (erf);
	v3 =	vmul.f32 $1.442695020e+00, v3;
	v6 =	vperm.xlane v26, v1;
	v2 =	vmin.f32 v2, $5.000000000e+00  }
0x30b: {  	[tilespmem:s29+$0x37D0] =	vst v13;
	v9 =	vsel vm1, v28, v53;
	v16 =	vmul.f32 v63, v54;
	v29 =	vpop (erf);
	v2 =	vmul.f32 $1.442695020e+00, v2  }
0x30c: {  	[tilespmem:s29+$0x37E0] =	vst v11;
	v30 =	vmul.f32 v29, v24;
	v31, _, _ =	vpop (xrf2);
	(erf) = vpow2.f32 v3;
	v3 =	vmax.f32 v6, $-5.000000000e+00  }
0x30d: {  	[tilespmem:s29+$0x37F0] =	vst v18;
	v32, _, _ =	vpop (xrf2);
	v7 =	vperm.xlane v31, v1;
	v3 =	vmin.f32 v3, $5.000000000e+00;
	(erf) = vpow2.f32 v2;
	v2 =	vld [tilespmem:s16+$0x37F0]  }
0x30e: {  	s24 =	sshll.u32 s21, $0x4;
	[tilespmem:s29+$0x3800] =	vst v44;
	v8 =	vsel vm2, v9, v63;
	v6 =	vperm.xlane v32, v1;
	v34, _, _ =	vpop (xrf2);
	v3 =	vmul.f32 $1.442695020e+00, v3  }
0x30f: {  	v33 =	vld [tilespmem:s16+$0x37E0];
	s5 =	sand.u32 $0x3FFFFFF0, s24;
	[tilespmem:s29+$0x3810] =	vst v47;
	v8 =	vsel vm3, v8, v29;
	v35 =	vmax.f32 v7, $-5.000000000e+00;
	v36 =	vperm.xlane v34, v1  }
0x310: {  	v37 =	vld [tilespmem:s16+$0x3800];
	[tilespmem:s5+$0x87A0] =	vst v62;
	v39 =	vpop (erf);
	v38 =	vmax.f32 v6, $-5.000000000e+00;
	(erf) = vpow2.f32 v3;
	v3 =	vmin.f32 v35, $5.000000000e+00  }
0x311: {  	v40 =	vld [tilespmem:s16+$0x3810];
	[tilespmem:s16+$0x37A0] =	vst v10;
	v41 =	vpop (erf);
	v5 =	vmin.f32 v38, $5.000000000e+00;
	v7 =	vmax.f32 v36, $-5.000000000e+00;
	v3 =	vmul.f32 $1.442695020e+00, v3  }
0x312: {  	[tilespmem:s16+$0x37B0] =	vst v55;
	v5 =	vmul.f32 $1.442695020e+00, v5;
	v7 =	vmin.f32 v7, $5.000000000e+00;
	v2 =	vmul.f32 v41, v2  }
0x313: {  	[tilespmem:s16+$0x37C0] =	vst v16;
	v44 =	vsel vm4, v8, v39;
	v7 =	vmul.f32 $1.442695020e+00, v7;
	(erf) = vpow2.f32 v3;
	v3 =	vld [tilespmem:s22+$0x37A0]  }
0x314: {  	v43 =	vld [tilespmem:s22+$0x37B0];
	v11 =	vmul.f32 v39, v33;
	v42 =	vpop (erf);
	(erf) = vpow2.f32 v5;
	[tilespmem:s16+$0x37F0] =	vst v2;
	v2 =	vsel vm5, v44, v41  }
0x315: {  	v46 =	vld [tilespmem:s22+$0x37C0];
	[tilespmem:s16+$0x37D0] =	vst v30;
	v4 =	vmul.f32 v42, v37;
	v45 =	vpop (erf);
	(erf) = vpow2.f32 v7;
	v2 =	vsel vm6, v2, v42  }
0x316: {  	v48 =	vld [tilespmem:s22+$0x37D0];
	[tilespmem:s16+$0x37E0] =	vst v11;
	v47 =	vmul.f32 v45, v40;
	v2 =	vsel vm7, v2, v45  }
0x317: {  	s25 =	sshll.u32 s11, $0x4;
	v50 =	vld [tilespmem:s22+$0x37E0];
	v49 =	vpop (erf);
	[tilespmem:s16+$0x3800] =	vst v4  }
0x318: {  	s5 =	sand.u32 $0x3FFFFFF0, s25;
	v52 =	vld [tilespmem:s22+$0x37F0];
	[tilespmem:s16+$0x3810] =	vst v47;
	v51 =	vpop (erf);
	v3 =	vmul.f32 v49, v3  }
0x319: {  	v54 =	vld [tilespmem:s22+$0x3800];
	v53 =	vmul.f32 v51, v43;
	[tilespmem:s5+$0x87A0] =	vst v2;
	v2 =	vpop (erf)  }
0x31a: {  	v56 =	vld [tilespmem:s22+$0x3810];
	[tilespmem:s22+$0x37A0] =	vst v3;
	v3 =	vnsel vm0, $0x0, v49;
	v55 =	vpop (erf);
	v8 =	vmul.f32 v2, v46  }
0x31b: {  	[tilespmem:s22+$0x37B0] =	vst v53;
	v3 =	vsel vm1, v3, v51;
	v57 =	vpop (erf);
	v58 =	vmul.f32 v55, v48  }
0x31c: {  	v2 =	vsel vm2, v3, v2;
	v59 =	vpop (erf);
	[tilespmem:s22+$0x37C0] =	vst v8;
	v3 =	vmul.f32 v57, v50  }
0x31d: {  	p0 =	slt.u32 s20, $0x14;
	v2 =	vsel vm3, v2, v55;
	v60 =	vpop (erf);
	[tilespmem:s22+$0x37D0] =	vst v58;
	v61 =	vmul.f32 v59, v52  }
.Ltmp1:
0x31e: {  	v2 =	vsel vm4, v2, v57;
	[tilespmem:s22+$0x37E0] =	vst v3;
	v3 =	vmul.f32 v60, v54;
	v62 =	vpop (erf);
	(pc) =	sbr.rel @p0 .LBB2_6-.Ltmp1, $4  }
0x31f: {  	v2 =	vsel vm5, v2, v59;
	[tilespmem:s22+$0x37F0] =	vst v61;
	v63 =	vmul.f32 v62, v56  }
0x320: {  	s29 =	sshll.u32 s10, $0x4;
	v2 =	vsel vm6, v2, v60;
	[tilespmem:s22+$0x3800] =	vst v3  }
0x321: {  	s31 =	sadd.s32 $0x14, s20;
	s5 =	sand.u32 $0x3FFFFFF0, s29;
	v2 =	vsel vm7, v2, v62;
	[tilespmem:s22+$0x3810] =	vst v63  }
0x322: {  	s20 =	smov.u32 s31;
	[tilespmem:s5+$0x87A0] =	vst v2  }
0x323: {  	s5 =	smul.u32 $0x140, s18;
	_ =	sdelay $0x1  }
0x324: {  	s5 =	sshra.s32 s5, $0x2  }
0x325: {  	s5 =	sadd.s32 $0x7D0, s5  }
0x326: {  	[spmem:s3] =	stream.indirect.scatter.add.f32 [tilespmem:s2], [sflag:$0x3], $0x80, s5, s30, $0xb8;
	[tilespmem:$0x1EDA0] =	vst v63  }
0x327: {  	_ =	swait.ge [sflag:s26], $0x1400  }
0x328: {  	[sflag:s26] =	ssyncset.done $0x0  }
0x329: {  	p0 =	seq.s32 s18, $0x18;
	[sflag:s26] =	ssyncadd.s32 $0xFFFFEC00  }
0x32a: {  	[spmem:s4] =	stream.indirect.scatter.add.f32 [tilespmem:s28], [sflag:$0x3], $0x10, s5, s30, $0xb8;
	[tilespmem:$0x1EDA0] =	vst v63  }
0x32b: {  	s5 =	smul.u32 @!p0 $0x50, s18;
	_ =	swait.ge [sflag:s26], $0x280  }
0x32c: {  	s9 =	simm.s32 @!p0 $0x28;
	[sflag:s26] =	ssyncset.done $0x0  }
0x32d: {  	s10 =	simm.s32 @!p0 $0xFA0;
	s8 =	sadd.s32 @!p0 $0x50, s5;
	[sflag:s26] =	ssyncadd.s32 $0xFFFFFD80  }
0x32e: {  	[tilespmem:s10], [sflag:$0x1] =	stream.indirect.gather @!p0 [hbm4b:s6+s9], $0x80, s8, s9, $0xb8;
	[tilespmem:$0x1EDA0] =	vst v63  }
0x32f: {  	s5 =	sadd.s32 @!p0 $0x820, s5;
	s10 =	simm.s32 @!p0 $0x23A0  }
0x330: {  	[tilespmem:s10], [sflag:$0x1] =	stream.indirect.gather @!p0 [hbm4b:s1+s9], $0x80, s5, s9, $0xb8;
	[tilespmem:$0x1EDA0] =	vst v63  }
0x331: {  	s5 =	simm.s32 @!p0 $0x37A0  }
0x332: {  	[tilespmem:s5], [sflag:$0x1] =	stream.indirect.gather @!p0 [hbm4b:s7+s9], $0x80, s8, s9, $0xb8;
	[tilespmem:$0x1EDA0] =	vst v63  }
0x333: {  	_ =	swait.ge [sflag:s15], $0x1400  }
0x334: {  	[sflag:s15] =	ssyncset.done $0x0  }
0x335: {  	[sflag:s15] =	ssyncadd.s32 $0xFFFFEC00  }
0x336: {  	_ =	swait.ge [sflag:s15], $0x1400  }
0x337: {  	[sflag:s15] =	ssyncset.done $0x0  }
0x338: {  	[sflag:s15] =	ssyncadd.s32 $0xFFFFEC00  }
0x339: {  	_ =	swait.ge [sflag:s15], $0x1400  }
0x33a: {  	[sflag:s15] =	ssyncset.done $0x0  }
0x33b: {  	s20 =	simm.s32 $0x0;
	[sflag:s15] =	ssyncadd.s32 $0xFFFFEC00  }
.LBB2_8:
0x33c: {  	s11 =	sshll.u32 s20, $0x7  }
0x33d: {  	v2 =	vld [tilespmem:s11+$0x4BA0]  }
0x33e: {  	v3 =	vld [tilespmem:s11+$0x5FA0]  }
0x33f: {  	v4 =	vld [tilespmem:s11+$0x73A0]  }
0x340: {  	v5 =	vld [tilespmem:s11+$0x4BB0]  }
0x341: {  	v6 =	vld [tilespmem:s11+$0x5FB0]  }
0x342: {  	v8 =	vld [tilespmem:s11+$0x4BC0]  }
0x343: {  	v7 =	vld [tilespmem:s11+$0x73C0]  }
0x344: {  	v9 =	vld [tilespmem:s11+$0x4BD0]  }
0x345: {  	v39 =	vld [tilespmem:s11+$0x5FD0]  }
0x346: {  	v17 =	vld [tilespmem:s11+$0x73D0]  }
0x347: {  	v40 =	vld [tilespmem:s11+$0x4BE0]  }
0x348: {  	v12 =	vld [tilespmem:s11+$0x5FE0];
	v2 =	vmul.f32 v3, v2  }
0x349: {  	v13 =	vld [tilespmem:s11+$0x4BF0];
	v5 =	vmul.f32 v6, v5  }
0x34a: {  	v16 =	vld [tilespmem:s11+$0x5FF0];
	(xrf2) =	vadd.scan.msk.f32 $0xffff, v2  }
0x34b: {  	v2 =	vld [tilespmem:s11+$0x5FC0];
	(xrf2) =	vadd.scan.msk.f32 $0xffff, v5  }
0x34c: {  	v19 =	vld [tilespmem:s11+$0x4C00]  }
0x34d: {  	v20 =	vld [tilespmem:s11+$0x6000]  }
0x34e: {  	s5 =	sor.u32 $0x1, s20;
	v21 =	vld [tilespmem:s11+$0x4C10]  }
0x34f: {  	v22 =	vld [tilespmem:s11+$0x6010];
	s8 =	sshll.u32 s5, $0x7  }
0x350: {  	v42 =	vld [tilespmem:s8+$0x4BA0];
	v2 =	vmul.f32 v2, v8  }
0x351: {  	v44 =	vld [tilespmem:s8+$0x5FA0];
	v6 =	vmul.f32 v39, v9  }
0x352: {  	v46 =	vld [tilespmem:s8+$0x4BB0];
	(xrf2) =	vadd.scan.msk.f32 $0xffff, v2;
	v2 =	vmul.f32 v12, v40  }
0x353: {  	v47 =	vld [tilespmem:s8+$0x5FB0];
	(xrf2) =	vadd.scan.msk.f32 $0xffff, v6  }
0x354: {  	v48 =	vld [tilespmem:s8+$0x4BC0];
	(xrf2) =	vadd.scan.msk.f32 $0xffff, v2;
	v2 =	vmul.f32 v16, v13;
	v11, _, _ =	vpop (xrf2)  }
0x355: {  	v50 =	vld [tilespmem:s8+$0x4BD0];
	v11 =	vperm.xlane v11, v1;
	v41, _, _ =	vpop (xrf2)  }
0x356: {  	v51 =	vld [tilespmem:s8+$0x5FD0];
	(xrf2) =	vadd.scan.msk.f32 $0xffff, v2;
	v2 =	vmul.f32 v20, v19;
	v23 =	vperm.xlane v41, v1  }
0x357: {  	v55 =	vld [tilespmem:s8+$0x4BE0];
	v49 =	vmul.f32 v22, v21;
	v11 =	vmax.f32 v11, $-5.000000000e+00  }
0x358: {  	v25 =	vld [tilespmem:s8+$0x5FE0];
	(xrf2) =	vadd.scan.msk.f32 $0xffff, v2;
	v11 =	vmin.f32 v11, $5.000000000e+00;
	v43 =	vmax.f32 v23, $-5.000000000e+00  }
0x359: {  	v2 =	vld [tilespmem:s8+$0x5FC0];
	(xrf2) =	vadd.scan.msk.f32 $0xffff, v49;
	v18 =	vmul.f32 $1.442695020e+00, v11;
	v9 =	vmin.f32 v43, $5.000000000e+00  }
0x35a: {  	v61 =	vld [tilespmem:s8+$0x4BF0];
	v45 =	vmul.f32 $1.442695020e+00, v9  }
0x35b: {  	v63 =	vld [tilespmem:s8+$0x4C00];
	v5 =	vmul.f32 v44, v42;
	(erf) = vpow2.f32 v18  }
0x35c: {  	v36 =	vld [tilespmem:s8+$0x6000];
	v9 =	vmul.f32 v47, v46;
	v52, _, _ =	vpop (xrf2);
	(erf) = vpow2.f32 v45  }
0x35d: {  	v62 =	vld [tilespmem:s8+$0x5FF0];
	(xrf2) =	vadd.scan.msk.f32 $0xffff, v5;
	v54, _, _ =	vpop (xrf2)  }
0x35e: {  	v39 =	vld [tilespmem:s8+$0x4C10];
	v25 =	vmul.f32 v25, v55;
	v6 =	vmul.f32 v2, v48;
	v24, _, _ =	vpop (xrf2);
	(xrf2) =	vadd.scan.msk.f32 $0xffff, v9  }
0x35f: {  	v16 =	vmul.f32 v51, v50;
	v41 =	vld [tilespmem:s8+$0x6010];
	v53 =	vperm.xlane v52, v1  }
0x360: {  	v10 =	vld [tilespmem:s11+$0x73E0];
	v56 =	vperm.xlane v54, v1;
	v58 =	vperm.xlane v24, v1;
	(xrf2) =	vadd.scan.msk.f32 $0xffff, v6;
	v60, _, _ =	vpop (xrf2)  }
0x361: {  	s9 =	sor.u32 $0x2, s20;
	v3 =	vld [tilespmem:s11+$0x73B0];
	v19 =	vmul.f32 v36, v63;
	v57 =	vmax.f32 v53, $-5.000000000e+00;
	v23 =	vperm.xlane v60, v1  }
0x362: {  	v15 =	vld [tilespmem:s11+$0x73F0];
	s10 =	sshll.u32 s9, $0x7;
	v24 =	vmul.f32 v62, v61;
	v59 =	vmax.f32 v56, $-5.000000000e+00;
	(xrf2) =	vadd.scan.msk.f32 $0xffff, v16;
	v22 =	vmax.f32 v58, $-5.000000000e+00;
	v28, _, _ =	vpop (xrf2)  }
0x363: {  	v44 =	vld [tilespmem:s10+$0x4BA0];
	v22 =	vmin.f32 v22, $5.000000000e+00;
	v23 =	vmax.f32 v23, $-5.000000000e+00;
	v28 =	vperm.xlane v28, v1;
	v29, _, _ =	vpop (xrf2)  }
0x364: {  	v45 =	vld [tilespmem:s10+$0x5FA0];
	v56 =	vmul.f32 v41, v39;
	v22 =	vmul.f32 $1.442695020e+00, v22;
	v23 =	vmin.f32 v23, $5.000000000e+00;
	v21 =	vpop (erf)  }
0x365: {  	v14 =	vld [tilespmem:s11+$0x7400];
	v38 =	vperm.xlane v29, v1;
	v23 =	vmul.f32 $1.442695020e+00, v23;
	v28 =	vmax.f32 v28, $-5.000000000e+00;
	v26 =	vpop (erf)  }
0x366: {  	v12 =	vld [tilespmem:s8+$0x73C0];
	v8 =	vmul.f32 v21, v4;
	v9 =	vmul.f32 v26, v3;
	v3 =	vmin.f32 v57, $5.000000000e+00  }
0x367: {  	v61 =	vld [tilespmem:s10+$0x5FD0];
	v40, _, _ =	vpop (xrf2);
	v4 =	vmin.f32 v59, $5.000000000e+00;
	v37 =	vmin.f32 v28, $5.000000000e+00;
	v27 =	vmul.f32 $1.442695020e+00, v3  }
0x368: {  	v4 =	vmul.f32 $1.442695020e+00, v4;
	v16 =	vmul.f32 $1.442695020e+00, v37;
	v57 =	vld [tilespmem:s10+$0x4BD0];
	v30, _, _ =	vpop (xrf2);
	(xrf2) =	vadd.scan.msk.f32 $0xffff, v25  }
0x369: {  	v13 =	vld [tilespmem:s8+$0x73D0];
	v25 =	vmul.f32 v45, v44;
	(erf) = vpow2.f32 v27  }
0x36a: {  	v49 =	vld [tilespmem:s10+$0x5FB0];
	v43 =	vperm.xlane v30, v1;
	v31, _, _ =	vpop (xrf2);
	(xrf2) =	vadd.scan.msk.f32 $0xffff, v24;
	(erf) = vpow2.f32 v4  }
0x36b: {  	v47 =	vld [tilespmem:s10+$0x4BB0];
	v31 =	vperm.xlane v31, v1;
	(erf) = vpow2.f32 v22  }
0x36c: {  	v52 =	vld [tilespmem:s10+$0x4BC0];
	v51, _, _ =	vpop (xrf2);
	v22 =	vmax.f32 v38, $-5.000000000e+00;
	(erf) = vpow2.f32 v23;
	v23 =	vperm.xlane v40, v1  }
0x36d: {  	v54 =	vld [tilespmem:s10+$0x5FC0];
	v53 =	vperm.xlane v51, v1;
	v28 =	vmul.f32 v61, v57;
	v42 =	vmin.f32 v22, $5.000000000e+00  }
0x36e: {  	v20 =	vld [tilespmem:s8+$0x73B0];
	(xrf2) =	vadd.scan.msk.f32 $0xffff, v19;
	v22 =	vmax.f32 v43, $-5.000000000e+00;
	(erf) = vpow2.f32 v16;
	v23 =	vmax.f32 v23, $-5.000000000e+00  }
0x36f: {  	v44 =	vld [tilespmem:s10+$0x4BF0];
	v16 =	vmul.f32 $1.442695020e+00, v42;
	v46 =	vmin.f32 v22, $5.000000000e+00;
	v23 =	vmin.f32 v23, $5.000000000e+00  }
0x370: {  	v32 =	vmul.f32 $1.442695020e+00, v46;
	v46 =	vld [tilespmem:s10+$0x5FF0];
	v23 =	vmul.f32 $1.442695020e+00, v23  }
0x371: {  	v63 =	vld [tilespmem:s10+$0x4BE0];
	v31 =	vmax.f32 v31, $-5.000000000e+00;
	v22 =	vmul.f32 v49, v47;
	(erf) = vpow2.f32 v16  }
0x372: {  	v41 =	vld [tilespmem:s10+$0x5FE0];
	v50 =	vmin.f32 v31, $5.000000000e+00;
	v47 =	vmul.f32 v54, v52;
	v40, _, _ =	vpop (xrf2);
	(erf) = vpow2.f32 v23  }
0x373: {  	v11 =	vld [tilespmem:s11+$0x7410];
	v21 =	vnsel vm0, $0x0, v21;
	(xrf2) =	vadd.scan.msk.f32 $0xffff, v56;
	v48 =	vpop (erf);
	v23 =	vmul.f32 $1.442695020e+00, v50;
	v43 =	vperm.xlane v40, v1  }
0x374: {  	v5 =	vld [tilespmem:s8+$0x7410];
	v21 =	vsel vm1, v21, v26;
	v45, _, _ =	vpop (xrf2);
	v16 =	vmul.f32 v48, v7;
	(erf) = vpow2.f32 v32  }
0x375: {  	v18 =	vld [tilespmem:s8+$0x73A0];
	(xrf2) =	vadd.scan.msk.f32 $0xffff, v25;
	v60 =	vmax.f32 v53, $-5.000000000e+00;
	v33 =	vpop (erf);
	v35 =	vperm.xlane v45, v1;
	v61 =	vmul.f32 v46, v44  }
0x376: {  	v51 =	vld [tilespmem:s10+$0x6000];
	v21 =	vsel vm2, v21, v48;
	v19 =	vmul.f32 v33, v17;
	(erf) = vpow2.f32 v23  }
0x377: {  	s16 =	sor.u32 $0x3, s20;
	v57 =	vld [tilespmem:s10+$0x6010];
	(xrf2) =	vadd.scan.msk.f32 $0xffff, v22;
	v55 =	vpop (erf);
	v58 =	vsel vm3, v21, v33;
	v33 =	vmin.f32 v60, $5.000000000e+00;
	v23 =	vmul.f32 v41, v63  }
0x378: {  	s21 =	sshll.u32 s16, $0x7;
	v48 =	vld [tilespmem:s10+$0x4C00];
	v54, _, _ =	vpop (xrf2);
	v21 =	vmul.f32 v55, v10;
	v39 =	vmul.f32 $1.442695020e+00, v33;
	v33 =	vmax.f32 v43, $-5.000000000e+00  }
0x379: {  	v38 =	vld [tilespmem:s21+$0x4BB0];
	v59 =	vpop (erf);
	v24 =	vsel vm4, v58, v55;
	v50 =	vmin.f32 v33, $5.000000000e+00;
	v33 =	vperm.xlane v54, v1  }
0x37a: {  	(xrf2) =	vadd.scan.msk.f32 $0xffff, v47;
	v53 =	vmax.f32 v35, $-5.000000000e+00;
	v55 =	vld [tilespmem:s10+$0x4C10];
	v17 =	vmul.f32 v59, v15;
	v62 =	vpop (erf);
	v24 =	vsel vm5, v24, v59  }
0x37b: {  	v40 =	vld [tilespmem:s21+$0x5FB0];
	(xrf2) =	vadd.scan.msk.f32 $0xffff, v28;
	v36 =	vmin.f32 v53, $5.000000000e+00;
	v15 =	vmul.f32 v62, v14;
	v52 =	vmul.f32 $1.442695020e+00, v50  }
0x37c: {  	v59 =	vld [tilespmem:s21+$0x4BA0];
	v24 =	vsel vm6, v24, v62;
	(erf) = vpow2.f32 v39;
	v58 =	vmul.f32 $1.442695020e+00, v36;
	v42 =	vpop (erf)  }
0x37d: {  	v62 =	vld [tilespmem:s21+$0x5FA0];
	v60 =	vmax.f32 v33, $-5.000000000e+00;
	v26 =	vmul.f32 v51, v48;
	(erf) = vpow2.f32 v52;
	v33, _, _ =	vpop (xrf2)  }
0x37e: {  	v2 =	vld [tilespmem:s8+$0x73E0];
	(xrf2) =	vadd.scan.msk.f32 $0xffff, v23;
	v14 =	vmul.f32 v42, v11;
	(erf) = vpow2.f32 v58;
	v34 =	vpop (erf)  }
0x37f: {  	v6 =	vld [tilespmem:s10+$0x73A0];
	v63 =	vmin.f32 v60, $5.000000000e+00;
	v25 =	vmul.f32 v57, v55;
	v29 =	vperm.xlane v33, v1;
	v37, _, _ =	vpop (xrf2)  }
0x380: {  	v3 =	vld [tilespmem:s8+$0x73F0];
	v33 =	vmul.f32 v40, v38;
	v11 =	vmul.f32 v34, v18;
	v49 =	vpop (erf);
	v18 =	vsel vm7, v24, v42  }
0x381: {  	v4 =	vld [tilespmem:s8+$0x7400];
	v36 =	vnsel vm0, $0x0, v34;
	v24 =	vmul.f32 $1.442695020e+00, v63;
	v31 =	vperm.xlane v37, v1;
	v43, _, _ =	vpop (xrf2)  }
0x382: {  	v54 =	vld [tilespmem:s21+$0x4BC0];
	(xrf2) =	vadd.scan.msk.f32 $0xffff, v61;
	v44 =	vmul.f32 v62, v59;
	v10 =	vmul.f32 v49, v20;
	v56 =	vpop (erf);
	v30 =	vsel vm1, v36, v49  }
0x383: {  	v55 =	vld [tilespmem:s21+$0x5FC0];
	v29 =	vmax.f32 v29, $-5.000000000e+00;
	v47 =	vperm.xlane v43, v1;
	v12 =	vmul.f32 v56, v12  }
0x384: {  	(xrf2) =	vadd.scan.msk.f32 $0xffff, v26;
	v38 =	vld [tilespmem:s21+$0x5FE0];
	v48, _, _ =	vpop (xrf2);
	v41 =	vsel vm2, v30, v56;
	(erf) = vpow2.f32 v24;
	v42 =	vmax.f32 v31, $-5.000000000e+00  }
0x385: {  	(xrf2) =	vadd.scan.msk.f32 $0xffff, v25;
	v36 =	vld [tilespmem:s21+$0x4BE0];
	v45 =	vmin.f32 v29, $5.000000000e+00;
	v32 =	vperm.xlane v48, v1;
	v49, _, _ =	vpop (xrf2);
	v46 =	vmin.f32 v42, $5.000000000e+00  }
0x386: {  	v59 =	vld [tilespmem:s21+$0x4BD0];
	v28 =	vmul.f32 $1.442695020e+00, v45;
	v30 =	vmax.f32 v47, $-5.000000000e+00;
	v51 =	vperm.xlane v49, v1;
	v39 =	vpop (erf)  }
0x387: {  	v37 =	vld [tilespmem:s21+$0x5FD0];
	(xrf2) =	vadd.scan.msk.f32 $0xffff, v44;
	v29 =	vmul.f32 $1.442695020e+00, v46;
	v50 =	vmin.f32 v30, $5.000000000e+00;
	v13 =	vmul.f32 v39, v13  }
0x388: {  	v7 =	vld [tilespmem:s10+$0x73B0];
	v52 =	vmax.f32 v32, $-5.000000000e+00;
	v53, _, _ =	vpop (xrf2);
	(erf) = vpow2.f32 v28;
	v28 =	vmul.f32 $1.442695020e+00, v50  }
0x389: {  	v20 =	vld [tilespmem:s10+$0x73C0];
	v30 =	vmax.f32 v51, $-5.000000000e+00;
	v32 =	vperm.xlane v53, v1;
	v51 =	vmul.f32 v55, v54  }
0x38a: {  	v43 =	vld [tilespmem:s21+$0x4BF0];
	(erf) = vpow2.f32 v29;
	v29 =	vmin.f32 v52, $5.000000000e+00;
	v36 =	vmul.f32 v38, v36  }
0x38b: {  	v24 =	vld [tilespmem:s10+$0x73D0];
	(xrf2) =	vadd.scan.msk.f32 $0xffff, v33;
	v57 =	vmin.f32 v30, $5.000000000e+00;
	v49 =	vpop (erf);
	(erf) = vpow2.f32 v28;
	v56 =	vmul.f32 $1.442695020e+00, v29  }
0x38c: {  	v48 =	vld [tilespmem:s21+$0x4C00];
	v29 =	vmul.f32 $1.442695020e+00, v57;
	v32 =	vmax.f32 v32, $-5.000000000e+00;
	v57 =	vmul.f32 v37, v59;
	v58, _, _ =	vpop (xrf2)  }
0x38d: {  	v46 =	vld [tilespmem:s21+$0x5FF0];
	v2 =	vmul.f32 v49, v2;
	v61 =	vmin.f32 v32, $5.000000000e+00;
	v30 =	vperm.xlane v58, v1  }
0x38e: {  	v31 =	vsel vm3, v41, v39;
	v55 =	vld [tilespmem:s21+$0x4C10];
	v60, _, _ =	vpop (xrf2);
	(erf) = vpow2.f32 v56;
	v28 =	vmul.f32 $1.442695020e+00, v61  }
0x38f: {  	s22 =	sadd.s32 $0x4, s20;
	[tilespmem:s11+$0x73A0] =	vst v8;
	v52 =	vld [tilespmem:s21+$0x6000];
	v59 =	vsel vm4, v31, v49;
	v62 =	vperm.xlane v60, v1;
	(erf) = vpow2.f32 v29;
	v40, _, _ =	vpop (xrf2)  }
0x390: {  	s23 =	sshll.u32 s22, $0x7;
	[tilespmem:s11+$0x73B0] =	vst v9;
	v58 =	vld [tilespmem:s21+$0x6010];
	v63 =	vmax.f32 v30, $-5.000000000e+00;
	v30 =	vperm.xlane v40, v1;
	(erf) = vpow2.f32 v28;
	v56 =	vpop (erf)  }
0x391: {  	[tilespmem:s11+$0x73F0] =	vst v17;
	v38 =	vld [tilespmem:s23+$0x5FA0];
	v41 =	vmin.f32 v63, $5.000000000e+00;
	v42 =	vmax.f32 v62, $-5.000000000e+00;
	v45, _, _ =	vpop (xrf2);
	v3 =	vmul.f32 v56, v3  }
0x392: {  	v61 =	vld [tilespmem:s23+$0x4BA0];
	(xrf2) =	vadd.scan.msk.f32 $0xffff, v51;
	v60 =	vpop (erf);
	v17 =	vsel vm5, v59, v56;
	v8 =	vmul.f32 $1.442695020e+00, v41;
	v28 =	vperm.xlane v45, v1  }
0x393: {  	(xrf2) =	vadd.scan.msk.f32 $0xffff, v57;
	v40 =	vld [tilespmem:s23+$0x4BB0];
	v44 =	vmin.f32 v42, $5.000000000e+00;
	v42 =	vmul.f32 v46, v43;
	v4 =	vmul.f32 v60, v4  }
0x394: {  	v57 =	vld [tilespmem:s23+$0x5FE0];
	(xrf2) =	vadd.scan.msk.f32 $0xffff, v36;
	v47 =	vmax.f32 v30, $-5.000000000e+00;
	v46 =	vmul.f32 v52, v48;
	v9 =	vmul.f32 $1.442695020e+00, v44  }
0x395: {  	v43 =	vld [tilespmem:s23+$0x5FB0];
	v50 =	vmin.f32 v47, $5.000000000e+00;
	v54, _, _ =	vpop (xrf2);
	v51 =	vmul.f32 v58, v55;
	(erf) = vpow2.f32 v8  }
0x396: {  	[tilespmem:s11+$0x73E0] =	vst v21;
	v52 =	vld [tilespmem:s23+$0x4BD0];
	v62 =	vpop (erf);
	v8 =	vmul.f32 $1.442695020e+00, v50;
	v53 =	vmax.f32 v28, $-5.000000000e+00;
	v21 =	vperm.xlane v54, v1  }
0x397: {  	v55 =	vld [tilespmem:s23+$0x4BE0];
	v39 =	vpop (erf);
	v5 =	vmul.f32 v62, v5;
	(xrf2) =	vadd.scan.msk.f32 $0xffff, v42;
	(erf) = vpow2.f32 v9;
	v9 =	vmin.f32 v53, $5.000000000e+00  }
0x398: {  	[tilespmem:s11+$0x7400] =	vst v15;
	v44 =	vsel vm6, v17, v60;
	v54 =	vld [tilespmem:s23+$0x5FD0];
	v41 =	vpop (erf);
	v6 =	vmul.f32 v39, v6;
	v9 =	vmul.f32 $1.442695020e+00, v9  }
0x399: {  	v22 =	vld [tilespmem:s10+$0x73E0];
	(xrf2) =	vadd.scan.msk.f32 $0xffff, v46;
	(erf) = vpow2.f32 v8;
	v63 =	vmax.f32 v21, $-5.000000000e+00;
	v7 =	vmul.f32 v41, v7;
	v45 =	vpop (erf)  }
0x39a: {  	v49 =	vld [tilespmem:s23+$0x5FC0];
	v21 =	vmul.f32 v38, v61;
	(xrf2) =	vadd.scan.msk.f32 $0xffff, v51;
	v8 =	vmin.f32 v63, $5.000000000e+00;
	(erf) = vpow2.f32 v9;
	v48 =	vpop (erf)  }
0x39b: {  	[tilespmem:s11+$0x7410] =	vst v14;
	v47 =	vld [tilespmem:s23+$0x4BC0];
	v14 =	vsel vm7, v44, v62;
	v8 =	vmul.f32 $1.442695020e+00, v8;
	v20 =	vmul.f32 v45, v20;
	v50 =	vpop (erf)  }
0x39c: {  	v27 =	vld [tilespmem:s10+$0x73F0];
	v15 =	vnsel vm0, $0x0, v39;
	(xrf2) =	vadd.scan.msk.f32 $0xffff, v21;
	v9 =	vmul.f32 v43, v40;
	v37 =	vmul.f32 v57, v55;
	v56, _, _ =	vpop (xrf2)  }
0x39d: {  	s31 =	sshll.u32 s20, $0x4;
	[tilespmem:s11+$0x73C0] =	vst v16;
	v26 =	vld [tilespmem:s10+$0x7400];
	v15 =	vsel vm1, v15, v41;
	v17 =	vmul.f32 v48, v24;
	v35 =	vmul.f32 v54, v52;
	v63, _, _ =	vpop (xrf2)  }
0x39e: {  	[tilespmem:s11+$0x73D0] =	vst v19;
	s11 =	sand.u32 $0x3FFFFFF0, s31;
	v25 =	vld [tilespmem:s10+$0x7410];
	v15 =	vsel vm2, v15, v45;
	(erf) = vpow2.f32 v8;
	v22 =	vmul.f32 v50, v22;
	v34, _, _ =	vpop (xrf2)  }
0x39f: {  	[tilespmem:s11+$0x87A0] =	vst v18;
	v15 =	vsel vm3, v15, v48;
	v32 =	vperm.xlane v56, v1;
	v18 =	vperm.xlane v63, v1;
	v53 =	vpop (erf)  }
0x3a0: {  	v58 =	vsel vm4, v15, v50;
	v8 =	vmul.f32 v49, v47;
	v29 =	vperm.xlane v34, v1;
	v24 =	vpop (erf)  }
0x3a1: {  	v23 =	vld [tilespmem:s21+$0x73A0];
	[tilespmem:s8+$0x73E0] =	vst v2;
	v33 =	vmax.f32 v32, $-5.000000000e+00;
	v18 =	vmax.f32 v18, $-5.000000000e+00;
	v27 =	vmul.f32 v53, v27;
	v40, _, _ =	vpop (xrf2)  }
0x3a2: {  	(xrf2) =	vadd.scan.msk.f32 $0xffff, v9;
	v18 =	vmin.f32 v18, $5.000000000e+00;
	v42 =	vmax.f32 v29, $-5.000000000e+00;
	v15 =	vmul.f32 v24, v26;
	v59 =	vpop (erf)  }
0x3a3: {  	v60 =	vld [tilespmem:s21+$0x73B0];
	(xrf2) =	vadd.scan.msk.f32 $0xffff, v8;
	v41 =	vmul.f32 $1.442695020e+00, v18;
	v43, _, _ =	vpop (xrf2);
	v44 =	vmin.f32 v42, $5.000000000e+00;
	v62 =	vmul.f32 v59, v25  }
0x3a4: {  	(xrf2) =	vadd.scan.msk.f32 $0xffff, v35;
	v25 =	vmin.f32 v33, $5.000000000e+00;
	v45 =	vperm.xlane v43, v1;
	v2 =	vmul.f32 $1.442695020e+00, v44;
	v47, _, _ =	vpop (xrf2)  }
0x3a5: {  	[tilespmem:s8+$0x73C0] =	vst v12;
	(xrf2) =	vadd.scan.msk.f32 $0xffff, v37;
	v12 =	vpop (erf);
	v39 =	vmul.f32 $1.442695020e+00, v25;
	v25 =	vperm.xlane v40, v1  }
0x3a6: {  	[tilespmem:s8+$0x73A0] =	vst v11;
	v61 =	vsel vm5, v58, v53;
	v9 =	vperm.xlane v47, v1;
	v23 =	vmul.f32 v12, v23;
	v49, _, _ =	vpop (xrf2)  }
0x3a7: {  	[tilespmem:s8+$0x73B0] =	vst v10;
	v48 =	vmax.f32 v45, $-5.000000000e+00;
	v36 =	vpop (erf);
	(erf) = vpow2.f32 v39;
	v46 =	vmax.f32 v25, $-5.000000000e+00  }
0x3a8: {  	[tilespmem:s8+$0x73F0] =	vst v3;
	v51 =	vperm.xlane v49, v1;
	v38 =	vmul.f32 v36, v60;
	v3 =	vmin.f32 v46, $5.000000000e+00  }
0x3a9: {  	[tilespmem:s8+$0x73D0] =	vst v13;
	v50 =	vmin.f32 v48, $5.000000000e+00;
	(erf) = vpow2.f32 v41;
	v3 =	vmul.f32 $1.442695020e+00, v3  }
0x3aa: {  	s5 =	sshll.u32 s5, $0x4;
	[tilespmem:s8+$0x7400] =	vst v4;
	v52 =	vmax.f32 v9, $-5.000000000e+00;
	(erf) = vpow2.f32 v2;
	v2 =	vmul.f32 $1.442695020e+00, v50  }
0x3ab: {  	s5 =	sand.u32 $0x3FFFFFF0, s5;
	[tilespmem:s8+$0x7410] =	vst v5;
	v53 =	vmax.f32 v51, $-5.000000000e+00;
	(erf) = vpow2.f32 v3;
	v3 =	vmin.f32 v52, $5.000000000e+00  }
0x3ac: {  	[tilespmem:s5+$0x87A0] =	vst v14;
	v54, _, _ =	vpop (xrf2);
	(erf) = vpow2.f32 v2;
	v2 =	vmul.f32 $1.442695020e+00, v3;
	v3 =	vmin.f32 v53, $5.000000000e+00  }
0x3ad: {  	[tilespmem:s10+$0x73A0] =	vst v6;
	v55 =	vsel vm6, v61, v24;
	v4 =	vperm.xlane v54, v1;
	v56, _, _ =	vpop (xrf2);
	v3 =	vmul.f32 $1.442695020e+00, v3  }
0x3ae: {  	[tilespmem:s10+$0x73B0] =	vst v7;
	v5 =	vsel vm7, v55, v59;
	v57, _, _ =	vpop (xrf2);
	(erf) = vpow2.f32 v2;
	v2 =	vperm.xlane v56, v1  }
0x3af: {  	[tilespmem:s10+$0x73C0] =	vst v20;
	v58 =	vperm.xlane v57, v1;
	v59, _, _ =	vpop (xrf2);
	(erf) = vpow2.f32 v3;
	v3 =	vmax.f32 v4, $-5.000000000e+00  }
0x3b0: {  	[tilespmem:s10+$0x73D0] =	vst v17;
	v17 =	vld [tilespmem:s21+$0x7400];
	v6 =	vperm.xlane v59, v1;
	v3 =	vmin.f32 v3, $5.000000000e+00;
	v2 =	vmax.f32 v2, $-5.000000000e+00  }
0x3b1: {  	[tilespmem:s10+$0x7410] =	vst v62;
	v62 =	vld [tilespmem:s21+$0x73E0];
	v4 =	vmax.f32 v58, $-5.000000000e+00;
	v3 =	vmul.f32 $1.442695020e+00, v3;
	v2 =	vmin.f32 v2, $5.000000000e+00  }
0x3b2: {  	[tilespmem:s10+$0x73E0] =	vst v22;
	v60 =	vld [tilespmem:s21+$0x73C0];
	v4 =	vmin.f32 v4, $5.000000000e+00;
	v6 =	vmax.f32 v6, $-5.000000000e+00;
	v2 =	vmul.f32 $1.442695020e+00, v2  }
0x3b3: {  	v61 =	vld [tilespmem:s21+$0x73D0];
	[tilespmem:s10+$0x7400] =	vst v15;
	v16 =	vpop (erf);
	v15 =	vmin.f32 v6, $5.000000000e+00;
	(erf) = vpow2.f32 v3;
	v3 =	vmul.f32 $1.442695020e+00, v4  }
0x3b4: {  	s11 =	sshll.u32 s9, $0x4;
	v63 =	vld [tilespmem:s21+$0x73F0];
	[tilespmem:s10+$0x73F0] =	vst v27;
	v18 =	vnsel vm0, $0x0, v12;
	v20 =	vpop (erf);
	(erf) = vpow2.f32 v2;
	v2 =	vmul.f32 $1.442695020e+00, v15  }
0x3b5: {  	s5 =	sand.u32 $0x3FFFFFF0, s11;
	[tilespmem:s21+$0x73A0] =	vst v23;
	v23 =	vpop (erf);
	(erf) = vpow2.f32 v3;
	v3 =	vsel vm1, v18, v36  }
0x3b6: {  	v21 =	vld [tilespmem:s21+$0x7410];
	[tilespmem:s5+$0x87A0] =	vst v5;
	v24 =	vpop (erf);
	(erf) = vpow2.f32 v2;
	v2 =	vsel vm2, v3, v16;
	v3 =	vmul.f32 v23, v62  }
0x3b7: {  	[tilespmem:s21+$0x73B0] =	vst v38;
	v7 =	vmul.f32 v16, v60;
	v27 =	vpop (erf)  }
0x3b8: {  	v25 =	vld [tilespmem:s23+$0x73A0];
	v22 =	vmul.f32 v20, v61;
	[tilespmem:s21+$0x73E0] =	vst v3;
	v3 =	vmul.f32 v27, v17  }
0x3b9: {  	v28 =	vld [tilespmem:s23+$0x73B0];
	[tilespmem:s21+$0x73C0] =	vst v7;
	v26 =	vmul.f32 v24, v63;
	v2 =	vsel vm3, v2, v20  }
0x3ba: {  	v30 =	vld [tilespmem:s23+$0x73C0];
	[tilespmem:s21+$0x73D0] =	vst v22;
	v29 =	vpop (erf);
	v2 =	vsel vm4, v2, v23  }
0x3bb: {  	v32 =	vld [tilespmem:s23+$0x73D0];
	[tilespmem:s21+$0x73F0] =	vst v26;
	v31 =	vmul.f32 v29, v21;
	v2 =	vsel vm5, v2, v24  }
0x3bc: {  	s16 =	sshll.u32 s16, $0x4;
	v33 =	vld [tilespmem:s23+$0x73E0];
	[tilespmem:s21+$0x7400] =	vst v3;
	v2 =	vsel vm6, v2, v27;
	v3 =	vpop (erf)  }
0x3bd: {  	s5 =	sand.u32 $0x3FFFFFF0, s16;
	[tilespmem:s21+$0x7410] =	vst v31;
	v2 =	vsel vm7, v2, v29;
	v34 =	vmul.f32 v3, v25;
	v11 =	vpop (erf)  }
0x3be: {  	[tilespmem:s5+$0x87A0] =	vst v2;
	v2 =	vmul.f32 v11, v28;
	v10 =	vpop (erf)  }
0x3bf: {  	[tilespmem:s23+$0x73A0] =	vst v34;
	v35 =	vmul.f32 v10, v30;
	v18 =	vpop (erf)  }
0x3c0: {  	[tilespmem:s23+$0x73B0] =	vst v2;
	v2 =	vmul.f32 v18, v32;
	v20 =	vpop (erf)  }
0x3c1: {  	[tilespmem:s23+$0x73C0] =	vst v35;
	v36 =	vmul.f32 v20, v33  }
0x3c2: {  	[tilespmem:s23+$0x73D0] =	vst v2  }
0x3c3: {  	[tilespmem:s23+$0x73E0] =	vst v36  }
0x3c4: {  	v2 =	vld [tilespmem:s23+$0x4BF0]  }
0x3c5: {  	v37 =	vld [tilespmem:s23+$0x5FF0]  }
0x3c6: {  	v22 =	vld [tilespmem:s23+$0x73F0]  }
0x3c7: {  	v38 =	vld [tilespmem:s23+$0x4C00]  }
0x3c8: {  	v39 =	vld [tilespmem:s23+$0x6000]  }
0x3c9: {  	v23 =	vld [tilespmem:s23+$0x7400]  }
0x3ca: {  	v40 =	vld [tilespmem:s23+$0x4C10]  }
0x3cb: {  	s8 =	sadd.s32 $0x5, s20;
	v41 =	vld [tilespmem:s23+$0x6010]  }
0x3cc: {  	s9 =	sshll.u32 s8, $0x7;
	v24 =	vld [tilespmem:s23+$0x7410]  }
0x3cd: {  	v42 =	vld [tilespmem:s9+$0x4BA0]  }
0x3ce: {  	v43 =	vld [tilespmem:s9+$0x5FA0]  }
0x3cf: {  	v5 =	vld [tilespmem:s9+$0x73A0]  }
0x3d0: {  	v44 =	vld [tilespmem:s9+$0x4BB0]  }
0x3d1: {  	v45 =	vld [tilespmem:s9+$0x5FB0]  }
0x3d2: {  	v9 =	vld [tilespmem:s9+$0x73B0]  }
0x3d3: {  	v46 =	vld [tilespmem:s9+$0x4BC0]  }
0x3d4: {  	v47 =	vld [tilespmem:s9+$0x5FC0]  }
0x3d5: {  	v12 =	vld [tilespmem:s9+$0x73C0]  }
0x3d6: {  	v48 =	vld [tilespmem:s9+$0x4BD0]  }
0x3d7: {  	v14 =	vld [tilespmem:s9+$0x73D0]  }
0x3d8: {  	v49 =	vld [tilespmem:s9+$0x4BE0]  }
0x3d9: {  	v51 =	vld [tilespmem:s9+$0x5FE0]  }
0x3da: {  	v17 =	vld [tilespmem:s9+$0x73E0]  }
0x3db: {  	v52 =	vld [tilespmem:s9+$0x4BF0]  }
0x3dc: {  	v53 =	vld [tilespmem:s9+$0x5FF0]  }
0x3dd: {  	v8 =	vld [tilespmem:s9+$0x73F0];
	v2 =	vmul.f32 v37, v2  }
0x3de: {  	v55 =	vld [tilespmem:s9+$0x4C00];
	v6 =	vmul.f32 v39, v38  }
0x3df: {  	v56 =	vld [tilespmem:s9+$0x6000];
	v50 =	vmul.f32 v41, v40;
	(xrf2) =	vadd.scan.msk.f32 $0xffff, v2  }
0x3e0: {  	s24 =	sadd.s32 $0x6, s20;
	v59 =	vld [tilespmem:s9+$0x4C10];
	v54 =	vmul.f32 v43, v42;
	(xrf2) =	vadd.scan.msk.f32 $0xffff, v6  }
0x3e1: {  	s10 =	sshll.u32 s24, $0x7;
	v60 =	vld [tilespmem:s9+$0x6010];
	v62 =	vmul.f32 v45, v44;
	(xrf2) =	vadd.scan.msk.f32 $0xffff, v50  }
0x3e2: {  	v35 =	vld [tilespmem:s10+$0x4BA0];
	v43 =	vmul.f32 v47, v46;
	(xrf2) =	vadd.scan.msk.f32 $0xffff, v54  }
0x3e3: {  	v2 =	vld [tilespmem:s9+$0x5FD0];
	(xrf2) =	vadd.scan.msk.f32 $0xffff, v62  }
0x3e4: {  	v26 =	vld [tilespmem:s10+$0x4BB0];
	(xrf2) =	vadd.scan.msk.f32 $0xffff, v43  }
0x3e5: {  	v28 =	vld [tilespmem:s10+$0x4BD0]  }
0x3e6: {  	v41 =	vld [tilespmem:s10+$0x5FA0]  }
0x3e7: {  	v37 =	vld [tilespmem:s10+$0x5FB0];
	v49 =	vmul.f32 v51, v49  }
0x3e8: {  	v51 =	vmul.f32 v53, v52;
	v52 =	vld [tilespmem:s10+$0x5FD0];
	v2 =	vmul.f32 v2, v48  }
0x3e9: {  	v3 =	vnsel vm0, $0x0, v3;
	v7 =	vld [tilespmem:s9+$0x7400];
	v57, _, _ =	vpop (xrf2)  }
0x3ea: {  	v3 =	vsel vm1, v3, v11;
	v16 =	vld [tilespmem:s10+$0x73C0];
	v58 =	vperm.xlane v57, v1;
	v61, _, _ =	vpop (xrf2);
	(xrf2) =	vadd.scan.msk.f32 $0xffff, v2  }
0x3eb: {  	v3 =	vsel vm2, v3, v10;
	v19 =	vld [tilespmem:s10+$0x73D0];
	v54 =	vmul.f32 v56, v55;
	v56 =	vmul.f32 v60, v59;
	v40, _, _ =	vpop (xrf2);
	(xrf2) =	vadd.scan.msk.f32 $0xffff, v49  }
0x3ec: {  	v31 =	vld [tilespmem:s10+$0x4BE0];
	v39 =	vmul.f32 v41, v35;
	v15 =	vperm.xlane v61, v1;
	v13 =	vmax.f32 v58, $-5.000000000e+00;
	v47, _, _ =	vpop (xrf2);
	(xrf2) =	vadd.scan.msk.f32 $0xffff, v51  }
0x3ed: {  	v50 =	vld [tilespmem:s10+$0x5FC0];
	v26 =	vmul.f32 v37, v26;
	v52 =	vmul.f32 v52, v28;
	v13 =	vmin.f32 v13, $5.000000000e+00;
	v53, _, _ =	vpop (xrf2);
	(xrf2) =	vadd.scan.msk.f32 $0xffff, v54  }
0x3ee: {  	v48 =	vld [tilespmem:s10+$0x4BC0];
	v42 =	vperm.xlane v40, v1;
	v15 =	vmax.f32 v15, $-5.000000000e+00;
	v63 =	vmul.f32 $1.442695020e+00, v13;
	v60, _, _ =	vpop (xrf2);
	(xrf2) =	vadd.scan.msk.f32 $0xffff, v56  }
0x3ef: {  	v21 =	vld [tilespmem:s10+$0x73E0];
	v2 =	vperm.xlane v47, v1;
	v15 =	vmin.f32 v15, $5.000000000e+00;
	v55 =	vperm.xlane v53, v1  }
0x3f0: {  	v25 =	vld [tilespmem:s10+$0x73F0];
	v45 =	vmax.f32 v42, $-5.000000000e+00;
	v44 =	vmul.f32 $1.442695020e+00, v15;
	(erf) = vpow2.f32 v63  }
0x3f1: {  	v30 =	vld [tilespmem:s10+$0x7400];
	v46 =	vmin.f32 v45, $5.000000000e+00;
	v2 =	vmax.f32 v2, $-5.000000000e+00;
	v10 =	vperm.xlane v60, v1  }
0x3f2: {  	s5 =	sadd.s32 $0x7, s20;
	v62 =	vld [tilespmem:s10+$0x4BF0];
	v4 =	vmul.f32 $1.442695020e+00, v46;
	v2 =	vmin.f32 v2, $5.000000000e+00;
	(erf) = vpow2.f32 v44  }
0x3f3: {  	s11 =	sshll.u32 s5, $0x7;
	v27 =	vmul.f32 v50, v48;
	v45 =	vld [tilespmem:s10+$0x5FF0];
	v59 =	vmax.f32 v55, $-5.000000000e+00;
	v2 =	vmul.f32 $1.442695020e+00, v2  }
0x3f4: {  	v36 =	vld [tilespmem:s11+$0x4BF0];
	v10 =	vmax.f32 v10, $-5.000000000e+00;
	(erf) = vpow2.f32 v4;
	v4 =	vmin.f32 v59, $5.000000000e+00;
	v44, _, _ =	vpop (xrf2)  }
0x3f5: {  	v58 =	vld [tilespmem:s10+$0x5FE0];
	v10 =	vmin.f32 v10, $5.000000000e+00;
	(erf) = vpow2.f32 v2;
	v43 =	vmul.f32 $1.442695020e+00, v4;
	v42, _, _ =	vpop (xrf2)  }
0x3f6: {  	v40 =	vld [tilespmem:s10+$0x4C00];
	v10 =	vmul.f32 $1.442695020e+00, v10;
	v63 =	vperm.xlane v44, v1;
	v49, _, _ =	vpop (xrf2)  }
0x3f7: {  	v3 =	vsel vm3, v3, v18;
	(erf) = vpow2.f32 v43;
	v43 =	vld [tilespmem:s10+$0x6000];
	v47 =	vperm.xlane v42, v1;
	v55, _, _ =	vpop (xrf2)  }
0x3f8: {  	v3 =	vsel vm4, v3, v20;
	v33 =	vld [tilespmem:s11+$0x4C10];
	(xrf2) =	vadd.scan.msk.f32 $0xffff, v39;
	v20 =	vmul.f32 v45, v62;
	(erf) = vpow2.f32 v10;
	v56, _, _ =	vpop (xrf2)  }
0x3f9: {  	v50 =	vld [tilespmem:s10+$0x4C10];
	v41 =	vmax.f32 v63, $-5.000000000e+00;
	v35 =	vmax.f32 v47, $-5.000000000e+00;
	v29 =	vperm.xlane v55, v1;
	v57 =	vpop (erf)  }
0x3fa: {  	v53 =	vld [tilespmem:s10+$0x6010];
	(xrf2) =	vadd.scan.msk.f32 $0xffff, v26;
	v54 =	vmin.f32 v35, $5.000000000e+00;
	v59 =	vperm.xlane v56, v1;
	v2 =	vmul.f32 v57, v22  }
0x3fb: {  	v45 =	vld [tilespmem:s11+$0x5FB0];
	v61 =	vpop (erf);
	v18 =	vsel vm5, v3, v57;
	v57 =	vmul.f32 v58, v31;
	v10 =	vmul.f32 $1.442695020e+00, v54  }
0x3fc: {  	v63 =	vld [tilespmem:s11+$0x4BB0];
	v29 =	vmax.f32 v29, $-5.000000000e+00;
	v22 =	vmul.f32 v43, v40;
	v3 =	vmul.f32 v61, v23  }
0x3fd: {  	v60 =	vld [tilespmem:s11+$0x5FA0];
	(xrf2) =	vadd.scan.msk.f32 $0xffff, v27;
	v46 =	vpop (erf);
	v11 =	vsel vm6, v18, v61;
	v18 =	vperm.xlane v49, v1;
	v61 =	vmin.f32 v29, $5.000000000e+00  }
0x3fe: {  	(xrf2) =	vadd.scan.msk.f32 $0xffff, v52;
	v58 =	vld [tilespmem:s11+$0x4BA0];
	v62 =	vmax.f32 v59, $-5.000000000e+00;
	v4 =	vmul.f32 v46, v24;
	v24 =	vmin.f32 v41, $5.000000000e+00  }
0x3ff: {  	v6 =	vld [tilespmem:s9+$0x7410];
	v51 =	vpop (erf);
	v38 =	vmul.f32 $1.442695020e+00, v61;
	v44 =	vmin.f32 v62, $5.000000000e+00;
	v48 =	vmul.f32 $1.442695020e+00, v24  }
0x400: {  	v55 =	vld [tilespmem:s11+$0x4BD0];
	(xrf2) =	vadd.scan.msk.f32 $0xffff, v57;
	v5 =	vmul.f32 v51, v5;
	v18 =	vmax.f32 v18, $-5.000000000e+00;
	v23 =	vmul.f32 $1.442695020e+00, v44  }
0x401: {  	v57 =	vld [tilespmem:s11+$0x5FD0];
	(xrf2) =	vadd.scan.msk.f32 $0xffff, v20;
	v24 =	vmul.f32 v53, v50;
	v20 =	vmul.f32 v45, v63;
	v18 =	vmin.f32 v18, $5.000000000e+00  }
0x402: {  	v37 =	vld [tilespmem:s11+$0x73A0];
	v11 =	vsel vm7, v11, v46;
	v46, _, _ =	vpop (xrf2);
	(erf) = vpow2.f32 v48;
	v18 =	vmul.f32 $1.442695020e+00, v18  }
0x403: {  	v28 =	vld [tilespmem:s11+$0x5FE0];
	v47 =	vpop (erf);
	v48 =	vperm.xlane v46, v1;
	v54 =	vmul.f32 v60, v58  }
0x404: {  	v49 =	vld [tilespmem:s11+$0x4BC0];
	v50, _, _ =	vpop (xrf2);
	(erf) = vpow2.f32 v10;
	v10 =	vmul.f32 v47, v9  }
0x405: {  	v26 =	vnsel vm0, $0x0, v51;
	v51 =	vld [tilespmem:s11+$0x5FC0];
	(xrf2) =	vadd.scan.msk.f32 $0xffff, v22;
	v9 =	vperm.xlane v50, v1;
	(erf) = vpow2.f32 v18  }
0x406: {  	v13 =	vld [tilespmem:s10+$0x73A0];
	v52 =	vmax.f32 v48, $-5.000000000e+00;
	v27 =	vmul.f32 v57, v55;
	(erf) = vpow2.f32 v38  }
0x407: {  	v15 =	vld [tilespmem:s10+$0x73B0];
	v53, _, _ =	vpop (xrf2);
	(xrf2) =	vadd.scan.msk.f32 $0xffff, v24;
	v22 =	vmin.f32 v52, $5.000000000e+00;
	v9 =	vmax.f32 v9, $-5.000000000e+00;
	(erf) = vpow2.f32 v23  }
0x408: {  	v42 =	vld [tilespmem:s11+$0x73C0];
	v56, _, _ =	vpop (xrf2);
	v23 =	vperm.xlane v53, v1;
	v22 =	vmul.f32 $1.442695020e+00, v22;
	v9 =	vmin.f32 v9, $5.000000000e+00  }
0x409: {  	v35 =	vld [tilespmem:s10+$0x7410];
	v26 =	vsel vm1, v26, v47;
	(xrf2) =	vadd.scan.msk.f32 $0xffff, v54;
	v31 =	vperm.xlane v56, v1;
	v9 =	vmul.f32 $1.442695020e+00, v9  }
0x40a: {  	v40 =	vld [tilespmem:s11+$0x73B0];
	v18 =	vmul.f32 v51, v49;
	v23 =	vmax.f32 v23, $-5.000000000e+00;
	(erf) = vpow2.f32 v22  }
0x40b: {  	v43 =	vld [tilespmem:s11+$0x6000];
	v60 =	vmax.f32 v31, $-5.000000000e+00;
	v58 =	vmin.f32 v23, $5.000000000e+00;
	v59, _, _ =	vpop (xrf2);
	(erf) = vpow2.f32 v9  }
0x40c: {  	v29 =	vld [tilespmem:s11+$0x4C00];
	v62 =	vpop (erf);
	v24 =	vmin.f32 v60, $5.000000000e+00;
	v23 =	vperm.xlane v59, v1;
	v22 =	vmul.f32 $1.442695020e+00, v58  }
0x40d: {  	s21 =	sadd.s32 $0x9, s20;
	v41 =	vld [tilespmem:s11+$0x73D0];
	[tilespmem:s23+$0x73F0] =	vst v2;
	v26 =	vsel vm2, v26, v62;
	v63 =	vmul.f32 $1.442695020e+00, v24;
	v24 =	vmul.f32 v62, v12;
	v61, _, _ =	vpop (xrf2)  }
0x40e: {  	s29 =	sshll.u32 s21, $0x7;
	(xrf2) =	vadd.scan.msk.f32 $0xffff, v20;
	v20 =	vld [tilespmem:s11+$0x4BE0];
	v31 =	vperm.xlane v61, v1;
	v49 =	vpop (erf);
	v23 =	vmax.f32 v23, $-5.000000000e+00;
	(erf) = vpow2.f32 v22  }
0x40f: {  	v2 =	vld [tilespmem:s29+$0x73B0];
	(xrf2) =	vadd.scan.msk.f32 $0xffff, v18;
	v46, _, _ =	vpop (xrf2);
	v26 =	vsel vm3, v26, v49;
	v38 =	vmin.f32 v23, $5.000000000e+00;
	(erf) = vpow2.f32 v63  }
0x410: {  	v44 =	vld [tilespmem:s11+$0x6010];
	[tilespmem:s23+$0x7400] =	vst v3;
	v58 =	vpop (erf);
	v45 =	vmax.f32 v31, $-5.000000000e+00;
	v47 =	vperm.xlane v46, v1;
	v31 =	vmul.f32 v49, v14  }
0x411: {  	s22 =	sshll.u32 s22, $0x4;
	[tilespmem:s23+$0x7410] =	vst v4;
	v4 =	vld [tilespmem:s29+$0x73D0];
	v48, _, _ =	vpop (xrf2);
	v34 =	vmul.f32 v58, v17;
	v32 =	vsel vm4, v26, v58;
	v58 =	vmul.f32 v43, v29  }
0x412: {  	s16 =	sand.u32 $0x3FFFFFF0, s22;
	v23 =	vld [tilespmem:s11+$0x5FF0];
	(xrf2) =	vadd.scan.msk.f32 $0xffff, v27;
	v39 =	vmul.f32 $1.442695020e+00, v38;
	v22 =	vmin.f32 v45, $5.000000000e+00;
	v50 =	vperm.xlane v48, v1  }
0x413: {  	[tilespmem:s16+$0x87A0] =	vst v11;
	v11 =	vld [tilespmem:s29+$0x4BD0];
	v53, _, _ =	vpop (xrf2);
	v20 =	vmul.f32 v28, v20;
	v22 =	vmul.f32 $1.442695020e+00, v22;
	v51 =	vmax.f32 v47, $-5.000000000e+00  }
0x414: {  	[tilespmem:s9+$0x73B0] =	vst v10;
	v10 =	vld [tilespmem:s29+$0x5FF0];
	v56 =	vperm.xlane v53, v1;
	v18 =	vmin.f32 v51, $5.000000000e+00;
	v52 =	vmax.f32 v50, $-5.000000000e+00  }
0x415: {  	v9 =	vld [tilespmem:s11+$0x73E0];
	v59 =	vpop (erf);
	(erf) = vpow2.f32 v39;
	v54 =	vmul.f32 $1.442695020e+00, v18;
	v55 =	vmin.f32 v52, $5.000000000e+00  }
0x416: {  	s25 =	sadd.s32 $0x8, s20;
	v12 =	vld [tilespmem:s11+$0x73F0];
	(erf) = vpow2.f32 v22;
	v22 =	vmax.f32 v56, $-5.000000000e+00;
	v47 =	vpop (erf);
	v39 =	vmul.f32 $1.442695020e+00, v55  }
0x417: {  	s31 =	sshll.u32 s25, $0x7;
	[tilespmem:s9+$0x73C0] =	vst v24;
	v24 =	vld [tilespmem:s29+$0x4BE0];
	v22 =	vmin.f32 v22, $5.000000000e+00;
	v48 =	vpop (erf);
	v23 =	vmul.f32 v23, v36;
	(erf) = vpow2.f32 v54  }
0x418: {  	v46 =	vld [tilespmem:s31+$0x5FA0];
	v17 =	vsel vm5, v32, v59;
	v57, _, _ =	vpop (xrf2);
	v61 =	vmul.f32 $1.442695020e+00, v22;
	v36 =	vmul.f32 v48, v6  }
0x419: {  	v45 =	vld [tilespmem:s31+$0x4BA0];
	v17 =	vsel vm6, v17, v47;
	v27 =	vperm.xlane v57, v1;
	(erf) = vpow2.f32 v39;
	v60, _, _ =	vpop (xrf2)  }
0x41a: {  	v49 =	vld [tilespmem:s31+$0x4BB0];
	v50 =	vpop (erf);
	v32 =	vsel vm7, v17, v48;
	v39 =	vmul.f32 v47, v7;
	v38 =	vperm.xlane v60, v1  }
0x41b: {  	v51 =	vld [tilespmem:s31+$0x5FB0];
	(xrf2) =	vadd.scan.msk.f32 $0xffff, v20;
	v29 =	vmul.f32 v50, v13;
	(erf) = vpow2.f32 v61;
	v27 =	vmax.f32 v27, $-5.000000000e+00  }
0x41c: {  	v52 =	vld [tilespmem:s31+$0x4BC0];
	(xrf2) =	vadd.scan.msk.f32 $0xffff, v23;
	v27 =	vmin.f32 v27, $5.000000000e+00;
	v63 =	vmax.f32 v38, $-5.000000000e+00;
	v38 =	vmul.f32 v59, v8;
	v56, _, _ =	vpop (xrf2)  }
0x41d: {  	v48 =	vld [tilespmem:s31+$0x5FD0];
	v8 =	vpop (erf);
	v62 =	vmul.f32 $1.442695020e+00, v27;
	v27 =	vmin.f32 v63, $5.000000000e+00;
	v20 =	vperm.xlane v56, v1  }
0x41e: {  	v54 =	vnsel vm0, $0x0, v50;
	(xrf2) =	vadd.scan.msk.f32 $0xffff, v58;
	v58 =	vld [tilespmem:s31+$0x5FE0];
	v57 =	vpop (erf);
	v56 =	vmul.f32 v46, v45;
	v28 =	vmul.f32 $1.442695020e+00, v27  }
0x41f: {  	v59 =	vld [tilespmem:s31+$0x5FC0];
	v27 =	vmul.f32 v8, v15;
	v23 =	vmul.f32 v57, v16;
	v8 =	vsel vm1, v54, v8  }
0x420: {  	v45 =	vld [tilespmem:s31+$0x4BE0];
	v60 =	vpop (erf);
	(erf) = vpow2.f32 v62;
	v61 =	vmax.f32 v20, $-5.000000000e+00;
	v62 =	vmul.f32 v44, v33  }
0x421: {  	v7 =	vpop (erf);
	v44 =	vld [tilespmem:s31+$0x4BD0];
	v8 =	vsel vm2, v8, v57;
	(erf) = vpow2.f32 v28;
	v13 =	vmin.f32 v61, $5.000000000e+00  }
0x422: {  	v20 =	vmul.f32 v60, v19;
	v63 =	vpop (erf);
	v6 =	vsel vm3, v8, v60;
	v60 =	vld [tilespmem:s31+$0x4BF0];
	v13 =	vmul.f32 $1.442695020e+00, v13;
	(xrf2) =	vadd.scan.msk.f32 $0xffff, v62  }
0x423: {  	v57 =	vmul.f32 v51, v49;
	v17 =	vmul.f32 v7, v21;
	v55 =	vpop (erf);
	v62 =	vld [tilespmem:s31+$0x5FF0]  }
0x424: {  	v54 =	vld [tilespmem:s31+$0x6000];
	v59 =	vmul.f32 v59, v52;
	v21 =	vpop (erf);
	(xrf2) =	vadd.scan.msk.f32 $0xffff, v56;
	(erf) = vpow2.f32 v13  }
0x425: {  	v19 =	vmul.f32 v63, v25;
	v52 =	vld [tilespmem:s31+$0x4C00];
	v15 =	vmul.f32 v55, v30;
	v61, _, _ =	vpop (xrf2);
	(xrf2) =	vadd.scan.msk.f32 $0xffff, v57  }
0x426: {  	v14 =	vld [tilespmem:s11+$0x7400];
	v6 =	vsel vm4, v6, v7;
	v58 =	vmul.f32 v58, v45;
	v13 =	vmul.f32 v21, v35;
	v47, _, _ =	vpop (xrf2);
	(xrf2) =	vadd.scan.msk.f32 $0xffff, v59  }
0x427: {  	v16 =	vsel vm5, v6, v63;
	v46 =	vpop (erf);
	v63 =	vperm.xlane v61, v1;
	v44 =	vmul.f32 v48, v44;
	v59 =	vld [tilespmem:s31+$0x4C10]  }
0x428: {  	v16 =	vsel vm6, v16, v55;
	v53 =	vperm.xlane v47, v1;
	v57, _, _ =	vpop (xrf2);
	v25 =	vmul.f32 v62, v60;
	v60 =	vld [tilespmem:s31+$0x6010]  }
0x429: {  	v26 =	vld [tilespmem:s31+$0x73B0];
	v6 =	vmul.f32 v46, v37;
	v55 =	vmax.f32 v63, $-5.000000000e+00;
	v47 =	vperm.xlane v57, v1;
	(xrf2) =	vadd.scan.msk.f32 $0xffff, v44;
	v51 =	vpop (erf)  }
0x42a: {  	v18 =	vld [tilespmem:s11+$0x7410];
	v56 =	vmax.f32 v53, $-5.000000000e+00;
	v48 =	vmul.f32 v54, v52;
	v43 =	vpop (erf);
	v8 =	vmul.f32 v51, v40  }
0x42b: {  	v22 =	vld [tilespmem:s31+$0x73A0];
	(xrf2) =	vadd.scan.msk.f32 $0xffff, v58;
	v40 =	vmin.f32 v55, $5.000000000e+00;
	v7 =	vmul.f32 v43, v42;
	v42 =	vmin.f32 v56, $5.000000000e+00  }
0x42c: {  	v50 =	vld [tilespmem:s29+$0x5FB0];
	v21 =	vsel vm7, v16, v21;
	v61 =	vmul.f32 $1.442695020e+00, v40;
	v42 =	vmul.f32 $1.442695020e+00, v42;
	v62, _, _ =	vpop (xrf2)  }
0x42d: {  	v33 =	vld [tilespmem:s31+$0x73D0];
	v47 =	vmax.f32 v47, $-5.000000000e+00;
	(xrf2) =	vadd.scan.msk.f32 $0xffff, v25;
	v45 =	vmul.f32 v60, v59;
	v44 =	vpop (erf);
	v63 =	vperm.xlane v62, v1  }
0x42e: {  	v49 =	vld [tilespmem:s29+$0x5FA0];
	v52 =	vmin.f32 v47, $5.000000000e+00;
	(erf) = vpow2.f32 v61;
	v54, _, _ =	vpop (xrf2);
	v16 =	vmul.f32 v44, v41  }
0x42f: {  	v28 =	vld [tilespmem:s31+$0x73C0];
	(xrf2) =	vadd.scan.msk.f32 $0xffff, v48;
	v41 =	vmul.f32 $1.442695020e+00, v52;
	v56 =	vperm.xlane v54, v1;
	v57, _, _ =	vpop (xrf2);
	v53 =	vmax.f32 v63, $-5.000000000e+00  }
0x430: {  	[tilespmem:s10+$0x73C0] =	vst v23;
	v23 =	vld [tilespmem:s29+$0x73F0];
	(erf) = vpow2.f32 v42;
	v47 =	vperm.xlane v57, v1;
	v59, _, _ =	vpop (xrf2);
	v55 =	vmin.f32 v53, $5.000000000e+00  }
0x431: {  	v48 =	vld [tilespmem:s29+$0x4BA0];
	(erf) = vpow2.f32 v41;
	v60 =	vmax.f32 v56, $-5.000000000e+00;
	v61 =	vperm.xlane v59, v1  }
0x432: {  	(xrf2) =	vadd.scan.msk.f32 $0xffff, v45;
	v45 =	vld [tilespmem:s29+$0x4BB0];
	v58 =	vmul.f32 $1.442695020e+00, v55;
	v41 =	vmin.f32 v60, $5.000000000e+00;
	v47 =	vmax.f32 v47, $-5.000000000e+00  }
0x433: {  	[tilespmem:s10+$0x73D0] =	vst v20;
	v20 =	vld [tilespmem:s29+$0x7400];
	v46 =	vnsel vm0, $0x0, v46;
	v62, _, _ =	vpop (xrf2);
	v41 =	vmul.f32 $1.442695020e+00, v41;
	v47 =	vmin.f32 v47, $5.000000000e+00  }
0x434: {  	[tilespmem:s9+$0x73A0] =	vst v5;
	v30 =	vld [tilespmem:s31+$0x7410];
	v42 =	vmax.f32 v61, $-5.000000000e+00;
	v63 =	vperm.xlane v62, v1;
	(erf) = vpow2.f32 v58  }
0x435: {  	[tilespmem:s9+$0x73D0] =	vst v31;
	v35 =	vld [tilespmem:s31+$0x73E0];
	v3 =	vmul.f32 $1.442695020e+00, v47;
	v42 =	vmin.f32 v42, $5.000000000e+00;
	v55, _, _ =	vpop (xrf2);
	(erf) = vpow2.f32 v41  }
0x436: {  	[tilespmem:s9+$0x73E0] =	vst v34;
	v46 =	vsel vm1, v46, v51;
	v52 =	vld [tilespmem:s29+$0x4BC0];
	v54 =	vmul.f32 $1.442695020e+00, v42;
	v41 =	vperm.xlane v55, v1  }
0x437: {  	[tilespmem:s9+$0x7410] =	vst v36;
	v47 =	vld [tilespmem:s29+$0x5FE0];
	v56 =	vmax.f32 v63, $-5.000000000e+00;
	v57, _, _ =	vpop (xrf2);
	v63 =	vmul.f32 v49, v48;
	v45 =	vmul.f32 v50, v45  }
0x438: {  	s16 =	sadd.s32 $0xA, s20;
	[tilespmem:s9+$0x7400] =	vst v39;
	v42 =	vld [tilespmem:s29+$0x5FC0];
	(erf) = vpow2.f32 v3;
	v58 =	vmin.f32 v56, $5.000000000e+00;
	v59 =	vperm.xlane v57, v1  }
0x439: {  	[tilespmem:s9+$0x73F0] =	vst v38;
	s9 =	sshll.u32 s16, $0x7;
	v48 =	vld [tilespmem:s29+$0x5FD0];
	(erf) = vpow2.f32 v54;
	v60 =	vmul.f32 $1.442695020e+00, v58;
	v61 =	vmax.f32 v41, $-5.000000000e+00;
	v62, _, _ =	vpop (xrf2)  }
0x43a: {  	v49 =	vld [tilespmem:s9+$0x4BB0];
	(xrf2) =	vadd.scan.msk.f32 $0xffff, v63;
	v51 =	vmin.f32 v61, $5.000000000e+00;
	v5 =	vmax.f32 v59, $-5.000000000e+00;
	v41 =	vperm.xlane v62, v1  }
0x43b: {  	v56 =	vpop (erf);
	v59 =	vsel vm2, v46, v43;
	(xrf2) =	vadd.scan.msk.f32 $0xffff, v45;
	v45 =	vld [tilespmem:s29+$0x4C00];
	(erf) = vpow2.f32 v60;
	v53 =	vmul.f32 $1.442695020e+00, v51  }
0x43c: {  	v5 =	vmin.f32 v5, $5.000000000e+00;
	v62 =	vsel vm3, v59, v44;
	v34 =	vmul.f32 v56, v9;
	v59 =	vld [tilespmem:s29+$0x6010]  }
0x43d: {  	v5 =	vmul.f32 $1.442695020e+00, v5;
	v54 =	vmax.f32 v41, $-5.000000000e+00;
	v41 =	vld [tilespmem:s29+$0x4BF0];
	v42 =	vmul.f32 v42, v52  }
0x43e: {  	v55, _, _ =	vpop (xrf2);
	v11 =	vmul.f32 v48, v11;
	(erf) = vpow2.f32 v53;
	v57 =	vmin.f32 v54, $5.000000000e+00;
	v54 =	vld [tilespmem:s29+$0x6000]  }
0x43f: {  	s8 =	sshll.u32 s8, $0x4;
	v58 =	vperm.xlane v55, v1;
	v60 =	vpop (erf);
	v55 =	vsel vm4, v62, v56;
	(erf) = vpow2.f32 v5;
	(xrf2) =	vadd.scan.msk.f32 $0xffff, v42;
	v42 =	vld [tilespmem:s29+$0x4C10]  }
0x440: {  	s8 =	sand.u32 $0x3FFFFFF0, s8;
	[tilespmem:s10+$0x73A0] =	vst v29;
	v61 =	vmul.f32 $1.442695020e+00, v57;
	v63 =	vpop (erf);
	v36 =	vmul.f32 v60, v12;
	v57 =	vsel vm5, v55, v60;
	v55 =	vld [tilespmem:s9+$0x4BC0]  }
0x441: {  	[tilespmem:s8+$0x87A0] =	vst v32;
	v31 =	vmax.f32 v58, $-5.000000000e+00;
	v38 =	vmul.f32 v63, v14;
	v12 =	vsel vm6, v57, v63;
	v63 =	vld [tilespmem:s9+$0x5FA0]  }
0x442: {  	[tilespmem:s10+$0x73B0] =	vst v27;
	v24 =	vmul.f32 v47, v24;
	v52 =	vpop (erf);
	v57 =	vld [tilespmem:s9+$0x5FC0];
	(erf) = vpow2.f32 v61;
	v53 =	vmin.f32 v31, $5.000000000e+00  }
0x443: {  	[tilespmem:s10+$0x73E0] =	vst v17;
	(xrf2) =	vadd.scan.msk.f32 $0xffff, v11;
	v56 =	vpop (erf);
	v61 =	vld [tilespmem:s9+$0x4BA0];
	v39 =	vmul.f32 v52, v18;
	v5 =	vmul.f32 $1.442695020e+00, v53  }
0x444: {  	v31 =	vsel vm7, v12, v52;
	(xrf2) =	vadd.scan.msk.f32 $0xffff, v24;
	v58 =	vpop (erf);
	v10 =	vmul.f32 v10, v41;
	v24 =	vmul.f32 v56, v22;
	v53 =	vld [tilespmem:s9+$0x5FB0]  }
0x445: {  	[tilespmem:s10+$0x73F0] =	vst v19;
	v40 =	vld [tilespmem:s31+$0x73F0];
	v32 =	vnsel vm0, $0x0, v56;
	v14 =	vmul.f32 v58, v26;
	v52 =	vmul.f32 v54, v45;
	v48, _, _ =	vpop (xrf2)  }
0x446: {  	v60 =	vpop (erf);
	v11 =	vsel vm1, v32, v58;
	(erf) = vpow2.f32 v5;
	(xrf2) =	vadd.scan.msk.f32 $0xffff, v10;
	v51 =	vperm.xlane v48, v1;
	v48 =	vld [tilespmem:s9+$0x4BE0]  }
0x447: {  	v18 =	vmul.f32 v60, v28;
	v54 =	vsel vm2, v11, v60;
	v42 =	vmul.f32 v59, v42;
	v62 =	vpop (erf);
	(xrf2) =	vadd.scan.msk.f32 $0xffff, v52;
	v52 =	vld [tilespmem:s9+$0x5FE0]  }
0x448: {  	v37 =	vld [tilespmem:s31+$0x7400];
	[tilespmem:s10+$0x7400] =	vst v15;
	v56, _, _ =	vpop (xrf2);
	v47 =	vmul.f32 v57, v55;
	v12 =	vmul.f32 v62, v33;
	v9 =	vsel vm3, v54, v62  }
0x449: {  	s24 =	sshll.u32 s24, $0x4;
	[tilespmem:s10+$0x7410] =	vst v13;
	s10 =	sadd.s32 $0xB, s20;
	v60 =	vld [tilespmem:s9+$0x4BD0];
	v59 =	vmul.f32 v63, v61;
	v50 =	vpop (erf);
	v22 =	vmax.f32 v51, $-5.000000000e+00;
	v26 =	vmul.f32 v53, v49  }
0x44a: {  	s8 =	sand.u32 $0x3FFFFFF0, s24;
	s24 =	sshll.u32 s10, $0x7;
	(xrf2) =	vadd.scan.msk.f32 $0xffff, v42;
	v63 =	vld [tilespmem:s9+$0x5FD0];
	v29 =	vpop (erf);
	v11 =	vmul.f32 v50, v35;
	v58 =	vmin.f32 v22, $5.000000000e+00;
	v35 =	vperm.xlane v56, v1  }
0x44b: {  	[tilespmem:s8+$0x87A0] =	vst v21;
	v21 =	vld [tilespmem:s24+$0x4BA0];
	v32 =	vsel vm4, v9, v50;
	v10 =	vmul.f32 v29, v40;
	v27 =	vmul.f32 $1.442695020e+00, v58;
	v62, _, _ =	vpop (xrf2)  }
0x44c: {  	v25 =	vld [tilespmem:s29+$0x73A0];
	v28 =	vpop (erf);
	v61 =	vmax.f32 v35, $-5.000000000e+00;
	v35 =	vperm.xlane v62, v1;
	v33 =	vmul.f32 v52, v48  }
0x44d: {  	v3 =	vld [tilespmem:s29+$0x73C0];
	(xrf2) =	vadd.scan.msk.f32 $0xffff, v59;
	v46, _, _ =	vpop (xrf2);
	v5 =	vmul.f32 v28, v37;
	(erf) = vpow2.f32 v27;
	v45 =	vmin.f32 v61, $5.000000000e+00  }
0x44e: {  	v44 =	vld [tilespmem:s9+$0x5FF0];
	v50 =	vperm.xlane v46, v1;
	v51, _, _ =	vpop (xrf2);
	v27 =	vmul.f32 $1.442695020e+00, v45;
	v49 =	vmax.f32 v35, $-5.000000000e+00  }
0x44f: {  	v41 =	vld [tilespmem:s24+$0x4BB0];
	(xrf2) =	vadd.scan.msk.f32 $0xffff, v26;
	v37 =	vmul.f32 v63, v60;
	v35 =	vperm.xlane v51, v1;
	v42 =	vpop (erf);
	v53 =	vmin.f32 v49, $5.000000000e+00  }
0x450: {  	v22 =	vld [tilespmem:s29+$0x73E0];
	(xrf2) =	vadd.scan.msk.f32 $0xffff, v47;
	v55 =	vmax.f32 v50, $-5.000000000e+00;
	v9 =	vmul.f32 v42, v30;
	(erf) = vpow2.f32 v27  }
0x451: {  	v48 =	vld [tilespmem:s9+$0x4C00];
	(xrf2) =	vadd.scan.msk.f32 $0xffff, v37;
	v54 =	vmul.f32 $1.442695020e+00, v53;
	v56, _, _ =	vpop (xrf2);
	v57 =	vmin.f32 v55, $5.000000000e+00;
	v35 =	vmax.f32 v35, $-5.000000000e+00  }
0x452: {  	(xrf2) =	vadd.scan.msk.f32 $0xffff, v33;
	v33 =	vld [tilespmem:s9+$0x4BF0];
	v53 =	vsel vm5, v32, v29;
	v30 =	vperm.xlane v56, v1;
	v58 =	vmul.f32 $1.442695020e+00, v57;
	v59, _, _ =	vpop (xrf2)  }
0x453: {  	v52 =	vld [tilespmem:s9+$0x6000];
	v35 =	vmin.f32 v35, $5.000000000e+00;
	(erf) = vpow2.f32 v54;
	v60 =	vperm.xlane v59, v1  }
0x454: {  	v56 =	vld [tilespmem:s9+$0x4C10];
	v35 =	vmul.f32 $1.442695020e+00, v35;
	v62, _, _ =	vpop (xrf2);
	v30 =	vmax.f32 v30, $-5.000000000e+00;
	(erf) = vpow2.f32 v58  }
0x455: {  	v59 =	vld [tilespmem:s9+$0x6010];
	v61 =	vmin.f32 v30, $5.000000000e+00;
	v37 =	vmax.f32 v60, $-5.000000000e+00;
	v30 =	vperm.xlane v62, v1  }
0x456: {  	v26 =	vld [tilespmem:s9+$0x73A0];
	(erf) = vpow2.f32 v35;
	v63 =	vmul.f32 $1.442695020e+00, v61;
	v37 =	vmin.f32 v37, $5.000000000e+00  }
0x457: {  	[tilespmem:s11+$0x73C0] =	vst v7;
	v27 =	vld [tilespmem:s29+$0x7410];
	v7 =	vsel vm6, v53, v28;
	v43, _, _ =	vpop (xrf2);
	v33 =	vmul.f32 v44, v33;
	v45 =	vmul.f32 $1.442695020e+00, v37  }
0x458: {  	v53 =	vld [tilespmem:s24+$0x4BD0];
	v40 =	vpop (erf);
	v46 =	vmax.f32 v30, $-5.000000000e+00;
	v50 =	vperm.xlane v43, v1;
	v30 =	vmul.f32 v52, v48  }
0x459: {  	v44 =	vld [tilespmem:s24+$0x5FB0];
	v47, _, _ =	vpop (xrf2);
	v13 =	vmul.f32 v40, v25;
	(erf) = vpow2.f32 v63  }
0x45a: {  	v37 =	vld [tilespmem:s24+$0x4BF0];
	v49 =	vmin.f32 v46, $5.000000000e+00;
	v51 =	vperm.xlane v47, v1;
	v25 =	vmul.f32 v59, v56  }
0x45b: {  	[tilespmem:s11+$0x73A0] =	vst v6;
	v7 =	vsel vm7, v7, v42;
	v55, _, _ =	vpop (xrf2);
	v63 =	vld [tilespmem:s24+$0x5FA0];
	(erf) = vpow2.f32 v45;
	v54 =	vmul.f32 $1.442695020e+00, v49  }
0x45c: {  	[tilespmem:s11+$0x73B0] =	vst v8;
	v47 =	vld [tilespmem:s24+$0x4BC0];
	v57 =	vmax.f32 v50, $-5.000000000e+00;
	v8 =	vperm.xlane v55, v1;
	v58 =	vmax.f32 v51, $-5.000000000e+00  }
0x45d: {  	[tilespmem:s11+$0x7410] =	vst v39;
	v56 =	vld [tilespmem:s24+$0x5FD0];
	v60 =	vmin.f32 v57, $5.000000000e+00;
	v62, _, _ =	vpop (xrf2);
	(erf) = vpow2.f32 v54;
	v61 =	vmin.f32 v58, $5.000000000e+00  }
0x45e: {  	(xrf2) =	vadd.scan.msk.f32 $0xffff, v33;
	v59 =	vld [tilespmem:s24+$0x4BE0];
	v48 =	vpop (erf);
	v6 =	vmul.f32 $1.442695020e+00, v60;
	v8 =	vmax.f32 v8, $-5.000000000e+00;
	v32 =	vperm.xlane v62, v1  }
0x45f: {  	(xrf2) =	vadd.scan.msk.f32 $0xffff, v30;
	v51 =	vld [tilespmem:s24+$0x5FC0];
	v46, _, _ =	vpop (xrf2);
	v54 =	vnsel vm0, $0x0, v40;
	v2 =	vmul.f32 v48, v2;
	v39 =	vmul.f32 v44, v41  }
0x460: {  	[tilespmem:s11+$0x73D0] =	vst v16;
	v62 =	vld [tilespmem:s24+$0x5FE0];
	v16 =	vmul.f32 $1.442695020e+00, v61;
	v8 =	vmin.f32 v8, $5.000000000e+00;
	v50 =	vperm.xlane v46, v1  }
0x461: {  	[tilespmem:s31+$0x73A0] =	vst v24;
	v40 =	vld [tilespmem:s24+$0x5FF0];
	v52 =	vpop (erf);
	v24 =	vsel vm1, v54, v48;
	(erf) = vpow2.f32 v6;
	v43 =	vmul.f32 $1.442695020e+00, v8  }
0x462: {  	(xrf2) =	vadd.scan.msk.f32 $0xffff, v25;
	v48 =	vld [tilespmem:s24+$0x4C10];
	v45 =	vmax.f32 v32, $-5.000000000e+00;
	v60 =	vsel vm2, v24, v52;
	v21 =	vmul.f32 v63, v21  }
0x463: {  	s22 =	sadd.s32 $0xC, s20;
	[tilespmem:s11+$0x73E0] =	vst v34;
	v55 =	vpop (erf);
	v3 =	vmul.f32 v52, v3;
	(erf) = vpow2.f32 v16;
	v49 =	vmin.f32 v45, $5.000000000e+00;
	v45 =	vld [tilespmem:s24+$0x6000]  }
0x464: {  	s23 =	sshll.u32 s22, $0x7;
	[tilespmem:s31+$0x73B0] =	vst v14;
	v16 =	vmax.f32 v50, $-5.000000000e+00;
	v57 =	vpop (erf);
	v4 =	vmul.f32 v55, v4;
	v50 =	vld [tilespmem:s24+$0x6010];
	(erf) = vpow2.f32 v43  }
0x465: {  	[tilespmem:s31+$0x73D0] =	vst v12;
	v14 =	vsel vm3, v60, v55;
	v55 =	vld [tilespmem:s23+$0x4BA0];
	v6 =	vmul.f32 $1.442695020e+00, v49;
	v12 =	vmul.f32 v57, v22  }
0x466: {  	v58 =	vmin.f32 v16, $5.000000000e+00;
	(xrf2) =	vadd.scan.msk.f32 $0xffff, v21;
	v42 =	vmul.f32 v51, v47;
	v43 =	vld [tilespmem:s24+$0x4C00];
	v47 =	vmul.f32 v56, v53;
	v61 =	vpop (erf)  }
0x467: {  	s5 =	sshll.u32 s5, $0x4;
	[tilespmem:s11+$0x73F0] =	vst v36;
	v14 =	vsel vm4, v14, v57;
	v57 =	vld [tilespmem:s23+$0x5FA0];
	v16 =	vmul.f32 v62, v59;
	v8 =	vmul.f32 v40, v37;
	v63 =	vpop (erf)  }
0x468: {  	s5 =	sand.u32 $0x3FFFFFF0, s5;
	[tilespmem:s11+$0x7400] =	vst v38;
	v60 =	vld [tilespmem:s23+$0x5FB0];
	(xrf2) =	vadd.scan.msk.f32 $0xffff, v39;
	(erf) = vpow2.f32 v6;
	v6 =	vmul.f32 $1.442695020e+00, v58;
	v46, _, _ =	vpop (xrf2)  }
0x469: {  	[tilespmem:s5+$0x87A0] =	vst v31;
	(xrf2) =	vadd.scan.msk.f32 $0xffff, v42;
	v58 =	vld [tilespmem:s23+$0x4BB0];
	v23 =	vmul.f32 v61, v23;
	v20 =	vmul.f32 v63, v20;
	v52, _, _ =	vpop (xrf2)  }
0x46a: {  	v19 =	vld [tilespmem:s9+$0x73B0];
	v14 =	vsel vm5, v14, v61;
	(xrf2) =	vadd.scan.msk.f32 $0xffff, v47;
	v59 =	vmul.f32 v50, v48;
	v38 =	vpop (erf);
	(erf) = vpow2.f32 v6  }
0x46b: {  	[tilespmem:s31+$0x73C0] =	vst v18;
	v14 =	vsel vm6, v14, v63;
	v54 =	vperm.xlane v52, v1;
	v6 =	vmul.f32 v45, v43  }
0x46c: {  	v15 =	vld [tilespmem:s9+$0x73C0];
	(xrf2) =	vadd.scan.msk.f32 $0xffff, v16;
	v16 =	vmul.f32 v57, v55;
	v24 =	vmul.f32 v38, v27;
	v14 =	vsel vm7, v14, v38;
	v56, _, _ =	vpop (xrf2)  }
0x46d: {  	[tilespmem:s31+$0x73E0] =	vst v11;
	v27 =	vperm.xlane v46, v1;
	v41 =	vpop (erf);
	v25 =	vmax.f32 v54, $-5.000000000e+00;
	v30 =	vperm.xlane v56, v1  }
0x46e: {  	v17 =	vld [tilespmem:s9+$0x73D0];
	(xrf2) =	vadd.scan.msk.f32 $0xffff, v8;
	v8 =	vmul.f32 v60, v58;
	v44 =	vpop (erf);
	v11 =	vmul.f32 v41, v26;
	v21 =	vnsel vm0, $0x0, v41  }
0x46f: {  	[tilespmem:s31+$0x73F0] =	vst v10;
	v53 =	vmax.f32 v27, $-5.000000000e+00;
	v25 =	vmin.f32 v25, $5.000000000e+00;
	v49 =	vpop (erf);
	v19 =	vmul.f32 v44, v19  }
0x470: {  	(xrf2) =	vadd.scan.msk.f32 $0xffff, v6;
	v22 =	vmin.f32 v53, $5.000000000e+00;
	v25 =	vmul.f32 $1.442695020e+00, v25;
	v30 =	vmax.f32 v30, $-5.000000000e+00;
	v61, _, _ =	vpop (xrf2)  }
0x471: {  	[tilespmem:s31+$0x7400] =	vst v5;
	v51 =	vld [tilespmem:s9+$0x73E0];
	v15 =	vmul.f32 v49, v15;
	v22 =	vmul.f32 $1.442695020e+00, v22;
	v62 =	vmin.f32 v30, $5.000000000e+00;
	v10 =	vpop (erf)  }
0x472: {  	s25 =	sshll.u32 s25, $0x4;
	v18 =	vsel vm1, v21, v44;
	(xrf2) =	vadd.scan.msk.f32 $0xffff, v59;
	v63 =	vperm.xlane v61, v1;
	v32, _, _ =	vpop (xrf2);
	v6 =	vmul.f32 $1.442695020e+00, v62  }
0x473: {  	s5 =	sand.u32 $0x3FFFFFF0, s25;
	[tilespmem:s31+$0x7410] =	vst v9;
	v33 =	vsel vm2, v18, v49;
	v17 =	vmul.f32 v10, v17;
	(erf) = vpow2.f32 v22;
	v36, _, _ =	vpop (xrf2)  }
0x474: {  	[tilespmem:s5+$0x87A0] =	vst v7;
	v35 =	vperm.xlane v32, v1;
	(erf) = vpow2.f32 v25;
	v34 =	vmax.f32 v63, $-5.000000000e+00;
	v40, _, _ =	vpop (xrf2)  }
0x475: {  	[tilespmem:s29+$0x73A0] =	vst v13;
	v37 =	vperm.xlane v36, v1;
	v5 =	vpop (erf);
	v7 =	vmin.f32 v34, $5.000000000e+00;
	(erf) = vpow2.f32 v6  }
0x476: {  	(xrf2) =	vadd.scan.msk.f32 $0xffff, v16;
	v39 =	vmax.f32 v35, $-5.000000000e+00;
	v41 =	vperm.xlane v40, v1;
	v21 =	vmul.f32 v5, v51  }
0x477: {  	(xrf2) =	vadd.scan.msk.f32 $0xffff, v8;
	v43, _, _ =	vpop (xrf2);
	v38 =	vmul.f32 $1.442695020e+00, v7;
	v7 =	vmin.f32 v39, $5.000000000e+00;
	v13 =	vmax.f32 v37, $-5.000000000e+00  }
0x478: {  	[tilespmem:s29+$0x73B0] =	vst v2;
	v2 =	vmul.f32 $1.442695020e+00, v7;
	v42 =	vmin.f32 v13, $5.000000000e+00;
	v7 =	vperm.xlane v43, v1  }
0x479: {  	[tilespmem:s29+$0x73C0] =	vst v3;
	v50 =	vld [tilespmem:s23+$0x5FC0];
	v44 =	vmax.f32 v41, $-5.000000000e+00;
	v45, _, _ =	vpop (xrf2);
	(erf) = vpow2.f32 v38;
	v3 =	vmul.f32 $1.442695020e+00, v42  }
0x47a: {  	v49 =	vld [tilespmem:s23+$0x4BC0];
	v46 =	vperm.xlane v45, v1;
	v47, _, _ =	vpop (xrf2);
	(erf) = vpow2.f32 v2;
	v2 =	vmin.f32 v44, $5.000000000e+00  }
0x47b: {  	[tilespmem:s29+$0x73D0] =	vst v4;
	v6 =	vperm.xlane v47, v1;
	(erf) = vpow2.f32 v3;
	v3 =	vmax.f32 v7, $-5.000000000e+00  }
0x47c: {  	[tilespmem:s29+$0x73E0] =	vst v12;
	v2 =	vmul.f32 $1.442695020e+00, v2;
	v4 =	vmax.f32 v46, $-5.000000000e+00;
	v3 =	vmin.f32 v3, $5.000000000e+00;
	v48, _, _ =	vpop (xrf2)  }
0x47d: {  	[tilespmem:s29+$0x73F0] =	vst v23;
	v4 =	vmin.f32 v4, $5.000000000e+00;
	v3 =	vmul.f32 $1.442695020e+00, v3;
	v7 =	vperm.xlane v48, v1  }
0x47e: {  	s11 =	sshll.u32 s21, $0x4;
	[tilespmem:s29+$0x7400] =	vst v20;
	v51 =	vld [tilespmem:s9+$0x73F0];
	(erf) = vpow2.f32 v2;
	v2 =	vmul.f32 $1.442695020e+00, v4  }
0x47f: {  	s5 =	sand.u32 $0x3FFFFFF0, s11;
	[tilespmem:s29+$0x7410] =	vst v24;
	v8 =	vmul.f32 v50, v49;
	v52 =	vmax.f32 v6, $-5.000000000e+00;
	(erf) = vpow2.f32 v3  }
0x480: {  	v54 =	vld [tilespmem:s9+$0x7400];
	[tilespmem:s5+$0x87A0] =	vst v14;
	v3 =	vmin.f32 v52, $5.000000000e+00;
	v53 =	vmax.f32 v7, $-5.000000000e+00;
	v55, _, _ =	vpop (xrf2);
	(erf) = vpow2.f32 v2  }
0x481: {  	[tilespmem:s9+$0x73A0] =	vst v11;
	v2 =	vmul.f32 $1.442695020e+00, v3;
	v3 =	vmin.f32 v53, $5.000000000e+00;
	v4 =	vperm.xlane v55, v1;
	v58, _, _ =	vpop (xrf2)  }
0x482: {  	v57 =	vld [tilespmem:s9+$0x7410];
	v56 =	vsel vm3, v33, v10;
	v59 =	vpop (erf);
	(xrf2) =	vadd.scan.msk.f32 $0xffff, v8;
	v3 =	vmul.f32 $1.442695020e+00, v3;
	v10 =	vperm.xlane v58, v1  }
0x483: {  	[tilespmem:s9+$0x73B0] =	vst v19;
	v60 =	vmul.f32 v59, v51;
	(erf) = vpow2.f32 v2  }
0x484: {  	v61 =	vld [tilespmem:s24+$0x73A0];
	[tilespmem:s9+$0x73C0] =	vst v15;
	v62 =	vpop (erf);
	v2 =	vmax.f32 v4, $-5.000000000e+00;
	(erf) = vpow2.f32 v3;
	v3 =	vmax.f32 v10, $-5.000000000e+00  }
0x485: {  	v63 =	vld [tilespmem:s24+$0x73B0];
	[tilespmem:s9+$0x73D0] =	vst v17;
	v6 =	vmul.f32 v62, v54;
	v2 =	vmin.f32 v2, $5.000000000e+00;
	v3 =	vmin.f32 v3, $5.000000000e+00  }
0x486: {  	v16 =	vld [tilespmem:s24+$0x73C0];
	v5 =	vsel vm4, v56, v5;
	[tilespmem:s9+$0x73E0] =	vst v21;
	v15 =	vpop (erf);
	v2 =	vmul.f32 $1.442695020e+00, v2;
	v3 =	vmul.f32 $1.442695020e+00, v3  }
0x487: {  	v19 =	vld [tilespmem:s24+$0x73D0];
	v5 =	vsel vm5, v5, v59;
	[tilespmem:s9+$0x73F0] =	vst v60;
	v17 =	vmul.f32 v15, v57;
	v18 =	vpop (erf)  }
0x488: {  	s16 =	sshll.u32 s16, $0x4;
	v21 =	vld [tilespmem:s24+$0x73E0];
	[tilespmem:s9+$0x7400] =	vst v6;
	v4 =	vsel vm6, v5, v62;
	v20 =	vpop (erf);
	(erf) = vpow2.f32 v2  }
0x489: {  	v24 =	vld [tilespmem:s24+$0x73F0];
	s5 =	sand.u32 $0x3FFFFFF0, s16;
	[tilespmem:s9+$0x7410] =	vst v17;
	v22 =	vmul.f32 v18, v61;
	v23 =	vpop (erf);
	v2 =	vsel vm7, v4, v15;
	(erf) = vpow2.f32 v3  }
0x48a: {  	v25 =	vld [tilespmem:s24+$0x7400];
	[tilespmem:s5+$0x87A0] =	vst v2;
	v2 =	vmul.f32 v20, v63;
	v3 =	vpop (erf)  }
0x48b: {  	v29 =	vld [tilespmem:s24+$0x7410];
	v26 =	vnsel vm0, $0x0, v18;
	[tilespmem:s24+$0x73A0] =	vst v22;
	v27 =	vmul.f32 v23, v16;
	v28 =	vpop (erf)  }
0x48c: {  	[tilespmem:s24+$0x73B0] =	vst v2;
	v2 =	vsel vm1, v26, v20;
	v30 =	vmul.f32 v3, v19;
	v37, _, _ =	vpop (xrf2)  }
0x48d: {  	v33 =	vld [tilespmem:s23+$0x73A0];
	[tilespmem:s24+$0x73C0] =	vst v27;
	v2 =	vsel vm2, v2, v23;
	v31 =	vpop (erf);
	v6 =	vmul.f32 v28, v21  }
0x48e: {  	v35 =	vld [tilespmem:s23+$0x73B0];
	v2 =	vsel vm3, v2, v3;
	v32 =	vpop (erf);
	[tilespmem:s24+$0x73D0] =	vst v30;
	v3 =	vmul.f32 v31, v24  }
0x48f: {  	v2 =	vsel vm4, v2, v28;
	v34 =	vpop (erf);
	[tilespmem:s24+$0x73E0] =	vst v6;
	v36 =	vmul.f32 v32, v25  }
0x490: {  	v10 =	vperm.xlane v37, v1;
	v2 =	vsel vm5, v2, v31;
	[tilespmem:s24+$0x73F0] =	vst v3;
	v3 =	vmul.f32 v34, v29  }
0x491: {  	s21 =	sshll.u32 s10, $0x4;
	v2 =	vsel vm6, v2, v32;
	[tilespmem:s24+$0x7400] =	vst v36;
	v5 =	vpop (erf)  }
0x492: {  	s5 =	sand.u32 $0x3FFFFFF0, s21;
	v38 =	vmax.f32 v10, $-5.000000000e+00;
	v2 =	vsel vm7, v2, v34;
	[tilespmem:s24+$0x7410] =	vst v3;
	v3 =	vmul.f32 v5, v33;
	v4 =	vpop (erf)  }
0x493: {  	v6 =	vmin.f32 v38, $5.000000000e+00;
	[tilespmem:s5+$0x87A0] =	vst v2;
	v2 =	vmul.f32 v4, v35  }
0x494: {  	[tilespmem:s23+$0x73A0] =	vst v3;
	v3 =	vmul.f32 $1.442695020e+00, v6  }
0x495: {  	[tilespmem:s23+$0x73B0] =	vst v2  }
0x496: {  	(erf) = vpow2.f32 v3  }
0x497: {  	v2 =	vld [tilespmem:s23+$0x73C0]  }
0x498: {  	v3 =	vld [tilespmem:s23+$0x4BD0]  }
0x499: {  	v39 =	vld [tilespmem:s23+$0x5FD0]  }
0x49a: {  	v40 =	vld [tilespmem:s23+$0x73D0]  }
0x49b: {  	v41 =	vld [tilespmem:s23+$0x4BE0]  }
0x49c: {  	v42 =	vld [tilespmem:s23+$0x5FE0]  }
0x49d: {  	v7 =	vld [tilespmem:s23+$0x73E0]  }
0x49e: {  	v43 =	vld [tilespmem:s23+$0x4BF0]  }
0x49f: {  	v44 =	vld [tilespmem:s23+$0x5FF0]  }
0x4a0: {  	v9 =	vld [tilespmem:s23+$0x73F0]  }
0x4a1: {  	v45 =	vld [tilespmem:s23+$0x4C00]  }
0x4a2: {  	v46 =	vld [tilespmem:s23+$0x6000]  }
0x4a3: {  	v11 =	vld [tilespmem:s23+$0x7400]  }
0x4a4: {  	v47 =	vld [tilespmem:s23+$0x4C10]  }
0x4a5: {  	s11 =	sadd.s32 $0xD, s20;
	v48 =	vld [tilespmem:s23+$0x6010]  }
0x4a6: {  	s25 =	sshll.u32 s11, $0x7;
	v22 =	vld [tilespmem:s23+$0x7410]  }
0x4a7: {  	v49 =	vld [tilespmem:s25+$0x4BA0]  }
0x4a8: {  	v6 =	vld [tilespmem:s25+$0x73A0]  }
0x4a9: {  	v50 =	vld [tilespmem:s25+$0x4BB0]  }
0x4aa: {  	v51 =	vld [tilespmem:s25+$0x5FB0];
	v3 =	vmul.f32 v39, v3  }
0x4ab: {  	v8 =	vld [tilespmem:s25+$0x73B0]  }
0x4ac: {  	v52 =	vld [tilespmem:s25+$0x4BC0];
	(xrf2) =	vadd.scan.msk.f32 $0xffff, v3  }
0x4ad: {  	v53 =	vld [tilespmem:s25+$0x5FC0]  }
0x4ae: {  	v14 =	vld [tilespmem:s25+$0x73C0]  }
0x4af: {  	v54 =	vld [tilespmem:s25+$0x4BD0];
	v10 =	vmul.f32 v42, v41  }
0x4b0: {  	v55 =	vld [tilespmem:s25+$0x5FD0]  }
0x4b1: {  	v58 =	vld [tilespmem:s25+$0x4BE0];
	(xrf2) =	vadd.scan.msk.f32 $0xffff, v10  }
0x4b2: {  	v59 =	vld [tilespmem:s25+$0x5FE0]  }
0x4b3: {  	v61 =	vld [tilespmem:s25+$0x4BF0];
	v15 =	vmul.f32 v44, v43  }
0x4b4: {  	v3 =	vld [tilespmem:s25+$0x5FA0]  }
0x4b5: {  	v62 =	vld [tilespmem:s25+$0x5FF0];
	(xrf2) =	vadd.scan.msk.f32 $0xffff, v15  }
0x4b6: {  	v17 =	vld [tilespmem:s25+$0x73F0];
	v57 =	vmul.f32 v46, v45;
	v56, _, _ =	vpop (xrf2)  }
0x4b7: {  	v63 =	vld [tilespmem:s25+$0x4C00];
	v19 =	vmul.f32 v48, v47;
	v12 =	vperm.xlane v56, v1  }
0x4b8: {  	s24 =	sadd.s32 $0xE, s20;
	v37 =	vld [tilespmem:s25+$0x6000];
	(xrf2) =	vadd.scan.msk.f32 $0xffff, v57  }
0x4b9: {  	s10 =	sshll.u32 s24, $0x7;
	v38 =	vld [tilespmem:s25+$0x4C10];
	v3 =	vmul.f32 v3, v49;
	(xrf2) =	vadd.scan.msk.f32 $0xffff, v19;
	v60 =	vmax.f32 v12, $-5.000000000e+00  }
0x4ba: {  	v31 =	vld [tilespmem:s10+$0x73B0];
	v15 =	vmin.f32 v60, $5.000000000e+00  }
0x4bb: {  	v24 =	vld [tilespmem:s10+$0x4BD0];
	v36, _, _ =	vpop (xrf2);
	(xrf2) =	vadd.scan.msk.f32 $0xffff, v3;
	v3 =	vmul.f32 v51, v50;
	v15 =	vmul.f32 $1.442695020e+00, v15  }
0x4bc: {  	v33 =	vld [tilespmem:s10+$0x5FD0]  }
0x4bd: {  	v39 =	vld [tilespmem:s25+$0x6010];
	(xrf2) =	vadd.scan.msk.f32 $0xffff, v3;
	v3 =	vmul.f32 v53, v52;
	(erf) = vpow2.f32 v15  }
0x4be: {  	v46 =	vld [tilespmem:s10+$0x4BA0];
	v18 =	vmul.f32 v59, v58;
	v16 =	vmul.f32 v62, v61  }
0x4bf: {  	v47 =	vld [tilespmem:s10+$0x5FA0];
	v23 =	vmul.f32 v37, v63;
	v43, _, _ =	vpop (xrf2);
	(xrf2) =	vadd.scan.msk.f32 $0xffff, v3;
	v15 =	vperm.xlane v36, v1  }
0x4c0: {  	v5 =	vnsel vm0, $0x0, v5;
	v25 =	vpop (erf);
	v49 =	vld [tilespmem:s10+$0x4BB0];
	v44 =	vperm.xlane v43, v1;
	v3 =	vmul.f32 v55, v54  }
0x4c1: {  	v24 =	vmul.f32 v33, v24;
	v2 =	vmul.f32 v25, v2;
	v52 =	vld [tilespmem:s10+$0x5FB0];
	v15 =	vmax.f32 v15, $-5.000000000e+00  }
0x4c2: {  	v34 =	vld [tilespmem:s10+$0x4BF0];
	v58 =	vmul.f32 v39, v38;
	v42 =	vmin.f32 v15, $5.000000000e+00;
	v45, _, _ =	vpop (xrf2);
	(xrf2) =	vadd.scan.msk.f32 $0xffff, v3;
	v3 =	vmax.f32 v44, $-5.000000000e+00  }
0x4c3: {  	v55 =	vld [tilespmem:s10+$0x5FC0];
	v21 =	vmul.f32 $1.442695020e+00, v42;
	v28 =	vperm.xlane v45, v1;
	v48 =	vmin.f32 v3, $5.000000000e+00;
	v51, _, _ =	vpop (xrf2);
	(xrf2) =	vadd.scan.msk.f32 $0xffff, v18  }
0x4c4: {  	v4 =	vsel vm1, v5, v4;
	v32 =	vmul.f32 v47, v46;
	v44 =	vld [tilespmem:s10+$0x4BC0];
	v50 =	vmul.f32 $1.442695020e+00, v48  }
0x4c5: {  	s31 =	sadd.s32 $0xF, s20;
	v5 =	vld [tilespmem:s10+$0x7410];
	v41 =	vperm.xlane v51, v1;
	(erf) = vpow2.f32 v21;
	v28 =	vmax.f32 v28, $-5.000000000e+00;
	v42, _, _ =	vpop (xrf2);
	(xrf2) =	vadd.scan.msk.f32 $0xffff, v16  }
0x4c6: {  	s5 =	sshll.u32 s31, $0x7;
	v63 =	vld [tilespmem:s10+$0x5FE0];
	v20 =	vmul.f32 v52, v49;
	v28 =	vmin.f32 v28, $5.000000000e+00;
	(erf) = vpow2.f32 v50;
	v27 =	vpop (erf)  }
0x4c7: {  	s8 =	sadd.s32 $0x10, s20;
	v33 =	vld [tilespmem:s5+$0x4BA0];
	v43 =	vperm.xlane v42, v1;
	v53 =	vmax.f32 v41, $-5.000000000e+00;
	v54, _, _ =	vpop (xrf2);
	v3 =	vmul.f32 v27, v40  }
0x4c8: {  	s9 =	sshll.u32 s8, $0x7;
	v10 =	vld [tilespmem:s25+$0x73D0];
	v56 =	vmin.f32 v53, $5.000000000e+00;
	v40 =	vmul.f32 $1.442695020e+00, v28;
	v28 =	vperm.xlane v54, v1  }
0x4c9: {  	v38 =	vld [tilespmem:s9+$0x4BB0];
	[tilespmem:s23+$0x73C0] =	vst v2;
	v30 =	vmul.f32 v55, v44;
	v13 =	vmax.f32 v43, $-5.000000000e+00;
	v29 =	vmul.f32 $1.442695020e+00, v56;
	v57, _, _ =	vpop (xrf2)  }
0x4ca: {  	v2 =	vld [tilespmem:s9+$0x7410];
	(xrf2) =	vadd.scan.msk.f32 $0xffff, v23;
	v13 =	vmin.f32 v13, $5.000000000e+00;
	v60 =	vperm.xlane v57, v1;
	v59 =	vmax.f32 v28, $-5.000000000e+00  }
0x4cb: {  	v19 =	vld [tilespmem:s25+$0x7400];
	(xrf2) =	vadd.scan.msk.f32 $0xffff, v58;
	v13 =	vmul.f32 $1.442695020e+00, v13;
	(erf) = vpow2.f32 v40;
	v26 =	vmin.f32 v59, $5.000000000e+00  }
0x4cc: {  	v48 =	vld [tilespmem:s10+$0x5FF0];
	v28 =	vmax.f32 v60, $-5.000000000e+00;
	(erf) = vpow2.f32 v29;
	v61, _, _ =	vpop (xrf2);
	v26 =	vmul.f32 $1.442695020e+00, v26  }
0x4cd: {  	v40 =	vld [tilespmem:s10+$0x4C10];
	v62 =	vmin.f32 v28, $5.000000000e+00;
	v35 =	vperm.xlane v61, v1;
	(erf) = vpow2.f32 v13;
	v45, _, _ =	vpop (xrf2)  }
0x4ce: {  	v4 =	vsel vm2, v4, v25;
	v60 =	vld [tilespmem:s10+$0x6010];
	v13 =	vmul.f32 $1.442695020e+00, v62;
	v23 =	vpop (erf);
	v36 =	vperm.xlane v45, v1  }
0x4cf: {  	v27 =	vsel vm3, v4, v27;
	(xrf2) =	vadd.scan.msk.f32 $0xffff, v32;
	v32 =	vld [tilespmem:s10+$0x4BE0];
	v7 =	vmul.f32 v23, v7;
	(erf) = vpow2.f32 v26;
	v46, _, _ =	vpop (xrf2)  }
0x4d0: {  	v12 =	vld [tilespmem:s25+$0x73E0];
	v35 =	vmax.f32 v35, $-5.000000000e+00;
	v47 =	vpop (erf);
	v23 =	vsel vm4, v27, v23;
	v37 =	vperm.xlane v46, v1  }
0x4d1: {  	v15 =	vld [tilespmem:s25+$0x7410];
	v35 =	vmin.f32 v35, $5.000000000e+00;
	v9 =	vmul.f32 v47, v9;
	(erf) = vpow2.f32 v13  }
0x4d2: {  	v43 =	vld [tilespmem:s5+$0x4BB0];
	(xrf2) =	vadd.scan.msk.f32 $0xffff, v20;
	v49 =	vmax.f32 v36, $-5.000000000e+00;
	v23 =	vsel vm5, v23, v47;
	v47 =	vmul.f32 v48, v34  }
0x4d3: {  	v34 =	vld [tilespmem:s5+$0x5FB0];
	v60 =	vmul.f32 v60, v40;
	v35 =	vmul.f32 $1.442695020e+00, v35;
	v13 =	vmin.f32 v49, $5.000000000e+00  }
0x4d4: {  	v18 =	vld [tilespmem:s10+$0x73C0];
	v28 =	vmul.f32 v63, v32;
	v51 =	vmax.f32 v37, $-5.000000000e+00;
	v52 =	vmul.f32 $1.442695020e+00, v13;
	v54, _, _ =	vpop (xrf2)  }
0x4d5: {  	v21 =	vld [tilespmem:s10+$0x73A0];
	(xrf2) =	vadd.scan.msk.f32 $0xffff, v30;
	(erf) = vpow2.f32 v35;
	v53 =	vmin.f32 v51, $5.000000000e+00;
	v35 =	vperm.xlane v54, v1;
	v57, _, _ =	vpop (xrf2)  }
0x4d6: {  	v55 =	vld [tilespmem:s10+$0x6000];
	v50 =	vpop (erf);
	v56 =	vmul.f32 $1.442695020e+00, v53;
	(erf) = vpow2.f32 v52  }
0x4d7: {  	v37 =	vld [tilespmem:s10+$0x4C00];
	(xrf2) =	vadd.scan.msk.f32 $0xffff, v24;
	v25 =	vperm.xlane v57, v1;
	v13 =	vmul.f32 v50, v11  }
0x4d8: {  	v16 =	vld [tilespmem:s10+$0x7400];
	v42 =	vpop (erf);
	v58 =	vmax.f32 v35, $-5.000000000e+00;
	v48 =	vsel vm6, v23, v50;
	v34 =	vmul.f32 v34, v43  }
0x4d9: {  	v32 =	vld [tilespmem:s5+$0x5FA0];
	v11 =	vmul.f32 v42, v22;
	(erf) = vpow2.f32 v56;
	v59, _, _ =	vpop (xrf2);
	v61 =	vmin.f32 v58, $5.000000000e+00  }
0x4da: {  	v53 =	vld [tilespmem:s5+$0x4BC0];
	v25 =	vmax.f32 v25, $-5.000000000e+00;
	v46 =	vpop (erf);
	v30 =	vsel vm7, v48, v42;
	v22 =	vperm.xlane v59, v1  }
0x4db: {  	(xrf2) =	vadd.scan.msk.f32 $0xffff, v28;
	v56 =	vld [tilespmem:s5+$0x5FC0];
	v62 =	vmul.f32 $1.442695020e+00, v61;
	v25 =	vmin.f32 v25, $5.000000000e+00;
	v23 =	vmul.f32 v46, v6  }
0x4dc: {  	v4 =	vld [tilespmem:s5+$0x73A0];
	v52 =	vmul.f32 v55, v37;
	v63 =	vmul.f32 $1.442695020e+00, v25;
	v22 =	vmax.f32 v22, $-5.000000000e+00;
	v45, _, _ =	vpop (xrf2)  }
0x4dd: {  	v35 =	vld [tilespmem:s5+$0x4BD0];
	v49 =	vpop (erf);
	(erf) = vpow2.f32 v62;
	v22 =	vmin.f32 v22, $5.000000000e+00;
	v25 =	vperm.xlane v45, v1  }
0x4de: {  	v58 =	vnsel vm0, $0x0, v46;
	v50 =	vpop (erf);
	(xrf2) =	vadd.scan.msk.f32 $0xffff, v47;
	v62 =	vld [tilespmem:s5+$0x5FD0];
	(erf) = vpow2.f32 v63;
	v22 =	vmul.f32 $1.442695020e+00, v22  }
0x4df: {  	v27 =	vmul.f32 v49, v8;
	v47 =	vsel vm1, v58, v49;
	v49 =	vld [tilespmem:s5+$0x4BE0];
	v55, _, _ =	vpop (xrf2);
	(xrf2) =	vadd.scan.msk.f32 $0xffff, v52;
	v63 =	vmul.f32 v32, v33  }
0x4e0: {  	v37 =	vmul.f32 v56, v53;
	v53 =	vld [tilespmem:s5+$0x4BF0];
	v51 =	vmax.f32 v25, $-5.000000000e+00;
	v57 =	vpop (erf);
	(erf) = vpow2.f32 v22  }
0x4e1: {  	(xrf2) =	vadd.scan.msk.f32 $0xffff, v60;
	v56 =	vld [tilespmem:s5+$0x5FF0];
	v48, _, _ =	vpop (xrf2);
	v22 =	vmul.f32 v50, v14;
	v54 =	vmin.f32 v51, $5.000000000e+00;
	v14 =	vperm.xlane v55, v1  }
0x4e2: {  	v28 =	vmul.f32 v57, v10;
	v59 =	vpop (erf);
	v51 =	vld [tilespmem:s5+$0x5FE0];
	v24 =	vmul.f32 $1.442695020e+00, v54  }
0x4e3: {  	v29 =	vld [tilespmem:s10+$0x73D0];
	(xrf2) =	vadd.scan.msk.f32 $0xffff, v63;
	v32 =	vperm.xlane v48, v1;
	v25 =	vmul.f32 v59, v12  }
0x4e4: {  	v26 =	vld [tilespmem:s10+$0x73E0];
	v35 =	vmul.f32 v62, v35;
	v40 =	vpop (erf);
	v61 =	vmax.f32 v14, $-5.000000000e+00;
	(erf) = vpow2.f32 v24  }
0x4e5: {  	v20 =	vld [tilespmem:s10+$0x73F0];
	v24 =	vmul.f32 v40, v17;
	v12 =	vmin.f32 v61, $5.000000000e+00;
	v17 =	vsel vm2, v47, v50;
	v50, _, _ =	vpop (xrf2)  }
0x4e6: {  	v63 =	vld [tilespmem:s5+$0x6000];
	v52 =	vmax.f32 v32, $-5.000000000e+00;
	v32 =	vmul.f32 v56, v53;
	v12 =	vmul.f32 $1.442695020e+00, v12;
	v46 =	vpop (erf)  }
0x4e7: {  	v61 =	vld [tilespmem:s5+$0x4C00];
	v36 =	vperm.xlane v50, v1;
	v33 =	vmul.f32 v51, v49;
	v42 =	vpop (erf)  }
0x4e8: {  	v48 =	vld [tilespmem:s5+$0x4C10];
	v41 =	vsel vm3, v17, v57;
	v19 =	vmul.f32 v46, v19;
	(erf) = vpow2.f32 v12;
	v55, _, _ =	vpop (xrf2)  }
0x4e9: {  	(xrf2) =	vadd.scan.msk.f32 $0xffff, v34;
	v51 =	vld [tilespmem:s5+$0x6010];
	v54 =	vmax.f32 v36, $-5.000000000e+00;
	v17 =	vmul.f32 v42, v15;
	v15 =	vmin.f32 v52, $5.000000000e+00;
	v60, _, _ =	vpop (xrf2)  }
0x4ea: {  	v6 =	vld [tilespmem:s5+$0x73B0];
	(xrf2) =	vadd.scan.msk.f32 $0xffff, v37;
	v58 =	vmin.f32 v54, $5.000000000e+00;
	v34 =	vperm.xlane v55, v1;
	v62 =	vperm.xlane v60, v1  }
0x4eb: {  	v41 =	vsel vm4, v41, v59;
	(xrf2) =	vadd.scan.msk.f32 $0xffff, v35;
	v52 =	vld [tilespmem:s9+$0x4BA0];
	v57 =	vmul.f32 $1.442695020e+00, v15;
	v59 =	vmul.f32 $1.442695020e+00, v58;
	v50, _, _ =	vpop (xrf2)  }
0x4ec: {  	v55 =	vld [tilespmem:s9+$0x5FA0];
	(xrf2) =	vadd.scan.msk.f32 $0xffff, v33;
	v56 =	vmul.f32 v63, v61;
	v39 =	vpop (erf);
	v34 =	vmax.f32 v34, $-5.000000000e+00;
	v49 =	vmax.f32 v62, $-5.000000000e+00  }
0x4ed: {  	v54, _, _ =	vpop (xrf2);
	(xrf2) =	vadd.scan.msk.f32 $0xffff, v32;
	v32 =	vld [tilespmem:s9+$0x4BC0];
	v12 =	vmul.f32 v39, v21;
	(erf) = vpow2.f32 v57;
	v35 =	vmin.f32 v49, $5.000000000e+00  }
0x4ee: {  	v37 =	vmin.f32 v34, $5.000000000e+00;
	v33 =	vmul.f32 v51, v48;
	v34 =	vld [tilespmem:s9+$0x5FC0];
	v45 =	vpop (erf);
	v53 =	vmul.f32 $1.442695020e+00, v35  }
0x4ef: {  	v8 =	vld [tilespmem:s5+$0x73C0];
	v35 =	vperm.xlane v54, v1;
	v15 =	vmul.f32 v45, v31  }
0x4f0: {  	v10 =	vld [tilespmem:s5+$0x73D0];
	v40 =	vsel vm5, v41, v40;
	v31 =	vmul.f32 $1.442695020e+00, v37;
	v37 =	vperm.xlane v50, v1  }
0x4f1: {  	s21 =	sadd.s32 $0x11, s20;
	v40 =	vsel vm6, v40, v46;
	(erf) = vpow2.f32 v59;
	v59 =	vld [tilespmem:s9+$0x5FB0];
	v63 =	vmul.f32 v55, v52  }
0x4f2: {  	s29 =	sshll.u32 s21, $0x7;
	v14 =	vld [tilespmem:s5+$0x73E0];
	[tilespmem:s25+$0x73C0] =	vst v22;
	v35 =	vmax.f32 v35, $-5.000000000e+00;
	(erf) = vpow2.f32 v31;
	v43 =	vpop (erf);
	v37 =	vmax.f32 v37, $-5.000000000e+00  }
0x4f3: {  	v22 =	vld [tilespmem:s29+$0x4BE0];
	v58, _, _ =	vpop (xrf2);
	(xrf2) =	vadd.scan.msk.f32 $0xffff, v56;
	v35 =	vmin.f32 v35, $5.000000000e+00;
	v32 =	vmul.f32 v34, v32;
	v18 =	vmul.f32 v43, v18  }
0x4f4: {  	v36 =	vld [tilespmem:s9+$0x5FD0];
	(erf) = vpow2.f32 v53;
	v57 =	vmin.f32 v37, $5.000000000e+00;
	v37 =	vperm.xlane v58, v1  }
0x4f5: {  	v21 =	vld [tilespmem:s5+$0x73F0];
	v39 =	vnsel vm0, $0x0, v39;
	v60, _, _ =	vpop (xrf2);
	v61 =	vmul.f32 $1.442695020e+00, v35;
	v31 =	vmul.f32 $1.442695020e+00, v57  }
0x4f6: {  	v54 =	vld [tilespmem:s9+$0x4BE0];
	(xrf2) =	vadd.scan.msk.f32 $0xffff, v33;
	v38 =	vmul.f32 v59, v38;
	v47 =	vperm.xlane v60, v1;
	v53, _, _ =	vpop (xrf2);
	v62 =	vmax.f32 v37, $-5.000000000e+00  }
0x4f7: {  	v57 =	vld [tilespmem:s9+$0x5FE0];
	v41 =	vperm.xlane v53, v1;
	v56, _, _ =	vpop (xrf2);
	(erf) = vpow2.f32 v31;
	v35 =	vmin.f32 v62, $5.000000000e+00  }
0x4f8: {  	v37 =	vld [tilespmem:s9+$0x4BD0];
	(xrf2) =	vadd.scan.msk.f32 $0xffff, v63;
	v47 =	vmax.f32 v47, $-5.000000000e+00;
	v31 =	vsel vm7, v40, v42;
	v58 =	vperm.xlane v56, v1  }
0x4f9: {  	[tilespmem:s23+$0x73D0] =	vst v3;
	v59 =	vld [tilespmem:s9+$0x4BF0];
	v46 =	vpop (erf);
	(erf) = vpow2.f32 v61;
	v35 =	vmul.f32 $1.442695020e+00, v35;
	v52 =	vmin.f32 v47, $5.000000000e+00  }
0x4fa: {  	[tilespmem:s23+$0x73E0] =	vst v7;
	v60 =	vmax.f32 v41, $-5.000000000e+00;
	v61 =	vld [tilespmem:s9+$0x5FF0];
	v29 =	vmul.f32 v46, v29;
	v55 =	vmul.f32 $1.442695020e+00, v52;
	v62, _, _ =	vpop (xrf2)  }
0x4fb: {  	[tilespmem:s23+$0x73F0] =	vst v9;
	v63 =	vld [tilespmem:s9+$0x6000];
	v40 =	vmax.f32 v58, $-5.000000000e+00;
	(erf) = vpow2.f32 v35;
	v41 =	vperm.xlane v62, v1  }
0x4fc: {  	v53 =	vld [tilespmem:s9+$0x6010];
	(xrf2) =	vadd.scan.msk.f32 $0xffff, v38;
	v35 =	vmin.f32 v60, $5.000000000e+00;
	v33 =	vmul.f32 v57, v54;
	(erf) = vpow2.f32 v55  }
0x4fd: {  	[tilespmem:s23+$0x7400] =	vst v13;
	v38 =	vld [tilespmem:s9+$0x4C00];
	v40 =	vmin.f32 v40, $5.000000000e+00;
	v35 =	vmul.f32 $1.442695020e+00, v35;
	v51, _, _ =	vpop (xrf2);
	v36 =	vmul.f32 v36, v37  }
0x4fe: {  	v39 =	vsel vm1, v39, v45;
	(xrf2) =	vadd.scan.msk.f32 $0xffff, v32;
	v40 =	vmul.f32 $1.442695020e+00, v40;
	v37 =	vld [tilespmem:s9+$0x4C10];
	v52 =	vperm.xlane v51, v1  }
0x4ff: {  	v48 =	vld [tilespmem:s29+$0x4BC0];
	v44 =	vpop (erf);
	v41 =	vmax.f32 v41, $-5.000000000e+00;
	(erf) = vpow2.f32 v35;
	(xrf2) =	vadd.scan.msk.f32 $0xffff, v36;
	v59 =	vmul.f32 v61, v59  }
0x500: {  	v34 =	vld [tilespmem:s9+$0x73A0];
	v26 =	vmul.f32 v44, v26;
	v54 =	vmin.f32 v41, $5.000000000e+00;
	(erf) = vpow2.f32 v40;
	v56, _, _ =	vpop (xrf2);
	(xrf2) =	vadd.scan.msk.f32 $0xffff, v33  }
0x501: {  	v60 =	vld [tilespmem:s29+$0x5FA0];
	v35 =	vmul.f32 $1.442695020e+00, v54;
	v55 =	vmax.f32 v52, $-5.000000000e+00;
	(xrf2) =	vadd.scan.msk.f32 $0xffff, v59;
	v59 =	vsel vm2, v39, v43;
	v43 =	vpop (erf)  }
0x502: {  	s22 =	sshll.u32 s22, $0x4;
	[tilespmem:s23+$0x7410] =	vst v11;
	v41 =	vld [tilespmem:s29+$0x4BA0];
	v38 =	vmul.f32 v63, v38;
	v57 =	vmin.f32 v55, $5.000000000e+00;
	v58 =	vperm.xlane v56, v1;
	v62, _, _ =	vpop (xrf2)  }
0x503: {  	s16 =	sand.u32 $0x3FFFFFF0, s22;
	[tilespmem:s10+$0x73B0] =	vst v15;
	v15 =	vld [tilespmem:s29+$0x73E0];
	v61 =	vmul.f32 $1.442695020e+00, v57;
	v52 =	vmul.f32 v53, v37;
	v42 =	vpop (erf)  }
0x504: {  	[tilespmem:s16+$0x87A0] =	vst v30;
	v32 =	vld [tilespmem:s5+$0x7400];
	(erf) = vpow2.f32 v35;
	v20 =	vmul.f32 v43, v20;
	v49 =	vpop (erf)  }
0x505: {  	v33 =	vld [tilespmem:s5+$0x7410];
	(xrf2) =	vadd.scan.msk.f32 $0xffff, v38;
	v3 =	vsel vm3, v59, v46;
	v36 =	vmax.f32 v58, $-5.000000000e+00;
	v63 =	vperm.xlane v62, v1;
	v30 =	vpop (erf)  }
0x506: {  	v40 =	vld [tilespmem:s9+$0x73E0];
	v16 =	vmul.f32 v42, v16;
	v53 =	vmin.f32 v36, $5.000000000e+00;
	(erf) = vpow2.f32 v61;
	(xrf2) =	vadd.scan.msk.f32 $0xffff, v52;
	v56, _, _ =	vpop (xrf2)  }
0x507: {  	[tilespmem:s25+$0x73A0] =	vst v23;
	v39 =	vld [tilespmem:s9+$0x73F0];
	v41 =	vmul.f32 v60, v41;
	v54 =	vmul.f32 $1.442695020e+00, v53;
	v55 =	vmax.f32 v63, $-5.000000000e+00;
	v23 =	vpop (erf)  }
0x508: {  	v37 =	vld [tilespmem:s9+$0x73B0];
	v57 =	vmin.f32 v55, $5.000000000e+00;
	v45 =	vperm.xlane v56, v1;
	v58, _, _ =	vpop (xrf2);
	v50 =	vmul.f32 v23, v6  }
0x509: {  	v35 =	vld [tilespmem:s9+$0x73C0];
	v3 =	vsel vm4, v3, v44;
	(xrf2) =	vadd.scan.msk.f32 $0xffff, v41;
	v51 =	vpop (erf);
	v60 =	vmul.f32 $1.442695020e+00, v57;
	v47 =	vperm.xlane v58, v1  }
0x50a: {  	[tilespmem:s25+$0x73B0] =	vst v27;
	v38 =	vld [tilespmem:s9+$0x7400];
	(erf) = vpow2.f32 v54;
	v27 =	vmul.f32 v51, v8;
	v61 =	vmax.f32 v45, $-5.000000000e+00  }
0x50b: {  	v36 =	vld [tilespmem:s9+$0x73D0];
	(erf) = vpow2.f32 v60;
	v62 =	vmin.f32 v61, $5.000000000e+00;
	v63 =	vmax.f32 v47, $-5.000000000e+00;
	v52, _, _ =	vpop (xrf2)  }
0x50c: {  	v41 =	vld [tilespmem:s29+$0x73A0];
	v53 =	vmul.f32 $1.442695020e+00, v62;
	v54 =	vmin.f32 v63, $5.000000000e+00;
	v55 =	vperm.xlane v52, v1;
	v56, _, _ =	vpop (xrf2)  }
0x50d: {  	v3 =	vsel vm5, v3, v43;
	v45 =	vld [tilespmem:s29+$0x4BB0];
	v57 =	vmul.f32 $1.442695020e+00, v54;
	v47 =	vperm.xlane v56, v1;
	v60, _, _ =	vpop (xrf2)  }
0x50e: {  	v56 =	vld [tilespmem:s29+$0x4BD0];
	(erf) = vpow2.f32 v53;
	v58 =	vmax.f32 v55, $-5.000000000e+00;
	v46 =	vperm.xlane v60, v1  }
0x50f: {  	v62, _, _ =	vpop (xrf2);
	(erf) = vpow2.f32 v57;
	v7 =	vmin.f32 v58, $5.000000000e+00;
	v59 =	vmax.f32 v47, $-5.000000000e+00;
	v47 =	vld [tilespmem:s29+$0x5FB0]  }
0x510: {  	v63 =	vperm.xlane v62, v1;
	v61 =	vmul.f32 $1.442695020e+00, v7;
	v9 =	vmin.f32 v59, $5.000000000e+00;
	v7 =	vld [tilespmem:s29+$0x73B0];
	v52, _, _ =	vpop (xrf2)  }
0x511: {  	v53 =	vmax.f32 v46, $-5.000000000e+00;
	v46 =	vld [tilespmem:s29+$0x5FC0];
	v9 =	vmul.f32 $1.442695020e+00, v9;
	v44 =	vperm.xlane v52, v1  }
0x512: {  	[tilespmem:s25+$0x73D0] =	vst v28;
	v59 =	vld [tilespmem:s29+$0x5FD0];
	v13 =	vmin.f32 v53, $5.000000000e+00;
	v11 =	vmax.f32 v63, $-5.000000000e+00;
	(erf) = vpow2.f32 v61  }
0x513: {  	[tilespmem:s25+$0x73E0] =	vst v25;
	v63 =	vld [tilespmem:s29+$0x5FE0];
	v13 =	vmul.f32 $1.442695020e+00, v13;
	v11 =	vmin.f32 v11, $5.000000000e+00;
	v55, _, _ =	vpop (xrf2);
	(erf) = vpow2.f32 v9  }
0x514: {  	[tilespmem:s25+$0x73F0] =	vst v24;
	v9 =	vld [tilespmem:s29+$0x73C0];
	v54 =	vmax.f32 v44, $-5.000000000e+00;
	v11 =	vmul.f32 $1.442695020e+00, v11;
	v58 =	vperm.xlane v55, v1  }
0x515: {  	[tilespmem:s25+$0x7400] =	vst v19;
	v55 =	vld [tilespmem:s29+$0x5FF0];
	v57 =	vmin.f32 v54, $5.000000000e+00;
	(erf) = vpow2.f32 v13;
	v62 =	vmul.f32 v47, v45  }
0x516: {  	[tilespmem:s25+$0x7410] =	vst v17;
	v3 =	vsel vm6, v3, v42;
	v28 =	vpop (erf);
	v45 =	vmul.f32 v49, v5;
	v47 =	vld [tilespmem:s29+$0x4BF0];
	v60 =	vmul.f32 $1.442695020e+00, v57  }
0x517: {  	s22 =	sshll.u32 s11, $0x4;
	s11 =	sadd.s32 $0x12, s20;
	[tilespmem:s10+$0x73A0] =	vst v12;
	v25 =	vpop (erf);
	(erf) = vpow2.f32 v11;
	v61 =	vmax.f32 v58, $-5.000000000e+00;
	v54 =	vmul.f32 v46, v48;
	v57 =	vld [tilespmem:s29+$0x4C00]  }
0x518: {  	s16 =	sshll.u32 s11, $0x7;
	[tilespmem:s10+$0x73C0] =	vst v18;
	v5 =	vpop (erf);
	v46 =	vsel vm7, v3, v49;
	v3 =	vnsel vm0, $0x0, v30;
	v56 =	vmul.f32 v59, v56;
	v59 =	vld [tilespmem:s29+$0x6000]  }
0x519: {  	v52 =	vpop (erf);
	v49 =	vld [tilespmem:s16+$0x5FD0];
	v11 =	vmin.f32 v61, $5.000000000e+00;
	(xrf2) =	vadd.scan.msk.f32 $0xffff, v62;
	v3 =	vsel vm1, v3, v23;
	(erf) = vpow2.f32 v60  }
0x51a: {  	s23 =	sand.u32 $0x3FFFFFF0, s22;
	v24 =	vmul.f32 v25, v14;
	v48 =	vpop (erf);
	v62 =	vld [tilespmem:s29+$0x4C10];
	v11 =	vmul.f32 $1.442695020e+00, v11;
	(xrf2) =	vadd.scan.msk.f32 $0xffff, v54;
	v3 =	vsel vm2, v3, v51  }
0x51b: {  	[tilespmem:s23+$0x87A0] =	vst v31;
	v30 =	vmul.f32 v30, v4;
	v61 =	vmul.f32 v63, v22;
	v58 =	vpop (erf);
	v51 =	vld [tilespmem:s29+$0x6010];
	v3 =	vsel vm3, v3, v28  }
0x51c: {  	v19 =	vmul.f32 v5, v21;
	(xrf2) =	vadd.scan.msk.f32 $0xffff, v56;
	v56 =	vld [tilespmem:s16+$0x5FA0];
	(erf) = vpow2.f32 v11;
	v60 =	vpop (erf);
	v3 =	vsel vm4, v3, v25  }
0x51d: {  	v23 =	vmul.f32 v28, v10;
	(xrf2) =	vadd.scan.msk.f32 $0xffff, v61;
	v54 =	vmul.f32 v55, v47;
	v55 =	vld [tilespmem:s16+$0x4BA0];
	v63 =	vpop (erf);
	v3 =	vsel vm5, v3, v5  }
0x51e: {  	[tilespmem:s10+$0x73D0] =	vst v29;
	v21 =	vmul.f32 v52, v32;
	v17 =	vmul.f32 v48, v33;
	v61 =	vld [tilespmem:s16+$0x4BC0];
	v53 =	vpop (erf);
	v3 =	vsel vm6, v3, v52  }
0x51f: {  	[tilespmem:s10+$0x73E0] =	vst v26;
	v12 =	vmul.f32 v58, v34;
	v31 =	vpop (erf);
	v14 =	vsel vm7, v3, v48;
	v3 =	vmul.f32 v59, v57;
	v57 =	vld [tilespmem:s16+$0x4BB0]  }
0x520: {  	v4 =	vnsel vm0, $0x0, v58;
	v11 =	vmul.f32 v60, v37;
	(xrf2) =	vadd.scan.msk.f32 $0xffff, v54;
	v10 =	vmul.f32 v63, v35;
	v59 =	vld [tilespmem:s16+$0x5FB0];
	v33 =	vpop (erf)  }
0x521: {  	[tilespmem:s10+$0x73F0] =	vst v20;
	v4 =	vsel vm1, v4, v60;
	v58 =	vmul.f32 v51, v62;
	v8 =	vmul.f32 v53, v36;
	v48 =	vld [tilespmem:s16+$0x4BD0];
	v37 =	vpop (erf)  }
0x522: {  	v5 =	vmul.f32 v31, v40;
	(xrf2) =	vadd.scan.msk.f32 $0xffff, v3;
	v3 =	vsel vm2, v4, v63;
	v6 =	vmul.f32 v33, v39;
	v63 =	vld [tilespmem:s16+$0x5FC0];
	v25 =	vpop (erf)  }
0x523: {  	[tilespmem:s10+$0x7400] =	vst v16;
	v32 =	vmul.f32 v56, v55;
	v56 =	vld [tilespmem:s16+$0x4BE0];
	v43 =	vsel vm3, v3, v53;
	v3 =	vmul.f32 v37, v38;
	v60, _, _ =	vpop (xrf2)  }
0x524: {  	(xrf2) =	vadd.scan.msk.f32 $0xffff, v58;
	v58 =	vld [tilespmem:s16+$0x5FE0];
	v31 =	vsel vm4, v43, v31;
	v62 =	vperm.xlane v60, v1;
	v44, _, _ =	vpop (xrf2);
	v4 =	vmul.f32 v25, v2  }
0x525: {  	s24 =	sshll.u32 s24, $0x4;
	[tilespmem:s10+$0x7410] =	vst v45;
	v35 =	vmul.f32 v59, v57;
	v60 =	vld [tilespmem:s16+$0x4BF0];
	v31 =	vsel vm5, v31, v33;
	v22 =	vpop (erf);
	v18 =	vperm.xlane v44, v1  }
0x526: {  	s10 =	sand.u32 $0x3FFFFFF0, s24;
	v47, _, _ =	vpop (xrf2);
	(xrf2) =	vadd.scan.msk.f32 $0xffff, v32;
	v32 =	vmul.f32 v49, v48;
	v49 =	vld [tilespmem:s16+$0x6000];
	v28 =	vmax.f32 v62, $-5.000000000e+00;
	v2 =	vmul.f32 v22, v41  }
0x527: {  	[tilespmem:s10+$0x87A0] =	vst v46;
	v29 =	vperm.xlane v47, v1;
	v53, _, _ =	vpop (xrf2);
	v36 =	vmul.f32 v63, v61;
	v63 =	vld [tilespmem:s16+$0x5FF0];
	v22 =	vnsel vm0, $0x0, v22  }
0x528: {  	(xrf2) =	vadd.scan.msk.f32 $0xffff, v35;
	v47 =	vld [tilespmem:s16+$0x4C00];
	v28 =	vmin.f32 v28, $5.000000000e+00;
	v52 =	vmax.f32 v18, $-5.000000000e+00;
	v55 =	vperm.xlane v53, v1  }
0x529: {  	s10 =	sadd.s32 $0x13, s20;
	v53 =	vld [tilespmem:s16+$0x6010];
	v51 =	vmul.f32 $1.442695020e+00, v28;
	v54 =	vmax.f32 v29, $-5.000000000e+00;
	v57 =	vmin.f32 v52, $5.000000000e+00  }
0x52a: {  	s22 =	sshll.u32 s10, $0x7;
	v59, _, _ =	vpop (xrf2);
	v28 =	vmul.f32 v58, v56;
	v52 =	vld [tilespmem:s16+$0x4C10];
	v20 =	vmin.f32 v54, $5.000000000e+00;
	v26 =	vmul.f32 $1.442695020e+00, v57  }
0x52b: {  	v29 =	vmax.f32 v55, $-5.000000000e+00;
	v62 =	vperm.xlane v59, v1;
	v54 =	vld [tilespmem:s22+$0x4BA0];
	(erf) = vpow2.f32 v51  }
0x52c: {  	(xrf2) =	vadd.scan.msk.f32 $0xffff, v36;
	v57 =	vld [tilespmem:s22+$0x5FA0];
	v20 =	vmul.f32 $1.442695020e+00, v20;
	v61 =	vmin.f32 v29, $5.000000000e+00;
	(erf) = vpow2.f32 v26  }
0x52d: {  	[tilespmem:s5+$0x73B0] =	vst v50;
	v50 =	vld [tilespmem:s22+$0x4BE0];
	v42 =	vmul.f32 $1.442695020e+00, v61;
	v43, _, _ =	vpop (xrf2);
	v29 =	vmax.f32 v62, $-5.000000000e+00;
	v34 =	vmul.f32 v63, v60  }
0x52e: {  	v40 =	vld [tilespmem:s22+$0x4BC0];
	v62 =	vsel vm6, v31, v37;
	(erf) = vpow2.f32 v20;
	v35 =	vperm.xlane v43, v1;
	v44, _, _ =	vpop (xrf2);
	(xrf2) =	vadd.scan.msk.f32 $0xffff, v32  }
0x52f: {  	v61 =	vld [tilespmem:s22+$0x4BB0];
	v39 =	vmul.f32 v49, v47;
	v45 =	vmin.f32 v29, $5.000000000e+00;
	(erf) = vpow2.f32 v42  }
0x530: {  	[tilespmem:s5+$0x73C0] =	vst v27;
	v63 =	vld [tilespmem:s22+$0x5FB0];
	v26 =	vmul.f32 $1.442695020e+00, v45;
	v46 =	vperm.xlane v44, v1;
	v48 =	vmax.f32 v35, $-5.000000000e+00  }
0x531: {  	[tilespmem:s5+$0x73A0] =	vst v30;
	v43 =	vld [tilespmem:s22+$0x5FC0];
	v45 =	vmul.f32 v53, v52;
	v49 =	vmul.f32 v57, v54;
	v30 =	vmin.f32 v48, $5.000000000e+00;
	v51, _, _ =	vpop (xrf2)  }
0x532: {  	v52 =	vld [tilespmem:s22+$0x5FE0];
	(xrf2) =	vadd.scan.msk.f32 $0xffff, v28;
	v29 =	vmax.f32 v46, $-5.000000000e+00;
	v30 =	vmul.f32 $1.442695020e+00, v30;
	v38 =	vperm.xlane v51, v1;
	v56, _, _ =	vpop (xrf2)  }
0x533: {  	[tilespmem:s5+$0x73E0] =	vst v24;
	v44 =	vld [tilespmem:s22+$0x4BD0];
	(erf) = vpow2.f32 v26;
	v29 =	vmin.f32 v29, $5.000000000e+00;
	v59 =	vperm.xlane v56, v1  }
0x534: {  	(xrf2) =	vadd.scan.msk.f32 $0xffff, v34;
	v46 =	vld [tilespmem:s22+$0x5FD0];
	v29 =	vmul.f32 $1.442695020e+00, v29;
	(erf) = vpow2.f32 v30;
	v55 =	vmax.f32 v38, $-5.000000000e+00;
	v26 =	vpop (erf)  }
0x535: {  	v13 =	vld [tilespmem:s29+$0x73D0];
	[tilespmem:s5+$0x73D0] =	vst v23;
	v30 =	vmul.f32 v63, v61;
	v58 =	vmin.f32 v55, $5.000000000e+00;
	v7 =	vmul.f32 v26, v7  }
0x536: {  	v16 =	vld [tilespmem:s29+$0x7400];
	[tilespmem:s5+$0x7410] =	vst v17;
	v17 =	vsel vm7, v62, v25;
	v60, _, _ =	vpop (xrf2);
	(erf) = vpow2.f32 v29;
	v23 =	vmul.f32 $1.442695020e+00, v58  }
0x537: {  	[tilespmem:s5+$0x73F0] =	vst v19;
	v18 =	vld [tilespmem:s29+$0x73F0];
	v38 =	vmax.f32 v59, $-5.000000000e+00;
	v31 =	vpop (erf);
	v29 =	vperm.xlane v60, v1;
	v60 =	vmul.f32 v43, v40  }
0x538: {  	v54 =	vld [tilespmem:s22+$0x4BF0];
	v19 =	vmin.f32 v38, $5.000000000e+00;
	v40 =	vmul.f32 v52, v50;
	v9 =	vmul.f32 v31, v9;
	v42, _, _ =	vpop (xrf2);
	(xrf2) =	vadd.scan.msk.f32 $0xffff, v39  }
0x539: {  	v58 =	vld [tilespmem:s22+$0x5FF0];
	v19 =	vmul.f32 $1.442695020e+00, v19;
	v47 =	vpop (erf);
	v25 =	vmul.f32 v46, v44;
	v41 =	vmax.f32 v29, $-5.000000000e+00;
	(xrf2) =	vadd.scan.msk.f32 $0xffff, v45  }
0x53a: {  	[tilespmem:s5+$0x7400] =	vst v21;
	v61 =	vld [tilespmem:s22+$0x4C00];
	(erf) = vpow2.f32 v23;
	v13 =	vmul.f32 v47, v13;
	v21 =	vmin.f32 v41, $5.000000000e+00  }
0x53b: {  	[tilespmem:s9+$0x73B0] =	vst v11;
	v63 =	vld [tilespmem:s22+$0x6000];
	v55 =	vsel vm1, v22, v26;
	v56 =	vpop (erf);
	(erf) = vpow2.f32 v19;
	v21 =	vmul.f32 $1.442695020e+00, v21  }
0x53c: {  	v37 =	vld [tilespmem:s22+$0x6010];
	v35 =	vsel vm2, v55, v31;
	v11 =	vmul.f32 v56, v15;
	v23 =	vperm.xlane v42, v1;
	v51, _, _ =	vpop (xrf2);
	(xrf2) =	vadd.scan.msk.f32 $0xffff, v49  }
0x53d: {  	v34 =	vld [tilespmem:s22+$0x4C10];
	v38 =	vsel vm3, v35, v47;
	v62 =	vpop (erf);
	(erf) = vpow2.f32 v21;
	v21 =	vperm.xlane v51, v1;
	(xrf2) =	vadd.scan.msk.f32 $0xffff, v30  }
0x53e: {  	[tilespmem:s9+$0x73A0] =	vst v12;
	v53, _, _ =	vpop (xrf2);
	v18 =	vmul.f32 v62, v18;
	v45 =	vmul.f32 v58, v54;
	v48 =	vmax.f32 v23, $-5.000000000e+00  }
0x53f: {  	[tilespmem:s9+$0x73D0] =	vst v8;
	v57 =	vperm.xlane v53, v1;
	v19 =	vmin.f32 v48, $5.000000000e+00;
	v59 =	vmax.f32 v21, $-5.000000000e+00  }
0x540: {  	s25 =	sshll.u32 s31, $0x4;
	v20 =	vld [tilespmem:s29+$0x7410];
	(xrf2) =	vadd.scan.msk.f32 $0xffff, v60;
	v36 =	vpop (erf);
	v48 =	vmul.f32 v63, v61;
	v19 =	vmul.f32 $1.442695020e+00, v19;
	v15 =	vmin.f32 v59, $5.000000000e+00  }
0x541: {  	s31 =	sand.u32 $0x3FFFFFF0, s25;
	v8 =	vsel vm4, v38, v56;
	(xrf2) =	vadd.scan.msk.f32 $0xffff, v25;
	v44 =	vmul.f32 v36, v16;
	v15 =	vmul.f32 $1.442695020e+00, v15  }
0x542: {  	[tilespmem:s31+$0x87A0] =	vst v14;
	v26 =	vmax.f32 v57, $-5.000000000e+00;
	v21 =	vmul.f32 v37, v34;
	(erf) = vpow2.f32 v19;
	v41, _, _ =	vpop (xrf2)  }
0x543: {  	[tilespmem:s9+$0x73C0] =	vst v10;
	v26 =	vmin.f32 v26, $5.000000000e+00;
	(erf) = vpow2.f32 v15;
	v15 =	vperm.xlane v41, v1;
	v49, _, _ =	vpop (xrf2)  }
0x544: {  	v39 =	vld [tilespmem:s16+$0x73A0];
	v8 =	vsel vm5, v8, v62;
	v42 =	vpop (erf);
	v26 =	vmul.f32 $1.442695020e+00, v26;
	(xrf2) =	vadd.scan.msk.f32 $0xffff, v40;
	v51 =	vperm.xlane v49, v1  }
0x545: {  	[tilespmem:s9+$0x73F0] =	vst v6;
	v8 =	vsel vm6, v8, v36;
	v47 =	vmul.f32 v42, v20;
	v15 =	vmax.f32 v15, $-5.000000000e+00  }
0x546: {  	[tilespmem:s9+$0x7400] =	vst v3;
	(erf) = vpow2.f32 v26;
	v52, _, _ =	vpop (xrf2);
	v50 =	vmin.f32 v15, $5.000000000e+00;
	v15 =	vmax.f32 v51, $-5.000000000e+00  }
0x547: {  	(xrf2) =	vadd.scan.msk.f32 $0xffff, v45;
	v23 =	vperm.xlane v52, v1;
	v58, _, _ =	vpop (xrf2);
	v6 =	vmul.f32 $1.442695020e+00, v50;
	v56 =	vmin.f32 v15, $5.000000000e+00  }
0x548: {  	v43 =	vld [tilespmem:s16+$0x73B0];
	v62 =	vsel vm7, v8, v42;
	v46 =	vpop (erf);
	(xrf2) =	vadd.scan.msk.f32 $0xffff, v48;
	v61 =	vperm.xlane v58, v1;
	v3 =	vmul.f32 $1.442695020e+00, v56  }
0x549: {  	v10 =	vmul.f32 v46, v39;
	(xrf2) =	vadd.scan.msk.f32 $0xffff, v21;
	v57 =	vmax.f32 v23, $-5.000000000e+00;
	(erf) = vpow2.f32 v6  }
0x54a: {  	[tilespmem:s9+$0x73E0] =	vst v5;
	v59, _, _ =	vpop (xrf2);
	v60 =	vmin.f32 v57, $5.000000000e+00;
	(erf) = vpow2.f32 v3;
	v3 =	vmax.f32 v61, $-5.000000000e+00  }
0x54b: {  	s23 =	sshll.u32 s8, $0x4;
	[tilespmem:s29+$0x73A0] =	vst v2;
	v54 =	vld [tilespmem:s16+$0x73C0];
	v21 =	vperm.xlane v59, v1;
	v25, _, _ =	vpop (xrf2);
	v6 =	vmul.f32 $1.442695020e+00, v60;
	v2 =	vmin.f32 v3, $5.000000000e+00  }
0x54c: {  	v24 =	vld [tilespmem:s16+$0x73D0];
	s5 =	sand.u32 $0x3FFFFFF0, s23;
	[tilespmem:s9+$0x7410] =	vst v4;
	v53 =	vpop (erf);
	v28 =	vnsel vm0, $0x0, v46;
	v27 =	vperm.xlane v25, v1;
	v2 =	vmul.f32 $1.442695020e+00, v2  }
0x54d: {  	[tilespmem:s5+$0x87A0] =	vst v17;
	v55 =	vmul.f32 v53, v43;
	(erf) = vpow2.f32 v6;
	v3 =	vmax.f32 v21, $-5.000000000e+00  }
0x54e: {  	[tilespmem:s29+$0x73B0] =	vst v7;
	v26, _, _ =	vpop (xrf2);
	v3 =	vmin.f32 v3, $5.000000000e+00;
	(erf) = vpow2.f32 v2;
	v2 =	vmax.f32 v27, $-5.000000000e+00  }
0x54f: {  	[tilespmem:s29+$0x73C0] =	vst v9;
	v63 =	vpop (erf);
	v3 =	vmul.f32 $1.442695020e+00, v3;
	v6 =	vperm.xlane v26, v1;
	v2 =	vmin.f32 v2, $5.000000000e+00  }
0x550: {  	[tilespmem:s29+$0x73D0] =	vst v13;
	v9 =	vsel vm1, v28, v53;
	v16 =	vmul.f32 v63, v54;
	v29 =	vpop (erf);
	v2 =	vmul.f32 $1.442695020e+00, v2  }
0x551: {  	[tilespmem:s29+$0x73E0] =	vst v11;
	v30 =	vmul.f32 v29, v24;
	v31, _, _ =	vpop (xrf2);
	(erf) = vpow2.f32 v3;
	v3 =	vmax.f32 v6, $-5.000000000e+00  }
0x552: {  	[tilespmem:s29+$0x73F0] =	vst v18;
	v32, _, _ =	vpop (xrf2);
	v7 =	vperm.xlane v31, v1;
	v3 =	vmin.f32 v3, $5.000000000e+00;
	(erf) = vpow2.f32 v2;
	v2 =	vld [tilespmem:s16+$0x73F0]  }
0x553: {  	s24 =	sshll.u32 s21, $0x4;
	[tilespmem:s29+$0x7400] =	vst v44;
	v8 =	vsel vm2, v9, v63;
	v6 =	vperm.xlane v32, v1;
	v34, _, _ =	vpop (xrf2);
	v3 =	vmul.f32 $1.442695020e+00, v3  }
0x554: {  	v33 =	vld [tilespmem:s16+$0x73E0];
	s5 =	sand.u32 $0x3FFFFFF0, s24;
	[tilespmem:s29+$0x7410] =	vst v47;
	v8 =	vsel vm3, v8, v29;
	v35 =	vmax.f32 v7, $-5.000000000e+00;
	v36 =	vperm.xlane v34, v1  }
0x555: {  	v37 =	vld [tilespmem:s16+$0x7400];
	[tilespmem:s5+$0x87A0] =	vst v62;
	v39 =	vpop (erf);
	v38 =	vmax.f32 v6, $-5.000000000e+00;
	(erf) = vpow2.f32 v3;
	v3 =	vmin.f32 v35, $5.000000000e+00  }
0x556: {  	v40 =	vld [tilespmem:s16+$0x7410];
	[tilespmem:s16+$0x73A0] =	vst v10;
	v41 =	vpop (erf);
	v5 =	vmin.f32 v38, $5.000000000e+00;
	v7 =	vmax.f32 v36, $-5.000000000e+00;
	v3 =	vmul.f32 $1.442695020e+00, v3  }
0x557: {  	[tilespmem:s16+$0x73B0] =	vst v55;
	v5 =	vmul.f32 $1.442695020e+00, v5;
	v7 =	vmin.f32 v7, $5.000000000e+00;
	v2 =	vmul.f32 v41, v2  }
0x558: {  	[tilespmem:s16+$0x73C0] =	vst v16;
	v44 =	vsel vm4, v8, v39;
	v7 =	vmul.f32 $1.442695020e+00, v7;
	(erf) = vpow2.f32 v3;
	v3 =	vld [tilespmem:s22+$0x73A0]  }
0x559: {  	v43 =	vld [tilespmem:s22+$0x73B0];
	v11 =	vmul.f32 v39, v33;
	v42 =	vpop (erf);
	(erf) = vpow2.f32 v5;
	[tilespmem:s16+$0x73F0] =	vst v2;
	v2 =	vsel vm5, v44, v41  }
0x55a: {  	v46 =	vld [tilespmem:s22+$0x73C0];
	[tilespmem:s16+$0x73D0] =	vst v30;
	v4 =	vmul.f32 v42, v37;
	v45 =	vpop (erf);
	(erf) = vpow2.f32 v7;
	v2 =	vsel vm6, v2, v42  }
0x55b: {  	v48 =	vld [tilespmem:s22+$0x73D0];
	[tilespmem:s16+$0x73E0] =	vst v11;
	v47 =	vmul.f32 v45, v40;
	v2 =	vsel vm7, v2, v45  }
0x55c: {  	s25 =	sshll.u32 s11, $0x4;
	v50 =	vld [tilespmem:s22+$0x73E0];
	v49 =	vpop (erf);
	[tilespmem:s16+$0x7400] =	vst v4  }
0x55d: {  	s5 =	sand.u32 $0x3FFFFFF0, s25;
	v52 =	vld [tilespmem:s22+$0x73F0];
	[tilespmem:s16+$0x7410] =	vst v47;
	v51 =	vpop (erf);
	v3 =	vmul.f32 v49, v3  }
0x55e: {  	v54 =	vld [tilespmem:s22+$0x7400];
	v53 =	vmul.f32 v51, v43;
	[tilespmem:s5+$0x87A0] =	vst v2;
	v2 =	vpop (erf)  }
0x55f: {  	v56 =	vld [tilespmem:s22+$0x7410];
	[tilespmem:s22+$0x73A0] =	vst v3;
	v3 =	vnsel vm0, $0x0, v49;
	v55 =	vpop (erf);
	v8 =	vmul.f32 v2, v46  }
0x560: {  	[tilespmem:s22+$0x73B0] =	vst v53;
	v3 =	vsel vm1, v3, v51;
	v57 =	vpop (erf);
	v58 =	vmul.f32 v55, v48  }
0x561: {  	v2 =	vsel vm2, v3, v2;
	v59 =	vpop (erf);
	[tilespmem:s22+$0x73C0] =	vst v8;
	v3 =	vmul.f32 v57, v50  }
0x562: {  	p0 =	slt.u32 s20, $0x14;
	v2 =	vsel vm3, v2, v55;
	v60 =	vpop (erf);
	[tilespmem:s22+$0x73D0] =	vst v58;
	v61 =	vmul.f32 v59, v52  }
.Ltmp2:
0x563: {  	v2 =	vsel vm4, v2, v57;
	[tilespmem:s22+$0x73E0] =	vst v3;
	v3 =	vmul.f32 v60, v54;
	v62 =	vpop (erf);
	(pc) =	sbr.rel @p0 .LBB2_8-.Ltmp2, $4  }
0x564: {  	v2 =	vsel vm5, v2, v59;
	[tilespmem:s22+$0x73F0] =	vst v61;
	v63 =	vmul.f32 v62, v56  }
0x565: {  	s29 =	sshll.u32 s10, $0x4;
	v2 =	vsel vm6, v2, v60;
	[tilespmem:s22+$0x7400] =	vst v3  }
0x566: {  	s31 =	sadd.s32 $0x14, s20;
	s5 =	sand.u32 $0x3FFFFFF0, s29;
	v2 =	vsel vm7, v2, v62;
	[tilespmem:s22+$0x7410] =	vst v63  }
0x567: {  	s20 =	smov.u32 s31;
	[tilespmem:s5+$0x87A0] =	vst v2  }
0x568: {  	s5 =	smul.u32 $0xA0, s19;
	_ =	sdelay $0x1  }
0x569: {  	s5 =	sshra.s32 s5, $0x2  }
0x56a: {  	s5 =	sadd.s32 $0x7D0, s5  }
0x56b: {  	[spmem:s3] =	stream.indirect.scatter.add.f32 [tilespmem:s13], [sflag:$0x3], $0x80, s5, s30, $0xb8;
	[tilespmem:$0x1EDA0] =	vst v63  }
0x56c: {  	s18 =	sadd.s32 $0x1, s18;
	_ =	swait.ge [sflag:s26], $0x1400  }
0x56d: {  	p0 =	sne.s32 s18, $0x19;
	[sflag:s26] =	ssyncset.done $0x0  }
.Ltmp3:
0x56e: {  	[sflag:s26] =	ssyncadd.s32 $0xFFFFEC00;
	(pc) =	sbr.rel @p0 .LBB2_5-.Ltmp3, $4  }
0x56f: {  	[spmem:s4] =	stream.indirect.scatter.add.f32 [tilespmem:s28], [sflag:$0x3], $0x10, s5, s30, $0xb8;
	[tilespmem:$0x1EDA0] =	vst v63  }
0x570: {  	_ =	swait.ge [sflag:s26], $0x280  }
0x571: {  	[sflag:s26] =	ssyncset.done $0x0  }
0x572: {  	[sflag:s26] =	ssyncadd.s32 $0xFFFFFD80  }
0x573: {  	s17 =	sadd.s32 $0x1, s17  }
0x574: {  	p0 =	sne.s32 s17, $0x5  }
.Ltmp4:
0x575: {  	_ = 	snop;
	(pc) =	sbr.rel @p0 .LBB2_4-.Ltmp4, $1  }
0x576: {  	_ =	sdelay $0x3  }
0x577: {  	[bflag:$0x0] =	sbarrier.arrive $0xFFFF  }
0x578: {  	s5 =	stileid.u32;
	s9 =	sld [smem:$0x7FB]  }
0x579: {  	s5 =	sshll.u32 s5, $0x6;
	s17 =	rddreg [dreg:$0x8]  }
0x57a: {  	s5 =	sor.u32 $0x1C03, s5;
	s8 =	sshrl.u32 s17, $0x3  }
0x57b: {  	[hbm:s9], [sflag:s5] =	dma.local [spmem:s8], $0x2780  }
0x57c: {  	_ =	swait.ge [sflag:s26], $0x2780  }
0x57d: {  	s29 =	sld [smem:$0x7FC]  }
0x57e: {  	[sflag:s26] =	ssyncset.done $0x0;
	s18 =	rddreg [dreg:$0x9]  }
0x57f: {  	[sflag:s26] =	ssyncadd.s32 $0xFFFFD880;
	s25 =	sshrl.u32 s18, $0x3  }
0x580: {  	[hbm:s29], [sflag:s5] =	dma.local [spmem:s25], $0x4F0  }
0x581: {  	_ =	swait.ge [sflag:s26], $0x4F0  }
0x582: {  	s31 =	sld [smem:$0x7FD]  }
0x583: {  	s16 =	rddreg [dreg:$0x5]  }
0x584: {  	s16 =	sadd.s32 $0x1, s16  }
0x585: {  	p0 =	sne.s32 s16, s31  }
.Ltmp5:
0x586: {  	_ = 	snop;
	(pc) =	sbr.rel @p0 .LBB2_1-.Ltmp5, $3  }
0x587: {  	_ =	sdelay $0x1  }
0x588: {  	[sflag:s26] =	ssyncset.done $0x0  }
0x589: {  	[sflag:s26] =	ssyncadd.s32 $0xFFFFFB10  }
0x58a: {  	_ =	sfence.sel $0x180000  }
0x58b: {  	[bflag:$0x0] =	sbarrier.arrive $0xFFFF  }
0x58c: {  	_ =	strace $0x90000047  }
0x58d: {  	s0 =	stileid.u32;
	[bflag:$0x2] =	sbarrier.arrive $0xFFFF  }
0x58e: {  	p0 =	sne.s32 s0, $0x0;
	s0 =	rddreg [dreg:$0x4]  }
0x58f: {  	s0 =	sadd.s32 @!p0 $0x100000, s0  }
0x590: {  	[sflag:s0] =	ssyncadd.tile.s32 @!p0 $0x1;
	_ =	shalt  }
.Lfunc_end2:
_tile_overlayer_lowered:
.L_overlay_start_2:
0x591: {  	(tag) =	ssettag $0x2  }
0x592: {  	s0 =	rddreg [dreg:$0x0];
	s2 =	stileid.u32  }
0x593: {  	s1 =	rddreg [dreg:$0x1];
	p0 =	sne.s32 s2, $0x0  }
0x594: {  	s3 =	rddreg [dreg:$0x2];
	[bflag:$0x3] =	sbarrier.arrive $0xFFFF;
	s2 =	simm.s32 @!p0 $0x1C03  }
0x595: {  	[timem:s3], [sflag:s2] =	dma.local @!p0 [hbm:s0], s1  }
0x596: {  	s0 =	simm.s32 @!p0 $0x3  }
0x597: {  	_ =	swait.ge @!p0 [sflag:s0], s1  }
0x598: {  	s1 =	ssub.s32 @!p0 $0x0, s1;
	[sflag:s0] =	ssyncset.done @!p0 $0x0  }
0x599: {  	[sflag:s0] =	ssyncadd.s32 @!p0 s1  }
0x59a: {  	[bflag:$0x3] =	sbarrier.arrive $0xFFFF  }
0x59b: {  	_ =	shalt  }

</sc_bundles>
